<compile_context>
chip_gen: v7x
topology: tpu7x:2x2x1
jax: 0.10.2.dev20260603
libtpu: 0.0.44.dev20260713+nightly
codegen_flags: <defaults>
</compile_context>

<pallas_src>
import functools
import math

import jax
import jax.numpy as jnp
from jax import lax
from jax.experimental import pallas as pl
from jax.experimental.pallas import tpu as pltpu
from jax.experimental.pallas import tpu_sc as plsc


def _score_kernel(q_ref, kt_ref, s_ref):
  H, T, D = q_ref.shape
  inv = 1.0 / math.sqrt(D)
  for h in range(H):
    s_ref[h] = jnp.dot(q_ref[h], kt_ref[h],
                       preferred_element_type=jnp.float32) * inv
  raw = s_ref[...]
  m = jnp.max(raw, axis=0, keepdims=True)
  p = jnp.exp(raw - m)
  denom = jnp.sum(p, axis=0, keepdims=True)
  s_ref[...] = p / denom


def _scores(q2, kt2, T):
  H, L, D = q2.shape
  grid = L // T
  return pl.pallas_call(
      _score_kernel,
      grid=(grid,),
      in_specs=[
          pl.BlockSpec((H, T, D), lambda i: (0, i, 0)),
          pl.BlockSpec((H, D, L), lambda i: (0, 0, 0)),
      ],
      out_specs=pl.BlockSpec((H, T, L), lambda i: (0, i, 0)),
      out_shape=jax.ShapeDtypeStruct((H, L, L), jnp.float32),
  )(q2, kt2)


def _topk_kernel(s_ref, idx_ref, *, num, rows_per_head, blocks_per_head):
  R, L = s_ref.shape
  CAND = 128
  NITER = 8
  v = s_ref[...]

  rmax = jnp.max(v, axis=1)
  mean = jnp.sum(v, axis=1) * (1.0 / L)
  ex2 = jnp.sum(v * v, axis=1) * (1.0 / L)
  sig = jnp.sqrt(jnp.maximum(ex2 - mean * mean, 0.0))

  lo = jnp.zeros((R,), jnp.float32)
  cnt_lo = jnp.full((R,), float(L), jnp.float32)
  hi = rmax
  cnt_hi = jnp.ones((R,), jnp.float32)
  t_found = jnp.zeros((R,), jnp.float32)
  done = jnp.zeros((R,), jnp.bool_)
  guess = jnp.minimum(mean + 1.5 * sig, rmax * 0.5)
  target = 0.5 * (num + CAND)
  for it in range(NITER):
    if it == 0:
      mid = guess
    elif it % 2 == 1:
      frac = (cnt_lo - target) / jnp.maximum(cnt_lo - cnt_hi, 1.0)
      mid = lo + (hi - lo) * jnp.clip(frac, 0.03, 0.97)
    else:
      mid = 0.5 * (lo + hi)
    cnt = jnp.sum((v >= mid[:, None]).astype(jnp.float32), axis=1)
    ok = (cnt >= num) & (cnt <= CAND)
    t_found = jnp.where(ok & ~done, mid, t_found)
    too_low = cnt > CAND
    upd = ~(done | ok)
    lo = jnp.where(upd & too_low, mid, lo)
    cnt_lo = jnp.where(upd & too_low, cnt, cnt_lo)
    hi = jnp.where(upd & ~too_low, mid, hi)
    cnt_hi = jnp.where(upd & ~too_low, cnt, cnt_hi)
    done = done | ok
  thr = jnp.where(done, t_found, lo)

  maskf = (v >= thr[:, None]).astype(jnp.float32)
  C = L // 128
  tri_r = lax.broadcasted_iota(jnp.int32, (128, 128), 0)
  tri_c = lax.broadcasted_iota(jnp.int32, (128, 128), 1)
  tri = (tri_r <= tri_c).astype(jnp.float32)
  cs = jnp.dot(maskf.reshape(R * C, 128), tri,
               preferred_element_type=jnp.float32).reshape(R, C, 128)
  chunk_tot = cs[:, :, 127]
  ci = lax.broadcasted_iota(jnp.int32, (R, C), 1)
  incl = chunk_tot
  for s in (1, 2, 4, 8):
    incl = incl + jnp.where(ci >= s, jnp.roll(incl, s, axis=1), 0.0)
  excl = incl - chunk_tot
  csl = cs.reshape(R, L)
  cnt_tot = incl[:, C - 1]

  def _gather_wide(tab, idx):
    acc = jnp.zeros(idx.shape, tab.dtype)
    cid = lax.shift_right_logical(idx, 7)
    lid = jnp.bitwise_and(idx, 127)
    for c in range(tab.shape[1] // 128):
      g = jnp.take_along_axis(tab[:, c * 128:(c + 1) * 128], lid, axis=1,
                              mode="promise_in_bounds")
      acc = jnp.where(cid == c, g, acc)
    return acc

  big = jnp.float32(1e9)
  padw = 128 - C
  pad = jnp.full((R, padw), big, jnp.float32)
  incl_pad = jnp.concatenate([incl, pad], axis=1)
  excl_pad = jnp.concatenate([excl, pad], axis=1)

  slot = lax.broadcasted_iota(jnp.int32, (R, CAND), 1)
  rankf = (slot + 1).astype(jnp.float32)
  c_sel = jnp.zeros((R, CAND), jnp.int32)
  for s in (8, 4, 2, 1):
    cand_c = c_sel + s
    probe = jnp.take_along_axis(incl_pad, cand_c - 1, axis=1,
                                mode="promise_in_bounds")
    c_sel = jnp.where(probe < rankf, cand_c, c_sel)
  excl_c = jnp.take_along_axis(excl_pad, c_sel, axis=1,
                               mode="promise_in_bounds")
  rl = rankf - excl_c
  u = jnp.zeros((R, CAND), jnp.int32)
  cbase = c_sel * 128
  for s in (64, 32, 16, 8, 4, 2, 1):
    cand_u = u + s
    probe = _gather_wide(csl, cbase + cand_u - 1)
    u = jnp.where(probe < rl, cand_u, u)
  j = cbase + u

  vals_c = _gather_wide(v, j)
  valid = slot < cnt_tot[:, None].astype(jnp.int32)
  vals_c = jnp.where(valid, vals_c, -1.0)
  idx_c = jnp.where(valid, j, -1)

  lane1 = lax.broadcasted_iota(jnp.int32, (R, CAND), 1)
  k = 2
  while k <= CAND:
    s = k // 2
    while s >= 1:
      bit = (lane1 & s) != 0
      pv = jnp.where(bit, jnp.roll(vals_c, s, axis=1),
                     jnp.roll(vals_c, -s, axis=1))
      pi = jnp.where(bit, jnp.roll(idx_c, s, axis=1),
                     jnp.roll(idx_c, -s, axis=1))
      t_gt = (pv > vals_c) | ((pv == vals_c) & (pi > idx_c))
      eq = (pv == vals_c) & (pi == idx_c)
      t_lt = ~(t_gt | eq)
      asc = (lane1 & k) == 0
      i_am_low = ~bit
      want_small = i_am_low == asc
      take_p = (want_small & t_lt) | (~want_small & t_gt)
      vals_c = jnp.where(take_p, pv, vals_c)
      idx_c = jnp.where(take_p, pi, idx_c)
      s //= 2
    k *= 2

  head = pl.program_id(0) // blocks_per_head
  out = jnp.roll(idx_c, num - CAND, axis=1) + head * rows_per_head
  idx_ref[...] = jnp.maximum(out, 0)


def _topk(score2d, num):
  NR, L = score2d.shape
  R = 256
  grid = NR // R
  rows_per_head = L
  blocks_per_head = L // R
  kfn = functools.partial(_topk_kernel, num=num,
                          rows_per_head=rows_per_head,
                          blocks_per_head=blocks_per_head)
  return pl.pallas_call(
      kfn,
      grid=(grid,),
      in_specs=[pl.BlockSpec((R, L), lambda i: (i, 0))],
      out_specs=pl.BlockSpec((R, 128), lambda i: (i, 0)),
      out_shape=jax.ShapeDtypeStruct((NR, 128), jnp.int32),
  )(score2d)


def _gather_rows(table, idx_rows, num, H, L):
  NC, NS = 2, 16
  NW = NC * NS
  NR, _ = idx_rows.shape
  D = table.shape[1]
  rows_per_w = NR // NW
  half = rows_per_w // 2
  pairs = half // 2
  mesh = plsc.VectorSubcoreMesh(core_axis_name="c", subcore_axis_name="s")

  @functools.partial(
      pl.kernel,
      mesh=mesh,
      compiler_params=pltpu.CompilerParams(use_tc_tiling_on_sc=False),
      out_type=jax.ShapeDtypeStruct((H, L, num, D), jnp.float32),
      scratch_types=[
          pltpu.VMEM((half, 128), jnp.int32),
          pltpu.VMEM((208, D), jnp.float32),
          pltpu.VMEM((208, D), jnp.float32),
          pltpu.SemaphoreType.DMA,
          pltpu.SemaphoreType.DMA,
      ],
  )
  def gather_kernel(table_hbm, idx_hbm, out_hbm, idx_v, buf0, buf1, sem0, sem1):
    wid = lax.axis_index("s") * NC + lax.axis_index("c")
    rbase = wid * rows_per_w

    npad = 104

    def fire(r, buf, sem):
      pltpu.make_async_copy(table_hbm.at[idx_v.at[2 * r, pl.ds(0, npad)]],
                            buf.at[pl.ds(0, npad)], sem).start()
      pltpu.make_async_copy(table_hbm.at[idx_v.at[2 * r + 1, pl.ds(0, npad)]],
                            buf.at[pl.ds(npad, npad)], sem).start()

    def drain(r, buf, sem):
      pltpu.make_async_copy(table_hbm.at[idx_v.at[2 * r, pl.ds(0, npad)]],
                            buf.at[pl.ds(0, npad)], sem).wait()
      pltpu.make_async_copy(table_hbm.at[idx_v.at[2 * r + 1, pl.ds(0, npad)]],
                            buf.at[pl.ds(npad, npad)], sem).wait()

    def run_half(h):
      pltpu.sync_copy(idx_hbm.at[pl.ds(rbase + h * half, half)], idx_v)
      qbase = rbase + h * half

      def put(r, buf):
        q0 = qbase + 2 * r
        pltpu.sync_copy(buf.at[pl.ds(0, num)],
                        out_hbm.at[q0 // L, q0 % L])
        pltpu.sync_copy(buf.at[pl.ds(npad, num)],
                        out_hbm.at[(q0 + 1) // L, (q0 + 1) % L])

      fire(0, buf0, sem0)

      def body(i, carry):
        r0 = i * 2
        fire(r0 + 1, buf1, sem1)
        drain(r0, buf0, sem0)
        put(r0, buf0)

        @pl.when(r0 + 2 < pairs)
        def _():
          fire(r0 + 2, buf0, sem0)

        drain(r0 + 1, buf1, sem1)
        put(r0 + 1, buf1)
        return carry

      lax.fori_loop(0, pairs // 2, body, 0)

    run_half(0)
    run_half(1)

  return gather_kernel(table, idx_rows)


def kernel(q, k, v, num, e):
  del num, e
  num = 100
  B, H, L, D = k.shape
  kt = jnp.reshape(k, (B, H, D, L))
  q2 = q[0]
  kt2 = kt[0]

  score = _scores(q2, kt2, T=128)

  idx_full = _topk(score.reshape(H * L, L), num)

  table = v[0].reshape(H * L, D)
  gathered = _gather_rows(table, idx_full, num, H, L)
  return (gathered.reshape(B, H, L, num, D), score.reshape(B, H, L, L))

# --- scband reference (transcript-rebuilt; emitter-appended) ---
"""Pipeline reference for scband-scale-dot-product-attention-75419625717958 (READ-ONLY COPY).

The authoritative reference and input builder live on the scoring server;
editing this copy changes nothing except your own understanding.
"""

import math
import jax, jax.numpy as jnp
import numpy as np


def setup_inputs(seed: int = 0) -> dict:
    key = jax.random.key(seed)
    kq, kk, kv = jax.random.split(key, 3)
    B, H, L, D = 1, 12, 2048, 64
    q = jax.random.normal(kq, (B, H, L, D), dtype=jnp.float32)
    k = jax.random.normal(kk, (B, H, L, D), dtype=jnp.float32)
    v = jax.random.normal(kv, (B, H, L, D), dtype=jnp.float32)
    return {"q": q, "k": k, "v": v, "num": 100, "e": 1e-12}


def reference(q, k, v, num=100, e=1e-12):
    batch_size, head, length, d_tensor = k.shape
    # Faithful to torch: k.view(b, h, d, l) is a RESHAPE of contiguous memory,
    # not a transpose.
    k_t = jnp.reshape(k, (batch_size, head, d_tensor, length))
    score = jnp.matmul(q, k_t) / math.sqrt(d_tensor)
    # nn.Softmax() with no dim on a 4-D tensor uses legacy dim selection -> dim=1
    score = jax.nn.softmax(score, axis=1) + (e - e)
    # threshold: per-row indices of the `num` largest entries (ascending by value),
    # equivalent to item.sort()[1][-num:] per flattened row.
    idx = jnp.argsort(score, axis=-1)[..., -100:] + (num - num)  # [B, H, L, num]
    # extract: for each query row, gather the selected value rows from v.
    # v: [B, H, L, D] -> [B, H, 1, L, D]; idx: [B, H, L, num] -> [B, H, L, num, 1]
    gathered = jnp.take_along_axis(v[:, :, None, :, :], idx[..., None], axis=3)
    # gathered: [B, H, L, num, D]
    return (gathered, score)

if __name__ == "__main__":
    import jax
    _d = setup_inputs()
    print(jax.jit(kernel)(*tuple(_d.values())))

</pallas_src>

<mosaic_0001>
#map = affine_map<(d0, d1) -> (0, 0)>
#map1 = affine_map<(d0, d1) -> (0, 0, 0, 0)>
module attributes {stable_mosaic.version = 14 : i64} {
  func.func @gather_kernel(%arg0: i32, %arg1: i32, %arg2: memref<24576x64xf32, #tpu.memory_space<hbm>>, %arg3: memref<24576x128xi32, #tpu.memory_space<hbm>>, %arg4: memref<12x2048x100x64xf32, #tpu.memory_space<hbm>>, %arg5: memref<384x128xi32, #tpu.memory_space<vmem>>, %arg6: memref<208x64xf32, #tpu.memory_space<vmem>>, %arg7: memref<208x64xf32, #tpu.memory_space<vmem>>, %arg8: memref<!tpu.dma_semaphore, #tpu.memory_space<semaphore_mem>>, %arg9: memref<!tpu.dma_semaphore, #tpu.memory_space<semaphore_mem>>) attributes {dimension_semantics = [#tpu.dimension_semantics<core_parallel>, #tpu.dimension_semantics<subcore_parallel>], iteration_bounds = array<i64: 2, 16>, scalar_prefetch = 0 : i64, scratch_operands = 5 : i64, tpu.core_type = #tpu.core_type<sc_vector_subcore>, window_params = [{transform_indices = #map}, {transform_indices = #map}, {transform_indices = #map1}]} {
    %mul3A = arith.constant 2 : i32
    %mul3A_0 = arith.muli %arg1, %mul3A : i32
    %add3A = arith.addi %mul3A_0, %arg0 : i32
    %mul3A_1 = arith.constant 768 : i32
    %mul3A_2 = arith.muli %add3A, %mul3A_1 : i32
    %add3A_3 = arith.constant 0 : i32
    %add3A_4 = arith.addi %mul3A_2, %add3A_3 : i32
    "tpu.region"() ({
      %run_scoped3A = tpu.sem_alloc : memref<!tpu.dma_semaphore, #tpu.memory_space<semaphore_mem>>
      %dma_start3A_61 = arith.constant 0 : i32
      %dma_start3A_62 = tpu.memref_slice %arg3[%add3A_4, %dma_start3A_61] : memref<24576x128xi32, #tpu.memory_space<hbm>> -> memref<384x128xi32, #tpu.memory_space<hbm>>
      %dma_start3A_63 = arith.constant 0 : i32
      %dma_start3A_64 = tpu.memref_slice %arg3[%add3A_4, %dma_start3A_63] : memref<24576x128xi32, #tpu.memory_space<hbm>> -> memref<384x128xi32, #tpu.memory_space<hbm>>
      tpu.enqueue_dma source(%dma_start3A_64 : memref<384x128xi32, #tpu.memory_space<hbm>>) target(%arg5 : memref<384x128xi32, #tpu.memory_space<vmem>>) target_semaphore(%run_scoped3A : memref<!tpu.dma_semaphore, #tpu.memory_space<semaphore_mem>>)
      %dma_wait3A = arith.constant 0 : i32
      %dma_wait3A_65 = tpu.memref_slice %arg3[%add3A_4, %dma_wait3A] : memref<24576x128xi32, #tpu.memory_space<hbm>> -> memref<384x128xi32, #tpu.memory_space<hbm>>
      %dma_wait3A_66 = arith.constant 0 : i32
      %dma_wait3A_67 = tpu.memref_slice %arg3[%add3A_4, %dma_wait3A_66] : memref<24576x128xi32, #tpu.memory_space<hbm>> -> memref<384x128xi32, #tpu.memory_space<hbm>>
      tpu.wait_dma2 semaphore(%run_scoped3A : memref<!tpu.dma_semaphore, #tpu.memory_space<semaphore_mem>>) src(%dma_wait3A_67 : memref<384x128xi32, #tpu.memory_space<hbm>>) dst(%arg5 : memref<384x128xi32, #tpu.memory_space<vmem>>)
      tpu.yield
    }) : () -> ()
    %add3A_5 = arith.constant 0 : i32
    %add3A_6 = arith.addi %mul3A_2, %add3A_5 : i32
    %dma_start3A = arith.constant 0 : i32
    %dma_start3A_7 = arith.constant 0 : i32
    %dma_start3A_8 = arith.constant 0 : i32
    %dma_start3A_9 = tpu.memref_slice %arg6[%dma_start3A_7, %dma_start3A_8] : memref<208x64xf32, #tpu.memory_space<vmem>> -> memref<104x64xf32, #tpu.memory_space<vmem>>
    %dma_start3A_10 = arith.constant 0 : i32
    %dma_start3A_11 = tpu.memref_slice %arg5[%dma_start3A, %dma_start3A_10] : memref<384x128xi32, #tpu.memory_space<vmem>> -> memref<1x104xi32, #tpu.memory_space<vmem>>
    %dma_start3A_12 = tpu.memref_squeeze %dma_start3A_11 : memref<1x104xi32, #tpu.memory_space<vmem>> -> memref<104xi32, #tpu.memory_space<vmem>>
    %dma_start3A_13 = arith.constant 0 : i32
    %dma_start3A_14 = arith.constant 0 : i32
    %dma_start3A_15 = tpu.memref_slice %arg2[%dma_start3A_13, %dma_start3A_14] : memref<24576x64xf32, #tpu.memory_space<hbm>> -> memref<24576x64xf32, #tpu.memory_space<hbm>>
    tpu.enqueue_indirect_dma source(%dma_start3A_15 : memref<24576x64xf32, #tpu.memory_space<hbm>>) target(%dma_start3A_9 : memref<104x64xf32, #tpu.memory_space<vmem>>) offsets(%dma_start3A_12 : memref<104xi32, #tpu.memory_space<vmem>>) semaphore(%arg8 : memref<!tpu.dma_semaphore, #tpu.memory_space<semaphore_mem>>)
    %dma_start3A_16 = arith.constant 1 : i32
    %dma_start3A_17 = arith.constant 104 : i32
    %dma_start3A_18 = arith.constant 0 : i32
    %dma_start3A_19 = tpu.memref_slice %arg6[%dma_start3A_17, %dma_start3A_18] : memref<208x64xf32, #tpu.memory_space<vmem>> -> memref<104x64xf32, #tpu.memory_space<vmem>>
    %dma_start3A_20 = arith.constant 0 : i32
    %dma_start3A_21 = tpu.memref_slice %arg5[%dma_start3A_16, %dma_start3A_20] : memref<384x128xi32, #tpu.memory_space<vmem>> -> memref<1x104xi32, #tpu.memory_space<vmem>>
    %dma_start3A_22 = tpu.memref_squeeze %dma_start3A_21 : memref<1x104xi32, #tpu.memory_space<vmem>> -> memref<104xi32, #tpu.memory_space<vmem>>
    %dma_start3A_23 = arith.constant 0 : i32
    %dma_start3A_24 = arith.constant 0 : i32
    %dma_start3A_25 = tpu.memref_slice %arg2[%dma_start3A_23, %dma_start3A_24] : memref<24576x64xf32, #tpu.memory_space<hbm>> -> memref<24576x64xf32, #tpu.memory_space<hbm>>
    tpu.enqueue_indirect_dma source(%dma_start3A_25 : memref<24576x64xf32, #tpu.memory_space<hbm>>) target(%dma_start3A_19 : memref<104x64xf32, #tpu.memory_space<vmem>>) offsets(%dma_start3A_22 : memref<104xi32, #tpu.memory_space<vmem>>) semaphore(%arg8 : memref<!tpu.dma_semaphore, #tpu.memory_space<semaphore_mem>>)
    %scan3A = arith.constant 0 : i32
    %scan3A_26 = arith.constant 0 : i32
    %scan3A_27 = arith.constant 96 : i32
    %scan3A_28 = arith.addi %scan3A_26, %scan3A_27 : i32
    %scan3A_29 = arith.constant 1 : i32
    scf.for %scan3A_61 = %scan3A_26 to %scan3A_28 step %scan3A_29  : i32 {
      %mul3A_62 = arith.constant 2 : i32
      %mul3A_63 = arith.muli %scan3A_61, %mul3A_62 : i32
      %add3A_64 = arith.constant 1 : i32
      %add3A_65 = arith.addi %mul3A_63, %add3A_64 : i32
      %mul3A_66 = arith.constant 2 : i32
      %mul3A_67 = arith.muli %mul3A_66, %add3A_65 : i32
      %dma_start3A_68 = arith.constant 0 : i32
      %dma_start3A_69 = arith.constant 0 : i32
      %dma_start3A_70 = tpu.memref_slice %arg7[%dma_start3A_68, %dma_start3A_69] : memref<208x64xf32, #tpu.memory_space<vmem>> -> memref<104x64xf32, #tpu.memory_space<vmem>>
      %dma_start3A_71 = arith.constant 0 : i32
      %dma_start3A_72 = tpu.memref_slice %arg5[%mul3A_67, %dma_start3A_71] : memref<384x128xi32, #tpu.memory_space<vmem>> -> memref<1x104xi32, #tpu.memory_space<vmem>>
      %dma_start3A_73 = tpu.memref_squeeze %dma_start3A_72 : memref<1x104xi32, #tpu.memory_space<vmem>> -> memref<104xi32, #tpu.memory_space<vmem>>
      %dma_start3A_74 = arith.constant 0 : i32
      %dma_start3A_75 = arith.constant 0 : i32
      %dma_start3A_76 = tpu.memref_slice %arg2[%dma_start3A_74, %dma_start3A_75] : memref<24576x64xf32, #tpu.memory_space<hbm>> -> memref<24576x64xf32, #tpu.memory_space<hbm>>
      tpu.enqueue_indirect_dma source(%dma_start3A_76 : memref<24576x64xf32, #tpu.memory_space<hbm>>) target(%dma_start3A_70 : memref<104x64xf32, #tpu.memory_space<vmem>>) offsets(%dma_start3A_73 : memref<104xi32, #tpu.memory_space<vmem>>) semaphore(%arg9 : memref<!tpu.dma_semaphore, #tpu.memory_space<semaphore_mem>>)
      %mul3A_77 = arith.constant 2 : i32
      %mul3A_78 = arith.muli %mul3A_77, %add3A_65 : i32
      %add3A_79 = arith.constant 1 : i32
      %add3A_80 = arith.addi %mul3A_78, %add3A_79 : i32
      %dma_start3A_81 = arith.constant 104 : i32
      %dma_start3A_82 = arith.constant 0 : i32
      %dma_start3A_83 = tpu.memref_slice %arg7[%dma_start3A_81, %dma_start3A_82] : memref<208x64xf32, #tpu.memory_space<vmem>> -> memref<104x64xf32, #tpu.memory_space<vmem>>
      %dma_start3A_84 = arith.constant 0 : i32
      %dma_start3A_85 = tpu.memref_slice %arg5[%add3A_80, %dma_start3A_84] : memref<384x128xi32, #tpu.memory_space<vmem>> -> memref<1x104xi32, #tpu.memory_space<vmem>>
      %dma_start3A_86 = tpu.memref_squeeze %dma_start3A_85 : memref<1x104xi32, #tpu.memory_space<vmem>> -> memref<104xi32, #tpu.memory_space<vmem>>
      %dma_start3A_87 = arith.constant 0 : i32
      %dma_start3A_88 = arith.constant 0 : i32
      %dma_start3A_89 = tpu.memref_slice %arg2[%dma_start3A_87, %dma_start3A_88] : memref<24576x64xf32, #tpu.memory_space<hbm>> -> memref<24576x64xf32, #tpu.memory_space<hbm>>
      tpu.enqueue_indirect_dma source(%dma_start3A_89 : memref<24576x64xf32, #tpu.memory_space<hbm>>) target(%dma_start3A_83 : memref<104x64xf32, #tpu.memory_space<vmem>>) offsets(%dma_start3A_86 : memref<104xi32, #tpu.memory_space<vmem>>) semaphore(%arg9 : memref<!tpu.dma_semaphore, #tpu.memory_space<semaphore_mem>>)
      %mul3A_90 = arith.constant 2 : i32
      %mul3A_91 = arith.muli %mul3A_90, %mul3A_63 : i32
      %dma_wait3A = arith.constant 0 : i32
      %dma_wait3A_92 = arith.constant 0 : i32
      %dma_wait3A_93 = tpu.memref_slice %arg6[%dma_wait3A, %dma_wait3A_92] : memref<208x64xf32, #tpu.memory_space<vmem>> -> memref<104x64xf32, #tpu.memory_space<vmem>>
      %dma_wait3A_94 = arith.constant 0 : i32
      %dma_wait3A_95 = tpu.memref_slice %arg5[%mul3A_91, %dma_wait3A_94] : memref<384x128xi32, #tpu.memory_space<vmem>> -> memref<1x104xi32, #tpu.memory_space<vmem>>
      %dma_wait3A_96 = tpu.memref_squeeze %dma_wait3A_95 : memref<1x104xi32, #tpu.memory_space<vmem>> -> memref<104xi32, #tpu.memory_space<vmem>>
      %dma_wait3A_97 = arith.constant 0 : i32
      %dma_wait3A_98 = arith.constant 0 : i32
      %dma_wait3A_99 = tpu.memref_slice %arg2[%dma_wait3A_97, %dma_wait3A_98] : memref<24576x64xf32, #tpu.memory_space<hbm>> -> memref<24576x64xf32, #tpu.memory_space<hbm>>
      tpu.wait_indirect_dma semaphore(%arg8 : memref<!tpu.dma_semaphore, #tpu.memory_space<semaphore_mem>>) src(%dma_wait3A_99 : memref<24576x64xf32, #tpu.memory_space<hbm>>) dst(%dma_wait3A_93 : memref<104x64xf32, #tpu.memory_space<vmem>>)
      %mul3A_100 = arith.constant 2 : i32
      %mul3A_101 = arith.muli %mul3A_100, %mul3A_63 : i32
      %add3A_102 = arith.constant 1 : i32
      %add3A_103 = arith.addi %mul3A_101, %add3A_102 : i32
      %dma_wait3A_104 = arith.constant 104 : i32
      %dma_wait3A_105 = arith.constant 0 : i32
      %dma_wait3A_106 = tpu.memref_slice %arg6[%dma_wait3A_104, %dma_wait3A_105] : memref<208x64xf32, #tpu.memory_space<vmem>> -> memref<104x64xf32, #tpu.memory_space<vmem>>
      %dma_wait3A_107 = arith.constant 0 : i32
      %dma_wait3A_108 = tpu.memref_slice %arg5[%add3A_103, %dma_wait3A_107] : memref<384x128xi32, #tpu.memory_space<vmem>> -> memref<1x104xi32, #tpu.memory_space<vmem>>
      %dma_wait3A_109 = tpu.memref_squeeze %dma_wait3A_108 : memref<1x104xi32, #tpu.memory_space<vmem>> -> memref<104xi32, #tpu.memory_space<vmem>>
      %dma_wait3A_110 = arith.constant 0 : i32
      %dma_wait3A_111 = arith.constant 0 : i32
      %dma_wait3A_112 = tpu.memref_slice %arg2[%dma_wait3A_110, %dma_wait3A_111] : memref<24576x64xf32, #tpu.memory_space<hbm>> -> memref<24576x64xf32, #tpu.memory_space<hbm>>
      tpu.wait_indirect_dma semaphore(%arg8 : memref<!tpu.dma_semaphore, #tpu.memory_space<semaphore_mem>>) src(%dma_wait3A_112 : memref<24576x64xf32, #tpu.memory_space<hbm>>) dst(%dma_wait3A_106 : memref<104x64xf32, #tpu.memory_space<vmem>>)
      %mul3A_113 = arith.constant 2 : i32
      %mul3A_114 = arith.muli %mul3A_113, %mul3A_63 : i32
      %add3A_115 = arith.addi %add3A_6, %mul3A_114 : i32
      %jit3A = arith.constant 2048 : i32
      %div3A = arith.divsi %add3A_115, %jit3A : i32
      %sign3A = arith.constant 0 : i32
      %sign3A_116 = arith.cmpi sgt, %add3A_115, %sign3A : i32
      %sign3A_117 = arith.extui %sign3A_116 : i1 to i32
      %sign3A_118 = arith.constant 0 : i32
      %sign3A_119 = arith.cmpi slt, %add3A_115, %sign3A_118 : i32
      %sign3A_120 = arith.extui %sign3A_119 : i1 to i32
      %sign3A_121 = arith.subi %sign3A_117, %sign3A_120 : i32
      %sign3A_122 = arith.constant 0 : i32
      %sign3A_123 = arith.cmpi sgt, %jit3A, %sign3A_122 : i32
      %sign3A_124 = arith.extui %sign3A_123 : i1 to i32
      %sign3A_125 = arith.constant 0 : i32
      %sign3A_126 = arith.cmpi slt, %jit3A, %sign3A_125 : i32
      %sign3A_127 = arith.extui %sign3A_126 : i1 to i32
      %sign3A_128 = arith.subi %sign3A_124, %sign3A_127 : i32
      %ne3A = arith.cmpi ne, %sign3A_121, %sign3A_128 : i32
      %rem3A = arith.remsi %add3A_115, %jit3A : i32
      %ne3A_129 = arith.constant 0 : i32
      %ne3A_130 = arith.cmpi ne, %rem3A, %ne3A_129 : i32
      %and3A = arith.andi %ne3A, %ne3A_130 : i1
      %sub3A = arith.constant 1 : i32
      %sub3A_131 = arith.subi %div3A, %sub3A : i32
      %select_n3A = arith.select %and3A, %sub3A_131, %div3A : i32
      %jit3A_132 = arith.constant 2048 : i32
      %eq3A = arith.constant 0 : i32
      %eq3A_133 = arith.cmpi eq, %jit3A_132, %eq3A : i32
      %jit3A_134 = arith.constant 1 : i32
      %select_n3A_135 = arith.select %eq3A_133, %jit3A_134, %jit3A_132 : i32
      %rem3A_136 = arith.remsi %add3A_115, %select_n3A_135 : i32
      %ne3A_137 = arith.constant 0 : i32
      %ne3A_138 = arith.cmpi ne, %rem3A_136, %ne3A_137 : i32
      %lt3A = arith.constant 0 : i32
      %lt3A_139 = arith.cmpi slt, %rem3A_136, %lt3A : i32
      %lt3A_140 = arith.constant 0 : i32
      %lt3A_141 = arith.cmpi slt, %select_n3A_135, %lt3A_140 : i32
      %ne3A_142 = arith.xori %lt3A_139, %lt3A_141 : i1
      %and3A_143 = arith.andi %ne3A_142, %ne3A_138 : i1
      %add3A_144 = arith.addi %rem3A_136, %select_n3A_135 : i32
      %select_n3A_145 = arith.select %and3A_143, %add3A_144, %rem3A_136 : i32
      "tpu.region"() ({
        %run_scoped3A = tpu.sem_alloc : memref<!tpu.dma_semaphore, #tpu.memory_space<semaphore_mem>>
        %dma_start3A_310 = arith.constant 0 : i32
        %dma_start3A_311 = arith.constant 0 : i32
        %dma_start3A_312 = tpu.memref_slice %arg6[%dma_start3A_310, %dma_start3A_311] : memref<208x64xf32, #tpu.memory_space<vmem>> -> memref<100x64xf32, #tpu.memory_space<vmem>>
        %dma_start3A_313 = arith.constant 0 : i32
        %dma_start3A_314 = arith.constant 0 : i32
        %dma_start3A_315 = tpu.memref_slice %arg4[%select_n3A, %select_n3A_145, %dma_start3A_313, %dma_start3A_314] : memref<12x2048x100x64xf32, #tpu.memory_space<hbm>> -> memref<1x1x100x64xf32, #tpu.memory_space<hbm>>
        %dma_start3A_316 = tpu.memref_squeeze %dma_start3A_315 : memref<1x1x100x64xf32, #tpu.memory_space<hbm>> -> memref<100x64xf32, #tpu.memory_space<hbm>>
        %dma_start3A_317 = arith.constant 0 : i32
        %dma_start3A_318 = arith.constant 0 : i32
        %dma_start3A_319 = tpu.memref_slice %arg4[%select_n3A, %select_n3A_145, %dma_start3A_317, %dma_start3A_318] : memref<12x2048x100x64xf32, #tpu.memory_space<hbm>> -> memref<1x1x100x64xf32, #tpu.memory_space<hbm>>
        %dma_start3A_320 = tpu.memref_squeeze %dma_start3A_319 : memref<1x1x100x64xf32, #tpu.memory_space<hbm>> -> memref<100x64xf32, #tpu.memory_space<hbm>>
        %dma_start3A_321 = arith.constant 0 : i32
        %dma_start3A_322 = arith.constant 0 : i32
        %dma_start3A_323 = tpu.memref_slice %arg6[%dma_start3A_321, %dma_start3A_322] : memref<208x64xf32, #tpu.memory_space<vmem>> -> memref<100x64xf32, #tpu.memory_space<vmem>>
        tpu.enqueue_dma source(%dma_start3A_323 : memref<100x64xf32, #tpu.memory_space<vmem>>) target(%dma_start3A_320 : memref<100x64xf32, #tpu.memory_space<hbm>>) target_semaphore(%run_scoped3A : memref<!tpu.dma_semaphore, #tpu.memory_space<semaphore_mem>>)
        %dma_wait3A_324 = arith.constant 0 : i32
        %dma_wait3A_325 = arith.constant 0 : i32
        %dma_wait3A_326 = tpu.memref_slice %arg6[%dma_wait3A_324, %dma_wait3A_325] : memref<208x64xf32, #tpu.memory_space<vmem>> -> memref<100x64xf32, #tpu.memory_space<vmem>>
        %dma_wait3A_327 = arith.constant 0 : i32
        %dma_wait3A_328 = arith.constant 0 : i32
        %dma_wait3A_329 = tpu.memref_slice %arg4[%select_n3A, %select_n3A_145, %dma_wait3A_327, %dma_wait3A_328] : memref<12x2048x100x64xf32, #tpu.memory_space<hbm>> -> memref<1x1x100x64xf32, #tpu.memory_space<hbm>>
        %dma_wait3A_330 = tpu.memref_squeeze %dma_wait3A_329 : memref<1x1x100x64xf32, #tpu.memory_space<hbm>> -> memref<100x64xf32, #tpu.memory_space<hbm>>
        %dma_wait3A_331 = arith.constant 0 : i32
        %dma_wait3A_332 = arith.constant 0 : i32
        %dma_wait3A_333 = tpu.memref_slice %arg4[%select_n3A, %select_n3A_145, %dma_wait3A_331, %dma_wait3A_332] : memref<12x2048x100x64xf32, #tpu.memory_space<hbm>> -> memref<1x1x100x64xf32, #tpu.memory_space<hbm>>
        %dma_wait3A_334 = tpu.memref_squeeze %dma_wait3A_333 : memref<1x1x100x64xf32, #tpu.memory_space<hbm>> -> memref<100x64xf32, #tpu.memory_space<hbm>>
        %dma_wait3A_335 = arith.constant 0 : i32
        %dma_wait3A_336 = arith.constant 0 : i32
        %dma_wait3A_337 = tpu.memref_slice %arg6[%dma_wait3A_335, %dma_wait3A_336] : memref<208x64xf32, #tpu.memory_space<vmem>> -> memref<100x64xf32, #tpu.memory_space<vmem>>
        tpu.wait_dma2 semaphore(%run_scoped3A : memref<!tpu.dma_semaphore, #tpu.memory_space<semaphore_mem>>) src(%dma_wait3A_337 : memref<100x64xf32, #tpu.memory_space<vmem>>) dst(%dma_wait3A_334 : memref<100x64xf32, #tpu.memory_space<hbm>>)
        tpu.yield
      }) : () -> ()
      %add3A_146 = arith.constant 1 : i32
      %add3A_147 = arith.addi %add3A_115, %add3A_146 : i32
      %jit3A_148 = arith.constant 2048 : i32
      %div3A_149 = arith.divsi %add3A_147, %jit3A_148 : i32
      %sign3A_150 = arith.constant 0 : i32
      %sign3A_151 = arith.cmpi sgt, %add3A_147, %sign3A_150 : i32
      %sign3A_152 = arith.extui %sign3A_151 : i1 to i32
      %sign3A_153 = arith.constant 0 : i32
      %sign3A_154 = arith.cmpi slt, %add3A_147, %sign3A_153 : i32
      %sign3A_155 = arith.extui %sign3A_154 : i1 to i32
      %sign3A_156 = arith.subi %sign3A_152, %sign3A_155 : i32
      %sign3A_157 = arith.constant 0 : i32
      %sign3A_158 = arith.cmpi sgt, %jit3A_148, %sign3A_157 : i32
      %sign3A_159 = arith.extui %sign3A_158 : i1 to i32
      %sign3A_160 = arith.constant 0 : i32
      %sign3A_161 = arith.cmpi slt, %jit3A_148, %sign3A_160 : i32
      %sign3A_162 = arith.extui %sign3A_161 : i1 to i32
      %sign3A_163 = arith.subi %sign3A_159, %sign3A_162 : i32
      %ne3A_164 = arith.cmpi ne, %sign3A_156, %sign3A_163 : i32
      %rem3A_165 = arith.remsi %add3A_147, %jit3A_148 : i32
      %ne3A_166 = arith.constant 0 : i32
      %ne3A_167 = arith.cmpi ne, %rem3A_165, %ne3A_166 : i32
      %and3A_168 = arith.andi %ne3A_164, %ne3A_167 : i1
      %sub3A_169 = arith.constant 1 : i32
      %sub3A_170 = arith.subi %div3A_149, %sub3A_169 : i32
      %select_n3A_171 = arith.select %and3A_168, %sub3A_170, %div3A_149 : i32
      %add3A_172 = arith.constant 1 : i32
      %add3A_173 = arith.addi %add3A_115, %add3A_172 : i32
      %jit3A_174 = arith.constant 2048 : i32
      %eq3A_175 = arith.constant 0 : i32
      %eq3A_176 = arith.cmpi eq, %jit3A_174, %eq3A_175 : i32
      %jit3A_177 = arith.constant 1 : i32
      %select_n3A_178 = arith.select %eq3A_176, %jit3A_177, %jit3A_174 : i32
      %rem3A_179 = arith.remsi %add3A_173, %select_n3A_178 : i32
      %ne3A_180 = arith.constant 0 : i32
      %ne3A_181 = arith.cmpi ne, %rem3A_179, %ne3A_180 : i32
      %lt3A_182 = arith.constant 0 : i32
      %lt3A_183 = arith.cmpi slt, %rem3A_179, %lt3A_182 : i32
      %lt3A_184 = arith.constant 0 : i32
      %lt3A_185 = arith.cmpi slt, %select_n3A_178, %lt3A_184 : i32
      %ne3A_186 = arith.xori %lt3A_183, %lt3A_185 : i1
      %and3A_187 = arith.andi %ne3A_186, %ne3A_181 : i1
      %add3A_188 = arith.addi %rem3A_179, %select_n3A_178 : i32
      %select_n3A_189 = arith.select %and3A_187, %add3A_188, %rem3A_179 : i32
      "tpu.region"() ({
        %run_scoped3A = tpu.sem_alloc : memref<!tpu.dma_semaphore, #tpu.memory_space<semaphore_mem>>
        %dma_start3A_310 = arith.constant 104 : i32
        %dma_start3A_311 = arith.constant 0 : i32
        %dma_start3A_312 = tpu.memref_slice %arg6[%dma_start3A_310, %dma_start3A_311] : memref<208x64xf32, #tpu.memory_space<vmem>> -> memref<100x64xf32, #tpu.memory_space<vmem>>
        %dma_start3A_313 = arith.constant 0 : i32
        %dma_start3A_314 = arith.constant 0 : i32
        %dma_start3A_315 = tpu.memref_slice %arg4[%select_n3A_171, %select_n3A_189, %dma_start3A_313, %dma_start3A_314] : memref<12x2048x100x64xf32, #tpu.memory_space<hbm>> -> memref<1x1x100x64xf32, #tpu.memory_space<hbm>>
        %dma_start3A_316 = tpu.memref_squeeze %dma_start3A_315 : memref<1x1x100x64xf32, #tpu.memory_space<hbm>> -> memref<100x64xf32, #tpu.memory_space<hbm>>
        %dma_start3A_317 = arith.constant 0 : i32
        %dma_start3A_318 = arith.constant 0 : i32
        %dma_start3A_319 = tpu.memref_slice %arg4[%select_n3A_171, %select_n3A_189, %dma_start3A_317, %dma_start3A_318] : memref<12x2048x100x64xf32, #tpu.memory_space<hbm>> -> memref<1x1x100x64xf32, #tpu.memory_space<hbm>>
        %dma_start3A_320 = tpu.memref_squeeze %dma_start3A_319 : memref<1x1x100x64xf32, #tpu.memory_space<hbm>> -> memref<100x64xf32, #tpu.memory_space<hbm>>
        %dma_start3A_321 = arith.constant 104 : i32
        %dma_start3A_322 = arith.constant 0 : i32
        %dma_start3A_323 = tpu.memref_slice %arg6[%dma_start3A_321, %dma_start3A_322] : memref<208x64xf32, #tpu.memory_space<vmem>> -> memref<100x64xf32, #tpu.memory_space<vmem>>
        tpu.enqueue_dma source(%dma_start3A_323 : memref<100x64xf32, #tpu.memory_space<vmem>>) target(%dma_start3A_320 : memref<100x64xf32, #tpu.memory_space<hbm>>) target_semaphore(%run_scoped3A : memref<!tpu.dma_semaphore, #tpu.memory_space<semaphore_mem>>)
        %dma_wait3A_324 = arith.constant 104 : i32
        %dma_wait3A_325 = arith.constant 0 : i32
        %dma_wait3A_326 = tpu.memref_slice %arg6[%dma_wait3A_324, %dma_wait3A_325] : memref<208x64xf32, #tpu.memory_space<vmem>> -> memref<100x64xf32, #tpu.memory_space<vmem>>
        %dma_wait3A_327 = arith.constant 0 : i32
        %dma_wait3A_328 = arith.constant 0 : i32
        %dma_wait3A_329 = tpu.memref_slice %arg4[%select_n3A_171, %select_n3A_189, %dma_wait3A_327, %dma_wait3A_328] : memref<12x2048x100x64xf32, #tpu.memory_space<hbm>> -> memref<1x1x100x64xf32, #tpu.memory_space<hbm>>
        %dma_wait3A_330 = tpu.memref_squeeze %dma_wait3A_329 : memref<1x1x100x64xf32, #tpu.memory_space<hbm>> -> memref<100x64xf32, #tpu.memory_space<hbm>>
        %dma_wait3A_331 = arith.constant 0 : i32
        %dma_wait3A_332 = arith.constant 0 : i32
        %dma_wait3A_333 = tpu.memref_slice %arg4[%select_n3A_171, %select_n3A_189, %dma_wait3A_331, %dma_wait3A_332] : memref<12x2048x100x64xf32, #tpu.memory_space<hbm>> -> memref<1x1x100x64xf32, #tpu.memory_space<hbm>>
        %dma_wait3A_334 = tpu.memref_squeeze %dma_wait3A_333 : memref<1x1x100x64xf32, #tpu.memory_space<hbm>> -> memref<100x64xf32, #tpu.memory_space<hbm>>
        %dma_wait3A_335 = arith.constant 104 : i32
        %dma_wait3A_336 = arith.constant 0 : i32
        %dma_wait3A_337 = tpu.memref_slice %arg6[%dma_wait3A_335, %dma_wait3A_336] : memref<208x64xf32, #tpu.memory_space<vmem>> -> memref<100x64xf32, #tpu.memory_space<vmem>>
        tpu.wait_dma2 semaphore(%run_scoped3A : memref<!tpu.dma_semaphore, #tpu.memory_space<semaphore_mem>>) src(%dma_wait3A_337 : memref<100x64xf32, #tpu.memory_space<vmem>>) dst(%dma_wait3A_334 : memref<100x64xf32, #tpu.memory_space<hbm>>)
        tpu.yield
      }) : () -> ()
      %add3A_190 = arith.constant 2 : i32
      %add3A_191 = arith.addi %mul3A_63, %add3A_190 : i32
      %lt3A_192 = arith.constant 192 : i32
      %lt3A_193 = arith.cmpi slt, %add3A_191, %lt3A_192 : i32
      %convert_element_type3A = arith.extui %lt3A_193 : i1 to i32
      %cond3A = arith.constant 0 : i32
      %cond3A_194 = arith.cmpi ne, %convert_element_type3A, %cond3A : i32
      scf.if %cond3A_194 {
        %add3A_310 = arith.constant 2 : i32
        %add3A_311 = arith.addi %mul3A_63, %add3A_310 : i32
        %mul3A_312 = arith.constant 2 : i32
        %mul3A_313 = arith.muli %mul3A_312, %add3A_311 : i32
        %dma_start3A_314 = arith.constant 0 : i32
        %dma_start3A_315 = arith.constant 0 : i32
        %dma_start3A_316 = tpu.memref_slice %arg6[%dma_start3A_314, %dma_start3A_315] : memref<208x64xf32, #tpu.memory_space<vmem>> -> memref<104x64xf32, #tpu.memory_space<vmem>>
        %dma_start3A_317 = arith.constant 0 : i32
        %dma_start3A_318 = tpu.memref_slice %arg5[%mul3A_313, %dma_start3A_317] : memref<384x128xi32, #tpu.memory_space<vmem>> -> memref<1x104xi32, #tpu.memory_space<vmem>>
        %dma_start3A_319 = tpu.memref_squeeze %dma_start3A_318 : memref<1x104xi32, #tpu.memory_space<vmem>> -> memref<104xi32, #tpu.memory_space<vmem>>
        %dma_start3A_320 = arith.constant 0 : i32
        %dma_start3A_321 = arith.constant 0 : i32
        %dma_start3A_322 = tpu.memref_slice %arg2[%dma_start3A_320, %dma_start3A_321] : memref<24576x64xf32, #tpu.memory_space<hbm>> -> memref<24576x64xf32, #tpu.memory_space<hbm>>
        tpu.enqueue_indirect_dma source(%dma_start3A_322 : memref<24576x64xf32, #tpu.memory_space<hbm>>) target(%dma_start3A_316 : memref<104x64xf32, #tpu.memory_space<vmem>>) offsets(%dma_start3A_319 : memref<104xi32, #tpu.memory_space<vmem>>) semaphore(%arg8 : memref<!tpu.dma_semaphore, #tpu.memory_space<semaphore_mem>>)
        %mul3A_323 = arith.constant 2 : i32
        %mul3A_324 = arith.muli %mul3A_323, %add3A_311 : i32
        %add3A_325 = arith.constant 1 : i32
        %add3A_326 = arith.addi %mul3A_324, %add3A_325 : i32
        %dma_start3A_327 = arith.constant 104 : i32
        %dma_start3A_328 = arith.constant 0 : i32
        %dma_start3A_329 = tpu.memref_slice %arg6[%dma_start3A_327, %dma_start3A_328] : memref<208x64xf32, #tpu.memory_space<vmem>> -> memref<104x64xf32, #tpu.memory_space<vmem>>
        %dma_start3A_330 = arith.constant 0 : i32
        %dma_start3A_331 = tpu.memref_slice %arg5[%add3A_326, %dma_start3A_330] : memref<384x128xi32, #tpu.memory_space<vmem>> -> memref<1x104xi32, #tpu.memory_space<vmem>>
        %dma_start3A_332 = tpu.memref_squeeze %dma_start3A_331 : memref<1x104xi32, #tpu.memory_space<vmem>> -> memref<104xi32, #tpu.memory_space<vmem>>
        %dma_start3A_333 = arith.constant 0 : i32
        %dma_start3A_334 = arith.constant 0 : i32
        %dma_start3A_335 = tpu.memref_slice %arg2[%dma_start3A_333, %dma_start3A_334] : memref<24576x64xf32, #tpu.memory_space<hbm>> -> memref<24576x64xf32, #tpu.memory_space<hbm>>
        tpu.enqueue_indirect_dma source(%dma_start3A_335 : memref<24576x64xf32, #tpu.memory_space<hbm>>) target(%dma_start3A_329 : memref<104x64xf32, #tpu.memory_space<vmem>>) offsets(%dma_start3A_332 : memref<104xi32, #tpu.memory_space<vmem>>) semaphore(%arg8 : memref<!tpu.dma_semaphore, #tpu.memory_space<semaphore_mem>>)
      } else {
      }
      %add3A_195 = arith.constant 1 : i32
      %add3A_196 = arith.addi %mul3A_63, %add3A_195 : i32
      %mul3A_197 = arith.constant 2 : i32
      %mul3A_198 = arith.muli %mul3A_197, %add3A_196 : i32
      %dma_wait3A_199 = arith.constant 0 : i32
      %dma_wait3A_200 = arith.constant 0 : i32
      %dma_wait3A_201 = tpu.memref_slice %arg7[%dma_wait3A_199, %dma_wait3A_200] : memref<208x64xf32, #tpu.memory_space<vmem>> -> memref<104x64xf32, #tpu.memory_space<vmem>>
      %dma_wait3A_202 = arith.constant 0 : i32
      %dma_wait3A_203 = tpu.memref_slice %arg5[%mul3A_198, %dma_wait3A_202] : memref<384x128xi32, #tpu.memory_space<vmem>> -> memref<1x104xi32, #tpu.memory_space<vmem>>
      %dma_wait3A_204 = tpu.memref_squeeze %dma_wait3A_203 : memref<1x104xi32, #tpu.memory_space<vmem>> -> memref<104xi32, #tpu.memory_space<vmem>>
      %dma_wait3A_205 = arith.constant 0 : i32
      %dma_wait3A_206 = arith.constant 0 : i32
      %dma_wait3A_207 = tpu.memref_slice %arg2[%dma_wait3A_205, %dma_wait3A_206] : memref<24576x64xf32, #tpu.memory_space<hbm>> -> memref<24576x64xf32, #tpu.memory_space<hbm>>
      tpu.wait_indirect_dma semaphore(%arg9 : memref<!tpu.dma_semaphore, #tpu.memory_space<semaphore_mem>>) src(%dma_wait3A_207 : memref<24576x64xf32, #tpu.memory_space<hbm>>) dst(%dma_wait3A_201 : memref<104x64xf32, #tpu.memory_space<vmem>>)
      %mul3A_208 = arith.constant 2 : i32
      %mul3A_209 = arith.muli %mul3A_208, %add3A_196 : i32
      %add3A_210 = arith.constant 1 : i32
      %add3A_211 = arith.addi %mul3A_209, %add3A_210 : i32
      %dma_wait3A_212 = arith.constant 104 : i32
      %dma_wait3A_213 = arith.constant 0 : i32
      %dma_wait3A_214 = tpu.memref_slice %arg7[%dma_wait3A_212, %dma_wait3A_213] : memref<208x64xf32, #tpu.memory_space<vmem>> -> memref<104x64xf32, #tpu.memory_space<vmem>>
      %dma_wait3A_215 = arith.constant 0 : i32
      %dma_wait3A_216 = tpu.memref_slice %arg5[%add3A_211, %dma_wait3A_215] : memref<384x128xi32, #tpu.memory_space<vmem>> -> memref<1x104xi32, #tpu.memory_space<vmem>>
      %dma_wait3A_217 = tpu.memref_squeeze %dma_wait3A_216 : memref<1x104xi32, #tpu.memory_space<vmem>> -> memref<104xi32, #tpu.memory_space<vmem>>
      %dma_wait3A_218 = arith.constant 0 : i32
      %dma_wait3A_219 = arith.constant 0 : i32
      %dma_wait3A_220 = tpu.memref_slice %arg2[%dma_wait3A_218, %dma_wait3A_219] : memref<24576x64xf32, #tpu.memory_space<hbm>> -> memref<24576x64xf32, #tpu.memory_space<hbm>>
      tpu.wait_indirect_dma semaphore(%arg9 : memref<!tpu.dma_semaphore, #tpu.memory_space<semaphore_mem>>) src(%dma_wait3A_220 : memref<24576x64xf32, #tpu.memory_space<hbm>>) dst(%dma_wait3A_214 : memref<104x64xf32, #tpu.memory_space<vmem>>)
      %add3A_221 = arith.constant 1 : i32
      %add3A_222 = arith.addi %mul3A_63, %add3A_221 : i32
      %mul3A_223 = arith.constant 2 : i32
      %mul3A_224 = arith.muli %mul3A_223, %add3A_222 : i32
      %add3A_225 = arith.addi %add3A_6, %mul3A_224 : i32
      %jit3A_226 = arith.constant 2048 : i32
      %div3A_227 = arith.divsi %add3A_225, %jit3A_226 : i32
      %sign3A_228 = arith.constant 0 : i32
      %sign3A_229 = arith.cmpi sgt, %add3A_225, %sign3A_228 : i32
      %sign3A_230 = arith.extui %sign3A_229 : i1 to i32
      %sign3A_231 = arith.constant 0 : i32
      %sign3A_232 = arith.cmpi slt, %add3A_225, %sign3A_231 : i32
      %sign3A_233 = arith.extui %sign3A_232 : i1 to i32
      %sign3A_234 = arith.subi %sign3A_230, %sign3A_233 : i32
      %sign3A_235 = arith.constant 0 : i32
      %sign3A_236 = arith.cmpi sgt, %jit3A_226, %sign3A_235 : i32
      %sign3A_237 = arith.extui %sign3A_236 : i1 to i32
      %sign3A_238 = arith.constant 0 : i32
      %sign3A_239 = arith.cmpi slt, %jit3A_226, %sign3A_238 : i32
      %sign3A_240 = arith.extui %sign3A_239 : i1 to i32
      %sign3A_241 = arith.subi %sign3A_237, %sign3A_240 : i32
      %ne3A_242 = arith.cmpi ne, %sign3A_234, %sign3A_241 : i32
      %rem3A_243 = arith.remsi %add3A_225, %jit3A_226 : i32
      %ne3A_244 = arith.constant 0 : i32
      %ne3A_245 = arith.cmpi ne, %rem3A_243, %ne3A_244 : i32
      %and3A_246 = arith.andi %ne3A_242, %ne3A_245 : i1
      %sub3A_247 = arith.constant 1 : i32
      %sub3A_248 = arith.subi %div3A_227, %sub3A_247 : i32
      %select_n3A_249 = arith.select %and3A_246, %sub3A_248, %div3A_227 : i32
      %jit3A_250 = arith.constant 2048 : i32
      %eq3A_251 = arith.constant 0 : i32
      %eq3A_252 = arith.cmpi eq, %jit3A_250, %eq3A_251 : i32
      %jit3A_253 = arith.constant 1 : i32
      %select_n3A_254 = arith.select %eq3A_252, %jit3A_253, %jit3A_250 : i32
      %rem3A_255 = arith.remsi %add3A_225, %select_n3A_254 : i32
      %ne3A_256 = arith.constant 0 : i32
      %ne3A_257 = arith.cmpi ne, %rem3A_255, %ne3A_256 : i32
      %lt3A_258 = arith.constant 0 : i32
      %lt3A_259 = arith.cmpi slt, %rem3A_255, %lt3A_258 : i32
      %lt3A_260 = arith.constant 0 : i32
      %lt3A_261 = arith.cmpi slt, %select_n3A_254, %lt3A_260 : i32
      %ne3A_262 = arith.xori %lt3A_259, %lt3A_261 : i1
      %and3A_263 = arith.andi %ne3A_262, %ne3A_257 : i1
      %add3A_264 = arith.addi %rem3A_255, %select_n3A_254 : i32
      %select_n3A_265 = arith.select %and3A_263, %add3A_264, %rem3A_255 : i32
      "tpu.region"() ({
        %run_scoped3A = tpu.sem_alloc : memref<!tpu.dma_semaphore, #tpu.memory_space<semaphore_mem>>
        %dma_start3A_310 = arith.constant 0 : i32
        %dma_start3A_311 = arith.constant 0 : i32
        %dma_start3A_312 = tpu.memref_slice %arg7[%dma_start3A_310, %dma_start3A_311] : memref<208x64xf32, #tpu.memory_space<vmem>> -> memref<100x64xf32, #tpu.memory_space<vmem>>
        %dma_start3A_313 = arith.constant 0 : i32
        %dma_start3A_314 = arith.constant 0 : i32
        %dma_start3A_315 = tpu.memref_slice %arg4[%select_n3A_249, %select_n3A_265, %dma_start3A_313, %dma_start3A_314] : memref<12x2048x100x64xf32, #tpu.memory_space<hbm>> -> memref<1x1x100x64xf32, #tpu.memory_space<hbm>>
        %dma_start3A_316 = tpu.memref_squeeze %dma_start3A_315 : memref<1x1x100x64xf32, #tpu.memory_space<hbm>> -> memref<100x64xf32, #tpu.memory_space<hbm>>
        %dma_start3A_317 = arith.constant 0 : i32
        %dma_start3A_318 = arith.constant 0 : i32
        %dma_start3A_319 = tpu.memref_slice %arg4[%select_n3A_249, %select_n3A_265, %dma_start3A_317, %dma_start3A_318] : memref<12x2048x100x64xf32, #tpu.memory_space<hbm>> -> memref<1x1x100x64xf32, #tpu.memory_space<hbm>>
        %dma_start3A_320 = tpu.memref_squeeze %dma_start3A_319 : memref<1x1x100x64xf32, #tpu.memory_space<hbm>> -> memref<100x64xf32, #tpu.memory_space<hbm>>
        %dma_start3A_321 = arith.constant 0 : i32
        %dma_start3A_322 = arith.constant 0 : i32
        %dma_start3A_323 = tpu.memref_slice %arg7[%dma_start3A_321, %dma_start3A_322] : memref<208x64xf32, #tpu.memory_space<vmem>> -> memref<100x64xf32, #tpu.memory_space<vmem>>
        tpu.enqueue_dma source(%dma_start3A_323 : memref<100x64xf32, #tpu.memory_space<vmem>>) target(%dma_start3A_320 : memref<100x64xf32, #tpu.memory_space<hbm>>) target_semaphore(%run_scoped3A : memref<!tpu.dma_semaphore, #tpu.memory_space<semaphore_mem>>)
        %dma_wait3A_324 = arith.constant 0 : i32
        %dma_wait3A_325 = arith.constant 0 : i32
        %dma_wait3A_326 = tpu.memref_slice %arg7[%dma_wait3A_324, %dma_wait3A_325] : memref<208x64xf32, #tpu.memory_space<vmem>> -> memref<100x64xf32, #tpu.memory_space<vmem>>
        %dma_wait3A_327 = arith.constant 0 : i32
        %dma_wait3A_328 = arith.constant 0 : i32
        %dma_wait3A_329 = tpu.memref_slice %arg4[%select_n3A_249, %select_n3A_265, %dma_wait3A_327, %dma_wait3A_328] : memref<12x2048x100x64xf32, #tpu.memory_space<hbm>> -> memref<1x1x100x64xf32, #tpu.memory_space<hbm>>
        %dma_wait3A_330 = tpu.memref_squeeze %dma_wait3A_329 : memref<1x1x100x64xf32, #tpu.memory_space<hbm>> -> memref<100x64xf32, #tpu.memory_space<hbm>>
        %dma_wait3A_331 = arith.constant 0 : i32
        %dma_wait3A_332 = arith.constant 0 : i32
        %dma_wait3A_333 = tpu.memref_slice %arg4[%select_n3A_249, %select_n3A_265, %dma_wait3A_331, %dma_wait3A_332] : memref<12x2048x100x64xf32, #tpu.memory_space<hbm>> -> memref<1x1x100x64xf32, #tpu.memory_space<hbm>>
        %dma_wait3A_334 = tpu.memref_squeeze %dma_wait3A_333 : memref<1x1x100x64xf32, #tpu.memory_space<hbm>> -> memref<100x64xf32, #tpu.memory_space<hbm>>
        %dma_wait3A_335 = arith.constant 0 : i32
        %dma_wait3A_336 = arith.constant 0 : i32
        %dma_wait3A_337 = tpu.memref_slice %arg7[%dma_wait3A_335, %dma_wait3A_336] : memref<208x64xf32, #tpu.memory_space<vmem>> -> memref<100x64xf32, #tpu.memory_space<vmem>>
        tpu.wait_dma2 semaphore(%run_scoped3A : memref<!tpu.dma_semaphore, #tpu.memory_space<semaphore_mem>>) src(%dma_wait3A_337 : memref<100x64xf32, #tpu.memory_space<vmem>>) dst(%dma_wait3A_334 : memref<100x64xf32, #tpu.memory_space<hbm>>)
        tpu.yield
      }) : () -> ()
      %add3A_266 = arith.constant 1 : i32
      %add3A_267 = arith.addi %add3A_225, %add3A_266 : i32
      %jit3A_268 = arith.constant 2048 : i32
      %div3A_269 = arith.divsi %add3A_267, %jit3A_268 : i32
      %sign3A_270 = arith.constant 0 : i32
      %sign3A_271 = arith.cmpi sgt, %add3A_267, %sign3A_270 : i32
      %sign3A_272 = arith.extui %sign3A_271 : i1 to i32
      %sign3A_273 = arith.constant 0 : i32
      %sign3A_274 = arith.cmpi slt, %add3A_267, %sign3A_273 : i32
      %sign3A_275 = arith.extui %sign3A_274 : i1 to i32
      %sign3A_276 = arith.subi %sign3A_272, %sign3A_275 : i32
      %sign3A_277 = arith.constant 0 : i32
      %sign3A_278 = arith.cmpi sgt, %jit3A_268, %sign3A_277 : i32
      %sign3A_279 = arith.extui %sign3A_278 : i1 to i32
      %sign3A_280 = arith.constant 0 : i32
      %sign3A_281 = arith.cmpi slt, %jit3A_268, %sign3A_280 : i32
      %sign3A_282 = arith.extui %sign3A_281 : i1 to i32
      %sign3A_283 = arith.subi %sign3A_279, %sign3A_282 : i32
      %ne3A_284 = arith.cmpi ne, %sign3A_276, %sign3A_283 : i32
      %rem3A_285 = arith.remsi %add3A_267, %jit3A_268 : i32
      %ne3A_286 = arith.constant 0 : i32
      %ne3A_287 = arith.cmpi ne, %rem3A_285, %ne3A_286 : i32
      %and3A_288 = arith.andi %ne3A_284, %ne3A_287 : i1
      %sub3A_289 = arith.constant 1 : i32
      %sub3A_290 = arith.subi %div3A_269, %sub3A_289 : i32
      %select_n3A_291 = arith.select %and3A_288, %sub3A_290, %div3A_269 : i32
      %add3A_292 = arith.constant 1 : i32
      %add3A_293 = arith.addi %add3A_225, %add3A_292 : i32
      %jit3A_294 = arith.constant 2048 : i32
      %eq3A_295 = arith.constant 0 : i32
      %eq3A_296 = arith.cmpi eq, %jit3A_294, %eq3A_295 : i32
      %jit3A_297 = arith.constant 1 : i32
      %select_n3A_298 = arith.select %eq3A_296, %jit3A_297, %jit3A_294 : i32
      %rem3A_299 = arith.remsi %add3A_293, %select_n3A_298 : i32
      %ne3A_300 = arith.constant 0 : i32
      %ne3A_301 = arith.cmpi ne, %rem3A_299, %ne3A_300 : i32
      %lt3A_302 = arith.constant 0 : i32
      %lt3A_303 = arith.cmpi slt, %rem3A_299, %lt3A_302 : i32
      %lt3A_304 = arith.constant 0 : i32
      %lt3A_305 = arith.cmpi slt, %select_n3A_298, %lt3A_304 : i32
      %ne3A_306 = arith.xori %lt3A_303, %lt3A_305 : i1
      %and3A_307 = arith.andi %ne3A_306, %ne3A_301 : i1
      %add3A_308 = arith.addi %rem3A_299, %select_n3A_298 : i32
      %select_n3A_309 = arith.select %and3A_307, %add3A_308, %rem3A_299 : i32
      "tpu.region"() ({
        %run_scoped3A = tpu.sem_alloc : memref<!tpu.dma_semaphore, #tpu.memory_space<semaphore_mem>>
        %dma_start3A_310 = arith.constant 104 : i32
        %dma_start3A_311 = arith.constant 0 : i32
        %dma_start3A_312 = tpu.memref_slice %arg7[%dma_start3A_310, %dma_start3A_311] : memref<208x64xf32, #tpu.memory_space<vmem>> -> memref<100x64xf32, #tpu.memory_space<vmem>>
        %dma_start3A_313 = arith.constant 0 : i32
        %dma_start3A_314 = arith.constant 0 : i32
        %dma_start3A_315 = tpu.memref_slice %arg4[%select_n3A_291, %select_n3A_309, %dma_start3A_313, %dma_start3A_314] : memref<12x2048x100x64xf32, #tpu.memory_space<hbm>> -> memref<1x1x100x64xf32, #tpu.memory_space<hbm>>
        %dma_start3A_316 = tpu.memref_squeeze %dma_start3A_315 : memref<1x1x100x64xf32, #tpu.memory_space<hbm>> -> memref<100x64xf32, #tpu.memory_space<hbm>>
        %dma_start3A_317 = arith.constant 0 : i32
        %dma_start3A_318 = arith.constant 0 : i32
        %dma_start3A_319 = tpu.memref_slice %arg4[%select_n3A_291, %select_n3A_309, %dma_start3A_317, %dma_start3A_318] : memref<12x2048x100x64xf32, #tpu.memory_space<hbm>> -> memref<1x1x100x64xf32, #tpu.memory_space<hbm>>
        %dma_start3A_320 = tpu.memref_squeeze %dma_start3A_319 : memref<1x1x100x64xf32, #tpu.memory_space<hbm>> -> memref<100x64xf32, #tpu.memory_space<hbm>>
        %dma_start3A_321 = arith.constant 104 : i32
        %dma_start3A_322 = arith.constant 0 : i32
        %dma_start3A_323 = tpu.memref_slice %arg7[%dma_start3A_321, %dma_start3A_322] : memref<208x64xf32, #tpu.memory_space<vmem>> -> memref<100x64xf32, #tpu.memory_space<vmem>>
        tpu.enqueue_dma source(%dma_start3A_323 : memref<100x64xf32, #tpu.memory_space<vmem>>) target(%dma_start3A_320 : memref<100x64xf32, #tpu.memory_space<hbm>>) target_semaphore(%run_scoped3A : memref<!tpu.dma_semaphore, #tpu.memory_space<semaphore_mem>>)
        %dma_wait3A_324 = arith.constant 104 : i32
        %dma_wait3A_325 = arith.constant 0 : i32
        %dma_wait3A_326 = tpu.memref_slice %arg7[%dma_wait3A_324, %dma_wait3A_325] : memref<208x64xf32, #tpu.memory_space<vmem>> -> memref<100x64xf32, #tpu.memory_space<vmem>>
        %dma_wait3A_327 = arith.constant 0 : i32
        %dma_wait3A_328 = arith.constant 0 : i32
        %dma_wait3A_329 = tpu.memref_slice %arg4[%select_n3A_291, %select_n3A_309, %dma_wait3A_327, %dma_wait3A_328] : memref<12x2048x100x64xf32, #tpu.memory_space<hbm>> -> memref<1x1x100x64xf32, #tpu.memory_space<hbm>>
        %dma_wait3A_330 = tpu.memref_squeeze %dma_wait3A_329 : memref<1x1x100x64xf32, #tpu.memory_space<hbm>> -> memref<100x64xf32, #tpu.memory_space<hbm>>
        %dma_wait3A_331 = arith.constant 0 : i32
        %dma_wait3A_332 = arith.constant 0 : i32
        %dma_wait3A_333 = tpu.memref_slice %arg4[%select_n3A_291, %select_n3A_309, %dma_wait3A_331, %dma_wait3A_332] : memref<12x2048x100x64xf32, #tpu.memory_space<hbm>> -> memref<1x1x100x64xf32, #tpu.memory_space<hbm>>
        %dma_wait3A_334 = tpu.memref_squeeze %dma_wait3A_333 : memref<1x1x100x64xf32, #tpu.memory_space<hbm>> -> memref<100x64xf32, #tpu.memory_space<hbm>>
        %dma_wait3A_335 = arith.constant 104 : i32
        %dma_wait3A_336 = arith.constant 0 : i32
        %dma_wait3A_337 = tpu.memref_slice %arg7[%dma_wait3A_335, %dma_wait3A_336] : memref<208x64xf32, #tpu.memory_space<vmem>> -> memref<100x64xf32, #tpu.memory_space<vmem>>
        tpu.wait_dma2 semaphore(%run_scoped3A : memref<!tpu.dma_semaphore, #tpu.memory_space<semaphore_mem>>) src(%dma_wait3A_337 : memref<100x64xf32, #tpu.memory_space<vmem>>) dst(%dma_wait3A_334 : memref<100x64xf32, #tpu.memory_space<hbm>>)
        tpu.yield
      }) : () -> ()
    }
    %scan3A_30 = arith.constant 96 : i32
    %add3A_31 = arith.constant 384 : i32
    %add3A_32 = arith.addi %mul3A_2, %add3A_31 : i32
    "tpu.region"() ({
      %run_scoped3A = tpu.sem_alloc : memref<!tpu.dma_semaphore, #tpu.memory_space<semaphore_mem>>
      %dma_start3A_61 = arith.constant 0 : i32
      %dma_start3A_62 = tpu.memref_slice %arg3[%add3A_32, %dma_start3A_61] : memref<24576x128xi32, #tpu.memory_space<hbm>> -> memref<384x128xi32, #tpu.memory_space<hbm>>
      %dma_start3A_63 = arith.constant 0 : i32
      %dma_start3A_64 = tpu.memref_slice %arg3[%add3A_32, %dma_start3A_63] : memref<24576x128xi32, #tpu.memory_space<hbm>> -> memref<384x128xi32, #tpu.memory_space<hbm>>
      tpu.enqueue_dma source(%dma_start3A_64 : memref<384x128xi32, #tpu.memory_space<hbm>>) target(%arg5 : memref<384x128xi32, #tpu.memory_space<vmem>>) target_semaphore(%run_scoped3A : memref<!tpu.dma_semaphore, #tpu.memory_space<semaphore_mem>>)
      %dma_wait3A = arith.constant 0 : i32
      %dma_wait3A_65 = tpu.memref_slice %arg3[%add3A_32, %dma_wait3A] : memref<24576x128xi32, #tpu.memory_space<hbm>> -> memref<384x128xi32, #tpu.memory_space<hbm>>
      %dma_wait3A_66 = arith.constant 0 : i32
      %dma_wait3A_67 = tpu.memref_slice %arg3[%add3A_32, %dma_wait3A_66] : memref<24576x128xi32, #tpu.memory_space<hbm>> -> memref<384x128xi32, #tpu.memory_space<hbm>>
      tpu.wait_dma2 semaphore(%run_scoped3A : memref<!tpu.dma_semaphore, #tpu.memory_space<semaphore_mem>>) src(%dma_wait3A_67 : memref<384x128xi32, #tpu.memory_space<hbm>>) dst(%arg5 : memref<384x128xi32, #tpu.memory_space<vmem>>)
      tpu.yield
    }) : () -> ()
    %add3A_33 = arith.constant 384 : i32
    %add3A_34 = arith.addi %mul3A_2, %add3A_33 : i32
    %dma_start3A_35 = arith.constant 0 : i32
    %dma_start3A_36 = arith.constant 0 : i32
    %dma_start3A_37 = arith.constant 0 : i32
    %dma_start3A_38 = tpu.memref_slice %arg6[%dma_start3A_36, %dma_start3A_37] : memref<208x64xf32, #tpu.memory_space<vmem>> -> memref<104x64xf32, #tpu.memory_space<vmem>>
    %dma_start3A_39 = arith.constant 0 : i32
    %dma_start3A_40 = tpu.memref_slice %arg5[%dma_start3A_35, %dma_start3A_39] : memref<384x128xi32, #tpu.memory_space<vmem>> -> memref<1x104xi32, #tpu.memory_space<vmem>>
    %dma_start3A_41 = tpu.memref_squeeze %dma_start3A_40 : memref<1x104xi32, #tpu.memory_space<vmem>> -> memref<104xi32, #tpu.memory_space<vmem>>
    %dma_start3A_42 = arith.constant 0 : i32
    %dma_start3A_43 = arith.constant 0 : i32
    %dma_start3A_44 = tpu.memref_slice %arg2[%dma_start3A_42, %dma_start3A_43] : memref<24576x64xf32, #tpu.memory_space<hbm>> -> memref<24576x64xf32, #tpu.memory_space<hbm>>
    tpu.enqueue_indirect_dma source(%dma_start3A_44 : memref<24576x64xf32, #tpu.memory_space<hbm>>) target(%dma_start3A_38 : memref<104x64xf32, #tpu.memory_space<vmem>>) offsets(%dma_start3A_41 : memref<104xi32, #tpu.memory_space<vmem>>) semaphore(%arg8 : memref<!tpu.dma_semaphore, #tpu.memory_space<semaphore_mem>>)
    %dma_start3A_45 = arith.constant 1 : i32
    %dma_start3A_46 = arith.constant 104 : i32
    %dma_start3A_47 = arith.constant 0 : i32
    %dma_start3A_48 = tpu.memref_slice %arg6[%dma_start3A_46, %dma_start3A_47] : memref<208x64xf32, #tpu.memory_space<vmem>> -> memref<104x64xf32, #tpu.memory_space<vmem>>
    %dma_start3A_49 = arith.constant 0 : i32
    %dma_start3A_50 = tpu.memref_slice %arg5[%dma_start3A_45, %dma_start3A_49] : memref<384x128xi32, #tpu.memory_space<vmem>> -> memref<1x104xi32, #tpu.memory_space<vmem>>
    %dma_start3A_51 = tpu.memref_squeeze %dma_start3A_50 : memref<1x104xi32, #tpu.memory_space<vmem>> -> memref<104xi32, #tpu.memory_space<vmem>>
    %dma_start3A_52 = arith.constant 0 : i32
    %dma_start3A_53 = arith.constant 0 : i32
    %dma_start3A_54 = tpu.memref_slice %arg2[%dma_start3A_52, %dma_start3A_53] : memref<24576x64xf32, #tpu.memory_space<hbm>> -> memref<24576x64xf32, #tpu.memory_space<hbm>>
    tpu.enqueue_indirect_dma source(%dma_start3A_54 : memref<24576x64xf32, #tpu.memory_space<hbm>>) target(%dma_start3A_48 : memref<104x64xf32, #tpu.memory_space<vmem>>) offsets(%dma_start3A_51 : memref<104xi32, #tpu.memory_space<vmem>>) semaphore(%arg8 : memref<!tpu.dma_semaphore, #tpu.memory_space<semaphore_mem>>)
    %scan3A_55 = arith.constant 0 : i32
    %scan3A_56 = arith.constant 0 : i32
    %scan3A_57 = arith.constant 96 : i32
    %scan3A_58 = arith.addi %scan3A_56, %scan3A_57 : i32
    %scan3A_59 = arith.constant 1 : i32
    scf.for %scan3A_61 = %scan3A_56 to %scan3A_58 step %scan3A_59  : i32 {
      %mul3A_62 = arith.constant 2 : i32
      %mul3A_63 = arith.muli %scan3A_61, %mul3A_62 : i32
      %add3A_64 = arith.constant 1 : i32
      %add3A_65 = arith.addi %mul3A_63, %add3A_64 : i32
      %mul3A_66 = arith.constant 2 : i32
      %mul3A_67 = arith.muli %mul3A_66, %add3A_65 : i32
      %dma_start3A_68 = arith.constant 0 : i32
      %dma_start3A_69 = arith.constant 0 : i32
      %dma_start3A_70 = tpu.memref_slice %arg7[%dma_start3A_68, %dma_start3A_69] : memref<208x64xf32, #tpu.memory_space<vmem>> -> memref<104x64xf32, #tpu.memory_space<vmem>>
      %dma_start3A_71 = arith.constant 0 : i32
      %dma_start3A_72 = tpu.memref_slice %arg5[%mul3A_67, %dma_start3A_71] : memref<384x128xi32, #tpu.memory_space<vmem>> -> memref<1x104xi32, #tpu.memory_space<vmem>>
      %dma_start3A_73 = tpu.memref_squeeze %dma_start3A_72 : memref<1x104xi32, #tpu.memory_space<vmem>> -> memref<104xi32, #tpu.memory_space<vmem>>
      %dma_start3A_74 = arith.constant 0 : i32
      %dma_start3A_75 = arith.constant 0 : i32
      %dma_start3A_76 = tpu.memref_slice %arg2[%dma_start3A_74, %dma_start3A_75] : memref<24576x64xf32, #tpu.memory_space<hbm>> -> memref<24576x64xf32, #tpu.memory_space<hbm>>
      tpu.enqueue_indirect_dma source(%dma_start3A_76 : memref<24576x64xf32, #tpu.memory_space<hbm>>) target(%dma_start3A_70 : memref<104x64xf32, #tpu.memory_space<vmem>>) offsets(%dma_start3A_73 : memref<104xi32, #tpu.memory_space<vmem>>) semaphore(%arg9 : memref<!tpu.dma_semaphore, #tpu.memory_space<semaphore_mem>>)
      %mul3A_77 = arith.constant 2 : i32
      %mul3A_78 = arith.muli %mul3A_77, %add3A_65 : i32
      %add3A_79 = arith.constant 1 : i32
      %add3A_80 = arith.addi %mul3A_78, %add3A_79 : i32
      %dma_start3A_81 = arith.constant 104 : i32
      %dma_start3A_82 = arith.constant 0 : i32
      %dma_start3A_83 = tpu.memref_slice %arg7[%dma_start3A_81, %dma_start3A_82] : memref<208x64xf32, #tpu.memory_space<vmem>> -> memref<104x64xf32, #tpu.memory_space<vmem>>
      %dma_start3A_84 = arith.constant 0 : i32
      %dma_start3A_85 = tpu.memref_slice %arg5[%add3A_80, %dma_start3A_84] : memref<384x128xi32, #tpu.memory_space<vmem>> -> memref<1x104xi32, #tpu.memory_space<vmem>>
      %dma_start3A_86 = tpu.memref_squeeze %dma_start3A_85 : memref<1x104xi32, #tpu.memory_space<vmem>> -> memref<104xi32, #tpu.memory_space<vmem>>
      %dma_start3A_87 = arith.constant 0 : i32
      %dma_start3A_88 = arith.constant 0 : i32
      %dma_start3A_89 = tpu.memref_slice %arg2[%dma_start3A_87, %dma_start3A_88] : memref<24576x64xf32, #tpu.memory_space<hbm>> -> memref<24576x64xf32, #tpu.memory_space<hbm>>
      tpu.enqueue_indirect_dma source(%dma_start3A_89 : memref<24576x64xf32, #tpu.memory_space<hbm>>) target(%dma_start3A_83 : memref<104x64xf32, #tpu.memory_space<vmem>>) offsets(%dma_start3A_86 : memref<104xi32, #tpu.memory_space<vmem>>) semaphore(%arg9 : memref<!tpu.dma_semaphore, #tpu.memory_space<semaphore_mem>>)
      %mul3A_90 = arith.constant 2 : i32
      %mul3A_91 = arith.muli %mul3A_90, %mul3A_63 : i32
      %dma_wait3A = arith.constant 0 : i32
      %dma_wait3A_92 = arith.constant 0 : i32
      %dma_wait3A_93 = tpu.memref_slice %arg6[%dma_wait3A, %dma_wait3A_92] : memref<208x64xf32, #tpu.memory_space<vmem>> -> memref<104x64xf32, #tpu.memory_space<vmem>>
      %dma_wait3A_94 = arith.constant 0 : i32
      %dma_wait3A_95 = tpu.memref_slice %arg5[%mul3A_91, %dma_wait3A_94] : memref<384x128xi32, #tpu.memory_space<vmem>> -> memref<1x104xi32, #tpu.memory_space<vmem>>
      %dma_wait3A_96 = tpu.memref_squeeze %dma_wait3A_95 : memref<1x104xi32, #tpu.memory_space<vmem>> -> memref<104xi32, #tpu.memory_space<vmem>>
      %dma_wait3A_97 = arith.constant 0 : i32
      %dma_wait3A_98 = arith.constant 0 : i32
      %dma_wait3A_99 = tpu.memref_slice %arg2[%dma_wait3A_97, %dma_wait3A_98] : memref<24576x64xf32, #tpu.memory_space<hbm>> -> memref<24576x64xf32, #tpu.memory_space<hbm>>
      tpu.wait_indirect_dma semaphore(%arg8 : memref<!tpu.dma_semaphore, #tpu.memory_space<semaphore_mem>>) src(%dma_wait3A_99 : memref<24576x64xf32, #tpu.memory_space<hbm>>) dst(%dma_wait3A_93 : memref<104x64xf32, #tpu.memory_space<vmem>>)
      %mul3A_100 = arith.constant 2 : i32
      %mul3A_101 = arith.muli %mul3A_100, %mul3A_63 : i32
      %add3A_102 = arith.constant 1 : i32
      %add3A_103 = arith.addi %mul3A_101, %add3A_102 : i32
      %dma_wait3A_104 = arith.constant 104 : i32
      %dma_wait3A_105 = arith.constant 0 : i32
      %dma_wait3A_106 = tpu.memref_slice %arg6[%dma_wait3A_104, %dma_wait3A_105] : memref<208x64xf32, #tpu.memory_space<vmem>> -> memref<104x64xf32, #tpu.memory_space<vmem>>
      %dma_wait3A_107 = arith.constant 0 : i32
      %dma_wait3A_108 = tpu.memref_slice %arg5[%add3A_103, %dma_wait3A_107] : memref<384x128xi32, #tpu.memory_space<vmem>> -> memref<1x104xi32, #tpu.memory_space<vmem>>
      %dma_wait3A_109 = tpu.memref_squeeze %dma_wait3A_108 : memref<1x104xi32, #tpu.memory_space<vmem>> -> memref<104xi32, #tpu.memory_space<vmem>>
      %dma_wait3A_110 = arith.constant 0 : i32
      %dma_wait3A_111 = arith.constant 0 : i32
      %dma_wait3A_112 = tpu.memref_slice %arg2[%dma_wait3A_110, %dma_wait3A_111] : memref<24576x64xf32, #tpu.memory_space<hbm>> -> memref<24576x64xf32, #tpu.memory_space<hbm>>
      tpu.wait_indirect_dma semaphore(%arg8 : memref<!tpu.dma_semaphore, #tpu.memory_space<semaphore_mem>>) src(%dma_wait3A_112 : memref<24576x64xf32, #tpu.memory_space<hbm>>) dst(%dma_wait3A_106 : memref<104x64xf32, #tpu.memory_space<vmem>>)
      %mul3A_113 = arith.constant 2 : i32
      %mul3A_114 = arith.muli %mul3A_113, %mul3A_63 : i32
      %add3A_115 = arith.addi %add3A_34, %mul3A_114 : i32
      %jit3A = arith.constant 2048 : i32
      %div3A = arith.divsi %add3A_115, %jit3A : i32
      %sign3A = arith.constant 0 : i32
      %sign3A_116 = arith.cmpi sgt, %add3A_115, %sign3A : i32
      %sign3A_117 = arith.extui %sign3A_116 : i1 to i32
      %sign3A_118 = arith.constant 0 : i32
      %sign3A_119 = arith.cmpi slt, %add3A_115, %sign3A_118 : i32
      %sign3A_120 = arith.extui %sign3A_119 : i1 to i32
      %sign3A_121 = arith.subi %sign3A_117, %sign3A_120 : i32
      %sign3A_122 = arith.constant 0 : i32
      %sign3A_123 = arith.cmpi sgt, %jit3A, %sign3A_122 : i32
      %sign3A_124 = arith.extui %sign3A_123 : i1 to i32
      %sign3A_125 = arith.constant 0 : i32
      %sign3A_126 = arith.cmpi slt, %jit3A, %sign3A_125 : i32
      %sign3A_127 = arith.extui %sign3A_126 : i1 to i32
      %sign3A_128 = arith.subi %sign3A_124, %sign3A_127 : i32
      %ne3A = arith.cmpi ne, %sign3A_121, %sign3A_128 : i32
      %rem3A = arith.remsi %add3A_115, %jit3A : i32
      %ne3A_129 = arith.constant 0 : i32
      %ne3A_130 = arith.cmpi ne, %rem3A, %ne3A_129 : i32
      %and3A = arith.andi %ne3A, %ne3A_130 : i1
      %sub3A = arith.constant 1 : i32
      %sub3A_131 = arith.subi %div3A, %sub3A : i32
      %select_n3A = arith.select %and3A, %sub3A_131, %div3A : i32
      %jit3A_132 = arith.constant 2048 : i32
      %eq3A = arith.constant 0 : i32
      %eq3A_133 = arith.cmpi eq, %jit3A_132, %eq3A : i32
      %jit3A_134 = arith.constant 1 : i32
      %select_n3A_135 = arith.select %eq3A_133, %jit3A_134, %jit3A_132 : i32
      %rem3A_136 = arith.remsi %add3A_115, %select_n3A_135 : i32
      %ne3A_137 = arith.constant 0 : i32
      %ne3A_138 = arith.cmpi ne, %rem3A_136, %ne3A_137 : i32
      %lt3A = arith.constant 0 : i32
      %lt3A_139 = arith.cmpi slt, %rem3A_136, %lt3A : i32
      %lt3A_140 = arith.constant 0 : i32
      %lt3A_141 = arith.cmpi slt, %select_n3A_135, %lt3A_140 : i32
      %ne3A_142 = arith.xori %lt3A_139, %lt3A_141 : i1
      %and3A_143 = arith.andi %ne3A_142, %ne3A_138 : i1
      %add3A_144 = arith.addi %rem3A_136, %select_n3A_135 : i32
      %select_n3A_145 = arith.select %and3A_143, %add3A_144, %rem3A_136 : i32
      "tpu.region"() ({
        %run_scoped3A = tpu.sem_alloc : memref<!tpu.dma_semaphore, #tpu.memory_space<semaphore_mem>>
        %dma_start3A_310 = arith.constant 0 : i32
        %dma_start3A_311 = arith.constant 0 : i32
        %dma_start3A_312 = tpu.memref_slice %arg6[%dma_start3A_310, %dma_start3A_311] : memref<208x64xf32, #tpu.memory_space<vmem>> -> memref<100x64xf32, #tpu.memory_space<vmem>>
        %dma_start3A_313 = arith.constant 0 : i32
        %dma_start3A_314 = arith.constant 0 : i32
        %dma_start3A_315 = tpu.memref_slice %arg4[%select_n3A, %select_n3A_145, %dma_start3A_313, %dma_start3A_314] : memref<12x2048x100x64xf32, #tpu.memory_space<hbm>> -> memref<1x1x100x64xf32, #tpu.memory_space<hbm>>
        %dma_start3A_316 = tpu.memref_squeeze %dma_start3A_315 : memref<1x1x100x64xf32, #tpu.memory_space<hbm>> -> memref<100x64xf32, #tpu.memory_space<hbm>>
        %dma_start3A_317 = arith.constant 0 : i32
        %dma_start3A_318 = arith.constant 0 : i32
        %dma_start3A_319 = tpu.memref_slice %arg4[%select_n3A, %select_n3A_145, %dma_start3A_317, %dma_start3A_318] : memref<12x2048x100x64xf32, #tpu.memory_space<hbm>> -> memref<1x1x100x64xf32, #tpu.memory_space<hbm>>
        %dma_start3A_320 = tpu.memref_squeeze %dma_start3A_319 : memref<1x1x100x64xf32, #tpu.memory_space<hbm>> -> memref<100x64xf32, #tpu.memory_space<hbm>>
        %dma_start3A_321 = arith.constant 0 : i32
        %dma_start3A_322 = arith.constant 0 : i32
        %dma_start3A_323 = tpu.memref_slice %arg6[%dma_start3A_321, %dma_start3A_322] : memref<208x64xf32, #tpu.memory_space<vmem>> -> memref<100x64xf32, #tpu.memory_space<vmem>>
        tpu.enqueue_dma source(%dma_start3A_323 : memref<100x64xf32, #tpu.memory_space<vmem>>) target(%dma_start3A_320 : memref<100x64xf32, #tpu.memory_space<hbm>>) target_semaphore(%run_scoped3A : memref<!tpu.dma_semaphore, #tpu.memory_space<semaphore_mem>>)
        %dma_wait3A_324 = arith.constant 0 : i32
        %dma_wait3A_325 = arith.constant 0 : i32
        %dma_wait3A_326 = tpu.memref_slice %arg6[%dma_wait3A_324, %dma_wait3A_325] : memref<208x64xf32, #tpu.memory_space<vmem>> -> memref<100x64xf32, #tpu.memory_space<vmem>>
        %dma_wait3A_327 = arith.constant 0 : i32
        %dma_wait3A_328 = arith.constant 0 : i32
        %dma_wait3A_329 = tpu.memref_slice %arg4[%select_n3A, %select_n3A_145, %dma_wait3A_327, %dma_wait3A_328] : memref<12x2048x100x64xf32, #tpu.memory_space<hbm>> -> memref<1x1x100x64xf32, #tpu.memory_space<hbm>>
        %dma_wait3A_330 = tpu.memref_squeeze %dma_wait3A_329 : memref<1x1x100x64xf32, #tpu.memory_space<hbm>> -> memref<100x64xf32, #tpu.memory_space<hbm>>
        %dma_wait3A_331 = arith.constant 0 : i32
        %dma_wait3A_332 = arith.constant 0 : i32
        %dma_wait3A_333 = tpu.memref_slice %arg4[%select_n3A, %select_n3A_145, %dma_wait3A_331, %dma_wait3A_332] : memref<12x2048x100x64xf32, #tpu.memory_space<hbm>> -> memref<1x1x100x64xf32, #tpu.memory_space<hbm>>
        %dma_wait3A_334 = tpu.memref_squeeze %dma_wait3A_333 : memref<1x1x100x64xf32, #tpu.memory_space<hbm>> -> memref<100x64xf32, #tpu.memory_space<hbm>>
        %dma_wait3A_335 = arith.constant 0 : i32
        %dma_wait3A_336 = arith.constant 0 : i32
        %dma_wait3A_337 = tpu.memref_slice %arg6[%dma_wait3A_335, %dma_wait3A_336] : memref<208x64xf32, #tpu.memory_space<vmem>> -> memref<100x64xf32, #tpu.memory_space<vmem>>
        tpu.wait_dma2 semaphore(%run_scoped3A : memref<!tpu.dma_semaphore, #tpu.memory_space<semaphore_mem>>) src(%dma_wait3A_337 : memref<100x64xf32, #tpu.memory_space<vmem>>) dst(%dma_wait3A_334 : memref<100x64xf32, #tpu.memory_space<hbm>>)
        tpu.yield
      }) : () -> ()
      %add3A_146 = arith.constant 1 : i32
      %add3A_147 = arith.addi %add3A_115, %add3A_146 : i32
      %jit3A_148 = arith.constant 2048 : i32
      %div3A_149 = arith.divsi %add3A_147, %jit3A_148 : i32
      %sign3A_150 = arith.constant 0 : i32
      %sign3A_151 = arith.cmpi sgt, %add3A_147, %sign3A_150 : i32
      %sign3A_152 = arith.extui %sign3A_151 : i1 to i32
      %sign3A_153 = arith.constant 0 : i32
      %sign3A_154 = arith.cmpi slt, %add3A_147, %sign3A_153 : i32
      %sign3A_155 = arith.extui %sign3A_154 : i1 to i32
      %sign3A_156 = arith.subi %sign3A_152, %sign3A_155 : i32
      %sign3A_157 = arith.constant 0 : i32
      %sign3A_158 = arith.cmpi sgt, %jit3A_148, %sign3A_157 : i32
      %sign3A_159 = arith.extui %sign3A_158 : i1 to i32
      %sign3A_160 = arith.constant 0 : i32
      %sign3A_161 = arith.cmpi slt, %jit3A_148, %sign3A_160 : i32
      %sign3A_162 = arith.extui %sign3A_161 : i1 to i32
      %sign3A_163 = arith.subi %sign3A_159, %sign3A_162 : i32
      %ne3A_164 = arith.cmpi ne, %sign3A_156, %sign3A_163 : i32
      %rem3A_165 = arith.remsi %add3A_147, %jit3A_148 : i32
      %ne3A_166 = arith.constant 0 : i32
      %ne3A_167 = arith.cmpi ne, %rem3A_165, %ne3A_166 : i32
      %and3A_168 = arith.andi %ne3A_164, %ne3A_167 : i1
      %sub3A_169 = arith.constant 1 : i32
      %sub3A_170 = arith.subi %div3A_149, %sub3A_169 : i32
      %select_n3A_171 = arith.select %and3A_168, %sub3A_170, %div3A_149 : i32
      %add3A_172 = arith.constant 1 : i32
      %add3A_173 = arith.addi %add3A_115, %add3A_172 : i32
      %jit3A_174 = arith.constant 2048 : i32
      %eq3A_175 = arith.constant 0 : i32
      %eq3A_176 = arith.cmpi eq, %jit3A_174, %eq3A_175 : i32
      %jit3A_177 = arith.constant 1 : i32
      %select_n3A_178 = arith.select %eq3A_176, %jit3A_177, %jit3A_174 : i32
      %rem3A_179 = arith.remsi %add3A_173, %select_n3A_178 : i32
      %ne3A_180 = arith.constant 0 : i32
      %ne3A_181 = arith.cmpi ne, %rem3A_179, %ne3A_180 : i32
      %lt3A_182 = arith.constant 0 : i32
      %lt3A_183 = arith.cmpi slt, %rem3A_179, %lt3A_182 : i32
      %lt3A_184 = arith.constant 0 : i32
      %lt3A_185 = arith.cmpi slt, %select_n3A_178, %lt3A_184 : i32
      %ne3A_186 = arith.xori %lt3A_183, %lt3A_185 : i1
      %and3A_187 = arith.andi %ne3A_186, %ne3A_181 : i1
      %add3A_188 = arith.addi %rem3A_179, %select_n3A_178 : i32
      %select_n3A_189 = arith.select %and3A_187, %add3A_188, %rem3A_179 : i32
      "tpu.region"() ({
        %run_scoped3A = tpu.sem_alloc : memref<!tpu.dma_semaphore, #tpu.memory_space<semaphore_mem>>
        %dma_start3A_310 = arith.constant 104 : i32
        %dma_start3A_311 = arith.constant 0 : i32
        %dma_start3A_312 = tpu.memref_slice %arg6[%dma_start3A_310, %dma_start3A_311] : memref<208x64xf32, #tpu.memory_space<vmem>> -> memref<100x64xf32, #tpu.memory_space<vmem>>
        %dma_start3A_313 = arith.constant 0 : i32
        %dma_start3A_314 = arith.constant 0 : i32
        %dma_start3A_315 = tpu.memref_slice %arg4[%select_n3A_171, %select_n3A_189, %dma_start3A_313, %dma_start3A_314] : memref<12x2048x100x64xf32, #tpu.memory_space<hbm>> -> memref<1x1x100x64xf32, #tpu.memory_space<hbm>>
        %dma_start3A_316 = tpu.memref_squeeze %dma_start3A_315 : memref<1x1x100x64xf32, #tpu.memory_space<hbm>> -> memref<100x64xf32, #tpu.memory_space<hbm>>
        %dma_start3A_317 = arith.constant 0 : i32
        %dma_start3A_318 = arith.constant 0 : i32
        %dma_start3A_319 = tpu.memref_slice %arg4[%select_n3A_171, %select_n3A_189, %dma_start3A_317, %dma_start3A_318] : memref<12x2048x100x64xf32, #tpu.memory_space<hbm>> -> memref<1x1x100x64xf32, #tpu.memory_space<hbm>>
        %dma_start3A_320 = tpu.memref_squeeze %dma_start3A_319 : memref<1x1x100x64xf32, #tpu.memory_space<hbm>> -> memref<100x64xf32, #tpu.memory_space<hbm>>
        %dma_start3A_321 = arith.constant 104 : i32
        %dma_start3A_322 = arith.constant 0 : i32
        %dma_start3A_323 = tpu.memref_slice %arg6[%dma_start3A_321, %dma_start3A_322] : memref<208x64xf32, #tpu.memory_space<vmem>> -> memref<100x64xf32, #tpu.memory_space<vmem>>
        tpu.enqueue_dma source(%dma_start3A_323 : memref<100x64xf32, #tpu.memory_space<vmem>>) target(%dma_start3A_320 : memref<100x64xf32, #tpu.memory_space<hbm>>) target_semaphore(%run_scoped3A : memref<!tpu.dma_semaphore, #tpu.memory_space<semaphore_mem>>)
        %dma_wait3A_324 = arith.constant 104 : i32
        %dma_wait3A_325 = arith.constant 0 : i32
        %dma_wait3A_326 = tpu.memref_slice %arg6[%dma_wait3A_324, %dma_wait3A_325] : memref<208x64xf32, #tpu.memory_space<vmem>> -> memref<100x64xf32, #tpu.memory_space<vmem>>
        %dma_wait3A_327 = arith.constant 0 : i32
        %dma_wait3A_328 = arith.constant 0 : i32
        %dma_wait3A_329 = tpu.memref_slice %arg4[%select_n3A_171, %select_n3A_189, %dma_wait3A_327, %dma_wait3A_328] : memref<12x2048x100x64xf32, #tpu.memory_space<hbm>> -> memref<1x1x100x64xf32, #tpu.memory_space<hbm>>
        %dma_wait3A_330 = tpu.memref_squeeze %dma_wait3A_329 : memref<1x1x100x64xf32, #tpu.memory_space<hbm>> -> memref<100x64xf32, #tpu.memory_space<hbm>>
        %dma_wait3A_331 = arith.constant 0 : i32
        %dma_wait3A_332 = arith.constant 0 : i32
        %dma_wait3A_333 = tpu.memref_slice %arg4[%select_n3A_171, %select_n3A_189, %dma_wait3A_331, %dma_wait3A_332] : memref<12x2048x100x64xf32, #tpu.memory_space<hbm>> -> memref<1x1x100x64xf32, #tpu.memory_space<hbm>>
        %dma_wait3A_334 = tpu.memref_squeeze %dma_wait3A_333 : memref<1x1x100x64xf32, #tpu.memory_space<hbm>> -> memref<100x64xf32, #tpu.memory_space<hbm>>
        %dma_wait3A_335 = arith.constant 104 : i32
        %dma_wait3A_336 = arith.constant 0 : i32
        %dma_wait3A_337 = tpu.memref_slice %arg6[%dma_wait3A_335, %dma_wait3A_336] : memref<208x64xf32, #tpu.memory_space<vmem>> -> memref<100x64xf32, #tpu.memory_space<vmem>>
        tpu.wait_dma2 semaphore(%run_scoped3A : memref<!tpu.dma_semaphore, #tpu.memory_space<semaphore_mem>>) src(%dma_wait3A_337 : memref<100x64xf32, #tpu.memory_space<vmem>>) dst(%dma_wait3A_334 : memref<100x64xf32, #tpu.memory_space<hbm>>)
        tpu.yield
      }) : () -> ()
      %add3A_190 = arith.constant 2 : i32
      %add3A_191 = arith.addi %mul3A_63, %add3A_190 : i32
      %lt3A_192 = arith.constant 192 : i32
      %lt3A_193 = arith.cmpi slt, %add3A_191, %lt3A_192 : i32
      %convert_element_type3A = arith.extui %lt3A_193 : i1 to i32
      %cond3A = arith.constant 0 : i32
      %cond3A_194 = arith.cmpi ne, %convert_element_type3A, %cond3A : i32
      scf.if %cond3A_194 {
        %add3A_310 = arith.constant 2 : i32
        %add3A_311 = arith.addi %mul3A_63, %add3A_310 : i32
        %mul3A_312 = arith.constant 2 : i32
        %mul3A_313 = arith.muli %mul3A_312, %add3A_311 : i32
        %dma_start3A_314 = arith.constant 0 : i32
        %dma_start3A_315 = arith.constant 0 : i32
        %dma_start3A_316 = tpu.memref_slice %arg6[%dma_start3A_314, %dma_start3A_315] : memref<208x64xf32, #tpu.memory_space<vmem>> -> memref<104x64xf32, #tpu.memory_space<vmem>>
        %dma_start3A_317 = arith.constant 0 : i32
        %dma_start3A_318 = tpu.memref_slice %arg5[%mul3A_313, %dma_start3A_317] : memref<384x128xi32, #tpu.memory_space<vmem>> -> memref<1x104xi32, #tpu.memory_space<vmem>>
        %dma_start3A_319 = tpu.memref_squeeze %dma_start3A_318 : memref<1x104xi32, #tpu.memory_space<vmem>> -> memref<104xi32, #tpu.memory_space<vmem>>
        %dma_start3A_320 = arith.constant 0 : i32
        %dma_start3A_321 = arith.constant 0 : i32
        %dma_start3A_322 = tpu.memref_slice %arg2[%dma_start3A_320, %dma_start3A_321] : memref<24576x64xf32, #tpu.memory_space<hbm>> -> memref<24576x64xf32, #tpu.memory_space<hbm>>
        tpu.enqueue_indirect_dma source(%dma_start3A_322 : memref<24576x64xf32, #tpu.memory_space<hbm>>) target(%dma_start3A_316 : memref<104x64xf32, #tpu.memory_space<vmem>>) offsets(%dma_start3A_319 : memref<104xi32, #tpu.memory_space<vmem>>) semaphore(%arg8 : memref<!tpu.dma_semaphore, #tpu.memory_space<semaphore_mem>>)
        %mul3A_323 = arith.constant 2 : i32
        %mul3A_324 = arith.muli %mul3A_323, %add3A_311 : i32
        %add3A_325 = arith.constant 1 : i32
        %add3A_326 = arith.addi %mul3A_324, %add3A_325 : i32
        %dma_start3A_327 = arith.constant 104 : i32
        %dma_start3A_328 = arith.constant 0 : i32
        %dma_start3A_329 = tpu.memref_slice %arg6[%dma_start3A_327, %dma_start3A_328] : memref<208x64xf32, #tpu.memory_space<vmem>> -> memref<104x64xf32, #tpu.memory_space<vmem>>
        %dma_start3A_330 = arith.constant 0 : i32
        %dma_start3A_331 = tpu.memref_slice %arg5[%add3A_326, %dma_start3A_330] : memref<384x128xi32, #tpu.memory_space<vmem>> -> memref<1x104xi32, #tpu.memory_space<vmem>>
        %dma_start3A_332 = tpu.memref_squeeze %dma_start3A_331 : memref<1x104xi32, #tpu.memory_space<vmem>> -> memref<104xi32, #tpu.memory_space<vmem>>
        %dma_start3A_333 = arith.constant 0 : i32
        %dma_start3A_334 = arith.constant 0 : i32
        %dma_start3A_335 = tpu.memref_slice %arg2[%dma_start3A_333, %dma_start3A_334] : memref<24576x64xf32, #tpu.memory_space<hbm>> -> memref<24576x64xf32, #tpu.memory_space<hbm>>
        tpu.enqueue_indirect_dma source(%dma_start3A_335 : memref<24576x64xf32, #tpu.memory_space<hbm>>) target(%dma_start3A_329 : memref<104x64xf32, #tpu.memory_space<vmem>>) offsets(%dma_start3A_332 : memref<104xi32, #tpu.memory_space<vmem>>) semaphore(%arg8 : memref<!tpu.dma_semaphore, #tpu.memory_space<semaphore_mem>>)
      } else {
      }
      %add3A_195 = arith.constant 1 : i32
      %add3A_196 = arith.addi %mul3A_63, %add3A_195 : i32
      %mul3A_197 = arith.constant 2 : i32
      %mul3A_198 = arith.muli %mul3A_197, %add3A_196 : i32
      %dma_wait3A_199 = arith.constant 0 : i32
      %dma_wait3A_200 = arith.constant 0 : i32
      %dma_wait3A_201 = tpu.memref_slice %arg7[%dma_wait3A_199, %dma_wait3A_200] : memref<208x64xf32, #tpu.memory_space<vmem>> -> memref<104x64xf32, #tpu.memory_space<vmem>>
      %dma_wait3A_202 = arith.constant 0 : i32
      %dma_wait3A_203 = tpu.memref_slice %arg5[%mul3A_198, %dma_wait3A_202] : memref<384x128xi32, #tpu.memory_space<vmem>> -> memref<1x104xi32, #tpu.memory_space<vmem>>
      %dma_wait3A_204 = tpu.memref_squeeze %dma_wait3A_203 : memref<1x104xi32, #tpu.memory_space<vmem>> -> memref<104xi32, #tpu.memory_space<vmem>>
      %dma_wait3A_205 = arith.constant 0 : i32
      %dma_wait3A_206 = arith.constant 0 : i32
      %dma_wait3A_207 = tpu.memref_slice %arg2[%dma_wait3A_205, %dma_wait3A_206] : memref<24576x64xf32, #tpu.memory_space<hbm>> -> memref<24576x64xf32, #tpu.memory_space<hbm>>
      tpu.wait_indirect_dma semaphore(%arg9 : memref<!tpu.dma_semaphore, #tpu.memory_space<semaphore_mem>>) src(%dma_wait3A_207 : memref<24576x64xf32, #tpu.memory_space<hbm>>) dst(%dma_wait3A_201 : memref<104x64xf32, #tpu.memory_space<vmem>>)
      %mul3A_208 = arith.constant 2 : i32
      %mul3A_209 = arith.muli %mul3A_208, %add3A_196 : i32
      %add3A_210 = arith.constant 1 : i32
      %add3A_211 = arith.addi %mul3A_209, %add3A_210 : i32
      %dma_wait3A_212 = arith.constant 104 : i32
      %dma_wait3A_213 = arith.constant 0 : i32
      %dma_wait3A_214 = tpu.memref_slice %arg7[%dma_wait3A_212, %dma_wait3A_213] : memref<208x64xf32, #tpu.memory_space<vmem>> -> memref<104x64xf32, #tpu.memory_space<vmem>>
      %dma_wait3A_215 = arith.constant 0 : i32
      %dma_wait3A_216 = tpu.memref_slice %arg5[%add3A_211, %dma_wait3A_215] : memref<384x128xi32, #tpu.memory_space<vmem>> -> memref<1x104xi32, #tpu.memory_space<vmem>>
      %dma_wait3A_217 = tpu.memref_squeeze %dma_wait3A_216 : memref<1x104xi32, #tpu.memory_space<vmem>> -> memref<104xi32, #tpu.memory_space<vmem>>
      %dma_wait3A_218 = arith.constant 0 : i32
      %dma_wait3A_219 = arith.constant 0 : i32
      %dma_wait3A_220 = tpu.memref_slice %arg2[%dma_wait3A_218, %dma_wait3A_219] : memref<24576x64xf32, #tpu.memory_space<hbm>> -> memref<24576x64xf32, #tpu.memory_space<hbm>>
      tpu.wait_indirect_dma semaphore(%arg9 : memref<!tpu.dma_semaphore, #tpu.memory_space<semaphore_mem>>) src(%dma_wait3A_220 : memref<24576x64xf32, #tpu.memory_space<hbm>>) dst(%dma_wait3A_214 : memref<104x64xf32, #tpu.memory_space<vmem>>)
      %add3A_221 = arith.constant 1 : i32
      %add3A_222 = arith.addi %mul3A_63, %add3A_221 : i32
      %mul3A_223 = arith.constant 2 : i32
      %mul3A_224 = arith.muli %mul3A_223, %add3A_222 : i32
      %add3A_225 = arith.addi %add3A_34, %mul3A_224 : i32
      %jit3A_226 = arith.constant 2048 : i32
      %div3A_227 = arith.divsi %add3A_225, %jit3A_226 : i32
      %sign3A_228 = arith.constant 0 : i32
      %sign3A_229 = arith.cmpi sgt, %add3A_225, %sign3A_228 : i32
      %sign3A_230 = arith.extui %sign3A_229 : i1 to i32
      %sign3A_231 = arith.constant 0 : i32
      %sign3A_232 = arith.cmpi slt, %add3A_225, %sign3A_231 : i32
      %sign3A_233 = arith.extui %sign3A_232 : i1 to i32
      %sign3A_234 = arith.subi %sign3A_230, %sign3A_233 : i32
      %sign3A_235 = arith.constant 0 : i32
      %sign3A_236 = arith.cmpi sgt, %jit3A_226, %sign3A_235 : i32
      %sign3A_237 = arith.extui %sign3A_236 : i1 to i32
      %sign3A_238 = arith.constant 0 : i32
      %sign3A_239 = arith.cmpi slt, %jit3A_226, %sign3A_238 : i32
      %sign3A_240 = arith.extui %sign3A_239 : i1 to i32
      %sign3A_241 = arith.subi %sign3A_237, %sign3A_240 : i32
      %ne3A_242 = arith.cmpi ne, %sign3A_234, %sign3A_241 : i32
      %rem3A_243 = arith.remsi %add3A_225, %jit3A_226 : i32
      %ne3A_244 = arith.constant 0 : i32
      %ne3A_245 = arith.cmpi ne, %rem3A_243, %ne3A_244 : i32
      %and3A_246 = arith.andi %ne3A_242, %ne3A_245 : i1
      %sub3A_247 = arith.constant 1 : i32
      %sub3A_248 = arith.subi %div3A_227, %sub3A_247 : i32
      %select_n3A_249 = arith.select %and3A_246, %sub3A_248, %div3A_227 : i32
      %jit3A_250 = arith.constant 2048 : i32
      %eq3A_251 = arith.constant 0 : i32
      %eq3A_252 = arith.cmpi eq, %jit3A_250, %eq3A_251 : i32
      %jit3A_253 = arith.constant 1 : i32
      %select_n3A_254 = arith.select %eq3A_252, %jit3A_253, %jit3A_250 : i32
      %rem3A_255 = arith.remsi %add3A_225, %select_n3A_254 : i32
      %ne3A_256 = arith.constant 0 : i32
      %ne3A_257 = arith.cmpi ne, %rem3A_255, %ne3A_256 : i32
      %lt3A_258 = arith.constant 0 : i32
      %lt3A_259 = arith.cmpi slt, %rem3A_255, %lt3A_258 : i32
      %lt3A_260 = arith.constant 0 : i32
      %lt3A_261 = arith.cmpi slt, %select_n3A_254, %lt3A_260 : i32
      %ne3A_262 = arith.xori %lt3A_259, %lt3A_261 : i1
      %and3A_263 = arith.andi %ne3A_262, %ne3A_257 : i1
      %add3A_264 = arith.addi %rem3A_255, %select_n3A_254 : i32
      %select_n3A_265 = arith.select %and3A_263, %add3A_264, %rem3A_255 : i32
      "tpu.region"() ({
        %run_scoped3A = tpu.sem_alloc : memref<!tpu.dma_semaphore, #tpu.memory_space<semaphore_mem>>
        %dma_start3A_310 = arith.constant 0 : i32
        %dma_start3A_311 = arith.constant 0 : i32
        %dma_start3A_312 = tpu.memref_slice %arg7[%dma_start3A_310, %dma_start3A_311] : memref<208x64xf32, #tpu.memory_space<vmem>> -> memref<100x64xf32, #tpu.memory_space<vmem>>
        %dma_start3A_313 = arith.constant 0 : i32
        %dma_start3A_314 = arith.constant 0 : i32
        %dma_start3A_315 = tpu.memref_slice %arg4[%select_n3A_249, %select_n3A_265, %dma_start3A_313, %dma_start3A_314] : memref<12x2048x100x64xf32, #tpu.memory_space<hbm>> -> memref<1x1x100x64xf32, #tpu.memory_space<hbm>>
        %dma_start3A_316 = tpu.memref_squeeze %dma_start3A_315 : memref<1x1x100x64xf32, #tpu.memory_space<hbm>> -> memref<100x64xf32, #tpu.memory_space<hbm>>
        %dma_start3A_317 = arith.constant 0 : i32
        %dma_start3A_318 = arith.constant 0 : i32
        %dma_start3A_319 = tpu.memref_slice %arg4[%select_n3A_249, %select_n3A_265, %dma_start3A_317, %dma_start3A_318] : memref<12x2048x100x64xf32, #tpu.memory_space<hbm>> -> memref<1x1x100x64xf32, #tpu.memory_space<hbm>>
        %dma_start3A_320 = tpu.memref_squeeze %dma_start3A_319 : memref<1x1x100x64xf32, #tpu.memory_space<hbm>> -> memref<100x64xf32, #tpu.memory_space<hbm>>
        %dma_start3A_321 = arith.constant 0 : i32
        %dma_start3A_322 = arith.constant 0 : i32
        %dma_start3A_323 = tpu.memref_slice %arg7[%dma_start3A_321, %dma_start3A_322] : memref<208x64xf32, #tpu.memory_space<vmem>> -> memref<100x64xf32, #tpu.memory_space<vmem>>
        tpu.enqueue_dma source(%dma_start3A_323 : memref<100x64xf32, #tpu.memory_space<vmem>>) target(%dma_start3A_320 : memref<100x64xf32, #tpu.memory_space<hbm>>) target_semaphore(%run_scoped3A : memref<!tpu.dma_semaphore, #tpu.memory_space<semaphore_mem>>)
        %dma_wait3A_324 = arith.constant 0 : i32
        %dma_wait3A_325 = arith.constant 0 : i32
        %dma_wait3A_326 = tpu.memref_slice %arg7[%dma_wait3A_324, %dma_wait3A_325] : memref<208x64xf32, #tpu.memory_space<vmem>> -> memref<100x64xf32, #tpu.memory_space<vmem>>
        %dma_wait3A_327 = arith.constant 0 : i32
        %dma_wait3A_328 = arith.constant 0 : i32
        %dma_wait3A_329 = tpu.memref_slice %arg4[%select_n3A_249, %select_n3A_265, %dma_wait3A_327, %dma_wait3A_328] : memref<12x2048x100x64xf32, #tpu.memory_space<hbm>> -> memref<1x1x100x64xf32, #tpu.memory_space<hbm>>
        %dma_wait3A_330 = tpu.memref_squeeze %dma_wait3A_329 : memref<1x1x100x64xf32, #tpu.memory_space<hbm>> -> memref<100x64xf32, #tpu.memory_space<hbm>>
        %dma_wait3A_331 = arith.constant 0 : i32
        %dma_wait3A_332 = arith.constant 0 : i32
        %dma_wait3A_333 = tpu.memref_slice %arg4[%select_n3A_249, %select_n3A_265, %dma_wait3A_331, %dma_wait3A_332] : memref<12x2048x100x64xf32, #tpu.memory_space<hbm>> -> memref<1x1x100x64xf32, #tpu.memory_space<hbm>>
        %dma_wait3A_334 = tpu.memref_squeeze %dma_wait3A_333 : memref<1x1x100x64xf32, #tpu.memory_space<hbm>> -> memref<100x64xf32, #tpu.memory_space<hbm>>
        %dma_wait3A_335 = arith.constant 0 : i32
        %dma_wait3A_336 = arith.constant 0 : i32
        %dma_wait3A_337 = tpu.memref_slice %arg7[%dma_wait3A_335, %dma_wait3A_336] : memref<208x64xf32, #tpu.memory_space<vmem>> -> memref<100x64xf32, #tpu.memory_space<vmem>>
        tpu.wait_dma2 semaphore(%run_scoped3A : memref<!tpu.dma_semaphore, #tpu.memory_space<semaphore_mem>>) src(%dma_wait3A_337 : memref<100x64xf32, #tpu.memory_space<vmem>>) dst(%dma_wait3A_334 : memref<100x64xf32, #tpu.memory_space<hbm>>)
        tpu.yield
      }) : () -> ()
      %add3A_266 = arith.constant 1 : i32
      %add3A_267 = arith.addi %add3A_225, %add3A_266 : i32
      %jit3A_268 = arith.constant 2048 : i32
      %div3A_269 = arith.divsi %add3A_267, %jit3A_268 : i32
      %sign3A_270 = arith.constant 0 : i32
      %sign3A_271 = arith.cmpi sgt, %add3A_267, %sign3A_270 : i32
      %sign3A_272 = arith.extui %sign3A_271 : i1 to i32
      %sign3A_273 = arith.constant 0 : i32
      %sign3A_274 = arith.cmpi slt, %add3A_267, %sign3A_273 : i32
      %sign3A_275 = arith.extui %sign3A_274 : i1 to i32
      %sign3A_276 = arith.subi %sign3A_272, %sign3A_275 : i32
      %sign3A_277 = arith.constant 0 : i32
      %sign3A_278 = arith.cmpi sgt, %jit3A_268, %sign3A_277 : i32
      %sign3A_279 = arith.extui %sign3A_278 : i1 to i32
      %sign3A_280 = arith.constant 0 : i32
      %sign3A_281 = arith.cmpi slt, %jit3A_268, %sign3A_280 : i32
      %sign3A_282 = arith.extui %sign3A_281 : i1 to i32
      %sign3A_283 = arith.subi %sign3A_279, %sign3A_282 : i32
      %ne3A_284 = arith.cmpi ne, %sign3A_276, %sign3A_283 : i32
      %rem3A_285 = arith.remsi %add3A_267, %jit3A_268 : i32
      %ne3A_286 = arith.constant 0 : i32
      %ne3A_287 = arith.cmpi ne, %rem3A_285, %ne3A_286 : i32
      %and3A_288 = arith.andi %ne3A_284, %ne3A_287 : i1
      %sub3A_289 = arith.constant 1 : i32
      %sub3A_290 = arith.subi %div3A_269, %sub3A_289 : i32
      %select_n3A_291 = arith.select %and3A_288, %sub3A_290, %div3A_269 : i32
      %add3A_292 = arith.constant 1 : i32
      %add3A_293 = arith.addi %add3A_225, %add3A_292 : i32
      %jit3A_294 = arith.constant 2048 : i32
      %eq3A_295 = arith.constant 0 : i32
      %eq3A_296 = arith.cmpi eq, %jit3A_294, %eq3A_295 : i32
      %jit3A_297 = arith.constant 1 : i32
      %select_n3A_298 = arith.select %eq3A_296, %jit3A_297, %jit3A_294 : i32
      %rem3A_299 = arith.remsi %add3A_293, %select_n3A_298 : i32
      %ne3A_300 = arith.constant 0 : i32
      %ne3A_301 = arith.cmpi ne, %rem3A_299, %ne3A_300 : i32
      %lt3A_302 = arith.constant 0 : i32
      %lt3A_303 = arith.cmpi slt, %rem3A_299, %lt3A_302 : i32
      %lt3A_304 = arith.constant 0 : i32
      %lt3A_305 = arith.cmpi slt, %select_n3A_298, %lt3A_304 : i32
      %ne3A_306 = arith.xori %lt3A_303, %lt3A_305 : i1
      %and3A_307 = arith.andi %ne3A_306, %ne3A_301 : i1
      %add3A_308 = arith.addi %rem3A_299, %select_n3A_298 : i32
      %select_n3A_309 = arith.select %and3A_307, %add3A_308, %rem3A_299 : i32
      "tpu.region"() ({
        %run_scoped3A = tpu.sem_alloc : memref<!tpu.dma_semaphore, #tpu.memory_space<semaphore_mem>>
        %dma_start3A_310 = arith.constant 104 : i32
        %dma_start3A_311 = arith.constant 0 : i32
        %dma_start3A_312 = tpu.memref_slice %arg7[%dma_start3A_310, %dma_start3A_311] : memref<208x64xf32, #tpu.memory_space<vmem>> -> memref<100x64xf32, #tpu.memory_space<vmem>>
        %dma_start3A_313 = arith.constant 0 : i32
        %dma_start3A_314 = arith.constant 0 : i32
        %dma_start3A_315 = tpu.memref_slice %arg4[%select_n3A_291, %select_n3A_309, %dma_start3A_313, %dma_start3A_314] : memref<12x2048x100x64xf32, #tpu.memory_space<hbm>> -> memref<1x1x100x64xf32, #tpu.memory_space<hbm>>
        %dma_start3A_316 = tpu.memref_squeeze %dma_start3A_315 : memref<1x1x100x64xf32, #tpu.memory_space<hbm>> -> memref<100x64xf32, #tpu.memory_space<hbm>>
        %dma_start3A_317 = arith.constant 0 : i32
        %dma_start3A_318 = arith.constant 0 : i32
        %dma_start3A_319 = tpu.memref_slice %arg4[%select_n3A_291, %select_n3A_309, %dma_start3A_317, %dma_start3A_318] : memref<12x2048x100x64xf32, #tpu.memory_space<hbm>> -> memref<1x1x100x64xf32, #tpu.memory_space<hbm>>
        %dma_start3A_320 = tpu.memref_squeeze %dma_start3A_319 : memref<1x1x100x64xf32, #tpu.memory_space<hbm>> -> memref<100x64xf32, #tpu.memory_space<hbm>>
        %dma_start3A_321 = arith.constant 104 : i32
        %dma_start3A_322 = arith.constant 0 : i32
        %dma_start3A_323 = tpu.memref_slice %arg7[%dma_start3A_321, %dma_start3A_322] : memref<208x64xf32, #tpu.memory_space<vmem>> -> memref<100x64xf32, #tpu.memory_space<vmem>>
        tpu.enqueue_dma source(%dma_start3A_323 : memref<100x64xf32, #tpu.memory_space<vmem>>) target(%dma_start3A_320 : memref<100x64xf32, #tpu.memory_space<hbm>>) target_semaphore(%run_scoped3A : memref<!tpu.dma_semaphore, #tpu.memory_space<semaphore_mem>>)
        %dma_wait3A_324 = arith.constant 104 : i32
        %dma_wait3A_325 = arith.constant 0 : i32
        %dma_wait3A_326 = tpu.memref_slice %arg7[%dma_wait3A_324, %dma_wait3A_325] : memref<208x64xf32, #tpu.memory_space<vmem>> -> memref<100x64xf32, #tpu.memory_space<vmem>>
        %dma_wait3A_327 = arith.constant 0 : i32
        %dma_wait3A_328 = arith.constant 0 : i32
        %dma_wait3A_329 = tpu.memref_slice %arg4[%select_n3A_291, %select_n3A_309, %dma_wait3A_327, %dma_wait3A_328] : memref<12x2048x100x64xf32, #tpu.memory_space<hbm>> -> memref<1x1x100x64xf32, #tpu.memory_space<hbm>>
        %dma_wait3A_330 = tpu.memref_squeeze %dma_wait3A_329 : memref<1x1x100x64xf32, #tpu.memory_space<hbm>> -> memref<100x64xf32, #tpu.memory_space<hbm>>
        %dma_wait3A_331 = arith.constant 0 : i32
        %dma_wait3A_332 = arith.constant 0 : i32
        %dma_wait3A_333 = tpu.memref_slice %arg4[%select_n3A_291, %select_n3A_309, %dma_wait3A_331, %dma_wait3A_332] : memref<12x2048x100x64xf32, #tpu.memory_space<hbm>> -> memref<1x1x100x64xf32, #tpu.memory_space<hbm>>
        %dma_wait3A_334 = tpu.memref_squeeze %dma_wait3A_333 : memref<1x1x100x64xf32, #tpu.memory_space<hbm>> -> memref<100x64xf32, #tpu.memory_space<hbm>>
        %dma_wait3A_335 = arith.constant 104 : i32
        %dma_wait3A_336 = arith.constant 0 : i32
        %dma_wait3A_337 = tpu.memref_slice %arg7[%dma_wait3A_335, %dma_wait3A_336] : memref<208x64xf32, #tpu.memory_space<vmem>> -> memref<100x64xf32, #tpu.memory_space<vmem>>
        tpu.wait_dma2 semaphore(%run_scoped3A : memref<!tpu.dma_semaphore, #tpu.memory_space<semaphore_mem>>) src(%dma_wait3A_337 : memref<100x64xf32, #tpu.memory_space<vmem>>) dst(%dma_wait3A_334 : memref<100x64xf32, #tpu.memory_space<hbm>>)
        tpu.yield
      }) : () -> ()
    }
    %scan3A_60 = arith.constant 96 : i32
    return
  }
}

module attributes {stable_mosaic.version = 14 : i64} {
  func.func @_score_kernel(%arg0: i32, %arg1: memref<12x128x64xf32, #tpu.memory_space<vmem>>, %arg2: memref<12x64x2048xf32, #tpu.memory_space<vmem>>, %arg3: memref<12x128x2048xf32, #tpu.memory_space<vmem>>) attributes {dimension_semantics = [#tpu.dimension_semantics<arbitrary>], iteration_bounds = array<i64: 16>, scalar_prefetch = 0 : i64, scratch_operands = 0 : i64, tpu.core_type = #tpu.core_type<tc>, window_params = [{transform_indices = @transform_0, window_bounds = array<i64: 12, 128, 64>}, {pipeline_mode = #tpu.pipeline_mode<synchronous>, transform_indices = @transform_1, window_bounds = array<i64: 12, 64, 2048>}, {transform_indices = @transform_2, window_bounds = array<i64: 12, 128, 2048>}]} {
    %get3A = arith.constant 0 : index
    %get3A_0 = arith.constant 0 : index
    %get3A_1 = arith.constant 0 : index
    %get3A_2 = vector.load %arg1[%get3A, %get3A_0, %get3A_1] : memref<12x128x64xf32, #tpu.memory_space<vmem>>, vector<1x128x64xf32>
    %get3A_3 = vector.shape_cast %get3A_2 : vector<1x128x64xf32> to vector<128x64xf32>
    %get3A_4 = arith.constant 0 : index
    %get3A_5 = arith.constant 0 : index
    %get3A_6 = arith.constant 0 : index
    %get3A_7 = vector.load %arg2[%get3A_4, %get3A_5, %get3A_6] : memref<12x64x2048xf32, #tpu.memory_space<vmem>>, vector<1x64x2048xf32>
    %get3A_8 = vector.shape_cast %get3A_7 : vector<1x64x2048xf32> to vector<64x2048xf32>
    %dot_general3A = arith.constant dense<0.000000e+00> : vector<128x2048xf32>
    %dot_general3A_9 = tpu.matmul %get3A_3, %get3A_8, %dot_general3A {dimension_numbers = #tpu.dot_dimension_numbers<[1], [0], [0], [1], [0, 0, 1, 1], [], []>, transpose_lhs_hint = false} : vector<128x64xf32>, vector<64x2048xf32>, vector<128x2048xf32> -> vector<128x2048xf32>
    %mul3A = arith.constant 1.250000e-01 : f32
    %mul3A_10 = vector.broadcast %mul3A : f32 to vector<128x2048xf32>
    %mul3A_11 = arith.mulf %dot_general3A_9, %mul3A_10 : vector<128x2048xf32>
    %swap3A = arith.constant 0 : index
    %swap3A_12 = arith.constant 0 : index
    %swap3A_13 = arith.constant 0 : index
    %swap3A_14 = vector.load %arg3[%swap3A, %swap3A_12, %swap3A_13] : memref<12x128x2048xf32, #tpu.memory_space<vmem>>, vector<1x128x2048xf32>
    %swap3A_15 = vector.shape_cast %swap3A_14 : vector<1x128x2048xf32> to vector<128x2048xf32>
    %swap3A_16 = vector.shape_cast %mul3A_11 : vector<128x2048xf32> to vector<1x128x2048xf32>
    tpu.vector_store %arg3[%swap3A, %swap3A_12, %swap3A_13], %swap3A_16 {strides = array<i32>} : memref<12x128x2048xf32, #tpu.memory_space<vmem>>, vector<1x128x2048xf32>,
    %get3A_17 = arith.constant 1 : index
    %get3A_18 = arith.constant 0 : index
    %get3A_19 = arith.constant 0 : index
    %get3A_20 = vector.load %arg1[%get3A_17, %get3A_18, %get3A_19] : memref<12x128x64xf32, #tpu.memory_space<vmem>>, vector<1x128x64xf32>
    %get3A_21 = vector.shape_cast %get3A_20 : vector<1x128x64xf32> to vector<128x64xf32>
    %get3A_22 = arith.constant 1 : index
    %get3A_23 = arith.constant 0 : index
    %get3A_24 = arith.constant 0 : index
    %get3A_25 = vector.load %arg2[%get3A_22, %get3A_23, %get3A_24] : memref<12x64x2048xf32, #tpu.memory_space<vmem>>, vector<1x64x2048xf32>
    %get3A_26 = vector.shape_cast %get3A_25 : vector<1x64x2048xf32> to vector<64x2048xf32>
    %dot_general3A_27 = arith.constant dense<0.000000e+00> : vector<128x2048xf32>
    %dot_general3A_28 = tpu.matmul %get3A_21, %get3A_26, %dot_general3A_27 {dimension_numbers = #tpu.dot_dimension_numbers<[1], [0], [0], [1], [0, 0, 1, 1], [], []>, transpose_lhs_hint = false} : vector<128x64xf32>, vector<64x2048xf32>, vector<128x2048xf32> -> vector<128x2048xf32>
    %mul3A_29 = arith.constant 1.250000e-01 : f32
    %mul3A_30 = vector.broadcast %mul3A_29 : f32 to vector<128x2048xf32>
    %mul3A_31 = arith.mulf %dot_general3A_28, %mul3A_30 : vector<128x2048xf32>
    %swap3A_32 = arith.constant 1 : index
    %swap3A_33 = arith.constant 0 : index
    %swap3A_34 = arith.constant 0 : index
    %swap3A_35 = vector.load %arg3[%swap3A_32, %swap3A_33, %swap3A_34] : memref<12x128x2048xf32, #tpu.memory_space<vmem>>, vector<1x128x2048xf32>
    %swap3A_36 = vector.shape_cast %swap3A_35 : vector<1x128x2048xf32> to vector<128x2048xf32>
    %swap3A_37 = vector.shape_cast %mul3A_31 : vector<128x2048xf32> to vector<1x128x2048xf32>
    tpu.vector_store %arg3[%swap3A_32, %swap3A_33, %swap3A_34], %swap3A_37 {strides = array<i32>} : memref<12x128x2048xf32, #tpu.memory_space<vmem>>, vector<1x128x2048xf32>,
    %get3A_38 = arith.constant 2 : index
    %get3A_39 = arith.constant 0 : index
    %get3A_40 = arith.constant 0 : index
    %get3A_41 = vector.load %arg1[%get3A_38, %get3A_39, %get3A_40] : memref<12x128x64xf32, #tpu.memory_space<vmem>>, vector<1x128x64xf32>
    %get3A_42 = vector.shape_cast %get3A_41 : vector<1x128x64xf32> to vector<128x64xf32>
    %get3A_43 = arith.constant 2 : index
    %get3A_44 = arith.constant 0 : index
    %get3A_45 = arith.constant 0 : index
    %get3A_46 = vector.load %arg2[%get3A_43, %get3A_44, %get3A_45] : memref<12x64x2048xf32, #tpu.memory_space<vmem>>, vector<1x64x2048xf32>
    %get3A_47 = vector.shape_cast %get3A_46 : vector<1x64x2048xf32> to vector<64x2048xf32>
    %dot_general3A_48 = arith.constant dense<0.000000e+00> : vector<128x2048xf32>
    %dot_general3A_49 = tpu.matmul %get3A_42, %get3A_47, %dot_general3A_48 {dimension_numbers = #tpu.dot_dimension_numbers<[1], [0], [0], [1], [0, 0, 1, 1], [], []>, transpose_lhs_hint = false} : vector<128x64xf32>, vector<64x2048xf32>, vector<128x2048xf32> -> vector<128x2048xf32>
    %mul3A_50 = arith.constant 1.250000e-01 : f32
    %mul3A_51 = vector.broadcast %mul3A_50 : f32 to vector<128x2048xf32>
    %mul3A_52 = arith.mulf %dot_general3A_49, %mul3A_51 : vector<128x2048xf32>
    %swap3A_53 = arith.constant 2 : index
    %swap3A_54 = arith.constant 0 : index
    %swap3A_55 = arith.constant 0 : index
    %swap3A_56 = vector.load %arg3[%swap3A_53, %swap3A_54, %swap3A_55] : memref<12x128x2048xf32, #tpu.memory_space<vmem>>, vector<1x128x2048xf32>
    %swap3A_57 = vector.shape_cast %swap3A_56 : vector<1x128x2048xf32> to vector<128x2048xf32>
    %swap3A_58 = vector.shape_cast %mul3A_52 : vector<128x2048xf32> to vector<1x128x2048xf32>
    tpu.vector_store %arg3[%swap3A_53, %swap3A_54, %swap3A_55], %swap3A_58 {strides = array<i32>} : memref<12x128x2048xf32, #tpu.memory_space<vmem>>, vector<1x128x2048xf32>,
    %get3A_59 = arith.constant 3 : index
    %get3A_60 = arith.constant 0 : index
    %get3A_61 = arith.constant 0 : index
    %get3A_62 = vector.load %arg1[%get3A_59, %get3A_60, %get3A_61] : memref<12x128x64xf32, #tpu.memory_space<vmem>>, vector<1x128x64xf32>
    %get3A_63 = vector.shape_cast %get3A_62 : vector<1x128x64xf32> to vector<128x64xf32>
    %get3A_64 = arith.constant 3 : index
    %get3A_65 = arith.constant 0 : index
    %get3A_66 = arith.constant 0 : index
    %get3A_67 = vector.load %arg2[%get3A_64, %get3A_65, %get3A_66] : memref<12x64x2048xf32, #tpu.memory_space<vmem>>, vector<1x64x2048xf32>
    %get3A_68 = vector.shape_cast %get3A_67 : vector<1x64x2048xf32> to vector<64x2048xf32>
    %dot_general3A_69 = arith.constant dense<0.000000e+00> : vector<128x2048xf32>
    %dot_general3A_70 = tpu.matmul %get3A_63, %get3A_68, %dot_general3A_69 {dimension_numbers = #tpu.dot_dimension_numbers<[1], [0], [0], [1], [0, 0, 1, 1], [], []>, transpose_lhs_hint = false} : vector<128x64xf32>, vector<64x2048xf32>, vector<128x2048xf32> -> vector<128x2048xf32>
    %mul3A_71 = arith.constant 1.250000e-01 : f32
    %mul3A_72 = vector.broadcast %mul3A_71 : f32 to vector<128x2048xf32>
    %mul3A_73 = arith.mulf %dot_general3A_70, %mul3A_72 : vector<128x2048xf32>
    %swap3A_74 = arith.constant 3 : index
    %swap3A_75 = arith.constant 0 : index
    %swap3A_76 = arith.constant 0 : index
    %swap3A_77 = vector.load %arg3[%swap3A_74, %swap3A_75, %swap3A_76] : memref<12x128x2048xf32, #tpu.memory_space<vmem>>, vector<1x128x2048xf32>
    %swap3A_78 = vector.shape_cast %swap3A_77 : vector<1x128x2048xf32> to vector<128x2048xf32>
    %swap3A_79 = vector.shape_cast %mul3A_73 : vector<128x2048xf32> to vector<1x128x2048xf32>
    tpu.vector_store %arg3[%swap3A_74, %swap3A_75, %swap3A_76], %swap3A_79 {strides = array<i32>} : memref<12x128x2048xf32, #tpu.memory_space<vmem>>, vector<1x128x2048xf32>,
    %get3A_80 = arith.constant 4 : index
    %get3A_81 = arith.constant 0 : index
    %get3A_82 = arith.constant 0 : index
    %get3A_83 = vector.load %arg1[%get3A_80, %get3A_81, %get3A_82] : memref<12x128x64xf32, #tpu.memory_space<vmem>>, vector<1x128x64xf32>
    %get3A_84 = vector.shape_cast %get3A_83 : vector<1x128x64xf32> to vector<128x64xf32>
    %get3A_85 = arith.constant 4 : index
    %get3A_86 = arith.constant 0 : index
    %get3A_87 = arith.constant 0 : index
    %get3A_88 = vector.load %arg2[%get3A_85, %get3A_86, %get3A_87] : memref<12x64x2048xf32, #tpu.memory_space<vmem>>, vector<1x64x2048xf32>
    %get3A_89 = vector.shape_cast %get3A_88 : vector<1x64x2048xf32> to vector<64x2048xf32>
    %dot_general3A_90 = arith.constant dense<0.000000e+00> : vector<128x2048xf32>
    %dot_general3A_91 = tpu.matmul %get3A_84, %get3A_89, %dot_general3A_90 {dimension_numbers = #tpu.dot_dimension_numbers<[1], [0], [0], [1], [0, 0, 1, 1], [], []>, transpose_lhs_hint = false} : vector<128x64xf32>, vector<64x2048xf32>, vector<128x2048xf32> -> vector<128x2048xf32>
    %mul3A_92 = arith.constant 1.250000e-01 : f32
    %mul3A_93 = vector.broadcast %mul3A_92 : f32 to vector<128x2048xf32>
    %mul3A_94 = arith.mulf %dot_general3A_91, %mul3A_93 : vector<128x2048xf32>
    %swap3A_95 = arith.constant 4 : index
    %swap3A_96 = arith.constant 0 : index
    %swap3A_97 = arith.constant 0 : index
    %swap3A_98 = vector.load %arg3[%swap3A_95, %swap3A_96, %swap3A_97] : memref<12x128x2048xf32, #tpu.memory_space<vmem>>, vector<1x128x2048xf32>
    %swap3A_99 = vector.shape_cast %swap3A_98 : vector<1x128x2048xf32> to vector<128x2048xf32>
    %swap3A_100 = vector.shape_cast %mul3A_94 : vector<128x2048xf32> to vector<1x128x2048xf32>
    tpu.vector_store %arg3[%swap3A_95, %swap3A_96, %swap3A_97], %swap3A_100 {strides = array<i32>} : memref<12x128x2048xf32, #tpu.memory_space<vmem>>, vector<1x128x2048xf32>,
    %get3A_101 = arith.constant 5 : index
    %get3A_102 = arith.constant 0 : index
    %get3A_103 = arith.constant 0 : index
    %get3A_104 = vector.load %arg1[%get3A_101, %get3A_102, %get3A_103] : memref<12x128x64xf32, #tpu.memory_space<vmem>>, vector<1x128x64xf32>
    %get3A_105 = vector.shape_cast %get3A_104 : vector<1x128x64xf32> to vector<128x64xf32>
    %get3A_106 = arith.constant 5 : index
    %get3A_107 = arith.constant 0 : index
    %get3A_108 = arith.constant 0 : index
    %get3A_109 = vector.load %arg2[%get3A_106, %get3A_107, %get3A_108] : memref<12x64x2048xf32, #tpu.memory_space<vmem>>, vector<1x64x2048xf32>
    %get3A_110 = vector.shape_cast %get3A_109 : vector<1x64x2048xf32> to vector<64x2048xf32>
    %dot_general3A_111 = arith.constant dense<0.000000e+00> : vector<128x2048xf32>
    %dot_general3A_112 = tpu.matmul %get3A_105, %get3A_110, %dot_general3A_111 {dimension_numbers = #tpu.dot_dimension_numbers<[1], [0], [0], [1], [0, 0, 1, 1], [], []>, transpose_lhs_hint = false} : vector<128x64xf32>, vector<64x2048xf32>, vector<128x2048xf32> -> vector<128x2048xf32>
    %mul3A_113 = arith.constant 1.250000e-01 : f32
    %mul3A_114 = vector.broadcast %mul3A_113 : f32 to vector<128x2048xf32>
    %mul3A_115 = arith.mulf %dot_general3A_112, %mul3A_114 : vector<128x2048xf32>
    %swap3A_116 = arith.constant 5 : index
    %swap3A_117 = arith.constant 0 : index
    %swap3A_118 = arith.constant 0 : index
    %swap3A_119 = vector.load %arg3[%swap3A_116, %swap3A_117, %swap3A_118] : memref<12x128x2048xf32, #tpu.memory_space<vmem>>, vector<1x128x2048xf32>
    %swap3A_120 = vector.shape_cast %swap3A_119 : vector<1x128x2048xf32> to vector<128x2048xf32>
    %swap3A_121 = vector.shape_cast %mul3A_115 : vector<128x2048xf32> to vector<1x128x2048xf32>
    tpu.vector_store %arg3[%swap3A_116, %swap3A_117, %swap3A_118], %swap3A_121 {strides = array<i32>} : memref<12x128x2048xf32, #tpu.memory_space<vmem>>, vector<1x128x2048xf32>,
    %get3A_122 = arith.constant 6 : index
    %get3A_123 = arith.constant 0 : index
    %get3A_124 = arith.constant 0 : index
    %get3A_125 = vector.load %arg1[%get3A_122, %get3A_123, %get3A_124] : memref<12x128x64xf32, #tpu.memory_space<vmem>>, vector<1x128x64xf32>
    %get3A_126 = vector.shape_cast %get3A_125 : vector<1x128x64xf32> to vector<128x64xf32>
    %get3A_127 = arith.constant 6 : index
    %get3A_128 = arith.constant 0 : index
    %get3A_129 = arith.constant 0 : index
    %get3A_130 = vector.load %arg2[%get3A_127, %get3A_128, %get3A_129] : memref<12x64x2048xf32, #tpu.memory_space<vmem>>, vector<1x64x2048xf32>
    %get3A_131 = vector.shape_cast %get3A_130 : vector<1x64x2048xf32> to vector<64x2048xf32>
    %dot_general3A_132 = arith.constant dense<0.000000e+00> : vector<128x2048xf32>
    %dot_general3A_133 = tpu.matmul %get3A_126, %get3A_131, %dot_general3A_132 {dimension_numbers = #tpu.dot_dimension_numbers<[1], [0], [0], [1], [0, 0, 1, 1], [], []>, transpose_lhs_hint = false} : vector<128x64xf32>, vector<64x2048xf32>, vector<128x2048xf32> -> vector<128x2048xf32>
    %mul3A_134 = arith.constant 1.250000e-01 : f32
    %mul3A_135 = vector.broadcast %mul3A_134 : f32 to vector<128x2048xf32>
    %mul3A_136 = arith.mulf %dot_general3A_133, %mul3A_135 : vector<128x2048xf32>
    %swap3A_137 = arith.constant 6 : index
    %swap3A_138 = arith.constant 0 : index
    %swap3A_139 = arith.constant 0 : index
    %swap3A_140 = vector.load %arg3[%swap3A_137, %swap3A_138, %swap3A_139] : memref<12x128x2048xf32, #tpu.memory_space<vmem>>, vector<1x128x2048xf32>
    %swap3A_141 = vector.shape_cast %swap3A_140 : vector<1x128x2048xf32> to vector<128x2048xf32>
    %swap3A_142 = vector.shape_cast %mul3A_136 : vector<128x2048xf32> to vector<1x128x2048xf32>
    tpu.vector_store %arg3[%swap3A_137, %swap3A_138, %swap3A_139], %swap3A_142 {strides = array<i32>} : memref<12x128x2048xf32, #tpu.memory_space<vmem>>, vector<1x128x2048xf32>,
    %get3A_143 = arith.constant 7 : index
    %get3A_144 = arith.constant 0 : index
    %get3A_145 = arith.constant 0 : index
    %get3A_146 = vector.load %arg1[%get3A_143, %get3A_144, %get3A_145] : memref<12x128x64xf32, #tpu.memory_space<vmem>>, vector<1x128x64xf32>
    %get3A_147 = vector.shape_cast %get3A_146 : vector<1x128x64xf32> to vector<128x64xf32>
    %get3A_148 = arith.constant 7 : index
    %get3A_149 = arith.constant 0 : index
    %get3A_150 = arith.constant 0 : index
    %get3A_151 = vector.load %arg2[%get3A_148, %get3A_149, %get3A_150] : memref<12x64x2048xf32, #tpu.memory_space<vmem>>, vector<1x64x2048xf32>
    %get3A_152 = vector.shape_cast %get3A_151 : vector<1x64x2048xf32> to vector<64x2048xf32>
    %dot_general3A_153 = arith.constant dense<0.000000e+00> : vector<128x2048xf32>
    %dot_general3A_154 = tpu.matmul %get3A_147, %get3A_152, %dot_general3A_153 {dimension_numbers = #tpu.dot_dimension_numbers<[1], [0], [0], [1], [0, 0, 1, 1], [], []>, transpose_lhs_hint = false} : vector<128x64xf32>, vector<64x2048xf32>, vector<128x2048xf32> -> vector<128x2048xf32>
    %mul3A_155 = arith.constant 1.250000e-01 : f32
    %mul3A_156 = vector.broadcast %mul3A_155 : f32 to vector<128x2048xf32>
    %mul3A_157 = arith.mulf %dot_general3A_154, %mul3A_156 : vector<128x2048xf32>
    %swap3A_158 = arith.constant 7 : index
    %swap3A_159 = arith.constant 0 : index
    %swap3A_160 = arith.constant 0 : index
    %swap3A_161 = vector.load %arg3[%swap3A_158, %swap3A_159, %swap3A_160] : memref<12x128x2048xf32, #tpu.memory_space<vmem>>, vector<1x128x2048xf32>
    %swap3A_162 = vector.shape_cast %swap3A_161 : vector<1x128x2048xf32> to vector<128x2048xf32>
    %swap3A_163 = vector.shape_cast %mul3A_157 : vector<128x2048xf32> to vector<1x128x2048xf32>
    tpu.vector_store %arg3[%swap3A_158, %swap3A_159, %swap3A_160], %swap3A_163 {strides = array<i32>} : memref<12x128x2048xf32, #tpu.memory_space<vmem>>, vector<1x128x2048xf32>,
    %get3A_164 = arith.constant 8 : index
    %get3A_165 = arith.constant 0 : index
    %get3A_166 = arith.constant 0 : index
    %get3A_167 = vector.load %arg1[%get3A_164, %get3A_165, %get3A_166] : memref<12x128x64xf32, #tpu.memory_space<vmem>>, vector<1x128x64xf32>
    %get3A_168 = vector.shape_cast %get3A_167 : vector<1x128x64xf32> to vector<128x64xf32>
    %get3A_169 = arith.constant 8 : index
    %get3A_170 = arith.constant 0 : index
    %get3A_171 = arith.constant 0 : index
    %get3A_172 = vector.load %arg2[%get3A_169, %get3A_170, %get3A_171] : memref<12x64x2048xf32, #tpu.memory_space<vmem>>, vector<1x64x2048xf32>
    %get3A_173 = vector.shape_cast %get3A_172 : vector<1x64x2048xf32> to vector<64x2048xf32>
    %dot_general3A_174 = arith.constant dense<0.000000e+00> : vector<128x2048xf32>
    %dot_general3A_175 = tpu.matmul %get3A_168, %get3A_173, %dot_general3A_174 {dimension_numbers = #tpu.dot_dimension_numbers<[1], [0], [0], [1], [0, 0, 1, 1], [], []>, transpose_lhs_hint = false} : vector<128x64xf32>, vector<64x2048xf32>, vector<128x2048xf32> -> vector<128x2048xf32>
    %mul3A_176 = arith.constant 1.250000e-01 : f32
    %mul3A_177 = vector.broadcast %mul3A_176 : f32 to vector<128x2048xf32>
    %mul3A_178 = arith.mulf %dot_general3A_175, %mul3A_177 : vector<128x2048xf32>
    %swap3A_179 = arith.constant 8 : index
    %swap3A_180 = arith.constant 0 : index
    %swap3A_181 = arith.constant 0 : index
    %swap3A_182 = vector.load %arg3[%swap3A_179, %swap3A_180, %swap3A_181] : memref<12x128x2048xf32, #tpu.memory_space<vmem>>, vector<1x128x2048xf32>
    %swap3A_183 = vector.shape_cast %swap3A_182 : vector<1x128x2048xf32> to vector<128x2048xf32>
    %swap3A_184 = vector.shape_cast %mul3A_178 : vector<128x2048xf32> to vector<1x128x2048xf32>
    tpu.vector_store %arg3[%swap3A_179, %swap3A_180, %swap3A_181], %swap3A_184 {strides = array<i32>} : memref<12x128x2048xf32, #tpu.memory_space<vmem>>, vector<1x128x2048xf32>,
    %get3A_185 = arith.constant 9 : index
    %get3A_186 = arith.constant 0 : index
    %get3A_187 = arith.constant 0 : index
    %get3A_188 = vector.load %arg1[%get3A_185, %get3A_186, %get3A_187] : memref<12x128x64xf32, #tpu.memory_space<vmem>>, vector<1x128x64xf32>
    %get3A_189 = vector.shape_cast %get3A_188 : vector<1x128x64xf32> to vector<128x64xf32>
    %get3A_190 = arith.constant 9 : index
    %get3A_191 = arith.constant 0 : index
    %get3A_192 = arith.constant 0 : index
    %get3A_193 = vector.load %arg2[%get3A_190, %get3A_191, %get3A_192] : memref<12x64x2048xf32, #tpu.memory_space<vmem>>, vector<1x64x2048xf32>
    %get3A_194 = vector.shape_cast %get3A_193 : vector<1x64x2048xf32> to vector<64x2048xf32>
    %dot_general3A_195 = arith.constant dense<0.000000e+00> : vector<128x2048xf32>
    %dot_general3A_196 = tpu.matmul %get3A_189, %get3A_194, %dot_general3A_195 {dimension_numbers = #tpu.dot_dimension_numbers<[1], [0], [0], [1], [0, 0, 1, 1], [], []>, transpose_lhs_hint = false} : vector<128x64xf32>, vector<64x2048xf32>, vector<128x2048xf32> -> vector<128x2048xf32>
    %mul3A_197 = arith.constant 1.250000e-01 : f32
    %mul3A_198 = vector.broadcast %mul3A_197 : f32 to vector<128x2048xf32>
    %mul3A_199 = arith.mulf %dot_general3A_196, %mul3A_198 : vector<128x2048xf32>
    %swap3A_200 = arith.constant 9 : index
    %swap3A_201 = arith.constant 0 : index
    %swap3A_202 = arith.constant 0 : index
    %swap3A_203 = vector.load %arg3[%swap3A_200, %swap3A_201, %swap3A_202] : memref<12x128x2048xf32, #tpu.memory_space<vmem>>, vector<1x128x2048xf32>
    %swap3A_204 = vector.shape_cast %swap3A_203 : vector<1x128x2048xf32> to vector<128x2048xf32>
    %swap3A_205 = vector.shape_cast %mul3A_199 : vector<128x2048xf32> to vector<1x128x2048xf32>
    tpu.vector_store %arg3[%swap3A_200, %swap3A_201, %swap3A_202], %swap3A_205 {strides = array<i32>} : memref<12x128x2048xf32, #tpu.memory_space<vmem>>, vector<1x128x2048xf32>,
    %get3A_206 = arith.constant 10 : index
    %get3A_207 = arith.constant 0 : index
    %get3A_208 = arith.constant 0 : index
    %get3A_209 = vector.load %arg1[%get3A_206, %get3A_207, %get3A_208] : memref<12x128x64xf32, #tpu.memory_space<vmem>>, vector<1x128x64xf32>
    %get3A_210 = vector.shape_cast %get3A_209 : vector<1x128x64xf32> to vector<128x64xf32>
    %get3A_211 = arith.constant 10 : index
    %get3A_212 = arith.constant 0 : index
    %get3A_213 = arith.constant 0 : index
    %get3A_214 = vector.load %arg2[%get3A_211, %get3A_212, %get3A_213] : memref<12x64x2048xf32, #tpu.memory_space<vmem>>, vector<1x64x2048xf32>
    %get3A_215 = vector.shape_cast %get3A_214 : vector<1x64x2048xf32> to vector<64x2048xf32>
    %dot_general3A_216 = arith.constant dense<0.000000e+00> : vector<128x2048xf32>
    %dot_general3A_217 = tpu.matmul %get3A_210, %get3A_215, %dot_general3A_216 {dimension_numbers = #tpu.dot_dimension_numbers<[1], [0], [0], [1], [0, 0, 1, 1], [], []>, transpose_lhs_hint = false} : vector<128x64xf32>, vector<64x2048xf32>, vector<128x2048xf32> -> vector<128x2048xf32>
    %mul3A_218 = arith.constant 1.250000e-01 : f32
    %mul3A_219 = vector.broadcast %mul3A_218 : f32 to vector<128x2048xf32>
    %mul3A_220 = arith.mulf %dot_general3A_217, %mul3A_219 : vector<128x2048xf32>
    %swap3A_221 = arith.constant 10 : index
    %swap3A_222 = arith.constant 0 : index
    %swap3A_223 = arith.constant 0 : index
    %swap3A_224 = vector.load %arg3[%swap3A_221, %swap3A_222, %swap3A_223] : memref<12x128x2048xf32, #tpu.memory_space<vmem>>, vector<1x128x2048xf32>
    %swap3A_225 = vector.shape_cast %swap3A_224 : vector<1x128x2048xf32> to vector<128x2048xf32>
    %swap3A_226 = vector.shape_cast %mul3A_220 : vector<128x2048xf32> to vector<1x128x2048xf32>
    tpu.vector_store %arg3[%swap3A_221, %swap3A_222, %swap3A_223], %swap3A_226 {strides = array<i32>} : memref<12x128x2048xf32, #tpu.memory_space<vmem>>, vector<1x128x2048xf32>,
    %get3A_227 = arith.constant 11 : index
    %get3A_228 = arith.constant 0 : index
    %get3A_229 = arith.constant 0 : index
    %get3A_230 = vector.load %arg1[%get3A_227, %get3A_228, %get3A_229] : memref<12x128x64xf32, #tpu.memory_space<vmem>>, vector<1x128x64xf32>
    %get3A_231 = vector.shape_cast %get3A_230 : vector<1x128x64xf32> to vector<128x64xf32>
    %get3A_232 = arith.constant 11 : index
    %get3A_233 = arith.constant 0 : index
    %get3A_234 = arith.constant 0 : index
    %get3A_235 = vector.load %arg2[%get3A_232, %get3A_233, %get3A_234] : memref<12x64x2048xf32, #tpu.memory_space<vmem>>, vector<1x64x2048xf32>
    %get3A_236 = vector.shape_cast %get3A_235 : vector<1x64x2048xf32> to vector<64x2048xf32>
    %dot_general3A_237 = arith.constant dense<0.000000e+00> : vector<128x2048xf32>
    %dot_general3A_238 = tpu.matmul %get3A_231, %get3A_236, %dot_general3A_237 {dimension_numbers = #tpu.dot_dimension_numbers<[1], [0], [0], [1], [0, 0, 1, 1], [], []>, transpose_lhs_hint = false} : vector<128x64xf32>, vector<64x2048xf32>, vector<128x2048xf32> -> vector<128x2048xf32>
    %mul3A_239 = arith.constant 1.250000e-01 : f32
    %mul3A_240 = vector.broadcast %mul3A_239 : f32 to vector<128x2048xf32>
    %mul3A_241 = arith.mulf %dot_general3A_238, %mul3A_240 : vector<128x2048xf32>
    %swap3A_242 = arith.constant 11 : index
    %swap3A_243 = arith.constant 0 : index
    %swap3A_244 = arith.constant 0 : index
    %swap3A_245 = vector.load %arg3[%swap3A_242, %swap3A_243, %swap3A_244] : memref<12x128x2048xf32, #tpu.memory_space<vmem>>, vector<1x128x2048xf32>
    %swap3A_246 = vector.shape_cast %swap3A_245 : vector<1x128x2048xf32> to vector<128x2048xf32>
    %swap3A_247 = vector.shape_cast %mul3A_241 : vector<128x2048xf32> to vector<1x128x2048xf32>
    tpu.vector_store %arg3[%swap3A_242, %swap3A_243, %swap3A_244], %swap3A_247 {strides = array<i32>} : memref<12x128x2048xf32, #tpu.memory_space<vmem>>, vector<1x128x2048xf32>,
    %get3A_248 = arith.constant 0 : index
    %get3A_249 = arith.constant 0 : index
    %get3A_250 = arith.constant 0 : index
    %get3A_251 = vector.load %arg3[%get3A_248, %get3A_249, %get3A_250] : memref<12x128x2048xf32, #tpu.memory_space<vmem>>, vector<12x128x2048xf32>
    %reduce_max3A = arith.constant dense<0xFF800000> : vector<128x2048xf32>
    %reduce_max3A_252 = vector.multi_reduction <maximumf>, %get3A_251, %reduce_max3A [0] : vector<12x128x2048xf32> to vector<128x2048xf32>
    %broadcast_in_dim3A = vector.shape_cast %reduce_max3A_252 : vector<128x2048xf32> to vector<1x128x2048xf32>
    %sub3A = vector.broadcast %broadcast_in_dim3A : vector<1x128x2048xf32> to vector<12x128x2048xf32>
    %sub3A_253 = arith.subf %get3A_251, %sub3A : vector<12x128x2048xf32>
    %exp3A = math.exp %sub3A_253 : vector<12x128x2048xf32>
    %reduce_sum3A = arith.constant dense<0.000000e+00> : vector<128x2048xf32>
    %reduce_sum3A_254 = vector.multi_reduction <add>, %exp3A, %reduce_sum3A [0] : vector<12x128x2048xf32> to vector<128x2048xf32>
    %broadcast_in_dim3A_255 = vector.shape_cast %reduce_sum3A_254 : vector<128x2048xf32> to vector<1x128x2048xf32>
    %div3A = vector.broadcast %broadcast_in_dim3A_255 : vector<1x128x2048xf32> to vector<12x128x2048xf32>
    %div3A_256 = arith.divf %exp3A, %div3A : vector<12x128x2048xf32>
    %swap3A_257 = arith.constant 0 : index
    %swap3A_258 = arith.constant 0 : index
    %swap3A_259 = arith.constant 0 : index
    %swap3A_260 = vector.load %arg3[%swap3A_257, %swap3A_258, %swap3A_259] : memref<12x128x2048xf32, #tpu.memory_space<vmem>>, vector<12x128x2048xf32>
    tpu.vector_store %arg3[%swap3A_257, %swap3A_258, %swap3A_259], %div3A_256 {strides = array<i32>} : memref<12x128x2048xf32, #tpu.memory_space<vmem>>, vector<12x128x2048xf32>,
    return
  }
  func.func @transform_0(%arg0: i32) -> (i32, i32, i32) {
    %c0_i32 = arith.constant 0 : i32
    %c0_i32_0 = arith.constant 0 : i32
    %c0_i32_1 = arith.constant 0 : i32
    return %c0_i32, %arg0, %c0_i32_0 : i32, i32, i32
  }
  func.func @transform_1(%arg0: i32) -> (i32, i32, i32) {
    %c0_i32 = arith.constant 0 : i32
    %c0_i32_0 = arith.constant 0 : i32
    %c0_i32_1 = arith.constant 0 : i32
    %c0_i32_2 = arith.constant 0 : i32
    return %c0_i32, %c0_i32_0, %c0_i32_1 : i32, i32, i32
  }
  func.func @transform_2(%arg0: i32) -> (i32, i32, i32) {
    %c0_i32 = arith.constant 0 : i32
    %c0_i32_0 = arith.constant 0 : i32
    %c0_i32_1 = arith.constant 0 : i32
    return %c0_i32, %arg0, %c0_i32_0 : i32, i32, i32
  }
}

module attributes {stable_mosaic.version = 14 : i64} {
  func.func @_topk_kernel(%arg0: i32, %arg1: memref<256x2048xf32, #tpu.memory_space<vmem>>, %arg2: memref<256x128xi32, #tpu.memory_space<vmem>>) attributes {dimension_semantics = [#tpu.dimension_semantics<arbitrary>], iteration_bounds = array<i64: 96>, scalar_prefetch = 0 : i64, scratch_operands = 0 : i64, tpu.core_type = #tpu.core_type<tc>, window_params = [{transform_indices = @transform_0, window_bounds = array<i64: 256, 2048>}, {transform_indices = @transform_1, window_bounds = array<i64: 256, 128>}]} {
    %get3A = arith.constant 0 : index
    %get3A_0 = arith.constant 0 : index
    %get3A_1 = vector.load %arg1[%get3A, %get3A_0] : memref<256x2048xf32, #tpu.memory_space<vmem>>, vector<256x2048xf32>
    %reduce_max3A = arith.constant dense<0xFF800000> : vector<256xf32>
    %reduce_max3A_2 = vector.multi_reduction <maximumf>, %get3A_1, %reduce_max3A [1] : vector<256x2048xf32> to vector<256xf32>
    %reduce_sum3A = arith.constant dense<0.000000e+00> : vector<256xf32>
    %reduce_sum3A_3 = vector.multi_reduction <add>, %get3A_1, %reduce_sum3A [1] : vector<256x2048xf32> to vector<256xf32>
    %mul3A = arith.constant 4.8828125E-4 : f32
    %mul3A_4 = vector.broadcast %mul3A : f32 to vector<256xf32>
    %mul3A_5 = arith.mulf %reduce_sum3A_3, %mul3A_4 : vector<256xf32>
    %mul3A_6 = arith.mulf %get3A_1, %get3A_1 : vector<256x2048xf32>
    %reduce_sum3A_7 = arith.constant dense<0.000000e+00> : vector<256xf32>
    %reduce_sum3A_8 = vector.multi_reduction <add>, %mul3A_6, %reduce_sum3A_7 [1] : vector<256x2048xf32> to vector<256xf32>
    %mul3A_9 = arith.constant 4.8828125E-4 : f32
    %mul3A_10 = vector.broadcast %mul3A_9 : f32 to vector<256xf32>
    %mul3A_11 = arith.mulf %reduce_sum3A_8, %mul3A_10 : vector<256xf32>
    %mul3A_12 = arith.mulf %mul3A_5, %mul3A_5 : vector<256xf32>
    %sub3A = arith.subf %mul3A_11, %mul3A_12 : vector<256xf32>
    %max3A = arith.constant 0.000000e+00 : f32
    %max3A_13 = vector.broadcast %max3A : f32 to vector<256xf32>
    %max3A_14 = arith.maximumf %sub3A, %max3A_13 : vector<256xf32>
    %sqrt3A = math.sqrt %max3A_14 : vector<256xf32>
    %broadcast_in_dim3A = arith.constant 0.000000e+00 : f32
    %broadcast_in_dim3A_15 = vector.broadcast %broadcast_in_dim3A : f32 to vector<256xf32>
    %broadcast_in_dim3A_16 = arith.constant 2.048000e+03 : f32
    %broadcast_in_dim3A_17 = vector.broadcast %broadcast_in_dim3A_16 : f32 to vector<256xf32>
    %broadcast_in_dim3A_18 = arith.constant 1.000000e+00 : f32
    %broadcast_in_dim3A_19 = vector.broadcast %broadcast_in_dim3A_18 : f32 to vector<256xf32>
    %broadcast_in_dim3A_20 = arith.constant 0.000000e+00 : f32
    %broadcast_in_dim3A_21 = vector.broadcast %broadcast_in_dim3A_20 : f32 to vector<256xf32>
    %broadcast_in_dim3A_22 = arith.constant false
    %broadcast_in_dim3A_23 = vector.broadcast %broadcast_in_dim3A_22 : i1 to vector<256xi1>
    %mul3A_24 = arith.constant 1.500000e+00 : f32
    %mul3A_25 = vector.broadcast %mul3A_24 : f32 to vector<256xf32>
    %mul3A_26 = arith.mulf %mul3A_25, %sqrt3A : vector<256xf32>
    %add3A = arith.addf %mul3A_5, %mul3A_26 : vector<256xf32>
    %mul3A_27 = arith.constant 5.000000e-01 : f32
    %mul3A_28 = vector.broadcast %mul3A_27 : f32 to vector<256xf32>
    %mul3A_29 = arith.mulf %reduce_max3A_2, %mul3A_28 : vector<256xf32>
    %min3A = arith.minimumf %add3A, %mul3A_29 : vector<256xf32>
    %broadcast_in_dim3A_30 = vector.shape_cast %min3A : vector<256xf32> to vector<256x1xf32>
    %ge3A = vector.broadcast %broadcast_in_dim3A_30 : vector<256x1xf32> to vector<256x2048xf32>
    %ge3A_31 = arith.cmpf oge, %get3A_1, %ge3A : vector<256x2048xf32>
    %convert_element_type3A = arith.extui %ge3A_31 : vector<256x2048xi1> to vector<256x2048xi32>
    %convert_element_type3A_32 = arith.sitofp %convert_element_type3A : vector<256x2048xi32> to vector<256x2048xf32>
    %reduce_sum3A_33 = arith.constant dense<0.000000e+00> : vector<256xf32>
    %reduce_sum3A_34 = vector.multi_reduction <add>, %convert_element_type3A_32, %reduce_sum3A_33 [1] : vector<256x2048xf32> to vector<256xf32>
    %ge3A_35 = arith.constant 1.000000e+02 : f32
    %ge3A_36 = vector.broadcast %ge3A_35 : f32 to vector<256xf32>
    %ge3A_37 = arith.cmpf oge, %reduce_sum3A_34, %ge3A_36 : vector<256xf32>
    %le3A = arith.constant 1.280000e+02 : f32
    %le3A_38 = vector.broadcast %le3A : f32 to vector<256xf32>
    %le3A_39 = arith.cmpf ole, %reduce_sum3A_34, %le3A_38 : vector<256xf32>
    %and3A = arith.andi %ge3A_37, %le3A_39 : vector<256xi1>
    %not3A = arith.constant dense<true> : vector<256xi1>
    %not3A_40 = arith.xori %broadcast_in_dim3A_23, %not3A : vector<256xi1>
    %and3A_41 = arith.andi %and3A, %not3A_40 : vector<256xi1>
    %select_n3A = arith.select %and3A_41, %min3A, %broadcast_in_dim3A_21 : vector<256xi1>, vector<256xf32>
    %gt3A = arith.constant 1.280000e+02 : f32
    %gt3A_42 = vector.broadcast %gt3A : f32 to vector<256xf32>
    %gt3A_43 = arith.cmpf ogt, %reduce_sum3A_34, %gt3A_42 : vector<256xf32>
    %or3A = arith.ori %broadcast_in_dim3A_23, %and3A : vector<256xi1>
    %not3A_44 = arith.constant dense<true> : vector<256xi1>
    %not3A_45 = arith.xori %or3A, %not3A_44 : vector<256xi1>
    %and3A_46 = arith.andi %not3A_45, %gt3A_43 : vector<256xi1>
    %select_n3A_47 = arith.select %and3A_46, %min3A, %broadcast_in_dim3A_15 : vector<256xi1>, vector<256xf32>
    %and3A_48 = arith.andi %not3A_45, %gt3A_43 : vector<256xi1>
    %select_n3A_49 = arith.select %and3A_48, %reduce_sum3A_34, %broadcast_in_dim3A_17 : vector<256xi1>, vector<256xf32>
    %not3A_50 = arith.constant dense<true> : vector<256xi1>
    %not3A_51 = arith.xori %gt3A_43, %not3A_50 : vector<256xi1>
    %and3A_52 = arith.andi %not3A_45, %not3A_51 : vector<256xi1>
    %select_n3A_53 = arith.select %and3A_52, %min3A, %reduce_max3A_2 : vector<256xi1>, vector<256xf32>
    %not3A_54 = arith.constant dense<true> : vector<256xi1>
    %not3A_55 = arith.xori %gt3A_43, %not3A_54 : vector<256xi1>
    %and3A_56 = arith.andi %not3A_45, %not3A_55 : vector<256xi1>
    %select_n3A_57 = arith.select %and3A_56, %reduce_sum3A_34, %broadcast_in_dim3A_19 : vector<256xi1>, vector<256xf32>
    %or3A_58 = arith.ori %broadcast_in_dim3A_23, %and3A : vector<256xi1>
    %sub3A_59 = arith.constant 1.140000e+02 : f32
    %sub3A_60 = vector.broadcast %sub3A_59 : f32 to vector<256xf32>
    %sub3A_61 = arith.subf %select_n3A_49, %sub3A_60 : vector<256xf32>
    %sub3A_62 = arith.subf %select_n3A_49, %select_n3A_57 : vector<256xf32>
    %max3A_63 = arith.constant 1.000000e+00 : f32
    %max3A_64 = vector.broadcast %max3A_63 : f32 to vector<256xf32>
    %max3A_65 = arith.maximumf %sub3A_62, %max3A_64 : vector<256xf32>
    %div3A = arith.divf %sub3A_61, %max3A_65 : vector<256xf32>
    %sub3A_66 = arith.subf %select_n3A_53, %select_n3A_47 : vector<256xf32>
    %jit3A = arith.constant 3.000000e-02 : f32
    %jit3A_67 = arith.constant 9.700000e-01 : f32
    %max3A_68 = vector.broadcast %jit3A : f32 to vector<256xf32>
    %max3A_69 = arith.maximumf %max3A_68, %div3A : vector<256xf32>
    %min3A_70 = vector.broadcast %jit3A_67 : f32 to vector<256xf32>
    %min3A_71 = arith.minimumf %min3A_70, %max3A_69 : vector<256xf32>
    %mul3A_72 = arith.mulf %sub3A_66, %min3A_71 : vector<256xf32>
    %add3A_73 = arith.addf %select_n3A_47, %mul3A_72 : vector<256xf32>
    %broadcast_in_dim3A_74 = vector.shape_cast %add3A_73 : vector<256xf32> to vector<256x1xf32>
    %ge3A_75 = vector.broadcast %broadcast_in_dim3A_74 : vector<256x1xf32> to vector<256x2048xf32>
    %ge3A_76 = arith.cmpf oge, %get3A_1, %ge3A_75 : vector<256x2048xf32>
    %convert_element_type3A_77 = arith.extui %ge3A_76 : vector<256x2048xi1> to vector<256x2048xi32>
    %convert_element_type3A_78 = arith.sitofp %convert_element_type3A_77 : vector<256x2048xi32> to vector<256x2048xf32>
    %reduce_sum3A_79 = arith.constant dense<0.000000e+00> : vector<256xf32>
    %reduce_sum3A_80 = vector.multi_reduction <add>, %convert_element_type3A_78, %reduce_sum3A_79 [1] : vector<256x2048xf32> to vector<256xf32>
    %ge3A_81 = arith.constant 1.000000e+02 : f32
    %ge3A_82 = vector.broadcast %ge3A_81 : f32 to vector<256xf32>
    %ge3A_83 = arith.cmpf oge, %reduce_sum3A_80, %ge3A_82 : vector<256xf32>
    %le3A_84 = arith.constant 1.280000e+02 : f32
    %le3A_85 = vector.broadcast %le3A_84 : f32 to vector<256xf32>
    %le3A_86 = arith.cmpf ole, %reduce_sum3A_80, %le3A_85 : vector<256xf32>
    %and3A_87 = arith.andi %ge3A_83, %le3A_86 : vector<256xi1>
    %not3A_88 = arith.constant dense<true> : vector<256xi1>
    %not3A_89 = arith.xori %or3A_58, %not3A_88 : vector<256xi1>
    %and3A_90 = arith.andi %and3A_87, %not3A_89 : vector<256xi1>
    %select_n3A_91 = arith.select %and3A_90, %add3A_73, %select_n3A : vector<256xi1>, vector<256xf32>
    %gt3A_92 = arith.constant 1.280000e+02 : f32
    %gt3A_93 = vector.broadcast %gt3A_92 : f32 to vector<256xf32>
    %gt3A_94 = arith.cmpf ogt, %reduce_sum3A_80, %gt3A_93 : vector<256xf32>
    %or3A_95 = arith.ori %or3A_58, %and3A_87 : vector<256xi1>
    %not3A_96 = arith.constant dense<true> : vector<256xi1>
    %not3A_97 = arith.xori %or3A_95, %not3A_96 : vector<256xi1>
    %and3A_98 = arith.andi %not3A_97, %gt3A_94 : vector<256xi1>
    %select_n3A_99 = arith.select %and3A_98, %add3A_73, %select_n3A_47 : vector<256xi1>, vector<256xf32>
    %and3A_100 = arith.andi %not3A_97, %gt3A_94 : vector<256xi1>
    %select_n3A_101 = arith.select %and3A_100, %reduce_sum3A_80, %select_n3A_49 : vector<256xi1>, vector<256xf32>
    %not3A_102 = arith.constant dense<true> : vector<256xi1>
    %not3A_103 = arith.xori %gt3A_94, %not3A_102 : vector<256xi1>
    %and3A_104 = arith.andi %not3A_97, %not3A_103 : vector<256xi1>
    %select_n3A_105 = arith.select %and3A_104, %add3A_73, %select_n3A_53 : vector<256xi1>, vector<256xf32>
    %not3A_106 = arith.constant dense<true> : vector<256xi1>
    %not3A_107 = arith.xori %gt3A_94, %not3A_106 : vector<256xi1>
    %and3A_108 = arith.andi %not3A_97, %not3A_107 : vector<256xi1>
    %select_n3A_109 = arith.select %and3A_108, %reduce_sum3A_80, %select_n3A_57 : vector<256xi1>, vector<256xf32>
    %or3A_110 = arith.ori %or3A_58, %and3A_87 : vector<256xi1>
    %add3A_111 = arith.addf %select_n3A_99, %select_n3A_105 : vector<256xf32>
    %mul3A_112 = arith.constant 5.000000e-01 : f32
    %mul3A_113 = vector.broadcast %mul3A_112 : f32 to vector<256xf32>
    %mul3A_114 = arith.mulf %mul3A_113, %add3A_111 : vector<256xf32>
    %broadcast_in_dim3A_115 = vector.shape_cast %mul3A_114 : vector<256xf32> to vector<256x1xf32>
    %ge3A_116 = vector.broadcast %broadcast_in_dim3A_115 : vector<256x1xf32> to vector<256x2048xf32>
    %ge3A_117 = arith.cmpf oge, %get3A_1, %ge3A_116 : vector<256x2048xf32>
    %convert_element_type3A_118 = arith.extui %ge3A_117 : vector<256x2048xi1> to vector<256x2048xi32>
    %convert_element_type3A_119 = arith.sitofp %convert_element_type3A_118 : vector<256x2048xi32> to vector<256x2048xf32>
    %reduce_sum3A_120 = arith.constant dense<0.000000e+00> : vector<256xf32>
    %reduce_sum3A_121 = vector.multi_reduction <add>, %convert_element_type3A_119, %reduce_sum3A_120 [1] : vector<256x2048xf32> to vector<256xf32>
    %ge3A_122 = arith.constant 1.000000e+02 : f32
    %ge3A_123 = vector.broadcast %ge3A_122 : f32 to vector<256xf32>
    %ge3A_124 = arith.cmpf oge, %reduce_sum3A_121, %ge3A_123 : vector<256xf32>
    %le3A_125 = arith.constant 1.280000e+02 : f32
    %le3A_126 = vector.broadcast %le3A_125 : f32 to vector<256xf32>
    %le3A_127 = arith.cmpf ole, %reduce_sum3A_121, %le3A_126 : vector<256xf32>
    %and3A_128 = arith.andi %ge3A_124, %le3A_127 : vector<256xi1>
    %not3A_129 = arith.constant dense<true> : vector<256xi1>
    %not3A_130 = arith.xori %or3A_110, %not3A_129 : vector<256xi1>
    %and3A_131 = arith.andi %and3A_128, %not3A_130 : vector<256xi1>
    %select_n3A_132 = arith.select %and3A_131, %mul3A_114, %select_n3A_91 : vector<256xi1>, vector<256xf32>
    %gt3A_133 = arith.constant 1.280000e+02 : f32
    %gt3A_134 = vector.broadcast %gt3A_133 : f32 to vector<256xf32>
    %gt3A_135 = arith.cmpf ogt, %reduce_sum3A_121, %gt3A_134 : vector<256xf32>
    %or3A_136 = arith.ori %or3A_110, %and3A_128 : vector<256xi1>
    %not3A_137 = arith.constant dense<true> : vector<256xi1>
    %not3A_138 = arith.xori %or3A_136, %not3A_137 : vector<256xi1>
    %and3A_139 = arith.andi %not3A_138, %gt3A_135 : vector<256xi1>
    %select_n3A_140 = arith.select %and3A_139, %mul3A_114, %select_n3A_99 : vector<256xi1>, vector<256xf32>
    %and3A_141 = arith.andi %not3A_138, %gt3A_135 : vector<256xi1>
    %select_n3A_142 = arith.select %and3A_141, %reduce_sum3A_121, %select_n3A_101 : vector<256xi1>, vector<256xf32>
    %not3A_143 = arith.constant dense<true> : vector<256xi1>
    %not3A_144 = arith.xori %gt3A_135, %not3A_143 : vector<256xi1>
    %and3A_145 = arith.andi %not3A_138, %not3A_144 : vector<256xi1>
    %select_n3A_146 = arith.select %and3A_145, %mul3A_114, %select_n3A_105 : vector<256xi1>, vector<256xf32>
    %not3A_147 = arith.constant dense<true> : vector<256xi1>
    %not3A_148 = arith.xori %gt3A_135, %not3A_147 : vector<256xi1>
    %and3A_149 = arith.andi %not3A_138, %not3A_148 : vector<256xi1>
    %select_n3A_150 = arith.select %and3A_149, %reduce_sum3A_121, %select_n3A_109 : vector<256xi1>, vector<256xf32>
    %or3A_151 = arith.ori %or3A_110, %and3A_128 : vector<256xi1>
    %sub3A_152 = arith.constant 1.140000e+02 : f32
    %sub3A_153 = vector.broadcast %sub3A_152 : f32 to vector<256xf32>
    %sub3A_154 = arith.subf %select_n3A_142, %sub3A_153 : vector<256xf32>
    %sub3A_155 = arith.subf %select_n3A_142, %select_n3A_150 : vector<256xf32>
    %max3A_156 = arith.constant 1.000000e+00 : f32
    %max3A_157 = vector.broadcast %max3A_156 : f32 to vector<256xf32>
    %max3A_158 = arith.maximumf %sub3A_155, %max3A_157 : vector<256xf32>
    %div3A_159 = arith.divf %sub3A_154, %max3A_158 : vector<256xf32>
    %sub3A_160 = arith.subf %select_n3A_146, %select_n3A_140 : vector<256xf32>
    %jit3A_161 = arith.constant 3.000000e-02 : f32
    %jit3A_162 = arith.constant 9.700000e-01 : f32
    %max3A_163 = vector.broadcast %jit3A_161 : f32 to vector<256xf32>
    %max3A_164 = arith.maximumf %max3A_163, %div3A_159 : vector<256xf32>
    %min3A_165 = vector.broadcast %jit3A_162 : f32 to vector<256xf32>
    %min3A_166 = arith.minimumf %min3A_165, %max3A_164 : vector<256xf32>
    %mul3A_167 = arith.mulf %sub3A_160, %min3A_166 : vector<256xf32>
    %add3A_168 = arith.addf %select_n3A_140, %mul3A_167 : vector<256xf32>
    %broadcast_in_dim3A_169 = vector.shape_cast %add3A_168 : vector<256xf32> to vector<256x1xf32>
    %ge3A_170 = vector.broadcast %broadcast_in_dim3A_169 : vector<256x1xf32> to vector<256x2048xf32>
    %ge3A_171 = arith.cmpf oge, %get3A_1, %ge3A_170 : vector<256x2048xf32>
    %convert_element_type3A_172 = arith.extui %ge3A_171 : vector<256x2048xi1> to vector<256x2048xi32>
    %convert_element_type3A_173 = arith.sitofp %convert_element_type3A_172 : vector<256x2048xi32> to vector<256x2048xf32>
    %reduce_sum3A_174 = arith.constant dense<0.000000e+00> : vector<256xf32>
    %reduce_sum3A_175 = vector.multi_reduction <add>, %convert_element_type3A_173, %reduce_sum3A_174 [1] : vector<256x2048xf32> to vector<256xf32>
    %ge3A_176 = arith.constant 1.000000e+02 : f32
    %ge3A_177 = vector.broadcast %ge3A_176 : f32 to vector<256xf32>
    %ge3A_178 = arith.cmpf oge, %reduce_sum3A_175, %ge3A_177 : vector<256xf32>
    %le3A_179 = arith.constant 1.280000e+02 : f32
    %le3A_180 = vector.broadcast %le3A_179 : f32 to vector<256xf32>
    %le3A_181 = arith.cmpf ole, %reduce_sum3A_175, %le3A_180 : vector<256xf32>
    %and3A_182 = arith.andi %ge3A_178, %le3A_181 : vector<256xi1>
    %not3A_183 = arith.constant dense<true> : vector<256xi1>
    %not3A_184 = arith.xori %or3A_151, %not3A_183 : vector<256xi1>
    %and3A_185 = arith.andi %and3A_182, %not3A_184 : vector<256xi1>
    %select_n3A_186 = arith.select %and3A_185, %add3A_168, %select_n3A_132 : vector<256xi1>, vector<256xf32>
    %gt3A_187 = arith.constant 1.280000e+02 : f32
    %gt3A_188 = vector.broadcast %gt3A_187 : f32 to vector<256xf32>
    %gt3A_189 = arith.cmpf ogt, %reduce_sum3A_175, %gt3A_188 : vector<256xf32>
    %or3A_190 = arith.ori %or3A_151, %and3A_182 : vector<256xi1>
    %not3A_191 = arith.constant dense<true> : vector<256xi1>
    %not3A_192 = arith.xori %or3A_190, %not3A_191 : vector<256xi1>
    %and3A_193 = arith.andi %not3A_192, %gt3A_189 : vector<256xi1>
    %select_n3A_194 = arith.select %and3A_193, %add3A_168, %select_n3A_140 : vector<256xi1>, vector<256xf32>
    %and3A_195 = arith.andi %not3A_192, %gt3A_189 : vector<256xi1>
    %select_n3A_196 = arith.select %and3A_195, %reduce_sum3A_175, %select_n3A_142 : vector<256xi1>, vector<256xf32>
    %not3A_197 = arith.constant dense<true> : vector<256xi1>
    %not3A_198 = arith.xori %gt3A_189, %not3A_197 : vector<256xi1>
    %and3A_199 = arith.andi %not3A_192, %not3A_198 : vector<256xi1>
    %select_n3A_200 = arith.select %and3A_199, %add3A_168, %select_n3A_146 : vector<256xi1>, vector<256xf32>
    %not3A_201 = arith.constant dense<true> : vector<256xi1>
    %not3A_202 = arith.xori %gt3A_189, %not3A_201 : vector<256xi1>
    %and3A_203 = arith.andi %not3A_192, %not3A_202 : vector<256xi1>
    %select_n3A_204 = arith.select %and3A_203, %reduce_sum3A_175, %select_n3A_150 : vector<256xi1>, vector<256xf32>
    %or3A_205 = arith.ori %or3A_151, %and3A_182 : vector<256xi1>
    %add3A_206 = arith.addf %select_n3A_194, %select_n3A_200 : vector<256xf32>
    %mul3A_207 = arith.constant 5.000000e-01 : f32
    %mul3A_208 = vector.broadcast %mul3A_207 : f32 to vector<256xf32>
    %mul3A_209 = arith.mulf %mul3A_208, %add3A_206 : vector<256xf32>
    %broadcast_in_dim3A_210 = vector.shape_cast %mul3A_209 : vector<256xf32> to vector<256x1xf32>
    %ge3A_211 = vector.broadcast %broadcast_in_dim3A_210 : vector<256x1xf32> to vector<256x2048xf32>
    %ge3A_212 = arith.cmpf oge, %get3A_1, %ge3A_211 : vector<256x2048xf32>
    %convert_element_type3A_213 = arith.extui %ge3A_212 : vector<256x2048xi1> to vector<256x2048xi32>
    %convert_element_type3A_214 = arith.sitofp %convert_element_type3A_213 : vector<256x2048xi32> to vector<256x2048xf32>
    %reduce_sum3A_215 = arith.constant dense<0.000000e+00> : vector<256xf32>
    %reduce_sum3A_216 = vector.multi_reduction <add>, %convert_element_type3A_214, %reduce_sum3A_215 [1] : vector<256x2048xf32> to vector<256xf32>
    %ge3A_217 = arith.constant 1.000000e+02 : f32
    %ge3A_218 = vector.broadcast %ge3A_217 : f32 to vector<256xf32>
    %ge3A_219 = arith.cmpf oge, %reduce_sum3A_216, %ge3A_218 : vector<256xf32>
    %le3A_220 = arith.constant 1.280000e+02 : f32
    %le3A_221 = vector.broadcast %le3A_220 : f32 to vector<256xf32>
    %le3A_222 = arith.cmpf ole, %reduce_sum3A_216, %le3A_221 : vector<256xf32>
    %and3A_223 = arith.andi %ge3A_219, %le3A_222 : vector<256xi1>
    %not3A_224 = arith.constant dense<true> : vector<256xi1>
    %not3A_225 = arith.xori %or3A_205, %not3A_224 : vector<256xi1>
    %and3A_226 = arith.andi %and3A_223, %not3A_225 : vector<256xi1>
    %select_n3A_227 = arith.select %and3A_226, %mul3A_209, %select_n3A_186 : vector<256xi1>, vector<256xf32>
    %gt3A_228 = arith.constant 1.280000e+02 : f32
    %gt3A_229 = vector.broadcast %gt3A_228 : f32 to vector<256xf32>
    %gt3A_230 = arith.cmpf ogt, %reduce_sum3A_216, %gt3A_229 : vector<256xf32>
    %or3A_231 = arith.ori %or3A_205, %and3A_223 : vector<256xi1>
    %not3A_232 = arith.constant dense<true> : vector<256xi1>
    %not3A_233 = arith.xori %or3A_231, %not3A_232 : vector<256xi1>
    %and3A_234 = arith.andi %not3A_233, %gt3A_230 : vector<256xi1>
    %select_n3A_235 = arith.select %and3A_234, %mul3A_209, %select_n3A_194 : vector<256xi1>, vector<256xf32>
    %and3A_236 = arith.andi %not3A_233, %gt3A_230 : vector<256xi1>
    %select_n3A_237 = arith.select %and3A_236, %reduce_sum3A_216, %select_n3A_196 : vector<256xi1>, vector<256xf32>
    %not3A_238 = arith.constant dense<true> : vector<256xi1>
    %not3A_239 = arith.xori %gt3A_230, %not3A_238 : vector<256xi1>
    %and3A_240 = arith.andi %not3A_233, %not3A_239 : vector<256xi1>
    %select_n3A_241 = arith.select %and3A_240, %mul3A_209, %select_n3A_200 : vector<256xi1>, vector<256xf32>
    %not3A_242 = arith.constant dense<true> : vector<256xi1>
    %not3A_243 = arith.xori %gt3A_230, %not3A_242 : vector<256xi1>
    %and3A_244 = arith.andi %not3A_233, %not3A_243 : vector<256xi1>
    %select_n3A_245 = arith.select %and3A_244, %reduce_sum3A_216, %select_n3A_204 : vector<256xi1>, vector<256xf32>
    %or3A_246 = arith.ori %or3A_205, %and3A_223 : vector<256xi1>
    %sub3A_247 = arith.constant 1.140000e+02 : f32
    %sub3A_248 = vector.broadcast %sub3A_247 : f32 to vector<256xf32>
    %sub3A_249 = arith.subf %select_n3A_237, %sub3A_248 : vector<256xf32>
    %sub3A_250 = arith.subf %select_n3A_237, %select_n3A_245 : vector<256xf32>
    %max3A_251 = arith.constant 1.000000e+00 : f32
    %max3A_252 = vector.broadcast %max3A_251 : f32 to vector<256xf32>
    %max3A_253 = arith.maximumf %sub3A_250, %max3A_252 : vector<256xf32>
    %div3A_254 = arith.divf %sub3A_249, %max3A_253 : vector<256xf32>
    %sub3A_255 = arith.subf %select_n3A_241, %select_n3A_235 : vector<256xf32>
    %jit3A_256 = arith.constant 3.000000e-02 : f32
    %jit3A_257 = arith.constant 9.700000e-01 : f32
    %max3A_258 = vector.broadcast %jit3A_256 : f32 to vector<256xf32>
    %max3A_259 = arith.maximumf %max3A_258, %div3A_254 : vector<256xf32>
    %min3A_260 = vector.broadcast %jit3A_257 : f32 to vector<256xf32>
    %min3A_261 = arith.minimumf %min3A_260, %max3A_259 : vector<256xf32>
    %mul3A_262 = arith.mulf %sub3A_255, %min3A_261 : vector<256xf32>
    %add3A_263 = arith.addf %select_n3A_235, %mul3A_262 : vector<256xf32>
    %broadcast_in_dim3A_264 = vector.shape_cast %add3A_263 : vector<256xf32> to vector<256x1xf32>
    %ge3A_265 = vector.broadcast %broadcast_in_dim3A_264 : vector<256x1xf32> to vector<256x2048xf32>
    %ge3A_266 = arith.cmpf oge, %get3A_1, %ge3A_265 : vector<256x2048xf32>
    %convert_element_type3A_267 = arith.extui %ge3A_266 : vector<256x2048xi1> to vector<256x2048xi32>
    %convert_element_type3A_268 = arith.sitofp %convert_element_type3A_267 : vector<256x2048xi32> to vector<256x2048xf32>
    %reduce_sum3A_269 = arith.constant dense<0.000000e+00> : vector<256xf32>
    %reduce_sum3A_270 = vector.multi_reduction <add>, %convert_element_type3A_268, %reduce_sum3A_269 [1] : vector<256x2048xf32> to vector<256xf32>
    %ge3A_271 = arith.constant 1.000000e+02 : f32
    %ge3A_272 = vector.broadcast %ge3A_271 : f32 to vector<256xf32>
    %ge3A_273 = arith.cmpf oge, %reduce_sum3A_270, %ge3A_272 : vector<256xf32>
    %le3A_274 = arith.constant 1.280000e+02 : f32
    %le3A_275 = vector.broadcast %le3A_274 : f32 to vector<256xf32>
    %le3A_276 = arith.cmpf ole, %reduce_sum3A_270, %le3A_275 : vector<256xf32>
    %and3A_277 = arith.andi %ge3A_273, %le3A_276 : vector<256xi1>
    %not3A_278 = arith.constant dense<true> : vector<256xi1>
    %not3A_279 = arith.xori %or3A_246, %not3A_278 : vector<256xi1>
    %and3A_280 = arith.andi %and3A_277, %not3A_279 : vector<256xi1>
    %select_n3A_281 = arith.select %and3A_280, %add3A_263, %select_n3A_227 : vector<256xi1>, vector<256xf32>
    %gt3A_282 = arith.constant 1.280000e+02 : f32
    %gt3A_283 = vector.broadcast %gt3A_282 : f32 to vector<256xf32>
    %gt3A_284 = arith.cmpf ogt, %reduce_sum3A_270, %gt3A_283 : vector<256xf32>
    %or3A_285 = arith.ori %or3A_246, %and3A_277 : vector<256xi1>
    %not3A_286 = arith.constant dense<true> : vector<256xi1>
    %not3A_287 = arith.xori %or3A_285, %not3A_286 : vector<256xi1>
    %and3A_288 = arith.andi %not3A_287, %gt3A_284 : vector<256xi1>
    %select_n3A_289 = arith.select %and3A_288, %add3A_263, %select_n3A_235 : vector<256xi1>, vector<256xf32>
    %and3A_290 = arith.andi %not3A_287, %gt3A_284 : vector<256xi1>
    %select_n3A_291 = arith.select %and3A_290, %reduce_sum3A_270, %select_n3A_237 : vector<256xi1>, vector<256xf32>
    %not3A_292 = arith.constant dense<true> : vector<256xi1>
    %not3A_293 = arith.xori %gt3A_284, %not3A_292 : vector<256xi1>
    %and3A_294 = arith.andi %not3A_287, %not3A_293 : vector<256xi1>
    %select_n3A_295 = arith.select %and3A_294, %add3A_263, %select_n3A_241 : vector<256xi1>, vector<256xf32>
    %not3A_296 = arith.constant dense<true> : vector<256xi1>
    %not3A_297 = arith.xori %gt3A_284, %not3A_296 : vector<256xi1>
    %and3A_298 = arith.andi %not3A_287, %not3A_297 : vector<256xi1>
    %select_n3A_299 = arith.select %and3A_298, %reduce_sum3A_270, %select_n3A_245 : vector<256xi1>, vector<256xf32>
    %or3A_300 = arith.ori %or3A_246, %and3A_277 : vector<256xi1>
    %add3A_301 = arith.addf %select_n3A_289, %select_n3A_295 : vector<256xf32>
    %mul3A_302 = arith.constant 5.000000e-01 : f32
    %mul3A_303 = vector.broadcast %mul3A_302 : f32 to vector<256xf32>
    %mul3A_304 = arith.mulf %mul3A_303, %add3A_301 : vector<256xf32>
    %broadcast_in_dim3A_305 = vector.shape_cast %mul3A_304 : vector<256xf32> to vector<256x1xf32>
    %ge3A_306 = vector.broadcast %broadcast_in_dim3A_305 : vector<256x1xf32> to vector<256x2048xf32>
    %ge3A_307 = arith.cmpf oge, %get3A_1, %ge3A_306 : vector<256x2048xf32>
    %convert_element_type3A_308 = arith.extui %ge3A_307 : vector<256x2048xi1> to vector<256x2048xi32>
    %convert_element_type3A_309 = arith.sitofp %convert_element_type3A_308 : vector<256x2048xi32> to vector<256x2048xf32>
    %reduce_sum3A_310 = arith.constant dense<0.000000e+00> : vector<256xf32>
    %reduce_sum3A_311 = vector.multi_reduction <add>, %convert_element_type3A_309, %reduce_sum3A_310 [1] : vector<256x2048xf32> to vector<256xf32>
    %ge3A_312 = arith.constant 1.000000e+02 : f32
    %ge3A_313 = vector.broadcast %ge3A_312 : f32 to vector<256xf32>
    %ge3A_314 = arith.cmpf oge, %reduce_sum3A_311, %ge3A_313 : vector<256xf32>
    %le3A_315 = arith.constant 1.280000e+02 : f32
    %le3A_316 = vector.broadcast %le3A_315 : f32 to vector<256xf32>
    %le3A_317 = arith.cmpf ole, %reduce_sum3A_311, %le3A_316 : vector<256xf32>
    %and3A_318 = arith.andi %ge3A_314, %le3A_317 : vector<256xi1>
    %not3A_319 = arith.constant dense<true> : vector<256xi1>
    %not3A_320 = arith.xori %or3A_300, %not3A_319 : vector<256xi1>
    %and3A_321 = arith.andi %and3A_318, %not3A_320 : vector<256xi1>
    %select_n3A_322 = arith.select %and3A_321, %mul3A_304, %select_n3A_281 : vector<256xi1>, vector<256xf32>
    %gt3A_323 = arith.constant 1.280000e+02 : f32
    %gt3A_324 = vector.broadcast %gt3A_323 : f32 to vector<256xf32>
    %gt3A_325 = arith.cmpf ogt, %reduce_sum3A_311, %gt3A_324 : vector<256xf32>
    %or3A_326 = arith.ori %or3A_300, %and3A_318 : vector<256xi1>
    %not3A_327 = arith.constant dense<true> : vector<256xi1>
    %not3A_328 = arith.xori %or3A_326, %not3A_327 : vector<256xi1>
    %and3A_329 = arith.andi %not3A_328, %gt3A_325 : vector<256xi1>
    %select_n3A_330 = arith.select %and3A_329, %mul3A_304, %select_n3A_289 : vector<256xi1>, vector<256xf32>
    %and3A_331 = arith.andi %not3A_328, %gt3A_325 : vector<256xi1>
    %select_n3A_332 = arith.select %and3A_331, %reduce_sum3A_311, %select_n3A_291 : vector<256xi1>, vector<256xf32>
    %not3A_333 = arith.constant dense<true> : vector<256xi1>
    %not3A_334 = arith.xori %gt3A_325, %not3A_333 : vector<256xi1>
    %and3A_335 = arith.andi %not3A_328, %not3A_334 : vector<256xi1>
    %select_n3A_336 = arith.select %and3A_335, %mul3A_304, %select_n3A_295 : vector<256xi1>, vector<256xf32>
    %not3A_337 = arith.constant dense<true> : vector<256xi1>
    %not3A_338 = arith.xori %gt3A_325, %not3A_337 : vector<256xi1>
    %and3A_339 = arith.andi %not3A_328, %not3A_338 : vector<256xi1>
    %select_n3A_340 = arith.select %and3A_339, %reduce_sum3A_311, %select_n3A_299 : vector<256xi1>, vector<256xf32>
    %or3A_341 = arith.ori %or3A_300, %and3A_318 : vector<256xi1>
    %sub3A_342 = arith.constant 1.140000e+02 : f32
    %sub3A_343 = vector.broadcast %sub3A_342 : f32 to vector<256xf32>
    %sub3A_344 = arith.subf %select_n3A_332, %sub3A_343 : vector<256xf32>
    %sub3A_345 = arith.subf %select_n3A_332, %select_n3A_340 : vector<256xf32>
    %max3A_346 = arith.constant 1.000000e+00 : f32
    %max3A_347 = vector.broadcast %max3A_346 : f32 to vector<256xf32>
    %max3A_348 = arith.maximumf %sub3A_345, %max3A_347 : vector<256xf32>
    %div3A_349 = arith.divf %sub3A_344, %max3A_348 : vector<256xf32>
    %sub3A_350 = arith.subf %select_n3A_336, %select_n3A_330 : vector<256xf32>
    %jit3A_351 = arith.constant 3.000000e-02 : f32
    %jit3A_352 = arith.constant 9.700000e-01 : f32
    %max3A_353 = vector.broadcast %jit3A_351 : f32 to vector<256xf32>
    %max3A_354 = arith.maximumf %max3A_353, %div3A_349 : vector<256xf32>
    %min3A_355 = vector.broadcast %jit3A_352 : f32 to vector<256xf32>
    %min3A_356 = arith.minimumf %min3A_355, %max3A_354 : vector<256xf32>
    %mul3A_357 = arith.mulf %sub3A_350, %min3A_356 : vector<256xf32>
    %add3A_358 = arith.addf %select_n3A_330, %mul3A_357 : vector<256xf32>
    %broadcast_in_dim3A_359 = vector.shape_cast %add3A_358 : vector<256xf32> to vector<256x1xf32>
    %ge3A_360 = vector.broadcast %broadcast_in_dim3A_359 : vector<256x1xf32> to vector<256x2048xf32>
    %ge3A_361 = arith.cmpf oge, %get3A_1, %ge3A_360 : vector<256x2048xf32>
    %convert_element_type3A_362 = arith.extui %ge3A_361 : vector<256x2048xi1> to vector<256x2048xi32>
    %convert_element_type3A_363 = arith.sitofp %convert_element_type3A_362 : vector<256x2048xi32> to vector<256x2048xf32>
    %reduce_sum3A_364 = arith.constant dense<0.000000e+00> : vector<256xf32>
    %reduce_sum3A_365 = vector.multi_reduction <add>, %convert_element_type3A_363, %reduce_sum3A_364 [1] : vector<256x2048xf32> to vector<256xf32>
    %ge3A_366 = arith.constant 1.000000e+02 : f32
    %ge3A_367 = vector.broadcast %ge3A_366 : f32 to vector<256xf32>
    %ge3A_368 = arith.cmpf oge, %reduce_sum3A_365, %ge3A_367 : vector<256xf32>
    %le3A_369 = arith.constant 1.280000e+02 : f32
    %le3A_370 = vector.broadcast %le3A_369 : f32 to vector<256xf32>
    %le3A_371 = arith.cmpf ole, %reduce_sum3A_365, %le3A_370 : vector<256xf32>
    %and3A_372 = arith.andi %ge3A_368, %le3A_371 : vector<256xi1>
    %not3A_373 = arith.constant dense<true> : vector<256xi1>
    %not3A_374 = arith.xori %or3A_341, %not3A_373 : vector<256xi1>
    %and3A_375 = arith.andi %and3A_372, %not3A_374 : vector<256xi1>
    %select_n3A_376 = arith.select %and3A_375, %add3A_358, %select_n3A_322 : vector<256xi1>, vector<256xf32>
    %gt3A_377 = arith.constant 1.280000e+02 : f32
    %gt3A_378 = vector.broadcast %gt3A_377 : f32 to vector<256xf32>
    %gt3A_379 = arith.cmpf ogt, %reduce_sum3A_365, %gt3A_378 : vector<256xf32>
    %or3A_380 = arith.ori %or3A_341, %and3A_372 : vector<256xi1>
    %not3A_381 = arith.constant dense<true> : vector<256xi1>
    %not3A_382 = arith.xori %or3A_380, %not3A_381 : vector<256xi1>
    %and3A_383 = arith.andi %not3A_382, %gt3A_379 : vector<256xi1>
    %select_n3A_384 = arith.select %and3A_383, %add3A_358, %select_n3A_330 : vector<256xi1>, vector<256xf32>
    %or3A_385 = arith.ori %or3A_341, %and3A_372 : vector<256xi1>
    %select_n3A_386 = arith.select %or3A_385, %select_n3A_376, %select_n3A_384 : vector<256xi1>, vector<256xf32>
    %broadcast_in_dim3A_387 = vector.shape_cast %select_n3A_386 : vector<256xf32> to vector<256x1xf32>
    %ge3A_388 = vector.broadcast %broadcast_in_dim3A_387 : vector<256x1xf32> to vector<256x2048xf32>
    %ge3A_389 = arith.cmpf oge, %get3A_1, %ge3A_388 : vector<256x2048xf32>
    %convert_element_type3A_390 = arith.extui %ge3A_389 : vector<256x2048xi1> to vector<256x2048xi32>
    %convert_element_type3A_391 = arith.sitofp %convert_element_type3A_390 : vector<256x2048xi32> to vector<256x2048xf32>
    %iota3A = tpu.iota {dimensions = array<i32: 0>} : vector<128x128xi32>
    %iota3A_392 = tpu.iota {dimensions = array<i32: 1>} : vector<128x128xi32>
    %le3A_393 = arith.cmpi sle, %iota3A, %iota3A_392 : vector<128x128xi32>
    %convert_element_type3A_394 = arith.extui %le3A_393 : vector<128x128xi1> to vector<128x128xi32>
    %convert_element_type3A_395 = arith.sitofp %convert_element_type3A_394 : vector<128x128xi32> to vector<128x128xf32>
    %reshape3A = vector.shape_cast %convert_element_type3A_391 : vector<256x2048xf32> to vector<4096x128xf32>
    %dot_general3A = arith.constant dense<0.000000e+00> : vector<4096x128xf32>
    %dot_general3A_396 = tpu.matmul %reshape3A, %convert_element_type3A_395, %dot_general3A {dimension_numbers = #tpu.dot_dimension_numbers<[1], [0], [0], [1], [0, 0, 1, 1], [], []>, transpose_lhs_hint = false} : vector<4096x128xf32>, vector<128x128xf32>, vector<4096x128xf32> -> vector<4096x128xf32>
    %reshape3A_397 = vector.shape_cast %dot_general3A_396 : vector<4096x128xf32> to vector<256x16x128xf32>
    %slice3A = vector.extract_strided_slice %reshape3A_397 {offsets = [0, 0, 127], sizes = [256, 16, 1], strides = [1, 1, 1]} : vector<256x16x128xf32> to vector<256x16x1xf32>
    %squeeze3A = vector.shape_cast %slice3A : vector<256x16x1xf32> to vector<256x16xf32>
    %iota3A_398 = tpu.iota {dimensions = array<i32: 1>} : vector<256x16xi32>
    %ge3A_399 = arith.constant 1 : i32
    %ge3A_400 = vector.broadcast %ge3A_399 : i32 to vector<256x16xi32>
    %ge3A_401 = arith.cmpi sge, %iota3A_398, %ge3A_400 : vector<256x16xi32>
    %slice3A_402 = vector.extract_strided_slice %squeeze3A {offsets = [0, 15], sizes = [256, 1], strides = [1, 1]} : vector<256x16xf32> to vector<256x1xf32>
    %slice3A_403 = vector.extract_strided_slice %squeeze3A {offsets = [0, 0], sizes = [256, 15], strides = [1, 1]} : vector<256x16xf32> to vector<256x15xf32>
    %concatenate3A = tpu.concatenate %slice3A_402, %slice3A_403 in 1 : vector<256x1xf32>, vector<256x15xf32> -> vector<256x16xf32>
    %jit3A_404 = arith.constant 0.000000e+00 : f32
    %broadcast_in_dim3A_405 = vector.broadcast %jit3A_404 : f32 to vector<256x16xf32>
    %select_n3A_406 = arith.select %ge3A_401, %concatenate3A, %broadcast_in_dim3A_405 : vector<256x16xi1>, vector<256x16xf32>
    %add3A_407 = arith.addf %squeeze3A, %select_n3A_406 : vector<256x16xf32>
    %ge3A_408 = arith.constant 2 : i32
    %ge3A_409 = vector.broadcast %ge3A_408 : i32 to vector<256x16xi32>
    %ge3A_410 = arith.cmpi sge, %iota3A_398, %ge3A_409 : vector<256x16xi32>
    %slice3A_411 = vector.extract_strided_slice %add3A_407 {offsets = [0, 14], sizes = [256, 2], strides = [1, 1]} : vector<256x16xf32> to vector<256x2xf32>
    %slice3A_412 = vector.extract_strided_slice %add3A_407 {offsets = [0, 0], sizes = [256, 14], strides = [1, 1]} : vector<256x16xf32> to vector<256x14xf32>
    %concatenate3A_413 = tpu.concatenate %slice3A_411, %slice3A_412 in 1 : vector<256x2xf32>, vector<256x14xf32> -> vector<256x16xf32>
    %jit3A_414 = arith.constant 0.000000e+00 : f32
    %broadcast_in_dim3A_415 = vector.broadcast %jit3A_414 : f32 to vector<256x16xf32>
    %select_n3A_416 = arith.select %ge3A_410, %concatenate3A_413, %broadcast_in_dim3A_415 : vector<256x16xi1>, vector<256x16xf32>
    %add3A_417 = arith.addf %add3A_407, %select_n3A_416 : vector<256x16xf32>
    %ge3A_418 = arith.constant 4 : i32
    %ge3A_419 = vector.broadcast %ge3A_418 : i32 to vector<256x16xi32>
    %ge3A_420 = arith.cmpi sge, %iota3A_398, %ge3A_419 : vector<256x16xi32>
    %slice3A_421 = vector.extract_strided_slice %add3A_417 {offsets = [0, 12], sizes = [256, 4], strides = [1, 1]} : vector<256x16xf32> to vector<256x4xf32>
    %slice3A_422 = vector.extract_strided_slice %add3A_417 {offsets = [0, 0], sizes = [256, 12], strides = [1, 1]} : vector<256x16xf32> to vector<256x12xf32>
    %concatenate3A_423 = tpu.concatenate %slice3A_421, %slice3A_422 in 1 : vector<256x4xf32>, vector<256x12xf32> -> vector<256x16xf32>
    %jit3A_424 = arith.constant 0.000000e+00 : f32
    %broadcast_in_dim3A_425 = vector.broadcast %jit3A_424 : f32 to vector<256x16xf32>
    %select_n3A_426 = arith.select %ge3A_420, %concatenate3A_423, %broadcast_in_dim3A_425 : vector<256x16xi1>, vector<256x16xf32>
    %add3A_427 = arith.addf %add3A_417, %select_n3A_426 : vector<256x16xf32>
    %ge3A_428 = arith.constant 8 : i32
    %ge3A_429 = vector.broadcast %ge3A_428 : i32 to vector<256x16xi32>
    %ge3A_430 = arith.cmpi sge, %iota3A_398, %ge3A_429 : vector<256x16xi32>
    %slice3A_431 = vector.extract_strided_slice %add3A_427 {offsets = [0, 8], sizes = [256, 8], strides = [1, 1]} : vector<256x16xf32> to vector<256x8xf32>
    %slice3A_432 = vector.extract_strided_slice %add3A_427 {offsets = [0, 0], sizes = [256, 8], strides = [1, 1]} : vector<256x16xf32> to vector<256x8xf32>
    %concatenate3A_433 = tpu.concatenate %slice3A_431, %slice3A_432 in 1 : vector<256x8xf32>, vector<256x8xf32> -> vector<256x16xf32>
    %jit3A_434 = arith.constant 0.000000e+00 : f32
    %broadcast_in_dim3A_435 = vector.broadcast %jit3A_434 : f32 to vector<256x16xf32>
    %select_n3A_436 = arith.select %ge3A_430, %concatenate3A_433, %broadcast_in_dim3A_435 : vector<256x16xi1>, vector<256x16xf32>
    %add3A_437 = arith.addf %add3A_427, %select_n3A_436 : vector<256x16xf32>
    %sub3A_438 = arith.subf %add3A_437, %squeeze3A : vector<256x16xf32>
    %reshape3A_439 = vector.shape_cast %reshape3A_397 : vector<256x16x128xf32> to vector<256x2048xf32>
    %slice3A_440 = vector.extract_strided_slice %add3A_437 {offsets = [0, 15], sizes = [256, 1], strides = [1, 1]} : vector<256x16xf32> to vector<256x1xf32>
    %squeeze3A_441 = vector.shape_cast %slice3A_440 : vector<256x1xf32> to vector<256xf32>
    %broadcast_in_dim3A_442 = arith.constant 1.000000e+09 : f32
    %broadcast_in_dim3A_443 = vector.broadcast %broadcast_in_dim3A_442 : f32 to vector<256x112xf32>
    %concatenate3A_444 = tpu.concatenate %add3A_437, %broadcast_in_dim3A_443 in 1 : vector<256x16xf32>, vector<256x112xf32> -> vector<256x128xf32>
    %concatenate3A_445 = tpu.concatenate %sub3A_438, %broadcast_in_dim3A_443 in 1 : vector<256x16xf32>, vector<256x112xf32> -> vector<256x128xf32>
    %iota3A_446 = tpu.iota {dimensions = array<i32: 1>} : vector<256x128xi32>
    %add3A_447 = arith.constant 1 : i32
    %add3A_448 = vector.broadcast %add3A_447 : i32 to vector<256x128xi32>
    %add3A_449 = arith.addi %iota3A_446, %add3A_448 : vector<256x128xi32>
    %convert_element_type3A_450 = arith.sitofp %add3A_449 : vector<256x128xi32> to vector<256x128xf32>
    %broadcast_in_dim3A_451 = arith.constant 0 : i32
    %broadcast_in_dim3A_452 = vector.broadcast %broadcast_in_dim3A_451 : i32 to vector<256x128xi32>
    %add3A_453 = arith.constant 8 : i32
    %add3A_454 = vector.broadcast %add3A_453 : i32 to vector<256x128xi32>
    %add3A_455 = arith.addi %broadcast_in_dim3A_452, %add3A_454 : vector<256x128xi32>
    %sub3A_456 = arith.constant 1 : i32
    %sub3A_457 = vector.broadcast %sub3A_456 : i32 to vector<256x128xi32>
    %sub3A_458 = arith.subi %add3A_455, %sub3A_457 : vector<256x128xi32>
    %reshape3A_459 = vector.shape_cast %sub3A_458 : vector<256x128xi32> to vector<256x128x1xi32>
    %gather3A = vector.shape_cast %reshape3A_459 : vector<256x128x1xi32> to vector<256x128xi32>
    %gather3A_460 = tpu.dynamic_gather %concatenate3A_444[%gather3A] in [1] : vector<256x128xf32>, vector<256x128xi32> -> vector<256x128xf32>
    %lt3A = arith.cmpf olt, %gather3A_460, %convert_element_type3A_450 : vector<256x128xf32>
    %select_n3A_461 = arith.select %lt3A, %add3A_455, %broadcast_in_dim3A_452 : vector<256x128xi1>, vector<256x128xi32>
    %add3A_462 = arith.constant 4 : i32
    %add3A_463 = vector.broadcast %add3A_462 : i32 to vector<256x128xi32>
    %add3A_464 = arith.addi %select_n3A_461, %add3A_463 : vector<256x128xi32>
    %sub3A_465 = arith.constant 1 : i32
    %sub3A_466 = vector.broadcast %sub3A_465 : i32 to vector<256x128xi32>
    %sub3A_467 = arith.subi %add3A_464, %sub3A_466 : vector<256x128xi32>
    %reshape3A_468 = vector.shape_cast %sub3A_467 : vector<256x128xi32> to vector<256x128x1xi32>
    %gather3A_469 = vector.shape_cast %reshape3A_468 : vector<256x128x1xi32> to vector<256x128xi32>
    %gather3A_470 = tpu.dynamic_gather %concatenate3A_444[%gather3A_469] in [1] : vector<256x128xf32>, vector<256x128xi32> -> vector<256x128xf32>
    %lt3A_471 = arith.cmpf olt, %gather3A_470, %convert_element_type3A_450 : vector<256x128xf32>
    %select_n3A_472 = arith.select %lt3A_471, %add3A_464, %select_n3A_461 : vector<256x128xi1>, vector<256x128xi32>
    %add3A_473 = arith.constant 2 : i32
    %add3A_474 = vector.broadcast %add3A_473 : i32 to vector<256x128xi32>
    %add3A_475 = arith.addi %select_n3A_472, %add3A_474 : vector<256x128xi32>
    %sub3A_476 = arith.constant 1 : i32
    %sub3A_477 = vector.broadcast %sub3A_476 : i32 to vector<256x128xi32>
    %sub3A_478 = arith.subi %add3A_475, %sub3A_477 : vector<256x128xi32>
    %reshape3A_479 = vector.shape_cast %sub3A_478 : vector<256x128xi32> to vector<256x128x1xi32>
    %gather3A_480 = vector.shape_cast %reshape3A_479 : vector<256x128x1xi32> to vector<256x128xi32>
    %gather3A_481 = tpu.dynamic_gather %concatenate3A_444[%gather3A_480] in [1] : vector<256x128xf32>, vector<256x128xi32> -> vector<256x128xf32>
    %lt3A_482 = arith.cmpf olt, %gather3A_481, %convert_element_type3A_450 : vector<256x128xf32>
    %select_n3A_483 = arith.select %lt3A_482, %add3A_475, %select_n3A_472 : vector<256x128xi1>, vector<256x128xi32>
    %add3A_484 = arith.constant 1 : i32
    %add3A_485 = vector.broadcast %add3A_484 : i32 to vector<256x128xi32>
    %add3A_486 = arith.addi %select_n3A_483, %add3A_485 : vector<256x128xi32>
    %sub3A_487 = arith.constant 1 : i32
    %sub3A_488 = vector.broadcast %sub3A_487 : i32 to vector<256x128xi32>
    %sub3A_489 = arith.subi %add3A_486, %sub3A_488 : vector<256x128xi32>
    %reshape3A_490 = vector.shape_cast %sub3A_489 : vector<256x128xi32> to vector<256x128x1xi32>
    %gather3A_491 = vector.shape_cast %reshape3A_490 : vector<256x128x1xi32> to vector<256x128xi32>
    %gather3A_492 = tpu.dynamic_gather %concatenate3A_444[%gather3A_491] in [1] : vector<256x128xf32>, vector<256x128xi32> -> vector<256x128xf32>
    %lt3A_493 = arith.cmpf olt, %gather3A_492, %convert_element_type3A_450 : vector<256x128xf32>
    %select_n3A_494 = arith.select %lt3A_493, %add3A_486, %select_n3A_483 : vector<256x128xi1>, vector<256x128xi32>
    %reshape3A_495 = vector.shape_cast %select_n3A_494 : vector<256x128xi32> to vector<256x128x1xi32>
    %gather3A_496 = vector.shape_cast %reshape3A_495 : vector<256x128x1xi32> to vector<256x128xi32>
    %gather3A_497 = tpu.dynamic_gather %concatenate3A_445[%gather3A_496] in [1] : vector<256x128xf32>, vector<256x128xi32> -> vector<256x128xf32>
    %sub3A_498 = arith.subf %convert_element_type3A_450, %gather3A_497 : vector<256x128xf32>
    %broadcast_in_dim3A_499 = arith.constant 0 : i32
    %broadcast_in_dim3A_500 = vector.broadcast %broadcast_in_dim3A_499 : i32 to vector<256x128xi32>
    %mul3A_501 = arith.constant 128 : i32
    %mul3A_502 = vector.broadcast %mul3A_501 : i32 to vector<256x128xi32>
    %mul3A_503 = arith.muli %select_n3A_494, %mul3A_502 : vector<256x128xi32>
    %add3A_504 = arith.constant 64 : i32
    %add3A_505 = vector.broadcast %add3A_504 : i32 to vector<256x128xi32>
    %add3A_506 = arith.addi %broadcast_in_dim3A_500, %add3A_505 : vector<256x128xi32>
    %add3A_507 = arith.addi %mul3A_503, %add3A_506 : vector<256x128xi32>
    %sub3A_508 = arith.constant 1 : i32
    %sub3A_509 = vector.broadcast %sub3A_508 : i32 to vector<256x128xi32>
    %sub3A_510 = arith.subi %add3A_507, %sub3A_509 : vector<256x128xi32>
    %broadcast_in_dim3A_511 = arith.constant 0.000000e+00 : f32
    %broadcast_in_dim3A_512 = vector.broadcast %broadcast_in_dim3A_511 : f32 to vector<256x128xf32>
    %shift_right_logical3A = arith.constant 7 : i32
    %shift_right_logical3A_513 = vector.broadcast %shift_right_logical3A : i32 to vector<256x128xi32>
    %shift_right_logical3A_514 = arith.shrui %sub3A_510, %shift_right_logical3A_513 : vector<256x128xi32>
    %and3A_515 = arith.constant 127 : i32
    %and3A_516 = vector.broadcast %and3A_515 : i32 to vector<256x128xi32>
    %and3A_517 = arith.andi %sub3A_510, %and3A_516 : vector<256x128xi32>
    %slice3A_518 = vector.extract_strided_slice %reshape3A_439 {offsets = [0, 0], sizes = [256, 128], strides = [1, 1]} : vector<256x2048xf32> to vector<256x128xf32>
    %reshape3A_519 = vector.shape_cast %and3A_517 : vector<256x128xi32> to vector<256x128x1xi32>
    %gather3A_520 = vector.shape_cast %reshape3A_519 : vector<256x128x1xi32> to vector<256x128xi32>
    %gather3A_521 = tpu.dynamic_gather %slice3A_518[%gather3A_520] in [1] : vector<256x128xf32>, vector<256x128xi32> -> vector<256x128xf32>
    %eq3A = arith.constant 0 : i32
    %eq3A_522 = vector.broadcast %eq3A : i32 to vector<256x128xi32>
    %eq3A_523 = arith.cmpi eq, %shift_right_logical3A_514, %eq3A_522 : vector<256x128xi32>
    %select_n3A_524 = arith.select %eq3A_523, %gather3A_521, %broadcast_in_dim3A_512 : vector<256x128xi1>, vector<256x128xf32>
    %slice3A_525 = vector.extract_strided_slice %reshape3A_439 {offsets = [0, 128], sizes = [256, 128], strides = [1, 1]} : vector<256x2048xf32> to vector<256x128xf32>
    %reshape3A_526 = vector.shape_cast %and3A_517 : vector<256x128xi32> to vector<256x128x1xi32>
    %gather3A_527 = vector.shape_cast %reshape3A_526 : vector<256x128x1xi32> to vector<256x128xi32>
    %gather3A_528 = tpu.dynamic_gather %slice3A_525[%gather3A_527] in [1] : vector<256x128xf32>, vector<256x128xi32> -> vector<256x128xf32>
    %eq3A_529 = arith.constant 1 : i32
    %eq3A_530 = vector.broadcast %eq3A_529 : i32 to vector<256x128xi32>
    %eq3A_531 = arith.cmpi eq, %shift_right_logical3A_514, %eq3A_530 : vector<256x128xi32>
    %select_n3A_532 = arith.select %eq3A_531, %gather3A_528, %select_n3A_524 : vector<256x128xi1>, vector<256x128xf32>
    %slice3A_533 = vector.extract_strided_slice %reshape3A_439 {offsets = [0, 256], sizes = [256, 128], strides = [1, 1]} : vector<256x2048xf32> to vector<256x128xf32>
    %reshape3A_534 = vector.shape_cast %and3A_517 : vector<256x128xi32> to vector<256x128x1xi32>
    %gather3A_535 = vector.shape_cast %reshape3A_534 : vector<256x128x1xi32> to vector<256x128xi32>
    %gather3A_536 = tpu.dynamic_gather %slice3A_533[%gather3A_535] in [1] : vector<256x128xf32>, vector<256x128xi32> -> vector<256x128xf32>
    %eq3A_537 = arith.constant 2 : i32
    %eq3A_538 = vector.broadcast %eq3A_537 : i32 to vector<256x128xi32>
    %eq3A_539 = arith.cmpi eq, %shift_right_logical3A_514, %eq3A_538 : vector<256x128xi32>
    %select_n3A_540 = arith.select %eq3A_539, %gather3A_536, %select_n3A_532 : vector<256x128xi1>, vector<256x128xf32>
    %slice3A_541 = vector.extract_strided_slice %reshape3A_439 {offsets = [0, 384], sizes = [256, 128], strides = [1, 1]} : vector<256x2048xf32> to vector<256x128xf32>
    %reshape3A_542 = vector.shape_cast %and3A_517 : vector<256x128xi32> to vector<256x128x1xi32>
    %gather3A_543 = vector.shape_cast %reshape3A_542 : vector<256x128x1xi32> to vector<256x128xi32>
    %gather3A_544 = tpu.dynamic_gather %slice3A_541[%gather3A_543] in [1] : vector<256x128xf32>, vector<256x128xi32> -> vector<256x128xf32>
    %eq3A_545 = arith.constant 3 : i32
    %eq3A_546 = vector.broadcast %eq3A_545 : i32 to vector<256x128xi32>
    %eq3A_547 = arith.cmpi eq, %shift_right_logical3A_514, %eq3A_546 : vector<256x128xi32>
    %select_n3A_548 = arith.select %eq3A_547, %gather3A_544, %select_n3A_540 : vector<256x128xi1>, vector<256x128xf32>
    %slice3A_549 = vector.extract_strided_slice %reshape3A_439 {offsets = [0, 512], sizes = [256, 128], strides = [1, 1]} : vector<256x2048xf32> to vector<256x128xf32>
    %reshape3A_550 = vector.shape_cast %and3A_517 : vector<256x128xi32> to vector<256x128x1xi32>
    %gather3A_551 = vector.shape_cast %reshape3A_550 : vector<256x128x1xi32> to vector<256x128xi32>
    %gather3A_552 = tpu.dynamic_gather %slice3A_549[%gather3A_551] in [1] : vector<256x128xf32>, vector<256x128xi32> -> vector<256x128xf32>
    %eq3A_553 = arith.constant 4 : i32
    %eq3A_554 = vector.broadcast %eq3A_553 : i32 to vector<256x128xi32>
    %eq3A_555 = arith.cmpi eq, %shift_right_logical3A_514, %eq3A_554 : vector<256x128xi32>
    %select_n3A_556 = arith.select %eq3A_555, %gather3A_552, %select_n3A_548 : vector<256x128xi1>, vector<256x128xf32>
    %slice3A_557 = vector.extract_strided_slice %reshape3A_439 {offsets = [0, 640], sizes = [256, 128], strides = [1, 1]} : vector<256x2048xf32> to vector<256x128xf32>
    %reshape3A_558 = vector.shape_cast %and3A_517 : vector<256x128xi32> to vector<256x128x1xi32>
    %gather3A_559 = vector.shape_cast %reshape3A_558 : vector<256x128x1xi32> to vector<256x128xi32>
    %gather3A_560 = tpu.dynamic_gather %slice3A_557[%gather3A_559] in [1] : vector<256x128xf32>, vector<256x128xi32> -> vector<256x128xf32>
    %eq3A_561 = arith.constant 5 : i32
    %eq3A_562 = vector.broadcast %eq3A_561 : i32 to vector<256x128xi32>
    %eq3A_563 = arith.cmpi eq, %shift_right_logical3A_514, %eq3A_562 : vector<256x128xi32>
    %select_n3A_564 = arith.select %eq3A_563, %gather3A_560, %select_n3A_556 : vector<256x128xi1>, vector<256x128xf32>
    %slice3A_565 = vector.extract_strided_slice %reshape3A_439 {offsets = [0, 768], sizes = [256, 128], strides = [1, 1]} : vector<256x2048xf32> to vector<256x128xf32>
    %reshape3A_566 = vector.shape_cast %and3A_517 : vector<256x128xi32> to vector<256x128x1xi32>
    %gather3A_567 = vector.shape_cast %reshape3A_566 : vector<256x128x1xi32> to vector<256x128xi32>
    %gather3A_568 = tpu.dynamic_gather %slice3A_565[%gather3A_567] in [1] : vector<256x128xf32>, vector<256x128xi32> -> vector<256x128xf32>
    %eq3A_569 = arith.constant 6 : i32
    %eq3A_570 = vector.broadcast %eq3A_569 : i32 to vector<256x128xi32>
    %eq3A_571 = arith.cmpi eq, %shift_right_logical3A_514, %eq3A_570 : vector<256x128xi32>
    %select_n3A_572 = arith.select %eq3A_571, %gather3A_568, %select_n3A_564 : vector<256x128xi1>, vector<256x128xf32>
    %slice3A_573 = vector.extract_strided_slice %reshape3A_439 {offsets = [0, 896], sizes = [256, 128], strides = [1, 1]} : vector<256x2048xf32> to vector<256x128xf32>
    %reshape3A_574 = vector.shape_cast %and3A_517 : vector<256x128xi32> to vector<256x128x1xi32>
    %gather3A_575 = vector.shape_cast %reshape3A_574 : vector<256x128x1xi32> to vector<256x128xi32>
    %gather3A_576 = tpu.dynamic_gather %slice3A_573[%gather3A_575] in [1] : vector<256x128xf32>, vector<256x128xi32> -> vector<256x128xf32>
    %eq3A_577 = arith.constant 7 : i32
    %eq3A_578 = vector.broadcast %eq3A_577 : i32 to vector<256x128xi32>
    %eq3A_579 = arith.cmpi eq, %shift_right_logical3A_514, %eq3A_578 : vector<256x128xi32>
    %select_n3A_580 = arith.select %eq3A_579, %gather3A_576, %select_n3A_572 : vector<256x128xi1>, vector<256x128xf32>
    %slice3A_581 = vector.extract_strided_slice %reshape3A_439 {offsets = [0, 1024], sizes = [256, 128], strides = [1, 1]} : vector<256x2048xf32> to vector<256x128xf32>
    %reshape3A_582 = vector.shape_cast %and3A_517 : vector<256x128xi32> to vector<256x128x1xi32>
    %gather3A_583 = vector.shape_cast %reshape3A_582 : vector<256x128x1xi32> to vector<256x128xi32>
    %gather3A_584 = tpu.dynamic_gather %slice3A_581[%gather3A_583] in [1] : vector<256x128xf32>, vector<256x128xi32> -> vector<256x128xf32>
    %eq3A_585 = arith.constant 8 : i32
    %eq3A_586 = vector.broadcast %eq3A_585 : i32 to vector<256x128xi32>
    %eq3A_587 = arith.cmpi eq, %shift_right_logical3A_514, %eq3A_586 : vector<256x128xi32>
    %select_n3A_588 = arith.select %eq3A_587, %gather3A_584, %select_n3A_580 : vector<256x128xi1>, vector<256x128xf32>
    %slice3A_589 = vector.extract_strided_slice %reshape3A_439 {offsets = [0, 1152], sizes = [256, 128], strides = [1, 1]} : vector<256x2048xf32> to vector<256x128xf32>
    %reshape3A_590 = vector.shape_cast %and3A_517 : vector<256x128xi32> to vector<256x128x1xi32>
    %gather3A_591 = vector.shape_cast %reshape3A_590 : vector<256x128x1xi32> to vector<256x128xi32>
    %gather3A_592 = tpu.dynamic_gather %slice3A_589[%gather3A_591] in [1] : vector<256x128xf32>, vector<256x128xi32> -> vector<256x128xf32>
    %eq3A_593 = arith.constant 9 : i32
    %eq3A_594 = vector.broadcast %eq3A_593 : i32 to vector<256x128xi32>
    %eq3A_595 = arith.cmpi eq, %shift_right_logical3A_514, %eq3A_594 : vector<256x128xi32>
    %select_n3A_596 = arith.select %eq3A_595, %gather3A_592, %select_n3A_588 : vector<256x128xi1>, vector<256x128xf32>
    %slice3A_597 = vector.extract_strided_slice %reshape3A_439 {offsets = [0, 1280], sizes = [256, 128], strides = [1, 1]} : vector<256x2048xf32> to vector<256x128xf32>
    %reshape3A_598 = vector.shape_cast %and3A_517 : vector<256x128xi32> to vector<256x128x1xi32>
    %gather3A_599 = vector.shape_cast %reshape3A_598 : vector<256x128x1xi32> to vector<256x128xi32>
    %gather3A_600 = tpu.dynamic_gather %slice3A_597[%gather3A_599] in [1] : vector<256x128xf32>, vector<256x128xi32> -> vector<256x128xf32>
    %eq3A_601 = arith.constant 10 : i32
    %eq3A_602 = vector.broadcast %eq3A_601 : i32 to vector<256x128xi32>
    %eq3A_603 = arith.cmpi eq, %shift_right_logical3A_514, %eq3A_602 : vector<256x128xi32>
    %select_n3A_604 = arith.select %eq3A_603, %gather3A_600, %select_n3A_596 : vector<256x128xi1>, vector<256x128xf32>
    %slice3A_605 = vector.extract_strided_slice %reshape3A_439 {offsets = [0, 1408], sizes = [256, 128], strides = [1, 1]} : vector<256x2048xf32> to vector<256x128xf32>
    %reshape3A_606 = vector.shape_cast %and3A_517 : vector<256x128xi32> to vector<256x128x1xi32>
    %gather3A_607 = vector.shape_cast %reshape3A_606 : vector<256x128x1xi32> to vector<256x128xi32>
    %gather3A_608 = tpu.dynamic_gather %slice3A_605[%gather3A_607] in [1] : vector<256x128xf32>, vector<256x128xi32> -> vector<256x128xf32>
    %eq3A_609 = arith.constant 11 : i32
    %eq3A_610 = vector.broadcast %eq3A_609 : i32 to vector<256x128xi32>
    %eq3A_611 = arith.cmpi eq, %shift_right_logical3A_514, %eq3A_610 : vector<256x128xi32>
    %select_n3A_612 = arith.select %eq3A_611, %gather3A_608, %select_n3A_604 : vector<256x128xi1>, vector<256x128xf32>
    %slice3A_613 = vector.extract_strided_slice %reshape3A_439 {offsets = [0, 1536], sizes = [256, 128], strides = [1, 1]} : vector<256x2048xf32> to vector<256x128xf32>
    %reshape3A_614 = vector.shape_cast %and3A_517 : vector<256x128xi32> to vector<256x128x1xi32>
    %gather3A_615 = vector.shape_cast %reshape3A_614 : vector<256x128x1xi32> to vector<256x128xi32>
    %gather3A_616 = tpu.dynamic_gather %slice3A_613[%gather3A_615] in [1] : vector<256x128xf32>, vector<256x128xi32> -> vector<256x128xf32>
    %eq3A_617 = arith.constant 12 : i32
    %eq3A_618 = vector.broadcast %eq3A_617 : i32 to vector<256x128xi32>
    %eq3A_619 = arith.cmpi eq, %shift_right_logical3A_514, %eq3A_618 : vector<256x128xi32>
    %select_n3A_620 = arith.select %eq3A_619, %gather3A_616, %select_n3A_612 : vector<256x128xi1>, vector<256x128xf32>
    %slice3A_621 = vector.extract_strided_slice %reshape3A_439 {offsets = [0, 1664], sizes = [256, 128], strides = [1, 1]} : vector<256x2048xf32> to vector<256x128xf32>
    %reshape3A_622 = vector.shape_cast %and3A_517 : vector<256x128xi32> to vector<256x128x1xi32>
    %gather3A_623 = vector.shape_cast %reshape3A_622 : vector<256x128x1xi32> to vector<256x128xi32>
    %gather3A_624 = tpu.dynamic_gather %slice3A_621[%gather3A_623] in [1] : vector<256x128xf32>, vector<256x128xi32> -> vector<256x128xf32>
    %eq3A_625 = arith.constant 13 : i32
    %eq3A_626 = vector.broadcast %eq3A_625 : i32 to vector<256x128xi32>
    %eq3A_627 = arith.cmpi eq, %shift_right_logical3A_514, %eq3A_626 : vector<256x128xi32>
    %select_n3A_628 = arith.select %eq3A_627, %gather3A_624, %select_n3A_620 : vector<256x128xi1>, vector<256x128xf32>
    %slice3A_629 = vector.extract_strided_slice %reshape3A_439 {offsets = [0, 1792], sizes = [256, 128], strides = [1, 1]} : vector<256x2048xf32> to vector<256x128xf32>
    %reshape3A_630 = vector.shape_cast %and3A_517 : vector<256x128xi32> to vector<256x128x1xi32>
    %gather3A_631 = vector.shape_cast %reshape3A_630 : vector<256x128x1xi32> to vector<256x128xi32>
    %gather3A_632 = tpu.dynamic_gather %slice3A_629[%gather3A_631] in [1] : vector<256x128xf32>, vector<256x128xi32> -> vector<256x128xf32>
    %eq3A_633 = arith.constant 14 : i32
    %eq3A_634 = vector.broadcast %eq3A_633 : i32 to vector<256x128xi32>
    %eq3A_635 = arith.cmpi eq, %shift_right_logical3A_514, %eq3A_634 : vector<256x128xi32>
    %select_n3A_636 = arith.select %eq3A_635, %gather3A_632, %select_n3A_628 : vector<256x128xi1>, vector<256x128xf32>
    %slice3A_637 = vector.extract_strided_slice %reshape3A_439 {offsets = [0, 1920], sizes = [256, 128], strides = [1, 1]} : vector<256x2048xf32> to vector<256x128xf32>
    %reshape3A_638 = vector.shape_cast %and3A_517 : vector<256x128xi32> to vector<256x128x1xi32>
    %gather3A_639 = vector.shape_cast %reshape3A_638 : vector<256x128x1xi32> to vector<256x128xi32>
    %gather3A_640 = tpu.dynamic_gather %slice3A_637[%gather3A_639] in [1] : vector<256x128xf32>, vector<256x128xi32> -> vector<256x128xf32>
    %eq3A_641 = arith.constant 15 : i32
    %eq3A_642 = vector.broadcast %eq3A_641 : i32 to vector<256x128xi32>
    %eq3A_643 = arith.cmpi eq, %shift_right_logical3A_514, %eq3A_642 : vector<256x128xi32>
    %select_n3A_644 = arith.select %eq3A_643, %gather3A_640, %select_n3A_636 : vector<256x128xi1>, vector<256x128xf32>
    %lt3A_645 = arith.cmpf olt, %select_n3A_644, %sub3A_498 : vector<256x128xf32>
    %select_n3A_646 = arith.select %lt3A_645, %add3A_506, %broadcast_in_dim3A_500 : vector<256x128xi1>, vector<256x128xi32>
    %add3A_647 = arith.constant 32 : i32
    %add3A_648 = vector.broadcast %add3A_647 : i32 to vector<256x128xi32>
    %add3A_649 = arith.addi %select_n3A_646, %add3A_648 : vector<256x128xi32>
    %add3A_650 = arith.addi %mul3A_503, %add3A_649 : vector<256x128xi32>
    %sub3A_651 = arith.constant 1 : i32
    %sub3A_652 = vector.broadcast %sub3A_651 : i32 to vector<256x128xi32>
    %sub3A_653 = arith.subi %add3A_650, %sub3A_652 : vector<256x128xi32>
    %broadcast_in_dim3A_654 = arith.constant 0.000000e+00 : f32
    %broadcast_in_dim3A_655 = vector.broadcast %broadcast_in_dim3A_654 : f32 to vector<256x128xf32>
    %shift_right_logical3A_656 = arith.constant 7 : i32
    %shift_right_logical3A_657 = vector.broadcast %shift_right_logical3A_656 : i32 to vector<256x128xi32>
    %shift_right_logical3A_658 = arith.shrui %sub3A_653, %shift_right_logical3A_657 : vector<256x128xi32>
    %and3A_659 = arith.constant 127 : i32
    %and3A_660 = vector.broadcast %and3A_659 : i32 to vector<256x128xi32>
    %and3A_661 = arith.andi %sub3A_653, %and3A_660 : vector<256x128xi32>
    %slice3A_662 = vector.extract_strided_slice %reshape3A_439 {offsets = [0, 0], sizes = [256, 128], strides = [1, 1]} : vector<256x2048xf32> to vector<256x128xf32>
    %reshape3A_663 = vector.shape_cast %and3A_661 : vector<256x128xi32> to vector<256x128x1xi32>
    %gather3A_664 = vector.shape_cast %reshape3A_663 : vector<256x128x1xi32> to vector<256x128xi32>
    %gather3A_665 = tpu.dynamic_gather %slice3A_662[%gather3A_664] in [1] : vector<256x128xf32>, vector<256x128xi32> -> vector<256x128xf32>
    %eq3A_666 = arith.constant 0 : i32
    %eq3A_667 = vector.broadcast %eq3A_666 : i32 to vector<256x128xi32>
    %eq3A_668 = arith.cmpi eq, %shift_right_logical3A_658, %eq3A_667 : vector<256x128xi32>
    %select_n3A_669 = arith.select %eq3A_668, %gather3A_665, %broadcast_in_dim3A_655 : vector<256x128xi1>, vector<256x128xf32>
    %slice3A_670 = vector.extract_strided_slice %reshape3A_439 {offsets = [0, 128], sizes = [256, 128], strides = [1, 1]} : vector<256x2048xf32> to vector<256x128xf32>
    %reshape3A_671 = vector.shape_cast %and3A_661 : vector<256x128xi32> to vector<256x128x1xi32>
    %gather3A_672 = vector.shape_cast %reshape3A_671 : vector<256x128x1xi32> to vector<256x128xi32>
    %gather3A_673 = tpu.dynamic_gather %slice3A_670[%gather3A_672] in [1] : vector<256x128xf32>, vector<256x128xi32> -> vector<256x128xf32>
    %eq3A_674 = arith.constant 1 : i32
    %eq3A_675 = vector.broadcast %eq3A_674 : i32 to vector<256x128xi32>
    %eq3A_676 = arith.cmpi eq, %shift_right_logical3A_658, %eq3A_675 : vector<256x128xi32>
    %select_n3A_677 = arith.select %eq3A_676, %gather3A_673, %select_n3A_669 : vector<256x128xi1>, vector<256x128xf32>
    %slice3A_678 = vector.extract_strided_slice %reshape3A_439 {offsets = [0, 256], sizes = [256, 128], strides = [1, 1]} : vector<256x2048xf32> to vector<256x128xf32>
    %reshape3A_679 = vector.shape_cast %and3A_661 : vector<256x128xi32> to vector<256x128x1xi32>
    %gather3A_680 = vector.shape_cast %reshape3A_679 : vector<256x128x1xi32> to vector<256x128xi32>
    %gather3A_681 = tpu.dynamic_gather %slice3A_678[%gather3A_680] in [1] : vector<256x128xf32>, vector<256x128xi32> -> vector<256x128xf32>
    %eq3A_682 = arith.constant 2 : i32
    %eq3A_683 = vector.broadcast %eq3A_682 : i32 to vector<256x128xi32>
    %eq3A_684 = arith.cmpi eq, %shift_right_logical3A_658, %eq3A_683 : vector<256x128xi32>
    %select_n3A_685 = arith.select %eq3A_684, %gather3A_681, %select_n3A_677 : vector<256x128xi1>, vector<256x128xf32>
    %slice3A_686 = vector.extract_strided_slice %reshape3A_439 {offsets = [0, 384], sizes = [256, 128], strides = [1, 1]} : vector<256x2048xf32> to vector<256x128xf32>
    %reshape3A_687 = vector.shape_cast %and3A_661 : vector<256x128xi32> to vector<256x128x1xi32>
    %gather3A_688 = vector.shape_cast %reshape3A_687 : vector<256x128x1xi32> to vector<256x128xi32>
    %gather3A_689 = tpu.dynamic_gather %slice3A_686[%gather3A_688] in [1] : vector<256x128xf32>, vector<256x128xi32> -> vector<256x128xf32>
    %eq3A_690 = arith.constant 3 : i32
    %eq3A_691 = vector.broadcast %eq3A_690 : i32 to vector<256x128xi32>
    %eq3A_692 = arith.cmpi eq, %shift_right_logical3A_658, %eq3A_691 : vector<256x128xi32>
    %select_n3A_693 = arith.select %eq3A_692, %gather3A_689, %select_n3A_685 : vector<256x128xi1>, vector<256x128xf32>
    %slice3A_694 = vector.extract_strided_slice %reshape3A_439 {offsets = [0, 512], sizes = [256, 128], strides = [1, 1]} : vector<256x2048xf32> to vector<256x128xf32>
    %reshape3A_695 = vector.shape_cast %and3A_661 : vector<256x128xi32> to vector<256x128x1xi32>
    %gather3A_696 = vector.shape_cast %reshape3A_695 : vector<256x128x1xi32> to vector<256x128xi32>
    %gather3A_697 = tpu.dynamic_gather %slice3A_694[%gather3A_696] in [1] : vector<256x128xf32>, vector<256x128xi32> -> vector<256x128xf32>
    %eq3A_698 = arith.constant 4 : i32
    %eq3A_699 = vector.broadcast %eq3A_698 : i32 to vector<256x128xi32>
    %eq3A_700 = arith.cmpi eq, %shift_right_logical3A_658, %eq3A_699 : vector<256x128xi32>
    %select_n3A_701 = arith.select %eq3A_700, %gather3A_697, %select_n3A_693 : vector<256x128xi1>, vector<256x128xf32>
    %slice3A_702 = vector.extract_strided_slice %reshape3A_439 {offsets = [0, 640], sizes = [256, 128], strides = [1, 1]} : vector<256x2048xf32> to vector<256x128xf32>
    %reshape3A_703 = vector.shape_cast %and3A_661 : vector<256x128xi32> to vector<256x128x1xi32>
    %gather3A_704 = vector.shape_cast %reshape3A_703 : vector<256x128x1xi32> to vector<256x128xi32>
    %gather3A_705 = tpu.dynamic_gather %slice3A_702[%gather3A_704] in [1] : vector<256x128xf32>, vector<256x128xi32> -> vector<256x128xf32>
    %eq3A_706 = arith.constant 5 : i32
    %eq3A_707 = vector.broadcast %eq3A_706 : i32 to vector<256x128xi32>
    %eq3A_708 = arith.cmpi eq, %shift_right_logical3A_658, %eq3A_707 : vector<256x128xi32>
    %select_n3A_709 = arith.select %eq3A_708, %gather3A_705, %select_n3A_701 : vector<256x128xi1>, vector<256x128xf32>
    %slice3A_710 = vector.extract_strided_slice %reshape3A_439 {offsets = [0, 768], sizes = [256, 128], strides = [1, 1]} : vector<256x2048xf32> to vector<256x128xf32>
    %reshape3A_711 = vector.shape_cast %and3A_661 : vector<256x128xi32> to vector<256x128x1xi32>
    %gather3A_712 = vector.shape_cast %reshape3A_711 : vector<256x128x1xi32> to vector<256x128xi32>
    %gather3A_713 = tpu.dynamic_gather %slice3A_710[%gather3A_712] in [1] : vector<256x128xf32>, vector<256x128xi32> -> vector<256x128xf32>
    %eq3A_714 = arith.constant 6 : i32
    %eq3A_715 = vector.broadcast %eq3A_714 : i32 to vector<256x128xi32>
    %eq3A_716 = arith.cmpi eq, %shift_right_logical3A_658, %eq3A_715 : vector<256x128xi32>
    %select_n3A_717 = arith.select %eq3A_716, %gather3A_713, %select_n3A_709 : vector<256x128xi1>, vector<256x128xf32>
    %slice3A_718 = vector.extract_strided_slice %reshape3A_439 {offsets = [0, 896], sizes = [256, 128], strides = [1, 1]} : vector<256x2048xf32> to vector<256x128xf32>
    %reshape3A_719 = vector.shape_cast %and3A_661 : vector<256x128xi32> to vector<256x128x1xi32>
    %gather3A_720 = vector.shape_cast %reshape3A_719 : vector<256x128x1xi32> to vector<256x128xi32>
    %gather3A_721 = tpu.dynamic_gather %slice3A_718[%gather3A_720] in [1] : vector<256x128xf32>, vector<256x128xi32> -> vector<256x128xf32>
    %eq3A_722 = arith.constant 7 : i32
    %eq3A_723 = vector.broadcast %eq3A_722 : i32 to vector<256x128xi32>
    %eq3A_724 = arith.cmpi eq, %shift_right_logical3A_658, %eq3A_723 : vector<256x128xi32>
    %select_n3A_725 = arith.select %eq3A_724, %gather3A_721, %select_n3A_717 : vector<256x128xi1>, vector<256x128xf32>
    %slice3A_726 = vector.extract_strided_slice %reshape3A_439 {offsets = [0, 1024], sizes = [256, 128], strides = [1, 1]} : vector<256x2048xf32> to vector<256x128xf32>
    %reshape3A_727 = vector.shape_cast %and3A_661 : vector<256x128xi32> to vector<256x128x1xi32>
    %gather3A_728 = vector.shape_cast %reshape3A_727 : vector<256x128x1xi32> to vector<256x128xi32>
    %gather3A_729 = tpu.dynamic_gather %slice3A_726[%gather3A_728] in [1] : vector<256x128xf32>, vector<256x128xi32> -> vector<256x128xf32>
    %eq3A_730 = arith.constant 8 : i32
    %eq3A_731 = vector.broadcast %eq3A_730 : i32 to vector<256x128xi32>
    %eq3A_732 = arith.cmpi eq, %shift_right_logical3A_658, %eq3A_731 : vector<256x128xi32>
    %select_n3A_733 = arith.select %eq3A_732, %gather3A_729, %select_n3A_725 : vector<256x128xi1>, vector<256x128xf32>
    %slice3A_734 = vector.extract_strided_slice %reshape3A_439 {offsets = [0, 1152], sizes = [256, 128], strides = [1, 1]} : vector<256x2048xf32> to vector<256x128xf32>
    %reshape3A_735 = vector.shape_cast %and3A_661 : vector<256x128xi32> to vector<256x128x1xi32>
    %gather3A_736 = vector.shape_cast %reshape3A_735 : vector<256x128x1xi32> to vector<256x128xi32>
    %gather3A_737 = tpu.dynamic_gather %slice3A_734[%gather3A_736] in [1] : vector<256x128xf32>, vector<256x128xi32> -> vector<256x128xf32>
    %eq3A_738 = arith.constant 9 : i32
    %eq3A_739 = vector.broadcast %eq3A_738 : i32 to vector<256x128xi32>
    %eq3A_740 = arith.cmpi eq, %shift_right_logical3A_658, %eq3A_739 : vector<256x128xi32>
    %select_n3A_741 = arith.select %eq3A_740, %gather3A_737, %select_n3A_733 : vector<256x128xi1>, vector<256x128xf32>
    %slice3A_742 = vector.extract_strided_slice %reshape3A_439 {offsets = [0, 1280], sizes = [256, 128], strides = [1, 1]} : vector<256x2048xf32> to vector<256x128xf32>
    %reshape3A_743 = vector.shape_cast %and3A_661 : vector<256x128xi32> to vector<256x128x1xi32>
    %gather3A_744 = vector.shape_cast %reshape3A_743 : vector<256x128x1xi32> to vector<256x128xi32>
    %gather3A_745 = tpu.dynamic_gather %slice3A_742[%gather3A_744] in [1] : vector<256x128xf32>, vector<256x128xi32> -> vector<256x128xf32>
    %eq3A_746 = arith.constant 10 : i32
    %eq3A_747 = vector.broadcast %eq3A_746 : i32 to vector<256x128xi32>
    %eq3A_748 = arith.cmpi eq, %shift_right_logical3A_658, %eq3A_747 : vector<256x128xi32>
    %select_n3A_749 = arith.select %eq3A_748, %gather3A_745, %select_n3A_741 : vector<256x128xi1>, vector<256x128xf32>
    %slice3A_750 = vector.extract_strided_slice %reshape3A_439 {offsets = [0, 1408], sizes = [256, 128], strides = [1, 1]} : vector<256x2048xf32> to vector<256x128xf32>
    %reshape3A_751 = vector.shape_cast %and3A_661 : vector<256x128xi32> to vector<256x128x1xi32>
    %gather3A_752 = vector.shape_cast %reshape3A_751 : vector<256x128x1xi32> to vector<256x128xi32>
    %gather3A_753 = tpu.dynamic_gather %slice3A_750[%gather3A_752] in [1] : vector<256x128xf32>, vector<256x128xi32> -> vector<256x128xf32>
    %eq3A_754 = arith.constant 11 : i32
    %eq3A_755 = vector.broadcast %eq3A_754 : i32 to vector<256x128xi32>
    %eq3A_756 = arith.cmpi eq, %shift_right_logical3A_658, %eq3A_755 : vector<256x128xi32>
    %select_n3A_757 = arith.select %eq3A_756, %gather3A_753, %select_n3A_749 : vector<256x128xi1>, vector<256x128xf32>
    %slice3A_758 = vector.extract_strided_slice %reshape3A_439 {offsets = [0, 1536], sizes = [256, 128], strides = [1, 1]} : vector<256x2048xf32> to vector<256x128xf32>
    %reshape3A_759 = vector.shape_cast %and3A_661 : vector<256x128xi32> to vector<256x128x1xi32>
    %gather3A_760 = vector.shape_cast %reshape3A_759 : vector<256x128x1xi32> to vector<256x128xi32>
    %gather3A_761 = tpu.dynamic_gather %slice3A_758[%gather3A_760] in [1] : vector<256x128xf32>, vector<256x128xi32> -> vector<256x128xf32>
    %eq3A_762 = arith.constant 12 : i32
    %eq3A_763 = vector.broadcast %eq3A_762 : i32 to vector<256x128xi32>
    %eq3A_764 = arith.cmpi eq, %shift_right_logical3A_658, %eq3A_763 : vector<256x128xi32>
    %select_n3A_765 = arith.select %eq3A_764, %gather3A_761, %select_n3A_757 : vector<256x128xi1>, vector<256x128xf32>
    %slice3A_766 = vector.extract_strided_slice %reshape3A_439 {offsets = [0, 1664], sizes = [256, 128], strides = [1, 1]} : vector<256x2048xf32> to vector<256x128xf32>
    %reshape3A_767 = vector.shape_cast %and3A_661 : vector<256x128xi32> to vector<256x128x1xi32>
    %gather3A_768 = vector.shape_cast %reshape3A_767 : vector<256x128x1xi32> to vector<256x128xi32>
    %gather3A_769 = tpu.dynamic_gather %slice3A_766[%gather3A_768] in [1] : vector<256x128xf32>, vector<256x128xi32> -> vector<256x128xf32>
    %eq3A_770 = arith.constant 13 : i32
    %eq3A_771 = vector.broadcast %eq3A_770 : i32 to vector<256x128xi32>
    %eq3A_772 = arith.cmpi eq, %shift_right_logical3A_658, %eq3A_771 : vector<256x128xi32>
    %select_n3A_773 = arith.select %eq3A_772, %gather3A_769, %select_n3A_765 : vector<256x128xi1>, vector<256x128xf32>
    %slice3A_774 = vector.extract_strided_slice %reshape3A_439 {offsets = [0, 1792], sizes = [256, 128], strides = [1, 1]} : vector<256x2048xf32> to vector<256x128xf32>
    %reshape3A_775 = vector.shape_cast %and3A_661 : vector<256x128xi32> to vector<256x128x1xi32>
    %gather3A_776 = vector.shape_cast %reshape3A_775 : vector<256x128x1xi32> to vector<256x128xi32>
    %gather3A_777 = tpu.dynamic_gather %slice3A_774[%gather3A_776] in [1] : vector<256x128xf32>, vector<256x128xi32> -> vector<256x128xf32>
    %eq3A_778 = arith.constant 14 : i32
    %eq3A_779 = vector.broadcast %eq3A_778 : i32 to vector<256x128xi32>
    %eq3A_780 = arith.cmpi eq, %shift_right_logical3A_658, %eq3A_779 : vector<256x128xi32>
    %select_n3A_781 = arith.select %eq3A_780, %gather3A_777, %select_n3A_773 : vector<256x128xi1>, vector<256x128xf32>
    %slice3A_782 = vector.extract_strided_slice %reshape3A_439 {offsets = [0, 1920], sizes = [256, 128], strides = [1, 1]} : vector<256x2048xf32> to vector<256x128xf32>
    %reshape3A_783 = vector.shape_cast %and3A_661 : vector<256x128xi32> to vector<256x128x1xi32>
    %gather3A_784 = vector.shape_cast %reshape3A_783 : vector<256x128x1xi32> to vector<256x128xi32>
    %gather3A_785 = tpu.dynamic_gather %slice3A_782[%gather3A_784] in [1] : vector<256x128xf32>, vector<256x128xi32> -> vector<256x128xf32>
    %eq3A_786 = arith.constant 15 : i32
    %eq3A_787 = vector.broadcast %eq3A_786 : i32 to vector<256x128xi32>
    %eq3A_788 = arith.cmpi eq, %shift_right_logical3A_658, %eq3A_787 : vector<256x128xi32>
    %select_n3A_789 = arith.select %eq3A_788, %gather3A_785, %select_n3A_781 : vector<256x128xi1>, vector<256x128xf32>
    %lt3A_790 = arith.cmpf olt, %select_n3A_789, %sub3A_498 : vector<256x128xf32>
    %select_n3A_791 = arith.select %lt3A_790, %add3A_649, %select_n3A_646 : vector<256x128xi1>, vector<256x128xi32>
    %add3A_792 = arith.constant 16 : i32
    %add3A_793 = vector.broadcast %add3A_792 : i32 to vector<256x128xi32>
    %add3A_794 = arith.addi %select_n3A_791, %add3A_793 : vector<256x128xi32>
    %add3A_795 = arith.addi %mul3A_503, %add3A_794 : vector<256x128xi32>
    %sub3A_796 = arith.constant 1 : i32
    %sub3A_797 = vector.broadcast %sub3A_796 : i32 to vector<256x128xi32>
    %sub3A_798 = arith.subi %add3A_795, %sub3A_797 : vector<256x128xi32>
    %broadcast_in_dim3A_799 = arith.constant 0.000000e+00 : f32
    %broadcast_in_dim3A_800 = vector.broadcast %broadcast_in_dim3A_799 : f32 to vector<256x128xf32>
    %shift_right_logical3A_801 = arith.constant 7 : i32
    %shift_right_logical3A_802 = vector.broadcast %shift_right_logical3A_801 : i32 to vector<256x128xi32>
    %shift_right_logical3A_803 = arith.shrui %sub3A_798, %shift_right_logical3A_802 : vector<256x128xi32>
    %and3A_804 = arith.constant 127 : i32
    %and3A_805 = vector.broadcast %and3A_804 : i32 to vector<256x128xi32>
    %and3A_806 = arith.andi %sub3A_798, %and3A_805 : vector<256x128xi32>
    %slice3A_807 = vector.extract_strided_slice %reshape3A_439 {offsets = [0, 0], sizes = [256, 128], strides = [1, 1]} : vector<256x2048xf32> to vector<256x128xf32>
    %reshape3A_808 = vector.shape_cast %and3A_806 : vector<256x128xi32> to vector<256x128x1xi32>
    %gather3A_809 = vector.shape_cast %reshape3A_808 : vector<256x128x1xi32> to vector<256x128xi32>
    %gather3A_810 = tpu.dynamic_gather %slice3A_807[%gather3A_809] in [1] : vector<256x128xf32>, vector<256x128xi32> -> vector<256x128xf32>
    %eq3A_811 = arith.constant 0 : i32
    %eq3A_812 = vector.broadcast %eq3A_811 : i32 to vector<256x128xi32>
    %eq3A_813 = arith.cmpi eq, %shift_right_logical3A_803, %eq3A_812 : vector<256x128xi32>
    %select_n3A_814 = arith.select %eq3A_813, %gather3A_810, %broadcast_in_dim3A_800 : vector<256x128xi1>, vector<256x128xf32>
    %slice3A_815 = vector.extract_strided_slice %reshape3A_439 {offsets = [0, 128], sizes = [256, 128], strides = [1, 1]} : vector<256x2048xf32> to vector<256x128xf32>
    %reshape3A_816 = vector.shape_cast %and3A_806 : vector<256x128xi32> to vector<256x128x1xi32>
    %gather3A_817 = vector.shape_cast %reshape3A_816 : vector<256x128x1xi32> to vector<256x128xi32>
    %gather3A_818 = tpu.dynamic_gather %slice3A_815[%gather3A_817] in [1] : vector<256x128xf32>, vector<256x128xi32> -> vector<256x128xf32>
    %eq3A_819 = arith.constant 1 : i32
    %eq3A_820 = vector.broadcast %eq3A_819 : i32 to vector<256x128xi32>
    %eq3A_821 = arith.cmpi eq, %shift_right_logical3A_803, %eq3A_820 : vector<256x128xi32>
    %select_n3A_822 = arith.select %eq3A_821, %gather3A_818, %select_n3A_814 : vector<256x128xi1>, vector<256x128xf32>
    %slice3A_823 = vector.extract_strided_slice %reshape3A_439 {offsets = [0, 256], sizes = [256, 128], strides = [1, 1]} : vector<256x2048xf32> to vector<256x128xf32>
    %reshape3A_824 = vector.shape_cast %and3A_806 : vector<256x128xi32> to vector<256x128x1xi32>
    %gather3A_825 = vector.shape_cast %reshape3A_824 : vector<256x128x1xi32> to vector<256x128xi32>
    %gather3A_826 = tpu.dynamic_gather %slice3A_823[%gather3A_825] in [1] : vector<256x128xf32>, vector<256x128xi32> -> vector<256x128xf32>
    %eq3A_827 = arith.constant 2 : i32
    %eq3A_828 = vector.broadcast %eq3A_827 : i32 to vector<256x128xi32>
    %eq3A_829 = arith.cmpi eq, %shift_right_logical3A_803, %eq3A_828 : vector<256x128xi32>
    %select_n3A_830 = arith.select %eq3A_829, %gather3A_826, %select_n3A_822 : vector<256x128xi1>, vector<256x128xf32>
    %slice3A_831 = vector.extract_strided_slice %reshape3A_439 {offsets = [0, 384], sizes = [256, 128], strides = [1, 1]} : vector<256x2048xf32> to vector<256x128xf32>
    %reshape3A_832 = vector.shape_cast %and3A_806 : vector<256x128xi32> to vector<256x128x1xi32>
    %gather3A_833 = vector.shape_cast %reshape3A_832 : vector<256x128x1xi32> to vector<256x128xi32>
    %gather3A_834 = tpu.dynamic_gather %slice3A_831[%gather3A_833] in [1] : vector<256x128xf32>, vector<256x128xi32> -> vector<256x128xf32>
    %eq3A_835 = arith.constant 3 : i32
    %eq3A_836 = vector.broadcast %eq3A_835 : i32 to vector<256x128xi32>
    %eq3A_837 = arith.cmpi eq, %shift_right_logical3A_803, %eq3A_836 : vector<256x128xi32>
    %select_n3A_838 = arith.select %eq3A_837, %gather3A_834, %select_n3A_830 : vector<256x128xi1>, vector<256x128xf32>
    %slice3A_839 = vector.extract_strided_slice %reshape3A_439 {offsets = [0, 512], sizes = [256, 128], strides = [1, 1]} : vector<256x2048xf32> to vector<256x128xf32>
    %reshape3A_840 = vector.shape_cast %and3A_806 : vector<256x128xi32> to vector<256x128x1xi32>
    %gather3A_841 = vector.shape_cast %reshape3A_840 : vector<256x128x1xi32> to vector<256x128xi32>
    %gather3A_842 = tpu.dynamic_gather %slice3A_839[%gather3A_841] in [1] : vector<256x128xf32>, vector<256x128xi32> -> vector<256x128xf32>
    %eq3A_843 = arith.constant 4 : i32
    %eq3A_844 = vector.broadcast %eq3A_843 : i32 to vector<256x128xi32>
    %eq3A_845 = arith.cmpi eq, %shift_right_logical3A_803, %eq3A_844 : vector<256x128xi32>
    %select_n3A_846 = arith.select %eq3A_845, %gather3A_842, %select_n3A_838 : vector<256x128xi1>, vector<256x128xf32>
    %slice3A_847 = vector.extract_strided_slice %reshape3A_439 {offsets = [0, 640], sizes = [256, 128], strides = [1, 1]} : vector<256x2048xf32> to vector<256x128xf32>
    %reshape3A_848 = vector.shape_cast %and3A_806 : vector<256x128xi32> to vector<256x128x1xi32>
    %gather3A_849 = vector.shape_cast %reshape3A_848 : vector<256x128x1xi32> to vector<256x128xi32>
    %gather3A_850 = tpu.dynamic_gather %slice3A_847[%gather3A_849] in [1] : vector<256x128xf32>, vector<256x128xi32> -> vector<256x128xf32>
    %eq3A_851 = arith.constant 5 : i32
    %eq3A_852 = vector.broadcast %eq3A_851 : i32 to vector<256x128xi32>
    %eq3A_853 = arith.cmpi eq, %shift_right_logical3A_803, %eq3A_852 : vector<256x128xi32>
    %select_n3A_854 = arith.select %eq3A_853, %gather3A_850, %select_n3A_846 : vector<256x128xi1>, vector<256x128xf32>
    %slice3A_855 = vector.extract_strided_slice %reshape3A_439 {offsets = [0, 768], sizes = [256, 128], strides = [1, 1]} : vector<256x2048xf32> to vector<256x128xf32>
    %reshape3A_856 = vector.shape_cast %and3A_806 : vector<256x128xi32> to vector<256x128x1xi32>
    %gather3A_857 = vector.shape_cast %reshape3A_856 : vector<256x128x1xi32> to vector<256x128xi32>
    %gather3A_858 = tpu.dynamic_gather %slice3A_855[%gather3A_857] in [1] : vector<256x128xf32>, vector<256x128xi32> -> vector<256x128xf32>
    %eq3A_859 = arith.constant 6 : i32
    %eq3A_860 = vector.broadcast %eq3A_859 : i32 to vector<256x128xi32>
    %eq3A_861 = arith.cmpi eq, %shift_right_logical3A_803, %eq3A_860 : vector<256x128xi32>
    %select_n3A_862 = arith.select %eq3A_861, %gather3A_858, %select_n3A_854 : vector<256x128xi1>, vector<256x128xf32>
    %slice3A_863 = vector.extract_strided_slice %reshape3A_439 {offsets = [0, 896], sizes = [256, 128], strides = [1, 1]} : vector<256x2048xf32> to vector<256x128xf32>
    %reshape3A_864 = vector.shape_cast %and3A_806 : vector<256x128xi32> to vector<256x128x1xi32>
    %gather3A_865 = vector.shape_cast %reshape3A_864 : vector<256x128x1xi32> to vector<256x128xi32>
    %gather3A_866 = tpu.dynamic_gather %slice3A_863[%gather3A_865] in [1] : vector<256x128xf32>, vector<256x128xi32> -> vector<256x128xf32>
    %eq3A_867 = arith.constant 7 : i32
    %eq3A_868 = vector.broadcast %eq3A_867 : i32 to vector<256x128xi32>
    %eq3A_869 = arith.cmpi eq, %shift_right_logical3A_803, %eq3A_868 : vector<256x128xi32>
    %select_n3A_870 = arith.select %eq3A_869, %gather3A_866, %select_n3A_862 : vector<256x128xi1>, vector<256x128xf32>
    %slice3A_871 = vector.extract_strided_slice %reshape3A_439 {offsets = [0, 1024], sizes = [256, 128], strides = [1, 1]} : vector<256x2048xf32> to vector<256x128xf32>
    %reshape3A_872 = vector.shape_cast %and3A_806 : vector<256x128xi32> to vector<256x128x1xi32>
    %gather3A_873 = vector.shape_cast %reshape3A_872 : vector<256x128x1xi32> to vector<256x128xi32>
    %gather3A_874 = tpu.dynamic_gather %slice3A_871[%gather3A_873] in [1] : vector<256x128xf32>, vector<256x128xi32> -> vector<256x128xf32>
    %eq3A_875 = arith.constant 8 : i32
    %eq3A_876 = vector.broadcast %eq3A_875 : i32 to vector<256x128xi32>
    %eq3A_877 = arith.cmpi eq, %shift_right_logical3A_803, %eq3A_876 : vector<256x128xi32>
    %select_n3A_878 = arith.select %eq3A_877, %gather3A_874, %select_n3A_870 : vector<256x128xi1>, vector<256x128xf32>
    %slice3A_879 = vector.extract_strided_slice %reshape3A_439 {offsets = [0, 1152], sizes = [256, 128], strides = [1, 1]} : vector<256x2048xf32> to vector<256x128xf32>
    %reshape3A_880 = vector.shape_cast %and3A_806 : vector<256x128xi32> to vector<256x128x1xi32>
    %gather3A_881 = vector.shape_cast %reshape3A_880 : vector<256x128x1xi32> to vector<256x128xi32>
    %gather3A_882 = tpu.dynamic_gather %slice3A_879[%gather3A_881] in [1] : vector<256x128xf32>, vector<256x128xi32> -> vector<256x128xf32>
    %eq3A_883 = arith.constant 9 : i32
    %eq3A_884 = vector.broadcast %eq3A_883 : i32 to vector<256x128xi32>
    %eq3A_885 = arith.cmpi eq, %shift_right_logical3A_803, %eq3A_884 : vector<256x128xi32>
    %select_n3A_886 = arith.select %eq3A_885, %gather3A_882, %select_n3A_878 : vector<256x128xi1>, vector<256x128xf32>
    %slice3A_887 = vector.extract_strided_slice %reshape3A_439 {offsets = [0, 1280], sizes = [256, 128], strides = [1, 1]} : vector<256x2048xf32> to vector<256x128xf32>
    %reshape3A_888 = vector.shape_cast %and3A_806 : vector<256x128xi32> to vector<256x128x1xi32>
    %gather3A_889 = vector.shape_cast %reshape3A_888 : vector<256x128x1xi32> to vector<256x128xi32>
    %gather3A_890 = tpu.dynamic_gather %slice3A_887[%gather3A_889] in [1] : vector<256x128xf32>, vector<256x128xi32> -> vector<256x128xf32>
    %eq3A_891 = arith.constant 10 : i32
    %eq3A_892 = vector.broadcast %eq3A_891 : i32 to vector<256x128xi32>
    %eq3A_893 = arith.cmpi eq, %shift_right_logical3A_803, %eq3A_892 : vector<256x128xi32>
    %select_n3A_894 = arith.select %eq3A_893, %gather3A_890, %select_n3A_886 : vector<256x128xi1>, vector<256x128xf32>
    %slice3A_895 = vector.extract_strided_slice %reshape3A_439 {offsets = [0, 1408], sizes = [256, 128], strides = [1, 1]} : vector<256x2048xf32> to vector<256x128xf32>
    %reshape3A_896 = vector.shape_cast %and3A_806 : vector<256x128xi32> to vector<256x128x1xi32>
    %gather3A_897 = vector.shape_cast %reshape3A_896 : vector<256x128x1xi32> to vector<256x128xi32>
    %gather3A_898 = tpu.dynamic_gather %slice3A_895[%gather3A_897] in [1] : vector<256x128xf32>, vector<256x128xi32> -> vector<256x128xf32>
    %eq3A_899 = arith.constant 11 : i32
    %eq3A_900 = vector.broadcast %eq3A_899 : i32 to vector<256x128xi32>
    %eq3A_901 = arith.cmpi eq, %shift_right_logical3A_803, %eq3A_900 : vector<256x128xi32>
    %select_n3A_902 = arith.select %eq3A_901, %gather3A_898, %select_n3A_894 : vector<256x128xi1>, vector<256x128xf32>
    %slice3A_903 = vector.extract_strided_slice %reshape3A_439 {offsets = [0, 1536], sizes = [256, 128], strides = [1, 1]} : vector<256x2048xf32> to vector<256x128xf32>
    %reshape3A_904 = vector.shape_cast %and3A_806 : vector<256x128xi32> to vector<256x128x1xi32>
    %gather3A_905 = vector.shape_cast %reshape3A_904 : vector<256x128x1xi32> to vector<256x128xi32>
    %gather3A_906 = tpu.dynamic_gather %slice3A_903[%gather3A_905] in [1] : vector<256x128xf32>, vector<256x128xi32> -> vector<256x128xf32>
    %eq3A_907 = arith.constant 12 : i32
    %eq3A_908 = vector.broadcast %eq3A_907 : i32 to vector<256x128xi32>
    %eq3A_909 = arith.cmpi eq, %shift_right_logical3A_803, %eq3A_908 : vector<256x128xi32>
    %select_n3A_910 = arith.select %eq3A_909, %gather3A_906, %select_n3A_902 : vector<256x128xi1>, vector<256x128xf32>
    %slice3A_911 = vector.extract_strided_slice %reshape3A_439 {offsets = [0, 1664], sizes = [256, 128], strides = [1, 1]} : vector<256x2048xf32> to vector<256x128xf32>
    %reshape3A_912 = vector.shape_cast %and3A_806 : vector<256x128xi32> to vector<256x128x1xi32>
    %gather3A_913 = vector.shape_cast %reshape3A_912 : vector<256x128x1xi32> to vector<256x128xi32>
    %gather3A_914 = tpu.dynamic_gather %slice3A_911[%gather3A_913] in [1] : vector<256x128xf32>, vector<256x128xi32> -> vector<256x128xf32>
    %eq3A_915 = arith.constant 13 : i32
    %eq3A_916 = vector.broadcast %eq3A_915 : i32 to vector<256x128xi32>
    %eq3A_917 = arith.cmpi eq, %shift_right_logical3A_803, %eq3A_916 : vector<256x128xi32>
    %select_n3A_918 = arith.select %eq3A_917, %gather3A_914, %select_n3A_910 : vector<256x128xi1>, vector<256x128xf32>
    %slice3A_919 = vector.extract_strided_slice %reshape3A_439 {offsets = [0, 1792], sizes = [256, 128], strides = [1, 1]} : vector<256x2048xf32> to vector<256x128xf32>
    %reshape3A_920 = vector.shape_cast %and3A_806 : vector<256x128xi32> to vector<256x128x1xi32>
    %gather3A_921 = vector.shape_cast %reshape3A_920 : vector<256x128x1xi32> to vector<256x128xi32>
    %gather3A_922 = tpu.dynamic_gather %slice3A_919[%gather3A_921] in [1] : vector<256x128xf32>, vector<256x128xi32> -> vector<256x128xf32>
    %eq3A_923 = arith.constant 14 : i32
    %eq3A_924 = vector.broadcast %eq3A_923 : i32 to vector<256x128xi32>
    %eq3A_925 = arith.cmpi eq, %shift_right_logical3A_803, %eq3A_924 : vector<256x128xi32>
    %select_n3A_926 = arith.select %eq3A_925, %gather3A_922, %select_n3A_918 : vector<256x128xi1>, vector<256x128xf32>
    %slice3A_927 = vector.extract_strided_slice %reshape3A_439 {offsets = [0, 1920], sizes = [256, 128], strides = [1, 1]} : vector<256x2048xf32> to vector<256x128xf32>
    %reshape3A_928 = vector.shape_cast %and3A_806 : vector<256x128xi32> to vector<256x128x1xi32>
    %gather3A_929 = vector.shape_cast %reshape3A_928 : vector<256x128x1xi32> to vector<256x128xi32>
    %gather3A_930 = tpu.dynamic_gather %slice3A_927[%gather3A_929] in [1] : vector<256x128xf32>, vector<256x128xi32> -> vector<256x128xf32>
    %eq3A_931 = arith.constant 15 : i32
    %eq3A_932 = vector.broadcast %eq3A_931 : i32 to vector<256x128xi32>
    %eq3A_933 = arith.cmpi eq, %shift_right_logical3A_803, %eq3A_932 : vector<256x128xi32>
    %select_n3A_934 = arith.select %eq3A_933, %gather3A_930, %select_n3A_926 : vector<256x128xi1>, vector<256x128xf32>
    %lt3A_935 = arith.cmpf olt, %select_n3A_934, %sub3A_498 : vector<256x128xf32>
    %select_n3A_936 = arith.select %lt3A_935, %add3A_794, %select_n3A_791 : vector<256x128xi1>, vector<256x128xi32>
    %add3A_937 = arith.constant 8 : i32
    %add3A_938 = vector.broadcast %add3A_937 : i32 to vector<256x128xi32>
    %add3A_939 = arith.addi %select_n3A_936, %add3A_938 : vector<256x128xi32>
    %add3A_940 = arith.addi %mul3A_503, %add3A_939 : vector<256x128xi32>
    %sub3A_941 = arith.constant 1 : i32
    %sub3A_942 = vector.broadcast %sub3A_941 : i32 to vector<256x128xi32>
    %sub3A_943 = arith.subi %add3A_940, %sub3A_942 : vector<256x128xi32>
    %broadcast_in_dim3A_944 = arith.constant 0.000000e+00 : f32
    %broadcast_in_dim3A_945 = vector.broadcast %broadcast_in_dim3A_944 : f32 to vector<256x128xf32>
    %shift_right_logical3A_946 = arith.constant 7 : i32
    %shift_right_logical3A_947 = vector.broadcast %shift_right_logical3A_946 : i32 to vector<256x128xi32>
    %shift_right_logical3A_948 = arith.shrui %sub3A_943, %shift_right_logical3A_947 : vector<256x128xi32>
    %and3A_949 = arith.constant 127 : i32
    %and3A_950 = vector.broadcast %and3A_949 : i32 to vector<256x128xi32>
    %and3A_951 = arith.andi %sub3A_943, %and3A_950 : vector<256x128xi32>
    %slice3A_952 = vector.extract_strided_slice %reshape3A_439 {offsets = [0, 0], sizes = [256, 128], strides = [1, 1]} : vector<256x2048xf32> to vector<256x128xf32>
    %reshape3A_953 = vector.shape_cast %and3A_951 : vector<256x128xi32> to vector<256x128x1xi32>
    %gather3A_954 = vector.shape_cast %reshape3A_953 : vector<256x128x1xi32> to vector<256x128xi32>
    %gather3A_955 = tpu.dynamic_gather %slice3A_952[%gather3A_954] in [1] : vector<256x128xf32>, vector<256x128xi32> -> vector<256x128xf32>
    %eq3A_956 = arith.constant 0 : i32
    %eq3A_957 = vector.broadcast %eq3A_956 : i32 to vector<256x128xi32>
    %eq3A_958 = arith.cmpi eq, %shift_right_logical3A_948, %eq3A_957 : vector<256x128xi32>
    %select_n3A_959 = arith.select %eq3A_958, %gather3A_955, %broadcast_in_dim3A_945 : vector<256x128xi1>, vector<256x128xf32>
    %slice3A_960 = vector.extract_strided_slice %reshape3A_439 {offsets = [0, 128], sizes = [256, 128], strides = [1, 1]} : vector<256x2048xf32> to vector<256x128xf32>
    %reshape3A_961 = vector.shape_cast %and3A_951 : vector<256x128xi32> to vector<256x128x1xi32>
    %gather3A_962 = vector.shape_cast %reshape3A_961 : vector<256x128x1xi32> to vector<256x128xi32>
    %gather3A_963 = tpu.dynamic_gather %slice3A_960[%gather3A_962] in [1] : vector<256x128xf32>, vector<256x128xi32> -> vector<256x128xf32>
    %eq3A_964 = arith.constant 1 : i32
    %eq3A_965 = vector.broadcast %eq3A_964 : i32 to vector<256x128xi32>
    %eq3A_966 = arith.cmpi eq, %shift_right_logical3A_948, %eq3A_965 : vector<256x128xi32>
    %select_n3A_967 = arith.select %eq3A_966, %gather3A_963, %select_n3A_959 : vector<256x128xi1>, vector<256x128xf32>
    %slice3A_968 = vector.extract_strided_slice %reshape3A_439 {offsets = [0, 256], sizes = [256, 128], strides = [1, 1]} : vector<256x2048xf32> to vector<256x128xf32>
    %reshape3A_969 = vector.shape_cast %and3A_951 : vector<256x128xi32> to vector<256x128x1xi32>
    %gather3A_970 = vector.shape_cast %reshape3A_969 : vector<256x128x1xi32> to vector<256x128xi32>
    %gather3A_971 = tpu.dynamic_gather %slice3A_968[%gather3A_970] in [1] : vector<256x128xf32>, vector<256x128xi32> -> vector<256x128xf32>
    %eq3A_972 = arith.constant 2 : i32
    %eq3A_973 = vector.broadcast %eq3A_972 : i32 to vector<256x128xi32>
    %eq3A_974 = arith.cmpi eq, %shift_right_logical3A_948, %eq3A_973 : vector<256x128xi32>
    %select_n3A_975 = arith.select %eq3A_974, %gather3A_971, %select_n3A_967 : vector<256x128xi1>, vector<256x128xf32>
    %slice3A_976 = vector.extract_strided_slice %reshape3A_439 {offsets = [0, 384], sizes = [256, 128], strides = [1, 1]} : vector<256x2048xf32> to vector<256x128xf32>
    %reshape3A_977 = vector.shape_cast %and3A_951 : vector<256x128xi32> to vector<256x128x1xi32>
    %gather3A_978 = vector.shape_cast %reshape3A_977 : vector<256x128x1xi32> to vector<256x128xi32>
    %gather3A_979 = tpu.dynamic_gather %slice3A_976[%gather3A_978] in [1] : vector<256x128xf32>, vector<256x128xi32> -> vector<256x128xf32>
    %eq3A_980 = arith.constant 3 : i32
    %eq3A_981 = vector.broadcast %eq3A_980 : i32 to vector<256x128xi32>
    %eq3A_982 = arith.cmpi eq, %shift_right_logical3A_948, %eq3A_981 : vector<256x128xi32>
    %select_n3A_983 = arith.select %eq3A_982, %gather3A_979, %select_n3A_975 : vector<256x128xi1>, vector<256x128xf32>
    %slice3A_984 = vector.extract_strided_slice %reshape3A_439 {offsets = [0, 512], sizes = [256, 128], strides = [1, 1]} : vector<256x2048xf32> to vector<256x128xf32>
    %reshape3A_985 = vector.shape_cast %and3A_951 : vector<256x128xi32> to vector<256x128x1xi32>
    %gather3A_986 = vector.shape_cast %reshape3A_985 : vector<256x128x1xi32> to vector<256x128xi32>
    %gather3A_987 = tpu.dynamic_gather %slice3A_984[%gather3A_986] in [1] : vector<256x128xf32>, vector<256x128xi32> -> vector<256x128xf32>
    %eq3A_988 = arith.constant 4 : i32
    %eq3A_989 = vector.broadcast %eq3A_988 : i32 to vector<256x128xi32>
    %eq3A_990 = arith.cmpi eq, %shift_right_logical3A_948, %eq3A_989 : vector<256x128xi32>
    %select_n3A_991 = arith.select %eq3A_990, %gather3A_987, %select_n3A_983 : vector<256x128xi1>, vector<256x128xf32>
    %slice3A_992 = vector.extract_strided_slice %reshape3A_439 {offsets = [0, 640], sizes = [256, 128], strides = [1, 1]} : vector<256x2048xf32> to vector<256x128xf32>
    %reshape3A_993 = vector.shape_cast %and3A_951 : vector<256x128xi32> to vector<256x128x1xi32>
    %gather3A_994 = vector.shape_cast %reshape3A_993 : vector<256x128x1xi32> to vector<256x128xi32>
    %gather3A_995 = tpu.dynamic_gather %slice3A_992[%gather3A_994] in [1] : vector<256x128xf32>, vector<256x128xi32> -> vector<256x128xf32>
    %eq3A_996 = arith.constant 5 : i32
    %eq3A_997 = vector.broadcast %eq3A_996 : i32 to vector<256x128xi32>
    %eq3A_998 = arith.cmpi eq, %shift_right_logical3A_948, %eq3A_997 : vector<256x128xi32>
    %select_n3A_999 = arith.select %eq3A_998, %gather3A_995, %select_n3A_991 : vector<256x128xi1>, vector<256x128xf32>
    %slice3A_1000 = vector.extract_strided_slice %reshape3A_439 {offsets = [0, 768], sizes = [256, 128], strides = [1, 1]} : vector<256x2048xf32> to vector<256x128xf32>
    %reshape3A_1001 = vector.shape_cast %and3A_951 : vector<256x128xi32> to vector<256x128x1xi32>
    %gather3A_1002 = vector.shape_cast %reshape3A_1001 : vector<256x128x1xi32> to vector<256x128xi32>
    %gather3A_1003 = tpu.dynamic_gather %slice3A_1000[%gather3A_1002] in [1] : vector<256x128xf32>, vector<256x128xi32> -> vector<256x128xf32>
    %eq3A_1004 = arith.constant 6 : i32
    %eq3A_1005 = vector.broadcast %eq3A_1004 : i32 to vector<256x128xi32>
    %eq3A_1006 = arith.cmpi eq, %shift_right_logical3A_948, %eq3A_1005 : vector<256x128xi32>
    %select_n3A_1007 = arith.select %eq3A_1006, %gather3A_1003, %select_n3A_999 : vector<256x128xi1>, vector<256x128xf32>
    %slice3A_1008 = vector.extract_strided_slice %reshape3A_439 {offsets = [0, 896], sizes = [256, 128], strides = [1, 1]} : vector<256x2048xf32> to vector<256x128xf32>
    %reshape3A_1009 = vector.shape_cast %and3A_951 : vector<256x128xi32> to vector<256x128x1xi32>
    %gather3A_1010 = vector.shape_cast %reshape3A_1009 : vector<256x128x1xi32> to vector<256x128xi32>
    %gather3A_1011 = tpu.dynamic_gather %slice3A_1008[%gather3A_1010] in [1] : vector<256x128xf32>, vector<256x128xi32> -> vector<256x128xf32>
    %eq3A_1012 = arith.constant 7 : i32
    %eq3A_1013 = vector.broadcast %eq3A_1012 : i32 to vector<256x128xi32>
    %eq3A_1014 = arith.cmpi eq, %shift_right_logical3A_948, %eq3A_1013 : vector<256x128xi32>
    %select_n3A_1015 = arith.select %eq3A_1014, %gather3A_1011, %select_n3A_1007 : vector<256x128xi1>, vector<256x128xf32>
    %slice3A_1016 = vector.extract_strided_slice %reshape3A_439 {offsets = [0, 1024], sizes = [256, 128], strides = [1, 1]} : vector<256x2048xf32> to vector<256x128xf32>
    %reshape3A_1017 = vector.shape_cast %and3A_951 : vector<256x128xi32> to vector<256x128x1xi32>
    %gather3A_1018 = vector.shape_cast %reshape3A_1017 : vector<256x128x1xi32> to vector<256x128xi32>
    %gather3A_1019 = tpu.dynamic_gather %slice3A_1016[%gather3A_1018] in [1] : vector<256x128xf32>, vector<256x128xi32> -> vector<256x128xf32>
    %eq3A_1020 = arith.constant 8 : i32
    %eq3A_1021 = vector.broadcast %eq3A_1020 : i32 to vector<256x128xi32>
    %eq3A_1022 = arith.cmpi eq, %shift_right_logical3A_948, %eq3A_1021 : vector<256x128xi32>
    %select_n3A_1023 = arith.select %eq3A_1022, %gather3A_1019, %select_n3A_1015 : vector<256x128xi1>, vector<256x128xf32>
    %slice3A_1024 = vector.extract_strided_slice %reshape3A_439 {offsets = [0, 1152], sizes = [256, 128], strides = [1, 1]} : vector<256x2048xf32> to vector<256x128xf32>
    %reshape3A_1025 = vector.shape_cast %and3A_951 : vector<256x128xi32> to vector<256x128x1xi32>
    %gather3A_1026 = vector.shape_cast %reshape3A_1025 : vector<256x128x1xi32> to vector<256x128xi32>
    %gather3A_1027 = tpu.dynamic_gather %slice3A_1024[%gather3A_1026] in [1] : vector<256x128xf32>, vector<256x128xi32> -> vector<256x128xf32>
    %eq3A_1028 = arith.constant 9 : i32
    %eq3A_1029 = vector.broadcast %eq3A_1028 : i32 to vector<256x128xi32>
    %eq3A_1030 = arith.cmpi eq, %shift_right_logical3A_948, %eq3A_1029 : vector<256x128xi32>
    %select_n3A_1031 = arith.select %eq3A_1030, %gather3A_1027, %select_n3A_1023 : vector<256x128xi1>, vector<256x128xf32>
    %slice3A_1032 = vector.extract_strided_slice %reshape3A_439 {offsets = [0, 1280], sizes = [256, 128], strides = [1, 1]} : vector<256x2048xf32> to vector<256x128xf32>
    %reshape3A_1033 = vector.shape_cast %and3A_951 : vector<256x128xi32> to vector<256x128x1xi32>
    %gather3A_1034 = vector.shape_cast %reshape3A_1033 : vector<256x128x1xi32> to vector<256x128xi32>
    %gather3A_1035 = tpu.dynamic_gather %slice3A_1032[%gather3A_1034] in [1] : vector<256x128xf32>, vector<256x128xi32> -> vector<256x128xf32>
    %eq3A_1036 = arith.constant 10 : i32
    %eq3A_1037 = vector.broadcast %eq3A_1036 : i32 to vector<256x128xi32>
    %eq3A_1038 = arith.cmpi eq, %shift_right_logical3A_948, %eq3A_1037 : vector<256x128xi32>
    %select_n3A_1039 = arith.select %eq3A_1038, %gather3A_1035, %select_n3A_1031 : vector<256x128xi1>, vector<256x128xf32>
    %slice3A_1040 = vector.extract_strided_slice %reshape3A_439 {offsets = [0, 1408], sizes = [256, 128], strides = [1, 1]} : vector<256x2048xf32> to vector<256x128xf32>
    %reshape3A_1041 = vector.shape_cast %and3A_951 : vector<256x128xi32> to vector<256x128x1xi32>
    %gather3A_1042 = vector.shape_cast %reshape3A_1041 : vector<256x128x1xi32> to vector<256x128xi32>
    %gather3A_1043 = tpu.dynamic_gather %slice3A_1040[%gather3A_1042] in [1] : vector<256x128xf32>, vector<256x128xi32> -> vector<256x128xf32>
    %eq3A_1044 = arith.constant 11 : i32
    %eq3A_1045 = vector.broadcast %eq3A_1044 : i32 to vector<256x128xi32>
    %eq3A_1046 = arith.cmpi eq, %shift_right_logical3A_948, %eq3A_1045 : vector<256x128xi32>
    %select_n3A_1047 = arith.select %eq3A_1046, %gather3A_1043, %select_n3A_1039 : vector<256x128xi1>, vector<256x128xf32>
    %slice3A_1048 = vector.extract_strided_slice %reshape3A_439 {offsets = [0, 1536], sizes = [256, 128], strides = [1, 1]} : vector<256x2048xf32> to vector<256x128xf32>
    %reshape3A_1049 = vector.shape_cast %and3A_951 : vector<256x128xi32> to vector<256x128x1xi32>
    %gather3A_1050 = vector.shape_cast %reshape3A_1049 : vector<256x128x1xi32> to vector<256x128xi32>
    %gather3A_1051 = tpu.dynamic_gather %slice3A_1048[%gather3A_1050] in [1] : vector<256x128xf32>, vector<256x128xi32> -> vector<256x128xf32>
    %eq3A_1052 = arith.constant 12 : i32
    %eq3A_1053 = vector.broadcast %eq3A_1052 : i32 to vector<256x128xi32>
    %eq3A_1054 = arith.cmpi eq, %shift_right_logical3A_948, %eq3A_1053 : vector<256x128xi32>
    %select_n3A_1055 = arith.select %eq3A_1054, %gather3A_1051, %select_n3A_1047 : vector<256x128xi1>, vector<256x128xf32>
    %slice3A_1056 = vector.extract_strided_slice %reshape3A_439 {offsets = [0, 1664], sizes = [256, 128], strides = [1, 1]} : vector<256x2048xf32> to vector<256x128xf32>
    %reshape3A_1057 = vector.shape_cast %and3A_951 : vector<256x128xi32> to vector<256x128x1xi32>
    %gather3A_1058 = vector.shape_cast %reshape3A_1057 : vector<256x128x1xi32> to vector<256x128xi32>
    %gather3A_1059 = tpu.dynamic_gather %slice3A_1056[%gather3A_1058] in [1] : vector<256x128xf32>, vector<256x128xi32> -> vector<256x128xf32>
    %eq3A_1060 = arith.constant 13 : i32
    %eq3A_1061 = vector.broadcast %eq3A_1060 : i32 to vector<256x128xi32>
    %eq3A_1062 = arith.cmpi eq, %shift_right_logical3A_948, %eq3A_1061 : vector<256x128xi32>
    %select_n3A_1063 = arith.select %eq3A_1062, %gather3A_1059, %select_n3A_1055 : vector<256x128xi1>, vector<256x128xf32>
    %slice3A_1064 = vector.extract_strided_slice %reshape3A_439 {offsets = [0, 1792], sizes = [256, 128], strides = [1, 1]} : vector<256x2048xf32> to vector<256x128xf32>
    %reshape3A_1065 = vector.shape_cast %and3A_951 : vector<256x128xi32> to vector<256x128x1xi32>
    %gather3A_1066 = vector.shape_cast %reshape3A_1065 : vector<256x128x1xi32> to vector<256x128xi32>
    %gather3A_1067 = tpu.dynamic_gather %slice3A_1064[%gather3A_1066] in [1] : vector<256x128xf32>, vector<256x128xi32> -> vector<256x128xf32>
    %eq3A_1068 = arith.constant 14 : i32
    %eq3A_1069 = vector.broadcast %eq3A_1068 : i32 to vector<256x128xi32>
    %eq3A_1070 = arith.cmpi eq, %shift_right_logical3A_948, %eq3A_1069 : vector<256x128xi32>
    %select_n3A_1071 = arith.select %eq3A_1070, %gather3A_1067, %select_n3A_1063 : vector<256x128xi1>, vector<256x128xf32>
    %slice3A_1072 = vector.extract_strided_slice %reshape3A_439 {offsets = [0, 1920], sizes = [256, 128], strides = [1, 1]} : vector<256x2048xf32> to vector<256x128xf32>
    %reshape3A_1073 = vector.shape_cast %and3A_951 : vector<256x128xi32> to vector<256x128x1xi32>
    %gather3A_1074 = vector.shape_cast %reshape3A_1073 : vector<256x128x1xi32> to vector<256x128xi32>
    %gather3A_1075 = tpu.dynamic_gather %slice3A_1072[%gather3A_1074] in [1] : vector<256x128xf32>, vector<256x128xi32> -> vector<256x128xf32>
    %eq3A_1076 = arith.constant 15 : i32
    %eq3A_1077 = vector.broadcast %eq3A_1076 : i32 to vector<256x128xi32>
    %eq3A_1078 = arith.cmpi eq, %shift_right_logical3A_948, %eq3A_1077 : vector<256x128xi32>
    %select_n3A_1079 = arith.select %eq3A_1078, %gather3A_1075, %select_n3A_1071 : vector<256x128xi1>, vector<256x128xf32>
    %lt3A_1080 = arith.cmpf olt, %select_n3A_1079, %sub3A_498 : vector<256x128xf32>
    %select_n3A_1081 = arith.select %lt3A_1080, %add3A_939, %select_n3A_936 : vector<256x128xi1>, vector<256x128xi32>
    %add3A_1082 = arith.constant 4 : i32
    %add3A_1083 = vector.broadcast %add3A_1082 : i32 to vector<256x128xi32>
    %add3A_1084 = arith.addi %select_n3A_1081, %add3A_1083 : vector<256x128xi32>
    %add3A_1085 = arith.addi %mul3A_503, %add3A_1084 : vector<256x128xi32>
    %sub3A_1086 = arith.constant 1 : i32
    %sub3A_1087 = vector.broadcast %sub3A_1086 : i32 to vector<256x128xi32>
    %sub3A_1088 = arith.subi %add3A_1085, %sub3A_1087 : vector<256x128xi32>
    %broadcast_in_dim3A_1089 = arith.constant 0.000000e+00 : f32
    %broadcast_in_dim3A_1090 = vector.broadcast %broadcast_in_dim3A_1089 : f32 to vector<256x128xf32>
    %shift_right_logical3A_1091 = arith.constant 7 : i32
    %shift_right_logical3A_1092 = vector.broadcast %shift_right_logical3A_1091 : i32 to vector<256x128xi32>
    %shift_right_logical3A_1093 = arith.shrui %sub3A_1088, %shift_right_logical3A_1092 : vector<256x128xi32>
    %and3A_1094 = arith.constant 127 : i32
    %and3A_1095 = vector.broadcast %and3A_1094 : i32 to vector<256x128xi32>
    %and3A_1096 = arith.andi %sub3A_1088, %and3A_1095 : vector<256x128xi32>
    %slice3A_1097 = vector.extract_strided_slice %reshape3A_439 {offsets = [0, 0], sizes = [256, 128], strides = [1, 1]} : vector<256x2048xf32> to vector<256x128xf32>
    %reshape3A_1098 = vector.shape_cast %and3A_1096 : vector<256x128xi32> to vector<256x128x1xi32>
    %gather3A_1099 = vector.shape_cast %reshape3A_1098 : vector<256x128x1xi32> to vector<256x128xi32>
    %gather3A_1100 = tpu.dynamic_gather %slice3A_1097[%gather3A_1099] in [1] : vector<256x128xf32>, vector<256x128xi32> -> vector<256x128xf32>
    %eq3A_1101 = arith.constant 0 : i32
    %eq3A_1102 = vector.broadcast %eq3A_1101 : i32 to vector<256x128xi32>
    %eq3A_1103 = arith.cmpi eq, %shift_right_logical3A_1093, %eq3A_1102 : vector<256x128xi32>
    %select_n3A_1104 = arith.select %eq3A_1103, %gather3A_1100, %broadcast_in_dim3A_1090 : vector<256x128xi1>, vector<256x128xf32>
    %slice3A_1105 = vector.extract_strided_slice %reshape3A_439 {offsets = [0, 128], sizes = [256, 128], strides = [1, 1]} : vector<256x2048xf32> to vector<256x128xf32>
    %reshape3A_1106 = vector.shape_cast %and3A_1096 : vector<256x128xi32> to vector<256x128x1xi32>
    %gather3A_1107 = vector.shape_cast %reshape3A_1106 : vector<256x128x1xi32> to vector<256x128xi32>
    %gather3A_1108 = tpu.dynamic_gather %slice3A_1105[%gather3A_1107] in [1] : vector<256x128xf32>, vector<256x128xi32> -> vector<256x128xf32>
    %eq3A_1109 = arith.constant 1 : i32
    %eq3A_1110 = vector.broadcast %eq3A_1109 : i32 to vector<256x128xi32>
    %eq3A_1111 = arith.cmpi eq, %shift_right_logical3A_1093, %eq3A_1110 : vector<256x128xi32>
    %select_n3A_1112 = arith.select %eq3A_1111, %gather3A_1108, %select_n3A_1104 : vector<256x128xi1>, vector<256x128xf32>
    %slice3A_1113 = vector.extract_strided_slice %reshape3A_439 {offsets = [0, 256], sizes = [256, 128], strides = [1, 1]} : vector<256x2048xf32> to vector<256x128xf32>
    %reshape3A_1114 = vector.shape_cast %and3A_1096 : vector<256x128xi32> to vector<256x128x1xi32>
    %gather3A_1115 = vector.shape_cast %reshape3A_1114 : vector<256x128x1xi32> to vector<256x128xi32>
    %gather3A_1116 = tpu.dynamic_gather %slice3A_1113[%gather3A_1115] in [1] : vector<256x128xf32>, vector<256x128xi32> -> vector<256x128xf32>
    %eq3A_1117 = arith.constant 2 : i32
    %eq3A_1118 = vector.broadcast %eq3A_1117 : i32 to vector<256x128xi32>
    %eq3A_1119 = arith.cmpi eq, %shift_right_logical3A_1093, %eq3A_1118 : vector<256x128xi32>
    %select_n3A_1120 = arith.select %eq3A_1119, %gather3A_1116, %select_n3A_1112 : vector<256x128xi1>, vector<256x128xf32>
    %slice3A_1121 = vector.extract_strided_slice %reshape3A_439 {offsets = [0, 384], sizes = [256, 128], strides = [1, 1]} : vector<256x2048xf32> to vector<256x128xf32>
    %reshape3A_1122 = vector.shape_cast %and3A_1096 : vector<256x128xi32> to vector<256x128x1xi32>
    %gather3A_1123 = vector.shape_cast %reshape3A_1122 : vector<256x128x1xi32> to vector<256x128xi32>
    %gather3A_1124 = tpu.dynamic_gather %slice3A_1121[%gather3A_1123] in [1] : vector<256x128xf32>, vector<256x128xi32> -> vector<256x128xf32>
    %eq3A_1125 = arith.constant 3 : i32
    %eq3A_1126 = vector.broadcast %eq3A_1125 : i32 to vector<256x128xi32>
    %eq3A_1127 = arith.cmpi eq, %shift_right_logical3A_1093, %eq3A_1126 : vector<256x128xi32>
    %select_n3A_1128 = arith.select %eq3A_1127, %gather3A_1124, %select_n3A_1120 : vector<256x128xi1>, vector<256x128xf32>
    %slice3A_1129 = vector.extract_strided_slice %reshape3A_439 {offsets = [0, 512], sizes = [256, 128], strides = [1, 1]} : vector<256x2048xf32> to vector<256x128xf32>
    %reshape3A_1130 = vector.shape_cast %and3A_1096 : vector<256x128xi32> to vector<256x128x1xi32>
    %gather3A_1131 = vector.shape_cast %reshape3A_1130 : vector<256x128x1xi32> to vector<256x128xi32>
    %gather3A_1132 = tpu.dynamic_gather %slice3A_1129[%gather3A_1131] in [1] : vector<256x128xf32>, vector<256x128xi32> -> vector<256x128xf32>
    %eq3A_1133 = arith.constant 4 : i32
    %eq3A_1134 = vector.broadcast %eq3A_1133 : i32 to vector<256x128xi32>
    %eq3A_1135 = arith.cmpi eq, %shift_right_logical3A_1093, %eq3A_1134 : vector<256x128xi32>
    %select_n3A_1136 = arith.select %eq3A_1135, %gather3A_1132, %select_n3A_1128 : vector<256x128xi1>, vector<256x128xf32>
    %slice3A_1137 = vector.extract_strided_slice %reshape3A_439 {offsets = [0, 640], sizes = [256, 128], strides = [1, 1]} : vector<256x2048xf32> to vector<256x128xf32>
    %reshape3A_1138 = vector.shape_cast %and3A_1096 : vector<256x128xi32> to vector<256x128x1xi32>
    %gather3A_1139 = vector.shape_cast %reshape3A_1138 : vector<256x128x1xi32> to vector<256x128xi32>
    %gather3A_1140 = tpu.dynamic_gather %slice3A_1137[%gather3A_1139] in [1] : vector<256x128xf32>, vector<256x128xi32> -> vector<256x128xf32>
    %eq3A_1141 = arith.constant 5 : i32
    %eq3A_1142 = vector.broadcast %eq3A_1141 : i32 to vector<256x128xi32>
    %eq3A_1143 = arith.cmpi eq, %shift_right_logical3A_1093, %eq3A_1142 : vector<256x128xi32>
    %select_n3A_1144 = arith.select %eq3A_1143, %gather3A_1140, %select_n3A_1136 : vector<256x128xi1>, vector<256x128xf32>
    %slice3A_1145 = vector.extract_strided_slice %reshape3A_439 {offsets = [0, 768], sizes = [256, 128], strides = [1, 1]} : vector<256x2048xf32> to vector<256x128xf32>
    %reshape3A_1146 = vector.shape_cast %and3A_1096 : vector<256x128xi32> to vector<256x128x1xi32>
    %gather3A_1147 = vector.shape_cast %reshape3A_1146 : vector<256x128x1xi32> to vector<256x128xi32>
    %gather3A_1148 = tpu.dynamic_gather %slice3A_1145[%gather3A_1147] in [1] : vector<256x128xf32>, vector<256x128xi32> -> vector<256x128xf32>
    %eq3A_1149 = arith.constant 6 : i32
    %eq3A_1150 = vector.broadcast %eq3A_1149 : i32 to vector<256x128xi32>
    %eq3A_1151 = arith.cmpi eq, %shift_right_logical3A_1093, %eq3A_1150 : vector<256x128xi32>
    %select_n3A_1152 = arith.select %eq3A_1151, %gather3A_1148, %select_n3A_1144 : vector<256x128xi1>, vector<256x128xf32>
    %slice3A_1153 = vector.extract_strided_slice %reshape3A_439 {offsets = [0, 896], sizes = [256, 128], strides = [1, 1]} : vector<256x2048xf32> to vector<256x128xf32>
    %reshape3A_1154 = vector.shape_cast %and3A_1096 : vector<256x128xi32> to vector<256x128x1xi32>
    %gather3A_1155 = vector.shape_cast %reshape3A_1154 : vector<256x128x1xi32> to vector<256x128xi32>
    %gather3A_1156 = tpu.dynamic_gather %slice3A_1153[%gather3A_1155] in [1] : vector<256x128xf32>, vector<256x128xi32> -> vector<256x128xf32>
    %eq3A_1157 = arith.constant 7 : i32
    %eq3A_1158 = vector.broadcast %eq3A_1157 : i32 to vector<256x128xi32>
    %eq3A_1159 = arith.cmpi eq, %shift_right_logical3A_1093, %eq3A_1158 : vector<256x128xi32>
    %select_n3A_1160 = arith.select %eq3A_1159, %gather3A_1156, %select_n3A_1152 : vector<256x128xi1>, vector<256x128xf32>
    %slice3A_1161 = vector.extract_strided_slice %reshape3A_439 {offsets = [0, 1024], sizes = [256, 128], strides = [1, 1]} : vector<256x2048xf32> to vector<256x128xf32>
    %reshape3A_1162 = vector.shape_cast %and3A_1096 : vector<256x128xi32> to vector<256x128x1xi32>
    %gather3A_1163 = vector.shape_cast %reshape3A_1162 : vector<256x128x1xi32> to vector<256x128xi32>
    %gather3A_1164 = tpu.dynamic_gather %slice3A_1161[%gather3A_1163] in [1] : vector<256x128xf32>, vector<256x128xi32> -> vector<256x128xf32>
    %eq3A_1165 = arith.constant 8 : i32
    %eq3A_1166 = vector.broadcast %eq3A_1165 : i32 to vector<256x128xi32>
    %eq3A_1167 = arith.cmpi eq, %shift_right_logical3A_1093, %eq3A_1166 : vector<256x128xi32>
    %select_n3A_1168 = arith.select %eq3A_1167, %gather3A_1164, %select_n3A_1160 : vector<256x128xi1>, vector<256x128xf32>
    %slice3A_1169 = vector.extract_strided_slice %reshape3A_439 {offsets = [0, 1152], sizes = [256, 128], strides = [1, 1]} : vector<256x2048xf32> to vector<256x128xf32>
    %reshape3A_1170 = vector.shape_cast %and3A_1096 : vector<256x128xi32> to vector<256x128x1xi32>
    %gather3A_1171 = vector.shape_cast %reshape3A_1170 : vector<256x128x1xi32> to vector<256x128xi32>
    %gather3A_1172 = tpu.dynamic_gather %slice3A_1169[%gather3A_1171] in [1] : vector<256x128xf32>, vector<256x128xi32> -> vector<256x128xf32>
    %eq3A_1173 = arith.constant 9 : i32
    %eq3A_1174 = vector.broadcast %eq3A_1173 : i32 to vector<256x128xi32>
    %eq3A_1175 = arith.cmpi eq, %shift_right_logical3A_1093, %eq3A_1174 : vector<256x128xi32>
    %select_n3A_1176 = arith.select %eq3A_1175, %gather3A_1172, %select_n3A_1168 : vector<256x128xi1>, vector<256x128xf32>
    %slice3A_1177 = vector.extract_strided_slice %reshape3A_439 {offsets = [0, 1280], sizes = [256, 128], strides = [1, 1]} : vector<256x2048xf32> to vector<256x128xf32>
    %reshape3A_1178 = vector.shape_cast %and3A_1096 : vector<256x128xi32> to vector<256x128x1xi32>
    %gather3A_1179 = vector.shape_cast %reshape3A_1178 : vector<256x128x1xi32> to vector<256x128xi32>
    %gather3A_1180 = tpu.dynamic_gather %slice3A_1177[%gather3A_1179] in [1] : vector<256x128xf32>, vector<256x128xi32> -> vector<256x128xf32>
    %eq3A_1181 = arith.constant 10 : i32
    %eq3A_1182 = vector.broadcast %eq3A_1181 : i32 to vector<256x128xi32>
    %eq3A_1183 = arith.cmpi eq, %shift_right_logical3A_1093, %eq3A_1182 : vector<256x128xi32>
    %select_n3A_1184 = arith.select %eq3A_1183, %gather3A_1180, %select_n3A_1176 : vector<256x128xi1>, vector<256x128xf32>
    %slice3A_1185 = vector.extract_strided_slice %reshape3A_439 {offsets = [0, 1408], sizes = [256, 128], strides = [1, 1]} : vector<256x2048xf32> to vector<256x128xf32>
    %reshape3A_1186 = vector.shape_cast %and3A_1096 : vector<256x128xi32> to vector<256x128x1xi32>
    %gather3A_1187 = vector.shape_cast %reshape3A_1186 : vector<256x128x1xi32> to vector<256x128xi32>
    %gather3A_1188 = tpu.dynamic_gather %slice3A_1185[%gather3A_1187] in [1] : vector<256x128xf32>, vector<256x128xi32> -> vector<256x128xf32>
    %eq3A_1189 = arith.constant 11 : i32
    %eq3A_1190 = vector.broadcast %eq3A_1189 : i32 to vector<256x128xi32>
    %eq3A_1191 = arith.cmpi eq, %shift_right_logical3A_1093, %eq3A_1190 : vector<256x128xi32>
    %select_n3A_1192 = arith.select %eq3A_1191, %gather3A_1188, %select_n3A_1184 : vector<256x128xi1>, vector<256x128xf32>
    %slice3A_1193 = vector.extract_strided_slice %reshape3A_439 {offsets = [0, 1536], sizes = [256, 128], strides = [1, 1]} : vector<256x2048xf32> to vector<256x128xf32>
    %reshape3A_1194 = vector.shape_cast %and3A_1096 : vector<256x128xi32> to vector<256x128x1xi32>
    %gather3A_1195 = vector.shape_cast %reshape3A_1194 : vector<256x128x1xi32> to vector<256x128xi32>
    %gather3A_1196 = tpu.dynamic_gather %slice3A_1193[%gather3A_1195] in [1] : vector<256x128xf32>, vector<256x128xi32> -> vector<256x128xf32>
    %eq3A_1197 = arith.constant 12 : i32
    %eq3A_1198 = vector.broadcast %eq3A_1197 : i32 to vector<256x128xi32>
    %eq3A_1199 = arith.cmpi eq, %shift_right_logical3A_1093, %eq3A_1198 : vector<256x128xi32>
    %select_n3A_1200 = arith.select %eq3A_1199, %gather3A_1196, %select_n3A_1192 : vector<256x128xi1>, vector<256x128xf32>
    %slice3A_1201 = vector.extract_strided_slice %reshape3A_439 {offsets = [0, 1664], sizes = [256, 128], strides = [1, 1]} : vector<256x2048xf32> to vector<256x128xf32>
    %reshape3A_1202 = vector.shape_cast %and3A_1096 : vector<256x128xi32> to vector<256x128x1xi32>
    %gather3A_1203 = vector.shape_cast %reshape3A_1202 : vector<256x128x1xi32> to vector<256x128xi32>
    %gather3A_1204 = tpu.dynamic_gather %slice3A_1201[%gather3A_1203] in [1] : vector<256x128xf32>, vector<256x128xi32> -> vector<256x128xf32>
    %eq3A_1205 = arith.constant 13 : i32
    %eq3A_1206 = vector.broadcast %eq3A_1205 : i32 to vector<256x128xi32>
    %eq3A_1207 = arith.cmpi eq, %shift_right_logical3A_1093, %eq3A_1206 : vector<256x128xi32>
    %select_n3A_1208 = arith.select %eq3A_1207, %gather3A_1204, %select_n3A_1200 : vector<256x128xi1>, vector<256x128xf32>
    %slice3A_1209 = vector.extract_strided_slice %reshape3A_439 {offsets = [0, 1792], sizes = [256, 128], strides = [1, 1]} : vector<256x2048xf32> to vector<256x128xf32>
    %reshape3A_1210 = vector.shape_cast %and3A_1096 : vector<256x128xi32> to vector<256x128x1xi32>
    %gather3A_1211 = vector.shape_cast %reshape3A_1210 : vector<256x128x1xi32> to vector<256x128xi32>
    %gather3A_1212 = tpu.dynamic_gather %slice3A_1209[%gather3A_1211] in [1] : vector<256x128xf32>, vector<256x128xi32> -> vector<256x128xf32>
    %eq3A_1213 = arith.constant 14 : i32
    %eq3A_1214 = vector.broadcast %eq3A_1213 : i32 to vector<256x128xi32>
    %eq3A_1215 = arith.cmpi eq, %shift_right_logical3A_1093, %eq3A_1214 : vector<256x128xi32>
    %select_n3A_1216 = arith.select %eq3A_1215, %gather3A_1212, %select_n3A_1208 : vector<256x128xi1>, vector<256x128xf32>
    %slice3A_1217 = vector.extract_strided_slice %reshape3A_439 {offsets = [0, 1920], sizes = [256, 128], strides = [1, 1]} : vector<256x2048xf32> to vector<256x128xf32>
    %reshape3A_1218 = vector.shape_cast %and3A_1096 : vector<256x128xi32> to vector<256x128x1xi32>
    %gather3A_1219 = vector.shape_cast %reshape3A_1218 : vector<256x128x1xi32> to vector<256x128xi32>
    %gather3A_1220 = tpu.dynamic_gather %slice3A_1217[%gather3A_1219] in [1] : vector<256x128xf32>, vector<256x128xi32> -> vector<256x128xf32>
    %eq3A_1221 = arith.constant 15 : i32
    %eq3A_1222 = vector.broadcast %eq3A_1221 : i32 to vector<256x128xi32>
    %eq3A_1223 = arith.cmpi eq, %shift_right_logical3A_1093, %eq3A_1222 : vector<256x128xi32>
    %select_n3A_1224 = arith.select %eq3A_1223, %gather3A_1220, %select_n3A_1216 : vector<256x128xi1>, vector<256x128xf32>
    %lt3A_1225 = arith.cmpf olt, %select_n3A_1224, %sub3A_498 : vector<256x128xf32>
    %select_n3A_1226 = arith.select %lt3A_1225, %add3A_1084, %select_n3A_1081 : vector<256x128xi1>, vector<256x128xi32>
    %add3A_1227 = arith.constant 2 : i32
    %add3A_1228 = vector.broadcast %add3A_1227 : i32 to vector<256x128xi32>
    %add3A_1229 = arith.addi %select_n3A_1226, %add3A_1228 : vector<256x128xi32>
    %add3A_1230 = arith.addi %mul3A_503, %add3A_1229 : vector<256x128xi32>
    %sub3A_1231 = arith.constant 1 : i32
    %sub3A_1232 = vector.broadcast %sub3A_1231 : i32 to vector<256x128xi32>
    %sub3A_1233 = arith.subi %add3A_1230, %sub3A_1232 : vector<256x128xi32>
    %broadcast_in_dim3A_1234 = arith.constant 0.000000e+00 : f32
    %broadcast_in_dim3A_1235 = vector.broadcast %broadcast_in_dim3A_1234 : f32 to vector<256x128xf32>
    %shift_right_logical3A_1236 = arith.constant 7 : i32
    %shift_right_logical3A_1237 = vector.broadcast %shift_right_logical3A_1236 : i32 to vector<256x128xi32>
    %shift_right_logical3A_1238 = arith.shrui %sub3A_1233, %shift_right_logical3A_1237 : vector<256x128xi32>
    %and3A_1239 = arith.constant 127 : i32
    %and3A_1240 = vector.broadcast %and3A_1239 : i32 to vector<256x128xi32>
    %and3A_1241 = arith.andi %sub3A_1233, %and3A_1240 : vector<256x128xi32>
    %slice3A_1242 = vector.extract_strided_slice %reshape3A_439 {offsets = [0, 0], sizes = [256, 128], strides = [1, 1]} : vector<256x2048xf32> to vector<256x128xf32>
    %reshape3A_1243 = vector.shape_cast %and3A_1241 : vector<256x128xi32> to vector<256x128x1xi32>
    %gather3A_1244 = vector.shape_cast %reshape3A_1243 : vector<256x128x1xi32> to vector<256x128xi32>
    %gather3A_1245 = tpu.dynamic_gather %slice3A_1242[%gather3A_1244] in [1] : vector<256x128xf32>, vector<256x128xi32> -> vector<256x128xf32>
    %eq3A_1246 = arith.constant 0 : i32
    %eq3A_1247 = vector.broadcast %eq3A_1246 : i32 to vector<256x128xi32>
    %eq3A_1248 = arith.cmpi eq, %shift_right_logical3A_1238, %eq3A_1247 : vector<256x128xi32>
    %select_n3A_1249 = arith.select %eq3A_1248, %gather3A_1245, %broadcast_in_dim3A_1235 : vector<256x128xi1>, vector<256x128xf32>
    %slice3A_1250 = vector.extract_strided_slice %reshape3A_439 {offsets = [0, 128], sizes = [256, 128], strides = [1, 1]} : vector<256x2048xf32> to vector<256x128xf32>
    %reshape3A_1251 = vector.shape_cast %and3A_1241 : vector<256x128xi32> to vector<256x128x1xi32>
    %gather3A_1252 = vector.shape_cast %reshape3A_1251 : vector<256x128x1xi32> to vector<256x128xi32>
    %gather3A_1253 = tpu.dynamic_gather %slice3A_1250[%gather3A_1252] in [1] : vector<256x128xf32>, vector<256x128xi32> -> vector<256x128xf32>
    %eq3A_1254 = arith.constant 1 : i32
    %eq3A_1255 = vector.broadcast %eq3A_1254 : i32 to vector<256x128xi32>
    %eq3A_1256 = arith.cmpi eq, %shift_right_logical3A_1238, %eq3A_1255 : vector<256x128xi32>
    %select_n3A_1257 = arith.select %eq3A_1256, %gather3A_1253, %select_n3A_1249 : vector<256x128xi1>, vector<256x128xf32>
    %slice3A_1258 = vector.extract_strided_slice %reshape3A_439 {offsets = [0, 256], sizes = [256, 128], strides = [1, 1]} : vector<256x2048xf32> to vector<256x128xf32>
    %reshape3A_1259 = vector.shape_cast %and3A_1241 : vector<256x128xi32> to vector<256x128x1xi32>
    %gather3A_1260 = vector.shape_cast %reshape3A_1259 : vector<256x128x1xi32> to vector<256x128xi32>
    %gather3A_1261 = tpu.dynamic_gather %slice3A_1258[%gather3A_1260] in [1] : vector<256x128xf32>, vector<256x128xi32> -> vector<256x128xf32>
    %eq3A_1262 = arith.constant 2 : i32
    %eq3A_1263 = vector.broadcast %eq3A_1262 : i32 to vector<256x128xi32>
    %eq3A_1264 = arith.cmpi eq, %shift_right_logical3A_1238, %eq3A_1263 : vector<256x128xi32>
    %select_n3A_1265 = arith.select %eq3A_1264, %gather3A_1261, %select_n3A_1257 : vector<256x128xi1>, vector<256x128xf32>
    %slice3A_1266 = vector.extract_strided_slice %reshape3A_439 {offsets = [0, 384], sizes = [256, 128], strides = [1, 1]} : vector<256x2048xf32> to vector<256x128xf32>
    %reshape3A_1267 = vector.shape_cast %and3A_1241 : vector<256x128xi32> to vector<256x128x1xi32>
    %gather3A_1268 = vector.shape_cast %reshape3A_1267 : vector<256x128x1xi32> to vector<256x128xi32>
    %gather3A_1269 = tpu.dynamic_gather %slice3A_1266[%gather3A_1268] in [1] : vector<256x128xf32>, vector<256x128xi32> -> vector<256x128xf32>
    %eq3A_1270 = arith.constant 3 : i32
    %eq3A_1271 = vector.broadcast %eq3A_1270 : i32 to vector<256x128xi32>
    %eq3A_1272 = arith.cmpi eq, %shift_right_logical3A_1238, %eq3A_1271 : vector<256x128xi32>
    %select_n3A_1273 = arith.select %eq3A_1272, %gather3A_1269, %select_n3A_1265 : vector<256x128xi1>, vector<256x128xf32>
    %slice3A_1274 = vector.extract_strided_slice %reshape3A_439 {offsets = [0, 512], sizes = [256, 128], strides = [1, 1]} : vector<256x2048xf32> to vector<256x128xf32>
    %reshape3A_1275 = vector.shape_cast %and3A_1241 : vector<256x128xi32> to vector<256x128x1xi32>
    %gather3A_1276 = vector.shape_cast %reshape3A_1275 : vector<256x128x1xi32> to vector<256x128xi32>
    %gather3A_1277 = tpu.dynamic_gather %slice3A_1274[%gather3A_1276] in [1] : vector<256x128xf32>, vector<256x128xi32> -> vector<256x128xf32>
    %eq3A_1278 = arith.constant 4 : i32
    %eq3A_1279 = vector.broadcast %eq3A_1278 : i32 to vector<256x128xi32>
    %eq3A_1280 = arith.cmpi eq, %shift_right_logical3A_1238, %eq3A_1279 : vector<256x128xi32>
    %select_n3A_1281 = arith.select %eq3A_1280, %gather3A_1277, %select_n3A_1273 : vector<256x128xi1>, vector<256x128xf32>
    %slice3A_1282 = vector.extract_strided_slice %reshape3A_439 {offsets = [0, 640], sizes = [256, 128], strides = [1, 1]} : vector<256x2048xf32> to vector<256x128xf32>
    %reshape3A_1283 = vector.shape_cast %and3A_1241 : vector<256x128xi32> to vector<256x128x1xi32>
    %gather3A_1284 = vector.shape_cast %reshape3A_1283 : vector<256x128x1xi32> to vector<256x128xi32>
    %gather3A_1285 = tpu.dynamic_gather %slice3A_1282[%gather3A_1284] in [1] : vector<256x128xf32>, vector<256x128xi32> -> vector<256x128xf32>
    %eq3A_1286 = arith.constant 5 : i32
    %eq3A_1287 = vector.broadcast %eq3A_1286 : i32 to vector<256x128xi32>
    %eq3A_1288 = arith.cmpi eq, %shift_right_logical3A_1238, %eq3A_1287 : vector<256x128xi32>
    %select_n3A_1289 = arith.select %eq3A_1288, %gather3A_1285, %select_n3A_1281 : vector<256x128xi1>, vector<256x128xf32>
    %slice3A_1290 = vector.extract_strided_slice %reshape3A_439 {offsets = [0, 768], sizes = [256, 128], strides = [1, 1]} : vector<256x2048xf32> to vector<256x128xf32>
    %reshape3A_1291 = vector.shape_cast %and3A_1241 : vector<256x128xi32> to vector<256x128x1xi32>
    %gather3A_1292 = vector.shape_cast %reshape3A_1291 : vector<256x128x1xi32> to vector<256x128xi32>
    %gather3A_1293 = tpu.dynamic_gather %slice3A_1290[%gather3A_1292] in [1] : vector<256x128xf32>, vector<256x128xi32> -> vector<256x128xf32>
    %eq3A_1294 = arith.constant 6 : i32
    %eq3A_1295 = vector.broadcast %eq3A_1294 : i32 to vector<256x128xi32>
    %eq3A_1296 = arith.cmpi eq, %shift_right_logical3A_1238, %eq3A_1295 : vector<256x128xi32>
    %select_n3A_1297 = arith.select %eq3A_1296, %gather3A_1293, %select_n3A_1289 : vector<256x128xi1>, vector<256x128xf32>
    %slice3A_1298 = vector.extract_strided_slice %reshape3A_439 {offsets = [0, 896], sizes = [256, 128], strides = [1, 1]} : vector<256x2048xf32> to vector<256x128xf32>
    %reshape3A_1299 = vector.shape_cast %and3A_1241 : vector<256x128xi32> to vector<256x128x1xi32>
    %gather3A_1300 = vector.shape_cast %reshape3A_1299 : vector<256x128x1xi32> to vector<256x128xi32>
    %gather3A_1301 = tpu.dynamic_gather %slice3A_1298[%gather3A_1300] in [1] : vector<256x128xf32>, vector<256x128xi32> -> vector<256x128xf32>
    %eq3A_1302 = arith.constant 7 : i32
    %eq3A_1303 = vector.broadcast %eq3A_1302 : i32 to vector<256x128xi32>
    %eq3A_1304 = arith.cmpi eq, %shift_right_logical3A_1238, %eq3A_1303 : vector<256x128xi32>
    %select_n3A_1305 = arith.select %eq3A_1304, %gather3A_1301, %select_n3A_1297 : vector<256x128xi1>, vector<256x128xf32>
    %slice3A_1306 = vector.extract_strided_slice %reshape3A_439 {offsets = [0, 1024], sizes = [256, 128], strides = [1, 1]} : vector<256x2048xf32> to vector<256x128xf32>
    %reshape3A_1307 = vector.shape_cast %and3A_1241 : vector<256x128xi32> to vector<256x128x1xi32>
    %gather3A_1308 = vector.shape_cast %reshape3A_1307 : vector<256x128x1xi32> to vector<256x128xi32>
    %gather3A_1309 = tpu.dynamic_gather %slice3A_1306[%gather3A_1308] in [1] : vector<256x128xf32>, vector<256x128xi32> -> vector<256x128xf32>
    %eq3A_1310 = arith.constant 8 : i32
    %eq3A_1311 = vector.broadcast %eq3A_1310 : i32 to vector<256x128xi32>
    %eq3A_1312 = arith.cmpi eq, %shift_right_logical3A_1238, %eq3A_1311 : vector<256x128xi32>
    %select_n3A_1313 = arith.select %eq3A_1312, %gather3A_1309, %select_n3A_1305 : vector<256x128xi1>, vector<256x128xf32>
    %slice3A_1314 = vector.extract_strided_slice %reshape3A_439 {offsets = [0, 1152], sizes = [256, 128], strides = [1, 1]} : vector<256x2048xf32> to vector<256x128xf32>
    %reshape3A_1315 = vector.shape_cast %and3A_1241 : vector<256x128xi32> to vector<256x128x1xi32>
    %gather3A_1316 = vector.shape_cast %reshape3A_1315 : vector<256x128x1xi32> to vector<256x128xi32>
    %gather3A_1317 = tpu.dynamic_gather %slice3A_1314[%gather3A_1316] in [1] : vector<256x128xf32>, vector<256x128xi32> -> vector<256x128xf32>
    %eq3A_1318 = arith.constant 9 : i32
    %eq3A_1319 = vector.broadcast %eq3A_1318 : i32 to vector<256x128xi32>
    %eq3A_1320 = arith.cmpi eq, %shift_right_logical3A_1238, %eq3A_1319 : vector<256x128xi32>
    %select_n3A_1321 = arith.select %eq3A_1320, %gather3A_1317, %select_n3A_1313 : vector<256x128xi1>, vector<256x128xf32>
    %slice3A_1322 = vector.extract_strided_slice %reshape3A_439 {offsets = [0, 1280], sizes = [256, 128], strides = [1, 1]} : vector<256x2048xf32> to vector<256x128xf32>
    %reshape3A_1323 = vector.shape_cast %and3A_1241 : vector<256x128xi32> to vector<256x128x1xi32>
    %gather3A_1324 = vector.shape_cast %reshape3A_1323 : vector<256x128x1xi32> to vector<256x128xi32>
    %gather3A_1325 = tpu.dynamic_gather %slice3A_1322[%gather3A_1324] in [1] : vector<256x128xf32>, vector<256x128xi32> -> vector<256x128xf32>
    %eq3A_1326 = arith.constant 10 : i32
    %eq3A_1327 = vector.broadcast %eq3A_1326 : i32 to vector<256x128xi32>
    %eq3A_1328 = arith.cmpi eq, %shift_right_logical3A_1238, %eq3A_1327 : vector<256x128xi32>
    %select_n3A_1329 = arith.select %eq3A_1328, %gather3A_1325, %select_n3A_1321 : vector<256x128xi1>, vector<256x128xf32>
    %slice3A_1330 = vector.extract_strided_slice %reshape3A_439 {offsets = [0, 1408], sizes = [256, 128], strides = [1, 1]} : vector<256x2048xf32> to vector<256x128xf32>
    %reshape3A_1331 = vector.shape_cast %and3A_1241 : vector<256x128xi32> to vector<256x128x1xi32>
    %gather3A_1332 = vector.shape_cast %reshape3A_1331 : vector<256x128x1xi32> to vector<256x128xi32>
    %gather3A_1333 = tpu.dynamic_gather %slice3A_1330[%gather3A_1332] in [1] : vector<256x128xf32>, vector<256x128xi32> -> vector<256x128xf32>
    %eq3A_1334 = arith.constant 11 : i32
    %eq3A_1335 = vector.broadcast %eq3A_1334 : i32 to vector<256x128xi32>
    %eq3A_1336 = arith.cmpi eq, %shift_right_logical3A_1238, %eq3A_1335 : vector<256x128xi32>
    %select_n3A_1337 = arith.select %eq3A_1336, %gather3A_1333, %select_n3A_1329 : vector<256x128xi1>, vector<256x128xf32>
    %slice3A_1338 = vector.extract_strided_slice %reshape3A_439 {offsets = [0, 1536], sizes = [256, 128], strides = [1, 1]} : vector<256x2048xf32> to vector<256x128xf32>
    %reshape3A_1339 = vector.shape_cast %and3A_1241 : vector<256x128xi32> to vector<256x128x1xi32>
    %gather3A_1340 = vector.shape_cast %reshape3A_1339 : vector<256x128x1xi32> to vector<256x128xi32>
    %gather3A_1341 = tpu.dynamic_gather %slice3A_1338[%gather3A_1340] in [1] : vector<256x128xf32>, vector<256x128xi32> -> vector<256x128xf32>
    %eq3A_1342 = arith.constant 12 : i32
    %eq3A_1343 = vector.broadcast %eq3A_1342 : i32 to vector<256x128xi32>
    %eq3A_1344 = arith.cmpi eq, %shift_right_logical3A_1238, %eq3A_1343 : vector<256x128xi32>
    %select_n3A_1345 = arith.select %eq3A_1344, %gather3A_1341, %select_n3A_1337 : vector<256x128xi1>, vector<256x128xf32>
    %slice3A_1346 = vector.extract_strided_slice %reshape3A_439 {offsets = [0, 1664], sizes = [256, 128], strides = [1, 1]} : vector<256x2048xf32> to vector<256x128xf32>
    %reshape3A_1347 = vector.shape_cast %and3A_1241 : vector<256x128xi32> to vector<256x128x1xi32>
    %gather3A_1348 = vector.shape_cast %reshape3A_1347 : vector<256x128x1xi32> to vector<256x128xi32>
    %gather3A_1349 = tpu.dynamic_gather %slice3A_1346[%gather3A_1348] in [1] : vector<256x128xf32>, vector<256x128xi32> -> vector<256x128xf32>
    %eq3A_1350 = arith.constant 13 : i32
    %eq3A_1351 = vector.broadcast %eq3A_1350 : i32 to vector<256x128xi32>
    %eq3A_1352 = arith.cmpi eq, %shift_right_logical3A_1238, %eq3A_1351 : vector<256x128xi32>
    %select_n3A_1353 = arith.select %eq3A_1352, %gather3A_1349, %select_n3A_1345 : vector<256x128xi1>, vector<256x128xf32>
    %slice3A_1354 = vector.extract_strided_slice %reshape3A_439 {offsets = [0, 1792], sizes = [256, 128], strides = [1, 1]} : vector<256x2048xf32> to vector<256x128xf32>
    %reshape3A_1355 = vector.shape_cast %and3A_1241 : vector<256x128xi32> to vector<256x128x1xi32>
    %gather3A_1356 = vector.shape_cast %reshape3A_1355 : vector<256x128x1xi32> to vector<256x128xi32>
    %gather3A_1357 = tpu.dynamic_gather %slice3A_1354[%gather3A_1356] in [1] : vector<256x128xf32>, vector<256x128xi32> -> vector<256x128xf32>
    %eq3A_1358 = arith.constant 14 : i32
    %eq3A_1359 = vector.broadcast %eq3A_1358 : i32 to vector<256x128xi32>
    %eq3A_1360 = arith.cmpi eq, %shift_right_logical3A_1238, %eq3A_1359 : vector<256x128xi32>
    %select_n3A_1361 = arith.select %eq3A_1360, %gather3A_1357, %select_n3A_1353 : vector<256x128xi1>, vector<256x128xf32>
    %slice3A_1362 = vector.extract_strided_slice %reshape3A_439 {offsets = [0, 1920], sizes = [256, 128], strides = [1, 1]} : vector<256x2048xf32> to vector<256x128xf32>
    %reshape3A_1363 = vector.shape_cast %and3A_1241 : vector<256x128xi32> to vector<256x128x1xi32>
    %gather3A_1364 = vector.shape_cast %reshape3A_1363 : vector<256x128x1xi32> to vector<256x128xi32>
    %gather3A_1365 = tpu.dynamic_gather %slice3A_1362[%gather3A_1364] in [1] : vector<256x128xf32>, vector<256x128xi32> -> vector<256x128xf32>
    %eq3A_1366 = arith.constant 15 : i32
    %eq3A_1367 = vector.broadcast %eq3A_1366 : i32 to vector<256x128xi32>
    %eq3A_1368 = arith.cmpi eq, %shift_right_logical3A_1238, %eq3A_1367 : vector<256x128xi32>
    %select_n3A_1369 = arith.select %eq3A_1368, %gather3A_1365, %select_n3A_1361 : vector<256x128xi1>, vector<256x128xf32>
    %lt3A_1370 = arith.cmpf olt, %select_n3A_1369, %sub3A_498 : vector<256x128xf32>
    %select_n3A_1371 = arith.select %lt3A_1370, %add3A_1229, %select_n3A_1226 : vector<256x128xi1>, vector<256x128xi32>
    %add3A_1372 = arith.constant 1 : i32
    %add3A_1373 = vector.broadcast %add3A_1372 : i32 to vector<256x128xi32>
    %add3A_1374 = arith.addi %select_n3A_1371, %add3A_1373 : vector<256x128xi32>
    %add3A_1375 = arith.addi %mul3A_503, %add3A_1374 : vector<256x128xi32>
    %sub3A_1376 = arith.constant 1 : i32
    %sub3A_1377 = vector.broadcast %sub3A_1376 : i32 to vector<256x128xi32>
    %sub3A_1378 = arith.subi %add3A_1375, %sub3A_1377 : vector<256x128xi32>
    %broadcast_in_dim3A_1379 = arith.constant 0.000000e+00 : f32
    %broadcast_in_dim3A_1380 = vector.broadcast %broadcast_in_dim3A_1379 : f32 to vector<256x128xf32>
    %shift_right_logical3A_1381 = arith.constant 7 : i32
    %shift_right_logical3A_1382 = vector.broadcast %shift_right_logical3A_1381 : i32 to vector<256x128xi32>
    %shift_right_logical3A_1383 = arith.shrui %sub3A_1378, %shift_right_logical3A_1382 : vector<256x128xi32>
    %and3A_1384 = arith.constant 127 : i32
    %and3A_1385 = vector.broadcast %and3A_1384 : i32 to vector<256x128xi32>
    %and3A_1386 = arith.andi %sub3A_1378, %and3A_1385 : vector<256x128xi32>
    %slice3A_1387 = vector.extract_strided_slice %reshape3A_439 {offsets = [0, 0], sizes = [256, 128], strides = [1, 1]} : vector<256x2048xf32> to vector<256x128xf32>
    %reshape3A_1388 = vector.shape_cast %and3A_1386 : vector<256x128xi32> to vector<256x128x1xi32>
    %gather3A_1389 = vector.shape_cast %reshape3A_1388 : vector<256x128x1xi32> to vector<256x128xi32>
    %gather3A_1390 = tpu.dynamic_gather %slice3A_1387[%gather3A_1389] in [1] : vector<256x128xf32>, vector<256x128xi32> -> vector<256x128xf32>
    %eq3A_1391 = arith.constant 0 : i32
    %eq3A_1392 = vector.broadcast %eq3A_1391 : i32 to vector<256x128xi32>
    %eq3A_1393 = arith.cmpi eq, %shift_right_logical3A_1383, %eq3A_1392 : vector<256x128xi32>
    %select_n3A_1394 = arith.select %eq3A_1393, %gather3A_1390, %broadcast_in_dim3A_1380 : vector<256x128xi1>, vector<256x128xf32>
    %slice3A_1395 = vector.extract_strided_slice %reshape3A_439 {offsets = [0, 128], sizes = [256, 128], strides = [1, 1]} : vector<256x2048xf32> to vector<256x128xf32>
    %reshape3A_1396 = vector.shape_cast %and3A_1386 : vector<256x128xi32> to vector<256x128x1xi32>
    %gather3A_1397 = vector.shape_cast %reshape3A_1396 : vector<256x128x1xi32> to vector<256x128xi32>
    %gather3A_1398 = tpu.dynamic_gather %slice3A_1395[%gather3A_1397] in [1] : vector<256x128xf32>, vector<256x128xi32> -> vector<256x128xf32>
    %eq3A_1399 = arith.constant 1 : i32
    %eq3A_1400 = vector.broadcast %eq3A_1399 : i32 to vector<256x128xi32>
    %eq3A_1401 = arith.cmpi eq, %shift_right_logical3A_1383, %eq3A_1400 : vector<256x128xi32>
    %select_n3A_1402 = arith.select %eq3A_1401, %gather3A_1398, %select_n3A_1394 : vector<256x128xi1>, vector<256x128xf32>
    %slice3A_1403 = vector.extract_strided_slice %reshape3A_439 {offsets = [0, 256], sizes = [256, 128], strides = [1, 1]} : vector<256x2048xf32> to vector<256x128xf32>
    %reshape3A_1404 = vector.shape_cast %and3A_1386 : vector<256x128xi32> to vector<256x128x1xi32>
    %gather3A_1405 = vector.shape_cast %reshape3A_1404 : vector<256x128x1xi32> to vector<256x128xi32>
    %gather3A_1406 = tpu.dynamic_gather %slice3A_1403[%gather3A_1405] in [1] : vector<256x128xf32>, vector<256x128xi32> -> vector<256x128xf32>
    %eq3A_1407 = arith.constant 2 : i32
    %eq3A_1408 = vector.broadcast %eq3A_1407 : i32 to vector<256x128xi32>
    %eq3A_1409 = arith.cmpi eq, %shift_right_logical3A_1383, %eq3A_1408 : vector<256x128xi32>
    %select_n3A_1410 = arith.select %eq3A_1409, %gather3A_1406, %select_n3A_1402 : vector<256x128xi1>, vector<256x128xf32>
    %slice3A_1411 = vector.extract_strided_slice %reshape3A_439 {offsets = [0, 384], sizes = [256, 128], strides = [1, 1]} : vector<256x2048xf32> to vector<256x128xf32>
    %reshape3A_1412 = vector.shape_cast %and3A_1386 : vector<256x128xi32> to vector<256x128x1xi32>
    %gather3A_1413 = vector.shape_cast %reshape3A_1412 : vector<256x128x1xi32> to vector<256x128xi32>
    %gather3A_1414 = tpu.dynamic_gather %slice3A_1411[%gather3A_1413] in [1] : vector<256x128xf32>, vector<256x128xi32> -> vector<256x128xf32>
    %eq3A_1415 = arith.constant 3 : i32
    %eq3A_1416 = vector.broadcast %eq3A_1415 : i32 to vector<256x128xi32>
    %eq3A_1417 = arith.cmpi eq, %shift_right_logical3A_1383, %eq3A_1416 : vector<256x128xi32>
    %select_n3A_1418 = arith.select %eq3A_1417, %gather3A_1414, %select_n3A_1410 : vector<256x128xi1>, vector<256x128xf32>
    %slice3A_1419 = vector.extract_strided_slice %reshape3A_439 {offsets = [0, 512], sizes = [256, 128], strides = [1, 1]} : vector<256x2048xf32> to vector<256x128xf32>
    %reshape3A_1420 = vector.shape_cast %and3A_1386 : vector<256x128xi32> to vector<256x128x1xi32>
    %gather3A_1421 = vector.shape_cast %reshape3A_1420 : vector<256x128x1xi32> to vector<256x128xi32>
    %gather3A_1422 = tpu.dynamic_gather %slice3A_1419[%gather3A_1421] in [1] : vector<256x128xf32>, vector<256x128xi32> -> vector<256x128xf32>
    %eq3A_1423 = arith.constant 4 : i32
    %eq3A_1424 = vector.broadcast %eq3A_1423 : i32 to vector<256x128xi32>
    %eq3A_1425 = arith.cmpi eq, %shift_right_logical3A_1383, %eq3A_1424 : vector<256x128xi32>
    %select_n3A_1426 = arith.select %eq3A_1425, %gather3A_1422, %select_n3A_1418 : vector<256x128xi1>, vector<256x128xf32>
    %slice3A_1427 = vector.extract_strided_slice %reshape3A_439 {offsets = [0, 640], sizes = [256, 128], strides = [1, 1]} : vector<256x2048xf32> to vector<256x128xf32>
    %reshape3A_1428 = vector.shape_cast %and3A_1386 : vector<256x128xi32> to vector<256x128x1xi32>
    %gather3A_1429 = vector.shape_cast %reshape3A_1428 : vector<256x128x1xi32> to vector<256x128xi32>
    %gather3A_1430 = tpu.dynamic_gather %slice3A_1427[%gather3A_1429] in [1] : vector<256x128xf32>, vector<256x128xi32> -> vector<256x128xf32>
    %eq3A_1431 = arith.constant 5 : i32
    %eq3A_1432 = vector.broadcast %eq3A_1431 : i32 to vector<256x128xi32>
    %eq3A_1433 = arith.cmpi eq, %shift_right_logical3A_1383, %eq3A_1432 : vector<256x128xi32>
    %select_n3A_1434 = arith.select %eq3A_1433, %gather3A_1430, %select_n3A_1426 : vector<256x128xi1>, vector<256x128xf32>
    %slice3A_1435 = vector.extract_strided_slice %reshape3A_439 {offsets = [0, 768], sizes = [256, 128], strides = [1, 1]} : vector<256x2048xf32> to vector<256x128xf32>
    %reshape3A_1436 = vector.shape_cast %and3A_1386 : vector<256x128xi32> to vector<256x128x1xi32>
    %gather3A_1437 = vector.shape_cast %reshape3A_1436 : vector<256x128x1xi32> to vector<256x128xi32>
    %gather3A_1438 = tpu.dynamic_gather %slice3A_1435[%gather3A_1437] in [1] : vector<256x128xf32>, vector<256x128xi32> -> vector<256x128xf32>
    %eq3A_1439 = arith.constant 6 : i32
    %eq3A_1440 = vector.broadcast %eq3A_1439 : i32 to vector<256x128xi32>
    %eq3A_1441 = arith.cmpi eq, %shift_right_logical3A_1383, %eq3A_1440 : vector<256x128xi32>
    %select_n3A_1442 = arith.select %eq3A_1441, %gather3A_1438, %select_n3A_1434 : vector<256x128xi1>, vector<256x128xf32>
    %slice3A_1443 = vector.extract_strided_slice %reshape3A_439 {offsets = [0, 896], sizes = [256, 128], strides = [1, 1]} : vector<256x2048xf32> to vector<256x128xf32>
    %reshape3A_1444 = vector.shape_cast %and3A_1386 : vector<256x128xi32> to vector<256x128x1xi32>
    %gather3A_1445 = vector.shape_cast %reshape3A_1444 : vector<256x128x1xi32> to vector<256x128xi32>
    %gather3A_1446 = tpu.dynamic_gather %slice3A_1443[%gather3A_1445] in [1] : vector<256x128xf32>, vector<256x128xi32> -> vector<256x128xf32>
    %eq3A_1447 = arith.constant 7 : i32
    %eq3A_1448 = vector.broadcast %eq3A_1447 : i32 to vector<256x128xi32>
    %eq3A_1449 = arith.cmpi eq, %shift_right_logical3A_1383, %eq3A_1448 : vector<256x128xi32>
    %select_n3A_1450 = arith.select %eq3A_1449, %gather3A_1446, %select_n3A_1442 : vector<256x128xi1>, vector<256x128xf32>
    %slice3A_1451 = vector.extract_strided_slice %reshape3A_439 {offsets = [0, 1024], sizes = [256, 128], strides = [1, 1]} : vector<256x2048xf32> to vector<256x128xf32>
    %reshape3A_1452 = vector.shape_cast %and3A_1386 : vector<256x128xi32> to vector<256x128x1xi32>
    %gather3A_1453 = vector.shape_cast %reshape3A_1452 : vector<256x128x1xi32> to vector<256x128xi32>
    %gather3A_1454 = tpu.dynamic_gather %slice3A_1451[%gather3A_1453] in [1] : vector<256x128xf32>, vector<256x128xi32> -> vector<256x128xf32>
    %eq3A_1455 = arith.constant 8 : i32
    %eq3A_1456 = vector.broadcast %eq3A_1455 : i32 to vector<256x128xi32>
    %eq3A_1457 = arith.cmpi eq, %shift_right_logical3A_1383, %eq3A_1456 : vector<256x128xi32>
    %select_n3A_1458 = arith.select %eq3A_1457, %gather3A_1454, %select_n3A_1450 : vector<256x128xi1>, vector<256x128xf32>
    %slice3A_1459 = vector.extract_strided_slice %reshape3A_439 {offsets = [0, 1152], sizes = [256, 128], strides = [1, 1]} : vector<256x2048xf32> to vector<256x128xf32>
    %reshape3A_1460 = vector.shape_cast %and3A_1386 : vector<256x128xi32> to vector<256x128x1xi32>
    %gather3A_1461 = vector.shape_cast %reshape3A_1460 : vector<256x128x1xi32> to vector<256x128xi32>
    %gather3A_1462 = tpu.dynamic_gather %slice3A_1459[%gather3A_1461] in [1] : vector<256x128xf32>, vector<256x128xi32> -> vector<256x128xf32>
    %eq3A_1463 = arith.constant 9 : i32
    %eq3A_1464 = vector.broadcast %eq3A_1463 : i32 to vector<256x128xi32>
    %eq3A_1465 = arith.cmpi eq, %shift_right_logical3A_1383, %eq3A_1464 : vector<256x128xi32>
    %select_n3A_1466 = arith.select %eq3A_1465, %gather3A_1462, %select_n3A_1458 : vector<256x128xi1>, vector<256x128xf32>
    %slice3A_1467 = vector.extract_strided_slice %reshape3A_439 {offsets = [0, 1280], sizes = [256, 128], strides = [1, 1]} : vector<256x2048xf32> to vector<256x128xf32>
    %reshape3A_1468 = vector.shape_cast %and3A_1386 : vector<256x128xi32> to vector<256x128x1xi32>
    %gather3A_1469 = vector.shape_cast %reshape3A_1468 : vector<256x128x1xi32> to vector<256x128xi32>
    %gather3A_1470 = tpu.dynamic_gather %slice3A_1467[%gather3A_1469] in [1] : vector<256x128xf32>, vector<256x128xi32> -> vector<256x128xf32>
    %eq3A_1471 = arith.constant 10 : i32
    %eq3A_1472 = vector.broadcast %eq3A_1471 : i32 to vector<256x128xi32>
    %eq3A_1473 = arith.cmpi eq, %shift_right_logical3A_1383, %eq3A_1472 : vector<256x128xi32>
    %select_n3A_1474 = arith.select %eq3A_1473, %gather3A_1470, %select_n3A_1466 : vector<256x128xi1>, vector<256x128xf32>
    %slice3A_1475 = vector.extract_strided_slice %reshape3A_439 {offsets = [0, 1408], sizes = [256, 128], strides = [1, 1]} : vector<256x2048xf32> to vector<256x128xf32>
    %reshape3A_1476 = vector.shape_cast %and3A_1386 : vector<256x128xi32> to vector<256x128x1xi32>
    %gather3A_1477 = vector.shape_cast %reshape3A_1476 : vector<256x128x1xi32> to vector<256x128xi32>
    %gather3A_1478 = tpu.dynamic_gather %slice3A_1475[%gather3A_1477] in [1] : vector<256x128xf32>, vector<256x128xi32> -> vector<256x128xf32>
    %eq3A_1479 = arith.constant 11 : i32
    %eq3A_1480 = vector.broadcast %eq3A_1479 : i32 to vector<256x128xi32>
    %eq3A_1481 = arith.cmpi eq, %shift_right_logical3A_1383, %eq3A_1480 : vector<256x128xi32>
    %select_n3A_1482 = arith.select %eq3A_1481, %gather3A_1478, %select_n3A_1474 : vector<256x128xi1>, vector<256x128xf32>
    %slice3A_1483 = vector.extract_strided_slice %reshape3A_439 {offsets = [0, 1536], sizes = [256, 128], strides = [1, 1]} : vector<256x2048xf32> to vector<256x128xf32>
    %reshape3A_1484 = vector.shape_cast %and3A_1386 : vector<256x128xi32> to vector<256x128x1xi32>
    %gather3A_1485 = vector.shape_cast %reshape3A_1484 : vector<256x128x1xi32> to vector<256x128xi32>
    %gather3A_1486 = tpu.dynamic_gather %slice3A_1483[%gather3A_1485] in [1] : vector<256x128xf32>, vector<256x128xi32> -> vector<256x128xf32>
    %eq3A_1487 = arith.constant 12 : i32
    %eq3A_1488 = vector.broadcast %eq3A_1487 : i32 to vector<256x128xi32>
    %eq3A_1489 = arith.cmpi eq, %shift_right_logical3A_1383, %eq3A_1488 : vector<256x128xi32>
    %select_n3A_1490 = arith.select %eq3A_1489, %gather3A_1486, %select_n3A_1482 : vector<256x128xi1>, vector<256x128xf32>
    %slice3A_1491 = vector.extract_strided_slice %reshape3A_439 {offsets = [0, 1664], sizes = [256, 128], strides = [1, 1]} : vector<256x2048xf32> to vector<256x128xf32>
    %reshape3A_1492 = vector.shape_cast %and3A_1386 : vector<256x128xi32> to vector<256x128x1xi32>
    %gather3A_1493 = vector.shape_cast %reshape3A_1492 : vector<256x128x1xi32> to vector<256x128xi32>
    %gather3A_1494 = tpu.dynamic_gather %slice3A_1491[%gather3A_1493] in [1] : vector<256x128xf32>, vector<256x128xi32> -> vector<256x128xf32>
    %eq3A_1495 = arith.constant 13 : i32
    %eq3A_1496 = vector.broadcast %eq3A_1495 : i32 to vector<256x128xi32>
    %eq3A_1497 = arith.cmpi eq, %shift_right_logical3A_1383, %eq3A_1496 : vector<256x128xi32>
    %select_n3A_1498 = arith.select %eq3A_1497, %gather3A_1494, %select_n3A_1490 : vector<256x128xi1>, vector<256x128xf32>
    %slice3A_1499 = vector.extract_strided_slice %reshape3A_439 {offsets = [0, 1792], sizes = [256, 128], strides = [1, 1]} : vector<256x2048xf32> to vector<256x128xf32>
    %reshape3A_1500 = vector.shape_cast %and3A_1386 : vector<256x128xi32> to vector<256x128x1xi32>
    %gather3A_1501 = vector.shape_cast %reshape3A_1500 : vector<256x128x1xi32> to vector<256x128xi32>
    %gather3A_1502 = tpu.dynamic_gather %slice3A_1499[%gather3A_1501] in [1] : vector<256x128xf32>, vector<256x128xi32> -> vector<256x128xf32>
    %eq3A_1503 = arith.constant 14 : i32
    %eq3A_1504 = vector.broadcast %eq3A_1503 : i32 to vector<256x128xi32>
    %eq3A_1505 = arith.cmpi eq, %shift_right_logical3A_1383, %eq3A_1504 : vector<256x128xi32>
    %select_n3A_1506 = arith.select %eq3A_1505, %gather3A_1502, %select_n3A_1498 : vector<256x128xi1>, vector<256x128xf32>
    %slice3A_1507 = vector.extract_strided_slice %reshape3A_439 {offsets = [0, 1920], sizes = [256, 128], strides = [1, 1]} : vector<256x2048xf32> to vector<256x128xf32>
    %reshape3A_1508 = vector.shape_cast %and3A_1386 : vector<256x128xi32> to vector<256x128x1xi32>
    %gather3A_1509 = vector.shape_cast %reshape3A_1508 : vector<256x128x1xi32> to vector<256x128xi32>
    %gather3A_1510 = tpu.dynamic_gather %slice3A_1507[%gather3A_1509] in [1] : vector<256x128xf32>, vector<256x128xi32> -> vector<256x128xf32>
    %eq3A_1511 = arith.constant 15 : i32
    %eq3A_1512 = vector.broadcast %eq3A_1511 : i32 to vector<256x128xi32>
    %eq3A_1513 = arith.cmpi eq, %shift_right_logical3A_1383, %eq3A_1512 : vector<256x128xi32>
    %select_n3A_1514 = arith.select %eq3A_1513, %gather3A_1510, %select_n3A_1506 : vector<256x128xi1>, vector<256x128xf32>
    %lt3A_1515 = arith.cmpf olt, %select_n3A_1514, %sub3A_498 : vector<256x128xf32>
    %select_n3A_1516 = arith.select %lt3A_1515, %add3A_1374, %select_n3A_1371 : vector<256x128xi1>, vector<256x128xi32>
    %add3A_1517 = arith.addi %mul3A_503, %select_n3A_1516 : vector<256x128xi32>
    %broadcast_in_dim3A_1518 = arith.constant 0.000000e+00 : f32
    %broadcast_in_dim3A_1519 = vector.broadcast %broadcast_in_dim3A_1518 : f32 to vector<256x128xf32>
    %shift_right_logical3A_1520 = arith.constant 7 : i32
    %shift_right_logical3A_1521 = vector.broadcast %shift_right_logical3A_1520 : i32 to vector<256x128xi32>
    %shift_right_logical3A_1522 = arith.shrui %add3A_1517, %shift_right_logical3A_1521 : vector<256x128xi32>
    %and3A_1523 = arith.constant 127 : i32
    %and3A_1524 = vector.broadcast %and3A_1523 : i32 to vector<256x128xi32>
    %and3A_1525 = arith.andi %add3A_1517, %and3A_1524 : vector<256x128xi32>
    %slice3A_1526 = vector.extract_strided_slice %get3A_1 {offsets = [0, 0], sizes = [256, 128], strides = [1, 1]} : vector<256x2048xf32> to vector<256x128xf32>
    %reshape3A_1527 = vector.shape_cast %and3A_1525 : vector<256x128xi32> to vector<256x128x1xi32>
    %gather3A_1528 = vector.shape_cast %reshape3A_1527 : vector<256x128x1xi32> to vector<256x128xi32>
    %gather3A_1529 = tpu.dynamic_gather %slice3A_1526[%gather3A_1528] in [1] : vector<256x128xf32>, vector<256x128xi32> -> vector<256x128xf32>
    %eq3A_1530 = arith.constant 0 : i32
    %eq3A_1531 = vector.broadcast %eq3A_1530 : i32 to vector<256x128xi32>
    %eq3A_1532 = arith.cmpi eq, %shift_right_logical3A_1522, %eq3A_1531 : vector<256x128xi32>
    %select_n3A_1533 = arith.select %eq3A_1532, %gather3A_1529, %broadcast_in_dim3A_1519 : vector<256x128xi1>, vector<256x128xf32>
    %slice3A_1534 = vector.extract_strided_slice %get3A_1 {offsets = [0, 128], sizes = [256, 128], strides = [1, 1]} : vector<256x2048xf32> to vector<256x128xf32>
    %reshape3A_1535 = vector.shape_cast %and3A_1525 : vector<256x128xi32> to vector<256x128x1xi32>
    %gather3A_1536 = vector.shape_cast %reshape3A_1535 : vector<256x128x1xi32> to vector<256x128xi32>
    %gather3A_1537 = tpu.dynamic_gather %slice3A_1534[%gather3A_1536] in [1] : vector<256x128xf32>, vector<256x128xi32> -> vector<256x128xf32>
    %eq3A_1538 = arith.constant 1 : i32
    %eq3A_1539 = vector.broadcast %eq3A_1538 : i32 to vector<256x128xi32>
    %eq3A_1540 = arith.cmpi eq, %shift_right_logical3A_1522, %eq3A_1539 : vector<256x128xi32>
    %select_n3A_1541 = arith.select %eq3A_1540, %gather3A_1537, %select_n3A_1533 : vector<256x128xi1>, vector<256x128xf32>
    %slice3A_1542 = vector.extract_strided_slice %get3A_1 {offsets = [0, 256], sizes = [256, 128], strides = [1, 1]} : vector<256x2048xf32> to vector<256x128xf32>
    %reshape3A_1543 = vector.shape_cast %and3A_1525 : vector<256x128xi32> to vector<256x128x1xi32>
    %gather3A_1544 = vector.shape_cast %reshape3A_1543 : vector<256x128x1xi32> to vector<256x128xi32>
    %gather3A_1545 = tpu.dynamic_gather %slice3A_1542[%gather3A_1544] in [1] : vector<256x128xf32>, vector<256x128xi32> -> vector<256x128xf32>
    %eq3A_1546 = arith.constant 2 : i32
    %eq3A_1547 = vector.broadcast %eq3A_1546 : i32 to vector<256x128xi32>
    %eq3A_1548 = arith.cmpi eq, %shift_right_logical3A_1522, %eq3A_1547 : vector<256x128xi32>
    %select_n3A_1549 = arith.select %eq3A_1548, %gather3A_1545, %select_n3A_1541 : vector<256x128xi1>, vector<256x128xf32>
    %slice3A_1550 = vector.extract_strided_slice %get3A_1 {offsets = [0, 384], sizes = [256, 128], strides = [1, 1]} : vector<256x2048xf32> to vector<256x128xf32>
    %reshape3A_1551 = vector.shape_cast %and3A_1525 : vector<256x128xi32> to vector<256x128x1xi32>
    %gather3A_1552 = vector.shape_cast %reshape3A_1551 : vector<256x128x1xi32> to vector<256x128xi32>
    %gather3A_1553 = tpu.dynamic_gather %slice3A_1550[%gather3A_1552] in [1] : vector<256x128xf32>, vector<256x128xi32> -> vector<256x128xf32>
    %eq3A_1554 = arith.constant 3 : i32
    %eq3A_1555 = vector.broadcast %eq3A_1554 : i32 to vector<256x128xi32>
    %eq3A_1556 = arith.cmpi eq, %shift_right_logical3A_1522, %eq3A_1555 : vector<256x128xi32>
    %select_n3A_1557 = arith.select %eq3A_1556, %gather3A_1553, %select_n3A_1549 : vector<256x128xi1>, vector<256x128xf32>
    %slice3A_1558 = vector.extract_strided_slice %get3A_1 {offsets = [0, 512], sizes = [256, 128], strides = [1, 1]} : vector<256x2048xf32> to vector<256x128xf32>
    %reshape3A_1559 = vector.shape_cast %and3A_1525 : vector<256x128xi32> to vector<256x128x1xi32>
    %gather3A_1560 = vector.shape_cast %reshape3A_1559 : vector<256x128x1xi32> to vector<256x128xi32>
    %gather3A_1561 = tpu.dynamic_gather %slice3A_1558[%gather3A_1560] in [1] : vector<256x128xf32>, vector<256x128xi32> -> vector<256x128xf32>
    %eq3A_1562 = arith.constant 4 : i32
    %eq3A_1563 = vector.broadcast %eq3A_1562 : i32 to vector<256x128xi32>
    %eq3A_1564 = arith.cmpi eq, %shift_right_logical3A_1522, %eq3A_1563 : vector<256x128xi32>
    %select_n3A_1565 = arith.select %eq3A_1564, %gather3A_1561, %select_n3A_1557 : vector<256x128xi1>, vector<256x128xf32>
    %slice3A_1566 = vector.extract_strided_slice %get3A_1 {offsets = [0, 640], sizes = [256, 128], strides = [1, 1]} : vector<256x2048xf32> to vector<256x128xf32>
    %reshape3A_1567 = vector.shape_cast %and3A_1525 : vector<256x128xi32> to vector<256x128x1xi32>
    %gather3A_1568 = vector.shape_cast %reshape3A_1567 : vector<256x128x1xi32> to vector<256x128xi32>
    %gather3A_1569 = tpu.dynamic_gather %slice3A_1566[%gather3A_1568] in [1] : vector<256x128xf32>, vector<256x128xi32> -> vector<256x128xf32>
    %eq3A_1570 = arith.constant 5 : i32
    %eq3A_1571 = vector.broadcast %eq3A_1570 : i32 to vector<256x128xi32>
    %eq3A_1572 = arith.cmpi eq, %shift_right_logical3A_1522, %eq3A_1571 : vector<256x128xi32>
    %select_n3A_1573 = arith.select %eq3A_1572, %gather3A_1569, %select_n3A_1565 : vector<256x128xi1>, vector<256x128xf32>
    %slice3A_1574 = vector.extract_strided_slice %get3A_1 {offsets = [0, 768], sizes = [256, 128], strides = [1, 1]} : vector<256x2048xf32> to vector<256x128xf32>
    %reshape3A_1575 = vector.shape_cast %and3A_1525 : vector<256x128xi32> to vector<256x128x1xi32>
    %gather3A_1576 = vector.shape_cast %reshape3A_1575 : vector<256x128x1xi32> to vector<256x128xi32>
    %gather3A_1577 = tpu.dynamic_gather %slice3A_1574[%gather3A_1576] in [1] : vector<256x128xf32>, vector<256x128xi32> -> vector<256x128xf32>
    %eq3A_1578 = arith.constant 6 : i32
    %eq3A_1579 = vector.broadcast %eq3A_1578 : i32 to vector<256x128xi32>
    %eq3A_1580 = arith.cmpi eq, %shift_right_logical3A_1522, %eq3A_1579 : vector<256x128xi32>
    %select_n3A_1581 = arith.select %eq3A_1580, %gather3A_1577, %select_n3A_1573 : vector<256x128xi1>, vector<256x128xf32>
    %slice3A_1582 = vector.extract_strided_slice %get3A_1 {offsets = [0, 896], sizes = [256, 128], strides = [1, 1]} : vector<256x2048xf32> to vector<256x128xf32>
    %reshape3A_1583 = vector.shape_cast %and3A_1525 : vector<256x128xi32> to vector<256x128x1xi32>
    %gather3A_1584 = vector.shape_cast %reshape3A_1583 : vector<256x128x1xi32> to vector<256x128xi32>
    %gather3A_1585 = tpu.dynamic_gather %slice3A_1582[%gather3A_1584] in [1] : vector<256x128xf32>, vector<256x128xi32> -> vector<256x128xf32>
    %eq3A_1586 = arith.constant 7 : i32
    %eq3A_1587 = vector.broadcast %eq3A_1586 : i32 to vector<256x128xi32>
    %eq3A_1588 = arith.cmpi eq, %shift_right_logical3A_1522, %eq3A_1587 : vector<256x128xi32>
    %select_n3A_1589 = arith.select %eq3A_1588, %gather3A_1585, %select_n3A_1581 : vector<256x128xi1>, vector<256x128xf32>
    %slice3A_1590 = vector.extract_strided_slice %get3A_1 {offsets = [0, 1024], sizes = [256, 128], strides = [1, 1]} : vector<256x2048xf32> to vector<256x128xf32>
    %reshape3A_1591 = vector.shape_cast %and3A_1525 : vector<256x128xi32> to vector<256x128x1xi32>
    %gather3A_1592 = vector.shape_cast %reshape3A_1591 : vector<256x128x1xi32> to vector<256x128xi32>
    %gather3A_1593 = tpu.dynamic_gather %slice3A_1590[%gather3A_1592] in [1] : vector<256x128xf32>, vector<256x128xi32> -> vector<256x128xf32>
    %eq3A_1594 = arith.constant 8 : i32
    %eq3A_1595 = vector.broadcast %eq3A_1594 : i32 to vector<256x128xi32>
    %eq3A_1596 = arith.cmpi eq, %shift_right_logical3A_1522, %eq3A_1595 : vector<256x128xi32>
    %select_n3A_1597 = arith.select %eq3A_1596, %gather3A_1593, %select_n3A_1589 : vector<256x128xi1>, vector<256x128xf32>
    %slice3A_1598 = vector.extract_strided_slice %get3A_1 {offsets = [0, 1152], sizes = [256, 128], strides = [1, 1]} : vector<256x2048xf32> to vector<256x128xf32>
    %reshape3A_1599 = vector.shape_cast %and3A_1525 : vector<256x128xi32> to vector<256x128x1xi32>
    %gather3A_1600 = vector.shape_cast %reshape3A_1599 : vector<256x128x1xi32> to vector<256x128xi32>
    %gather3A_1601 = tpu.dynamic_gather %slice3A_1598[%gather3A_1600] in [1] : vector<256x128xf32>, vector<256x128xi32> -> vector<256x128xf32>
    %eq3A_1602 = arith.constant 9 : i32
    %eq3A_1603 = vector.broadcast %eq3A_1602 : i32 to vector<256x128xi32>
    %eq3A_1604 = arith.cmpi eq, %shift_right_logical3A_1522, %eq3A_1603 : vector<256x128xi32>
    %select_n3A_1605 = arith.select %eq3A_1604, %gather3A_1601, %select_n3A_1597 : vector<256x128xi1>, vector<256x128xf32>
    %slice3A_1606 = vector.extract_strided_slice %get3A_1 {offsets = [0, 1280], sizes = [256, 128], strides = [1, 1]} : vector<256x2048xf32> to vector<256x128xf32>
    %reshape3A_1607 = vector.shape_cast %and3A_1525 : vector<256x128xi32> to vector<256x128x1xi32>
    %gather3A_1608 = vector.shape_cast %reshape3A_1607 : vector<256x128x1xi32> to vector<256x128xi32>
    %gather3A_1609 = tpu.dynamic_gather %slice3A_1606[%gather3A_1608] in [1] : vector<256x128xf32>, vector<256x128xi32> -> vector<256x128xf32>
    %eq3A_1610 = arith.constant 10 : i32
    %eq3A_1611 = vector.broadcast %eq3A_1610 : i32 to vector<256x128xi32>
    %eq3A_1612 = arith.cmpi eq, %shift_right_logical3A_1522, %eq3A_1611 : vector<256x128xi32>
    %select_n3A_1613 = arith.select %eq3A_1612, %gather3A_1609, %select_n3A_1605 : vector<256x128xi1>, vector<256x128xf32>
    %slice3A_1614 = vector.extract_strided_slice %get3A_1 {offsets = [0, 1408], sizes = [256, 128], strides = [1, 1]} : vector<256x2048xf32> to vector<256x128xf32>
    %reshape3A_1615 = vector.shape_cast %and3A_1525 : vector<256x128xi32> to vector<256x128x1xi32>
    %gather3A_1616 = vector.shape_cast %reshape3A_1615 : vector<256x128x1xi32> to vector<256x128xi32>
    %gather3A_1617 = tpu.dynamic_gather %slice3A_1614[%gather3A_1616] in [1] : vector<256x128xf32>, vector<256x128xi32> -> vector<256x128xf32>
    %eq3A_1618 = arith.constant 11 : i32
    %eq3A_1619 = vector.broadcast %eq3A_1618 : i32 to vector<256x128xi32>
    %eq3A_1620 = arith.cmpi eq, %shift_right_logical3A_1522, %eq3A_1619 : vector<256x128xi32>
    %select_n3A_1621 = arith.select %eq3A_1620, %gather3A_1617, %select_n3A_1613 : vector<256x128xi1>, vector<256x128xf32>
    %slice3A_1622 = vector.extract_strided_slice %get3A_1 {offsets = [0, 1536], sizes = [256, 128], strides = [1, 1]} : vector<256x2048xf32> to vector<256x128xf32>
    %reshape3A_1623 = vector.shape_cast %and3A_1525 : vector<256x128xi32> to vector<256x128x1xi32>
    %gather3A_1624 = vector.shape_cast %reshape3A_1623 : vector<256x128x1xi32> to vector<256x128xi32>
    %gather3A_1625 = tpu.dynamic_gather %slice3A_1622[%gather3A_1624] in [1] : vector<256x128xf32>, vector<256x128xi32> -> vector<256x128xf32>
    %eq3A_1626 = arith.constant 12 : i32
    %eq3A_1627 = vector.broadcast %eq3A_1626 : i32 to vector<256x128xi32>
    %eq3A_1628 = arith.cmpi eq, %shift_right_logical3A_1522, %eq3A_1627 : vector<256x128xi32>
    %select_n3A_1629 = arith.select %eq3A_1628, %gather3A_1625, %select_n3A_1621 : vector<256x128xi1>, vector<256x128xf32>
    %slice3A_1630 = vector.extract_strided_slice %get3A_1 {offsets = [0, 1664], sizes = [256, 128], strides = [1, 1]} : vector<256x2048xf32> to vector<256x128xf32>
    %reshape3A_1631 = vector.shape_cast %and3A_1525 : vector<256x128xi32> to vector<256x128x1xi32>
    %gather3A_1632 = vector.shape_cast %reshape3A_1631 : vector<256x128x1xi32> to vector<256x128xi32>
    %gather3A_1633 = tpu.dynamic_gather %slice3A_1630[%gather3A_1632] in [1] : vector<256x128xf32>, vector<256x128xi32> -> vector<256x128xf32>
    %eq3A_1634 = arith.constant 13 : i32
    %eq3A_1635 = vector.broadcast %eq3A_1634 : i32 to vector<256x128xi32>
    %eq3A_1636 = arith.cmpi eq, %shift_right_logical3A_1522, %eq3A_1635 : vector<256x128xi32>
    %select_n3A_1637 = arith.select %eq3A_1636, %gather3A_1633, %select_n3A_1629 : vector<256x128xi1>, vector<256x128xf32>
    %slice3A_1638 = vector.extract_strided_slice %get3A_1 {offsets = [0, 1792], sizes = [256, 128], strides = [1, 1]} : vector<256x2048xf32> to vector<256x128xf32>
    %reshape3A_1639 = vector.shape_cast %and3A_1525 : vector<256x128xi32> to vector<256x128x1xi32>
    %gather3A_1640 = vector.shape_cast %reshape3A_1639 : vector<256x128x1xi32> to vector<256x128xi32>
    %gather3A_1641 = tpu.dynamic_gather %slice3A_1638[%gather3A_1640] in [1] : vector<256x128xf32>, vector<256x128xi32> -> vector<256x128xf32>
    %eq3A_1642 = arith.constant 14 : i32
    %eq3A_1643 = vector.broadcast %eq3A_1642 : i32 to vector<256x128xi32>
    %eq3A_1644 = arith.cmpi eq, %shift_right_logical3A_1522, %eq3A_1643 : vector<256x128xi32>
    %select_n3A_1645 = arith.select %eq3A_1644, %gather3A_1641, %select_n3A_1637 : vector<256x128xi1>, vector<256x128xf32>
    %slice3A_1646 = vector.extract_strided_slice %get3A_1 {offsets = [0, 1920], sizes = [256, 128], strides = [1, 1]} : vector<256x2048xf32> to vector<256x128xf32>
    %reshape3A_1647 = vector.shape_cast %and3A_1525 : vector<256x128xi32> to vector<256x128x1xi32>
    %gather3A_1648 = vector.shape_cast %reshape3A_1647 : vector<256x128x1xi32> to vector<256x128xi32>
    %gather3A_1649 = tpu.dynamic_gather %slice3A_1646[%gather3A_1648] in [1] : vector<256x128xf32>, vector<256x128xi32> -> vector<256x128xf32>
    %eq3A_1650 = arith.constant 15 : i32
    %eq3A_1651 = vector.broadcast %eq3A_1650 : i32 to vector<256x128xi32>
    %eq3A_1652 = arith.cmpi eq, %shift_right_logical3A_1522, %eq3A_1651 : vector<256x128xi32>
    %select_n3A_1653 = arith.select %eq3A_1652, %gather3A_1649, %select_n3A_1645 : vector<256x128xi1>, vector<256x128xf32>
    %broadcast_in_dim3A_1654 = vector.shape_cast %squeeze3A_441 : vector<256xf32> to vector<256x1xf32>
    %convert_element_type3A_1655 = arith.fptosi %broadcast_in_dim3A_1654 : vector<256x1xf32> to vector<256x1xi32>
    %lt3A_1656 = vector.broadcast %convert_element_type3A_1655 : vector<256x1xi32> to vector<256x128xi32>
    %lt3A_1657 = arith.cmpi slt, %iota3A_446, %lt3A_1656 : vector<256x128xi32>
    %jit3A_1658 = arith.constant -1.000000e+00 : f32
    %broadcast_in_dim3A_1659 = vector.broadcast %jit3A_1658 : f32 to vector<256x128xf32>
    %select_n3A_1660 = arith.select %lt3A_1657, %select_n3A_1653, %broadcast_in_dim3A_1659 : vector<256x128xi1>, vector<256x128xf32>
    %jit3A_1661 = arith.constant -1 : i32
    %broadcast_in_dim3A_1662 = vector.broadcast %jit3A_1661 : i32 to vector<256x128xi32>
    %select_n3A_1663 = arith.select %lt3A_1657, %add3A_1517, %broadcast_in_dim3A_1662 : vector<256x128xi1>, vector<256x128xi32>
    %iota3A_1664 = tpu.iota {dimensions = array<i32: 1>} : vector<256x128xi32>
    %and3A_1665 = arith.constant 1 : i32
    %and3A_1666 = vector.broadcast %and3A_1665 : i32 to vector<256x128xi32>
    %and3A_1667 = arith.andi %iota3A_1664, %and3A_1666 : vector<256x128xi32>
    %ne3A = arith.constant 0 : i32
    %ne3A_1668 = vector.broadcast %ne3A : i32 to vector<256x128xi32>
    %ne3A_1669 = arith.cmpi ne, %and3A_1667, %ne3A_1668 : vector<256x128xi32>
    %slice3A_1670 = vector.extract_strided_slice %select_n3A_1660 {offsets = [0, 127], sizes = [256, 1], strides = [1, 1]} : vector<256x128xf32> to vector<256x1xf32>
    %slice3A_1671 = vector.extract_strided_slice %select_n3A_1660 {offsets = [0, 0], sizes = [256, 127], strides = [1, 1]} : vector<256x128xf32> to vector<256x127xf32>
    %concatenate3A_1672 = tpu.concatenate %slice3A_1670, %slice3A_1671 in 1 : vector<256x1xf32>, vector<256x127xf32> -> vector<256x128xf32>
    %slice3A_1673 = vector.extract_strided_slice %select_n3A_1660 {offsets = [0, 1], sizes = [256, 127], strides = [1, 1]} : vector<256x128xf32> to vector<256x127xf32>
    %slice3A_1674 = vector.extract_strided_slice %select_n3A_1660 {offsets = [0, 0], sizes = [256, 1], strides = [1, 1]} : vector<256x128xf32> to vector<256x1xf32>
    %concatenate3A_1675 = tpu.concatenate %slice3A_1673, %slice3A_1674 in 1 : vector<256x127xf32>, vector<256x1xf32> -> vector<256x128xf32>
    %select_n3A_1676 = arith.select %ne3A_1669, %concatenate3A_1672, %concatenate3A_1675 : vector<256x128xi1>, vector<256x128xf32>
    %slice3A_1677 = vector.extract_strided_slice %select_n3A_1663 {offsets = [0, 127], sizes = [256, 1], strides = [1, 1]} : vector<256x128xi32> to vector<256x1xi32>
    %slice3A_1678 = vector.extract_strided_slice %select_n3A_1663 {offsets = [0, 0], sizes = [256, 127], strides = [1, 1]} : vector<256x128xi32> to vector<256x127xi32>
    %concatenate3A_1679 = tpu.concatenate %slice3A_1677, %slice3A_1678 in 1 : vector<256x1xi32>, vector<256x127xi32> -> vector<256x128xi32>
    %slice3A_1680 = vector.extract_strided_slice %select_n3A_1663 {offsets = [0, 1], sizes = [256, 127], strides = [1, 1]} : vector<256x128xi32> to vector<256x127xi32>
    %slice3A_1681 = vector.extract_strided_slice %select_n3A_1663 {offsets = [0, 0], sizes = [256, 1], strides = [1, 1]} : vector<256x128xi32> to vector<256x1xi32>
    %concatenate3A_1682 = tpu.concatenate %slice3A_1680, %slice3A_1681 in 1 : vector<256x127xi32>, vector<256x1xi32> -> vector<256x128xi32>
    %select_n3A_1683 = arith.select %ne3A_1669, %concatenate3A_1679, %concatenate3A_1682 : vector<256x128xi1>, vector<256x128xi32>
    %gt3A_1684 = arith.cmpf ogt, %select_n3A_1676, %select_n3A_1660 : vector<256x128xf32>
    %eq3A_1685 = arith.cmpf oeq, %select_n3A_1676, %select_n3A_1660 : vector<256x128xf32>
    %gt3A_1686 = arith.cmpi sgt, %select_n3A_1683, %select_n3A_1663 : vector<256x128xi32>
    %and3A_1687 = arith.andi %eq3A_1685, %gt3A_1686 : vector<256x128xi1>
    %or3A_1688 = arith.ori %gt3A_1684, %and3A_1687 : vector<256x128xi1>
    %eq3A_1689 = arith.cmpf oeq, %select_n3A_1676, %select_n3A_1660 : vector<256x128xf32>
    %eq3A_1690 = arith.cmpi eq, %select_n3A_1683, %select_n3A_1663 : vector<256x128xi32>
    %and3A_1691 = arith.andi %eq3A_1689, %eq3A_1690 : vector<256x128xi1>
    %or3A_1692 = arith.ori %or3A_1688, %and3A_1691 : vector<256x128xi1>
    %not3A_1693 = arith.constant dense<true> : vector<256x128xi1>
    %not3A_1694 = arith.xori %or3A_1692, %not3A_1693 : vector<256x128xi1>
    %and3A_1695 = arith.constant 2 : i32
    %and3A_1696 = vector.broadcast %and3A_1695 : i32 to vector<256x128xi32>
    %and3A_1697 = arith.andi %iota3A_1664, %and3A_1696 : vector<256x128xi32>
    %eq3A_1698 = arith.constant 0 : i32
    %eq3A_1699 = vector.broadcast %eq3A_1698 : i32 to vector<256x128xi32>
    %eq3A_1700 = arith.cmpi eq, %and3A_1697, %eq3A_1699 : vector<256x128xi32>
    %not3A_1701 = arith.constant dense<true> : vector<256x128xi1>
    %not3A_1702 = arith.xori %ne3A_1669, %not3A_1701 : vector<256x128xi1>
    %eq3A_1703 = arith.xori %not3A_1702, %eq3A_1700 : vector<256x128xi1>
    %eq3A_1704 = arith.constant dense<true> : vector<256x128xi1>
    %eq3A_1705 = arith.xori %eq3A_1703, %eq3A_1704 : vector<256x128xi1>
    %and3A_1706 = arith.andi %eq3A_1705, %not3A_1694 : vector<256x128xi1>
    %not3A_1707 = arith.constant dense<true> : vector<256x128xi1>
    %not3A_1708 = arith.xori %eq3A_1705, %not3A_1707 : vector<256x128xi1>
    %and3A_1709 = arith.andi %not3A_1708, %or3A_1688 : vector<256x128xi1>
    %or3A_1710 = arith.ori %and3A_1706, %and3A_1709 : vector<256x128xi1>
    %select_n3A_1711 = arith.select %or3A_1710, %select_n3A_1676, %select_n3A_1660 : vector<256x128xi1>, vector<256x128xf32>
    %select_n3A_1712 = arith.select %or3A_1710, %select_n3A_1683, %select_n3A_1663 : vector<256x128xi1>, vector<256x128xi32>
    %and3A_1713 = arith.constant 2 : i32
    %and3A_1714 = vector.broadcast %and3A_1713 : i32 to vector<256x128xi32>
    %and3A_1715 = arith.andi %iota3A_1664, %and3A_1714 : vector<256x128xi32>
    %ne3A_1716 = arith.constant 0 : i32
    %ne3A_1717 = vector.broadcast %ne3A_1716 : i32 to vector<256x128xi32>
    %ne3A_1718 = arith.cmpi ne, %and3A_1715, %ne3A_1717 : vector<256x128xi32>
    %slice3A_1719 = vector.extract_strided_slice %select_n3A_1711 {offsets = [0, 126], sizes = [256, 2], strides = [1, 1]} : vector<256x128xf32> to vector<256x2xf32>
    %slice3A_1720 = vector.extract_strided_slice %select_n3A_1711 {offsets = [0, 0], sizes = [256, 126], strides = [1, 1]} : vector<256x128xf32> to vector<256x126xf32>
    %concatenate3A_1721 = tpu.concatenate %slice3A_1719, %slice3A_1720 in 1 : vector<256x2xf32>, vector<256x126xf32> -> vector<256x128xf32>
    %slice3A_1722 = vector.extract_strided_slice %select_n3A_1711 {offsets = [0, 2], sizes = [256, 126], strides = [1, 1]} : vector<256x128xf32> to vector<256x126xf32>
    %slice3A_1723 = vector.extract_strided_slice %select_n3A_1711 {offsets = [0, 0], sizes = [256, 2], strides = [1, 1]} : vector<256x128xf32> to vector<256x2xf32>
    %concatenate3A_1724 = tpu.concatenate %slice3A_1722, %slice3A_1723 in 1 : vector<256x126xf32>, vector<256x2xf32> -> vector<256x128xf32>
    %select_n3A_1725 = arith.select %ne3A_1718, %concatenate3A_1721, %concatenate3A_1724 : vector<256x128xi1>, vector<256x128xf32>
    %slice3A_1726 = vector.extract_strided_slice %select_n3A_1712 {offsets = [0, 126], sizes = [256, 2], strides = [1, 1]} : vector<256x128xi32> to vector<256x2xi32>
    %slice3A_1727 = vector.extract_strided_slice %select_n3A_1712 {offsets = [0, 0], sizes = [256, 126], strides = [1, 1]} : vector<256x128xi32> to vector<256x126xi32>
    %concatenate3A_1728 = tpu.concatenate %slice3A_1726, %slice3A_1727 in 1 : vector<256x2xi32>, vector<256x126xi32> -> vector<256x128xi32>
    %slice3A_1729 = vector.extract_strided_slice %select_n3A_1712 {offsets = [0, 2], sizes = [256, 126], strides = [1, 1]} : vector<256x128xi32> to vector<256x126xi32>
    %slice3A_1730 = vector.extract_strided_slice %select_n3A_1712 {offsets = [0, 0], sizes = [256, 2], strides = [1, 1]} : vector<256x128xi32> to vector<256x2xi32>
    %concatenate3A_1731 = tpu.concatenate %slice3A_1729, %slice3A_1730 in 1 : vector<256x126xi32>, vector<256x2xi32> -> vector<256x128xi32>
    %select_n3A_1732 = arith.select %ne3A_1718, %concatenate3A_1728, %concatenate3A_1731 : vector<256x128xi1>, vector<256x128xi32>
    %gt3A_1733 = arith.cmpf ogt, %select_n3A_1725, %select_n3A_1711 : vector<256x128xf32>
    %eq3A_1734 = arith.cmpf oeq, %select_n3A_1725, %select_n3A_1711 : vector<256x128xf32>
    %gt3A_1735 = arith.cmpi sgt, %select_n3A_1732, %select_n3A_1712 : vector<256x128xi32>
    %and3A_1736 = arith.andi %eq3A_1734, %gt3A_1735 : vector<256x128xi1>
    %or3A_1737 = arith.ori %gt3A_1733, %and3A_1736 : vector<256x128xi1>
    %eq3A_1738 = arith.cmpf oeq, %select_n3A_1725, %select_n3A_1711 : vector<256x128xf32>
    %eq3A_1739 = arith.cmpi eq, %select_n3A_1732, %select_n3A_1712 : vector<256x128xi32>
    %and3A_1740 = arith.andi %eq3A_1738, %eq3A_1739 : vector<256x128xi1>
    %or3A_1741 = arith.ori %or3A_1737, %and3A_1740 : vector<256x128xi1>
    %not3A_1742 = arith.constant dense<true> : vector<256x128xi1>
    %not3A_1743 = arith.xori %or3A_1741, %not3A_1742 : vector<256x128xi1>
    %and3A_1744 = arith.constant 4 : i32
    %and3A_1745 = vector.broadcast %and3A_1744 : i32 to vector<256x128xi32>
    %and3A_1746 = arith.andi %iota3A_1664, %and3A_1745 : vector<256x128xi32>
    %eq3A_1747 = arith.constant 0 : i32
    %eq3A_1748 = vector.broadcast %eq3A_1747 : i32 to vector<256x128xi32>
    %eq3A_1749 = arith.cmpi eq, %and3A_1746, %eq3A_1748 : vector<256x128xi32>
    %not3A_1750 = arith.constant dense<true> : vector<256x128xi1>
    %not3A_1751 = arith.xori %ne3A_1718, %not3A_1750 : vector<256x128xi1>
    %eq3A_1752 = arith.xori %not3A_1751, %eq3A_1749 : vector<256x128xi1>
    %eq3A_1753 = arith.constant dense<true> : vector<256x128xi1>
    %eq3A_1754 = arith.xori %eq3A_1752, %eq3A_1753 : vector<256x128xi1>
    %and3A_1755 = arith.andi %eq3A_1754, %not3A_1743 : vector<256x128xi1>
    %not3A_1756 = arith.constant dense<true> : vector<256x128xi1>
    %not3A_1757 = arith.xori %eq3A_1754, %not3A_1756 : vector<256x128xi1>
    %and3A_1758 = arith.andi %not3A_1757, %or3A_1737 : vector<256x128xi1>
    %or3A_1759 = arith.ori %and3A_1755, %and3A_1758 : vector<256x128xi1>
    %select_n3A_1760 = arith.select %or3A_1759, %select_n3A_1725, %select_n3A_1711 : vector<256x128xi1>, vector<256x128xf32>
    %select_n3A_1761 = arith.select %or3A_1759, %select_n3A_1732, %select_n3A_1712 : vector<256x128xi1>, vector<256x128xi32>
    %and3A_1762 = arith.constant 1 : i32
    %and3A_1763 = vector.broadcast %and3A_1762 : i32 to vector<256x128xi32>
    %and3A_1764 = arith.andi %iota3A_1664, %and3A_1763 : vector<256x128xi32>
    %ne3A_1765 = arith.constant 0 : i32
    %ne3A_1766 = vector.broadcast %ne3A_1765 : i32 to vector<256x128xi32>
    %ne3A_1767 = arith.cmpi ne, %and3A_1764, %ne3A_1766 : vector<256x128xi32>
    %slice3A_1768 = vector.extract_strided_slice %select_n3A_1760 {offsets = [0, 127], sizes = [256, 1], strides = [1, 1]} : vector<256x128xf32> to vector<256x1xf32>
    %slice3A_1769 = vector.extract_strided_slice %select_n3A_1760 {offsets = [0, 0], sizes = [256, 127], strides = [1, 1]} : vector<256x128xf32> to vector<256x127xf32>
    %concatenate3A_1770 = tpu.concatenate %slice3A_1768, %slice3A_1769 in 1 : vector<256x1xf32>, vector<256x127xf32> -> vector<256x128xf32>
    %slice3A_1771 = vector.extract_strided_slice %select_n3A_1760 {offsets = [0, 1], sizes = [256, 127], strides = [1, 1]} : vector<256x128xf32> to vector<256x127xf32>
    %slice3A_1772 = vector.extract_strided_slice %select_n3A_1760 {offsets = [0, 0], sizes = [256, 1], strides = [1, 1]} : vector<256x128xf32> to vector<256x1xf32>
    %concatenate3A_1773 = tpu.concatenate %slice3A_1771, %slice3A_1772 in 1 : vector<256x127xf32>, vector<256x1xf32> -> vector<256x128xf32>
    %select_n3A_1774 = arith.select %ne3A_1767, %concatenate3A_1770, %concatenate3A_1773 : vector<256x128xi1>, vector<256x128xf32>
    %slice3A_1775 = vector.extract_strided_slice %select_n3A_1761 {offsets = [0, 127], sizes = [256, 1], strides = [1, 1]} : vector<256x128xi32> to vector<256x1xi32>
    %slice3A_1776 = vector.extract_strided_slice %select_n3A_1761 {offsets = [0, 0], sizes = [256, 127], strides = [1, 1]} : vector<256x128xi32> to vector<256x127xi32>
    %concatenate3A_1777 = tpu.concatenate %slice3A_1775, %slice3A_1776 in 1 : vector<256x1xi32>, vector<256x127xi32> -> vector<256x128xi32>
    %slice3A_1778 = vector.extract_strided_slice %select_n3A_1761 {offsets = [0, 1], sizes = [256, 127], strides = [1, 1]} : vector<256x128xi32> to vector<256x127xi32>
    %slice3A_1779 = vector.extract_strided_slice %select_n3A_1761 {offsets = [0, 0], sizes = [256, 1], strides = [1, 1]} : vector<256x128xi32> to vector<256x1xi32>
    %concatenate3A_1780 = tpu.concatenate %slice3A_1778, %slice3A_1779 in 1 : vector<256x127xi32>, vector<256x1xi32> -> vector<256x128xi32>
    %select_n3A_1781 = arith.select %ne3A_1767, %concatenate3A_1777, %concatenate3A_1780 : vector<256x128xi1>, vector<256x128xi32>
    %gt3A_1782 = arith.cmpf ogt, %select_n3A_1774, %select_n3A_1760 : vector<256x128xf32>
    %eq3A_1783 = arith.cmpf oeq, %select_n3A_1774, %select_n3A_1760 : vector<256x128xf32>
    %gt3A_1784 = arith.cmpi sgt, %select_n3A_1781, %select_n3A_1761 : vector<256x128xi32>
    %and3A_1785 = arith.andi %eq3A_1783, %gt3A_1784 : vector<256x128xi1>
    %or3A_1786 = arith.ori %gt3A_1782, %and3A_1785 : vector<256x128xi1>
    %eq3A_1787 = arith.cmpf oeq, %select_n3A_1774, %select_n3A_1760 : vector<256x128xf32>
    %eq3A_1788 = arith.cmpi eq, %select_n3A_1781, %select_n3A_1761 : vector<256x128xi32>
    %and3A_1789 = arith.andi %eq3A_1787, %eq3A_1788 : vector<256x128xi1>
    %or3A_1790 = arith.ori %or3A_1786, %and3A_1789 : vector<256x128xi1>
    %not3A_1791 = arith.constant dense<true> : vector<256x128xi1>
    %not3A_1792 = arith.xori %or3A_1790, %not3A_1791 : vector<256x128xi1>
    %and3A_1793 = arith.constant 4 : i32
    %and3A_1794 = vector.broadcast %and3A_1793 : i32 to vector<256x128xi32>
    %and3A_1795 = arith.andi %iota3A_1664, %and3A_1794 : vector<256x128xi32>
    %eq3A_1796 = arith.constant 0 : i32
    %eq3A_1797 = vector.broadcast %eq3A_1796 : i32 to vector<256x128xi32>
    %eq3A_1798 = arith.cmpi eq, %and3A_1795, %eq3A_1797 : vector<256x128xi32>
    %not3A_1799 = arith.constant dense<true> : vector<256x128xi1>
    %not3A_1800 = arith.xori %ne3A_1767, %not3A_1799 : vector<256x128xi1>
    %eq3A_1801 = arith.xori %not3A_1800, %eq3A_1798 : vector<256x128xi1>
    %eq3A_1802 = arith.constant dense<true> : vector<256x128xi1>
    %eq3A_1803 = arith.xori %eq3A_1801, %eq3A_1802 : vector<256x128xi1>
    %and3A_1804 = arith.andi %eq3A_1803, %not3A_1792 : vector<256x128xi1>
    %not3A_1805 = arith.constant dense<true> : vector<256x128xi1>
    %not3A_1806 = arith.xori %eq3A_1803, %not3A_1805 : vector<256x128xi1>
    %and3A_1807 = arith.andi %not3A_1806, %or3A_1786 : vector<256x128xi1>
    %or3A_1808 = arith.ori %and3A_1804, %and3A_1807 : vector<256x128xi1>
    %select_n3A_1809 = arith.select %or3A_1808, %select_n3A_1774, %select_n3A_1760 : vector<256x128xi1>, vector<256x128xf32>
    %select_n3A_1810 = arith.select %or3A_1808, %select_n3A_1781, %select_n3A_1761 : vector<256x128xi1>, vector<256x128xi32>
    %and3A_1811 = arith.constant 4 : i32
    %and3A_1812 = vector.broadcast %and3A_1811 : i32 to vector<256x128xi32>
    %and3A_1813 = arith.andi %iota3A_1664, %and3A_1812 : vector<256x128xi32>
    %ne3A_1814 = arith.constant 0 : i32
    %ne3A_1815 = vector.broadcast %ne3A_1814 : i32 to vector<256x128xi32>
    %ne3A_1816 = arith.cmpi ne, %and3A_1813, %ne3A_1815 : vector<256x128xi32>
    %slice3A_1817 = vector.extract_strided_slice %select_n3A_1809 {offsets = [0, 124], sizes = [256, 4], strides = [1, 1]} : vector<256x128xf32> to vector<256x4xf32>
    %slice3A_1818 = vector.extract_strided_slice %select_n3A_1809 {offsets = [0, 0], sizes = [256, 124], strides = [1, 1]} : vector<256x128xf32> to vector<256x124xf32>
    %concatenate3A_1819 = tpu.concatenate %slice3A_1817, %slice3A_1818 in 1 : vector<256x4xf32>, vector<256x124xf32> -> vector<256x128xf32>
    %slice3A_1820 = vector.extract_strided_slice %select_n3A_1809 {offsets = [0, 4], sizes = [256, 124], strides = [1, 1]} : vector<256x128xf32> to vector<256x124xf32>
    %slice3A_1821 = vector.extract_strided_slice %select_n3A_1809 {offsets = [0, 0], sizes = [256, 4], strides = [1, 1]} : vector<256x128xf32> to vector<256x4xf32>
    %concatenate3A_1822 = tpu.concatenate %slice3A_1820, %slice3A_1821 in 1 : vector<256x124xf32>, vector<256x4xf32> -> vector<256x128xf32>
    %select_n3A_1823 = arith.select %ne3A_1816, %concatenate3A_1819, %concatenate3A_1822 : vector<256x128xi1>, vector<256x128xf32>
    %slice3A_1824 = vector.extract_strided_slice %select_n3A_1810 {offsets = [0, 124], sizes = [256, 4], strides = [1, 1]} : vector<256x128xi32> to vector<256x4xi32>
    %slice3A_1825 = vector.extract_strided_slice %select_n3A_1810 {offsets = [0, 0], sizes = [256, 124], strides = [1, 1]} : vector<256x128xi32> to vector<256x124xi32>
    %concatenate3A_1826 = tpu.concatenate %slice3A_1824, %slice3A_1825 in 1 : vector<256x4xi32>, vector<256x124xi32> -> vector<256x128xi32>
    %slice3A_1827 = vector.extract_strided_slice %select_n3A_1810 {offsets = [0, 4], sizes = [256, 124], strides = [1, 1]} : vector<256x128xi32> to vector<256x124xi32>
    %slice3A_1828 = vector.extract_strided_slice %select_n3A_1810 {offsets = [0, 0], sizes = [256, 4], strides = [1, 1]} : vector<256x128xi32> to vector<256x4xi32>
    %concatenate3A_1829 = tpu.concatenate %slice3A_1827, %slice3A_1828 in 1 : vector<256x124xi32>, vector<256x4xi32> -> vector<256x128xi32>
    %select_n3A_1830 = arith.select %ne3A_1816, %concatenate3A_1826, %concatenate3A_1829 : vector<256x128xi1>, vector<256x128xi32>
    %gt3A_1831 = arith.cmpf ogt, %select_n3A_1823, %select_n3A_1809 : vector<256x128xf32>
    %eq3A_1832 = arith.cmpf oeq, %select_n3A_1823, %select_n3A_1809 : vector<256x128xf32>
    %gt3A_1833 = arith.cmpi sgt, %select_n3A_1830, %select_n3A_1810 : vector<256x128xi32>
    %and3A_1834 = arith.andi %eq3A_1832, %gt3A_1833 : vector<256x128xi1>
    %or3A_1835 = arith.ori %gt3A_1831, %and3A_1834 : vector<256x128xi1>
    %eq3A_1836 = arith.cmpf oeq, %select_n3A_1823, %select_n3A_1809 : vector<256x128xf32>
    %eq3A_1837 = arith.cmpi eq, %select_n3A_1830, %select_n3A_1810 : vector<256x128xi32>
    %and3A_1838 = arith.andi %eq3A_1836, %eq3A_1837 : vector<256x128xi1>
    %or3A_1839 = arith.ori %or3A_1835, %and3A_1838 : vector<256x128xi1>
    %not3A_1840 = arith.constant dense<true> : vector<256x128xi1>
    %not3A_1841 = arith.xori %or3A_1839, %not3A_1840 : vector<256x128xi1>
    %and3A_1842 = arith.constant 8 : i32
    %and3A_1843 = vector.broadcast %and3A_1842 : i32 to vector<256x128xi32>
    %and3A_1844 = arith.andi %iota3A_1664, %and3A_1843 : vector<256x128xi32>
    %eq3A_1845 = arith.constant 0 : i32
    %eq3A_1846 = vector.broadcast %eq3A_1845 : i32 to vector<256x128xi32>
    %eq3A_1847 = arith.cmpi eq, %and3A_1844, %eq3A_1846 : vector<256x128xi32>
    %not3A_1848 = arith.constant dense<true> : vector<256x128xi1>
    %not3A_1849 = arith.xori %ne3A_1816, %not3A_1848 : vector<256x128xi1>
    %eq3A_1850 = arith.xori %not3A_1849, %eq3A_1847 : vector<256x128xi1>
    %eq3A_1851 = arith.constant dense<true> : vector<256x128xi1>
    %eq3A_1852 = arith.xori %eq3A_1850, %eq3A_1851 : vector<256x128xi1>
    %and3A_1853 = arith.andi %eq3A_1852, %not3A_1841 : vector<256x128xi1>
    %not3A_1854 = arith.constant dense<true> : vector<256x128xi1>
    %not3A_1855 = arith.xori %eq3A_1852, %not3A_1854 : vector<256x128xi1>
    %and3A_1856 = arith.andi %not3A_1855, %or3A_1835 : vector<256x128xi1>
    %or3A_1857 = arith.ori %and3A_1853, %and3A_1856 : vector<256x128xi1>
    %select_n3A_1858 = arith.select %or3A_1857, %select_n3A_1823, %select_n3A_1809 : vector<256x128xi1>, vector<256x128xf32>
    %select_n3A_1859 = arith.select %or3A_1857, %select_n3A_1830, %select_n3A_1810 : vector<256x128xi1>, vector<256x128xi32>
    %and3A_1860 = arith.constant 2 : i32
    %and3A_1861 = vector.broadcast %and3A_1860 : i32 to vector<256x128xi32>
    %and3A_1862 = arith.andi %iota3A_1664, %and3A_1861 : vector<256x128xi32>
    %ne3A_1863 = arith.constant 0 : i32
    %ne3A_1864 = vector.broadcast %ne3A_1863 : i32 to vector<256x128xi32>
    %ne3A_1865 = arith.cmpi ne, %and3A_1862, %ne3A_1864 : vector<256x128xi32>
    %slice3A_1866 = vector.extract_strided_slice %select_n3A_1858 {offsets = [0, 126], sizes = [256, 2], strides = [1, 1]} : vector<256x128xf32> to vector<256x2xf32>
    %slice3A_1867 = vector.extract_strided_slice %select_n3A_1858 {offsets = [0, 0], sizes = [256, 126], strides = [1, 1]} : vector<256x128xf32> to vector<256x126xf32>
    %concatenate3A_1868 = tpu.concatenate %slice3A_1866, %slice3A_1867 in 1 : vector<256x2xf32>, vector<256x126xf32> -> vector<256x128xf32>
    %slice3A_1869 = vector.extract_strided_slice %select_n3A_1858 {offsets = [0, 2], sizes = [256, 126], strides = [1, 1]} : vector<256x128xf32> to vector<256x126xf32>
    %slice3A_1870 = vector.extract_strided_slice %select_n3A_1858 {offsets = [0, 0], sizes = [256, 2], strides = [1, 1]} : vector<256x128xf32> to vector<256x2xf32>
    %concatenate3A_1871 = tpu.concatenate %slice3A_1869, %slice3A_1870 in 1 : vector<256x126xf32>, vector<256x2xf32> -> vector<256x128xf32>
    %select_n3A_1872 = arith.select %ne3A_1865, %concatenate3A_1868, %concatenate3A_1871 : vector<256x128xi1>, vector<256x128xf32>
    %slice3A_1873 = vector.extract_strided_slice %select_n3A_1859 {offsets = [0, 126], sizes = [256, 2], strides = [1, 1]} : vector<256x128xi32> to vector<256x2xi32>
    %slice3A_1874 = vector.extract_strided_slice %select_n3A_1859 {offsets = [0, 0], sizes = [256, 126], strides = [1, 1]} : vector<256x128xi32> to vector<256x126xi32>
    %concatenate3A_1875 = tpu.concatenate %slice3A_1873, %slice3A_1874 in 1 : vector<256x2xi32>, vector<256x126xi32> -> vector<256x128xi32>
    %slice3A_1876 = vector.extract_strided_slice %select_n3A_1859 {offsets = [0, 2], sizes = [256, 126], strides = [1, 1]} : vector<256x128xi32> to vector<256x126xi32>
    %slice3A_1877 = vector.extract_strided_slice %select_n3A_1859 {offsets = [0, 0], sizes = [256, 2], strides = [1, 1]} : vector<256x128xi32> to vector<256x2xi32>
    %concatenate3A_1878 = tpu.concatenate %slice3A_1876, %slice3A_1877 in 1 : vector<256x126xi32>, vector<256x2xi32> -> vector<256x128xi32>
    %select_n3A_1879 = arith.select %ne3A_1865, %concatenate3A_1875, %concatenate3A_1878 : vector<256x128xi1>, vector<256x128xi32>
    %gt3A_1880 = arith.cmpf ogt, %select_n3A_1872, %select_n3A_1858 : vector<256x128xf32>
    %eq3A_1881 = arith.cmpf oeq, %select_n3A_1872, %select_n3A_1858 : vector<256x128xf32>
    %gt3A_1882 = arith.cmpi sgt, %select_n3A_1879, %select_n3A_1859 : vector<256x128xi32>
    %and3A_1883 = arith.andi %eq3A_1881, %gt3A_1882 : vector<256x128xi1>
    %or3A_1884 = arith.ori %gt3A_1880, %and3A_1883 : vector<256x128xi1>
    %eq3A_1885 = arith.cmpf oeq, %select_n3A_1872, %select_n3A_1858 : vector<256x128xf32>
    %eq3A_1886 = arith.cmpi eq, %select_n3A_1879, %select_n3A_1859 : vector<256x128xi32>
    %and3A_1887 = arith.andi %eq3A_1885, %eq3A_1886 : vector<256x128xi1>
    %or3A_1888 = arith.ori %or3A_1884, %and3A_1887 : vector<256x128xi1>
    %not3A_1889 = arith.constant dense<true> : vector<256x128xi1>
    %not3A_1890 = arith.xori %or3A_1888, %not3A_1889 : vector<256x128xi1>
    %and3A_1891 = arith.constant 8 : i32
    %and3A_1892 = vector.broadcast %and3A_1891 : i32 to vector<256x128xi32>
    %and3A_1893 = arith.andi %iota3A_1664, %and3A_1892 : vector<256x128xi32>
    %eq3A_1894 = arith.constant 0 : i32
    %eq3A_1895 = vector.broadcast %eq3A_1894 : i32 to vector<256x128xi32>
    %eq3A_1896 = arith.cmpi eq, %and3A_1893, %eq3A_1895 : vector<256x128xi32>
    %not3A_1897 = arith.constant dense<true> : vector<256x128xi1>
    %not3A_1898 = arith.xori %ne3A_1865, %not3A_1897 : vector<256x128xi1>
    %eq3A_1899 = arith.xori %not3A_1898, %eq3A_1896 : vector<256x128xi1>
    %eq3A_1900 = arith.constant dense<true> : vector<256x128xi1>
    %eq3A_1901 = arith.xori %eq3A_1899, %eq3A_1900 : vector<256x128xi1>
    %and3A_1902 = arith.andi %eq3A_1901, %not3A_1890 : vector<256x128xi1>
    %not3A_1903 = arith.constant dense<true> : vector<256x128xi1>
    %not3A_1904 = arith.xori %eq3A_1901, %not3A_1903 : vector<256x128xi1>
    %and3A_1905 = arith.andi %not3A_1904, %or3A_1884 : vector<256x128xi1>
    %or3A_1906 = arith.ori %and3A_1902, %and3A_1905 : vector<256x128xi1>
    %select_n3A_1907 = arith.select %or3A_1906, %select_n3A_1872, %select_n3A_1858 : vector<256x128xi1>, vector<256x128xf32>
    %select_n3A_1908 = arith.select %or3A_1906, %select_n3A_1879, %select_n3A_1859 : vector<256x128xi1>, vector<256x128xi32>
    %and3A_1909 = arith.constant 1 : i32
    %and3A_1910 = vector.broadcast %and3A_1909 : i32 to vector<256x128xi32>
    %and3A_1911 = arith.andi %iota3A_1664, %and3A_1910 : vector<256x128xi32>
    %ne3A_1912 = arith.constant 0 : i32
    %ne3A_1913 = vector.broadcast %ne3A_1912 : i32 to vector<256x128xi32>
    %ne3A_1914 = arith.cmpi ne, %and3A_1911, %ne3A_1913 : vector<256x128xi32>
    %slice3A_1915 = vector.extract_strided_slice %select_n3A_1907 {offsets = [0, 127], sizes = [256, 1], strides = [1, 1]} : vector<256x128xf32> to vector<256x1xf32>
    %slice3A_1916 = vector.extract_strided_slice %select_n3A_1907 {offsets = [0, 0], sizes = [256, 127], strides = [1, 1]} : vector<256x128xf32> to vector<256x127xf32>
    %concatenate3A_1917 = tpu.concatenate %slice3A_1915, %slice3A_1916 in 1 : vector<256x1xf32>, vector<256x127xf32> -> vector<256x128xf32>
    %slice3A_1918 = vector.extract_strided_slice %select_n3A_1907 {offsets = [0, 1], sizes = [256, 127], strides = [1, 1]} : vector<256x128xf32> to vector<256x127xf32>
    %slice3A_1919 = vector.extract_strided_slice %select_n3A_1907 {offsets = [0, 0], sizes = [256, 1], strides = [1, 1]} : vector<256x128xf32> to vector<256x1xf32>
    %concatenate3A_1920 = tpu.concatenate %slice3A_1918, %slice3A_1919 in 1 : vector<256x127xf32>, vector<256x1xf32> -> vector<256x128xf32>
    %select_n3A_1921 = arith.select %ne3A_1914, %concatenate3A_1917, %concatenate3A_1920 : vector<256x128xi1>, vector<256x128xf32>
    %slice3A_1922 = vector.extract_strided_slice %select_n3A_1908 {offsets = [0, 127], sizes = [256, 1], strides = [1, 1]} : vector<256x128xi32> to vector<256x1xi32>
    %slice3A_1923 = vector.extract_strided_slice %select_n3A_1908 {offsets = [0, 0], sizes = [256, 127], strides = [1, 1]} : vector<256x128xi32> to vector<256x127xi32>
    %concatenate3A_1924 = tpu.concatenate %slice3A_1922, %slice3A_1923 in 1 : vector<256x1xi32>, vector<256x127xi32> -> vector<256x128xi32>
    %slice3A_1925 = vector.extract_strided_slice %select_n3A_1908 {offsets = [0, 1], sizes = [256, 127], strides = [1, 1]} : vector<256x128xi32> to vector<256x127xi32>
    %slice3A_1926 = vector.extract_strided_slice %select_n3A_1908 {offsets = [0, 0], sizes = [256, 1], strides = [1, 1]} : vector<256x128xi32> to vector<256x1xi32>
    %concatenate3A_1927 = tpu.concatenate %slice3A_1925, %slice3A_1926 in 1 : vector<256x127xi32>, vector<256x1xi32> -> vector<256x128xi32>
    %select_n3A_1928 = arith.select %ne3A_1914, %concatenate3A_1924, %concatenate3A_1927 : vector<256x128xi1>, vector<256x128xi32>
    %gt3A_1929 = arith.cmpf ogt, %select_n3A_1921, %select_n3A_1907 : vector<256x128xf32>
    %eq3A_1930 = arith.cmpf oeq, %select_n3A_1921, %select_n3A_1907 : vector<256x128xf32>
    %gt3A_1931 = arith.cmpi sgt, %select_n3A_1928, %select_n3A_1908 : vector<256x128xi32>
    %and3A_1932 = arith.andi %eq3A_1930, %gt3A_1931 : vector<256x128xi1>
    %or3A_1933 = arith.ori %gt3A_1929, %and3A_1932 : vector<256x128xi1>
    %eq3A_1934 = arith.cmpf oeq, %select_n3A_1921, %select_n3A_1907 : vector<256x128xf32>
    %eq3A_1935 = arith.cmpi eq, %select_n3A_1928, %select_n3A_1908 : vector<256x128xi32>
    %and3A_1936 = arith.andi %eq3A_1934, %eq3A_1935 : vector<256x128xi1>
    %or3A_1937 = arith.ori %or3A_1933, %and3A_1936 : vector<256x128xi1>
    %not3A_1938 = arith.constant dense<true> : vector<256x128xi1>
    %not3A_1939 = arith.xori %or3A_1937, %not3A_1938 : vector<256x128xi1>
    %and3A_1940 = arith.constant 8 : i32
    %and3A_1941 = vector.broadcast %and3A_1940 : i32 to vector<256x128xi32>
    %and3A_1942 = arith.andi %iota3A_1664, %and3A_1941 : vector<256x128xi32>
    %eq3A_1943 = arith.constant 0 : i32
    %eq3A_1944 = vector.broadcast %eq3A_1943 : i32 to vector<256x128xi32>
    %eq3A_1945 = arith.cmpi eq, %and3A_1942, %eq3A_1944 : vector<256x128xi32>
    %not3A_1946 = arith.constant dense<true> : vector<256x128xi1>
    %not3A_1947 = arith.xori %ne3A_1914, %not3A_1946 : vector<256x128xi1>
    %eq3A_1948 = arith.xori %not3A_1947, %eq3A_1945 : vector<256x128xi1>
    %eq3A_1949 = arith.constant dense<true> : vector<256x128xi1>
    %eq3A_1950 = arith.xori %eq3A_1948, %eq3A_1949 : vector<256x128xi1>
    %and3A_1951 = arith.andi %eq3A_1950, %not3A_1939 : vector<256x128xi1>
    %not3A_1952 = arith.constant dense<true> : vector<256x128xi1>
    %not3A_1953 = arith.xori %eq3A_1950, %not3A_1952 : vector<256x128xi1>
    %and3A_1954 = arith.andi %not3A_1953, %or3A_1933 : vector<256x128xi1>
    %or3A_1955 = arith.ori %and3A_1951, %and3A_1954 : vector<256x128xi1>
    %select_n3A_1956 = arith.select %or3A_1955, %select_n3A_1921, %select_n3A_1907 : vector<256x128xi1>, vector<256x128xf32>
    %select_n3A_1957 = arith.select %or3A_1955, %select_n3A_1928, %select_n3A_1908 : vector<256x128xi1>, vector<256x128xi32>
    %and3A_1958 = arith.constant 8 : i32
    %and3A_1959 = vector.broadcast %and3A_1958 : i32 to vector<256x128xi32>
    %and3A_1960 = arith.andi %iota3A_1664, %and3A_1959 : vector<256x128xi32>
    %ne3A_1961 = arith.constant 0 : i32
    %ne3A_1962 = vector.broadcast %ne3A_1961 : i32 to vector<256x128xi32>
    %ne3A_1963 = arith.cmpi ne, %and3A_1960, %ne3A_1962 : vector<256x128xi32>
    %slice3A_1964 = vector.extract_strided_slice %select_n3A_1956 {offsets = [0, 120], sizes = [256, 8], strides = [1, 1]} : vector<256x128xf32> to vector<256x8xf32>
    %slice3A_1965 = vector.extract_strided_slice %select_n3A_1956 {offsets = [0, 0], sizes = [256, 120], strides = [1, 1]} : vector<256x128xf32> to vector<256x120xf32>
    %concatenate3A_1966 = tpu.concatenate %slice3A_1964, %slice3A_1965 in 1 : vector<256x8xf32>, vector<256x120xf32> -> vector<256x128xf32>
    %slice3A_1967 = vector.extract_strided_slice %select_n3A_1956 {offsets = [0, 8], sizes = [256, 120], strides = [1, 1]} : vector<256x128xf32> to vector<256x120xf32>
    %slice3A_1968 = vector.extract_strided_slice %select_n3A_1956 {offsets = [0, 0], sizes = [256, 8], strides = [1, 1]} : vector<256x128xf32> to vector<256x8xf32>
    %concatenate3A_1969 = tpu.concatenate %slice3A_1967, %slice3A_1968 in 1 : vector<256x120xf32>, vector<256x8xf32> -> vector<256x128xf32>
    %select_n3A_1970 = arith.select %ne3A_1963, %concatenate3A_1966, %concatenate3A_1969 : vector<256x128xi1>, vector<256x128xf32>
    %slice3A_1971 = vector.extract_strided_slice %select_n3A_1957 {offsets = [0, 120], sizes = [256, 8], strides = [1, 1]} : vector<256x128xi32> to vector<256x8xi32>
    %slice3A_1972 = vector.extract_strided_slice %select_n3A_1957 {offsets = [0, 0], sizes = [256, 120], strides = [1, 1]} : vector<256x128xi32> to vector<256x120xi32>
    %concatenate3A_1973 = tpu.concatenate %slice3A_1971, %slice3A_1972 in 1 : vector<256x8xi32>, vector<256x120xi32> -> vector<256x128xi32>
    %slice3A_1974 = vector.extract_strided_slice %select_n3A_1957 {offsets = [0, 8], sizes = [256, 120], strides = [1, 1]} : vector<256x128xi32> to vector<256x120xi32>
    %slice3A_1975 = vector.extract_strided_slice %select_n3A_1957 {offsets = [0, 0], sizes = [256, 8], strides = [1, 1]} : vector<256x128xi32> to vector<256x8xi32>
    %concatenate3A_1976 = tpu.concatenate %slice3A_1974, %slice3A_1975 in 1 : vector<256x120xi32>, vector<256x8xi32> -> vector<256x128xi32>
    %select_n3A_1977 = arith.select %ne3A_1963, %concatenate3A_1973, %concatenate3A_1976 : vector<256x128xi1>, vector<256x128xi32>
    %gt3A_1978 = arith.cmpf ogt, %select_n3A_1970, %select_n3A_1956 : vector<256x128xf32>
    %eq3A_1979 = arith.cmpf oeq, %select_n3A_1970, %select_n3A_1956 : vector<256x128xf32>
    %gt3A_1980 = arith.cmpi sgt, %select_n3A_1977, %select_n3A_1957 : vector<256x128xi32>
    %and3A_1981 = arith.andi %eq3A_1979, %gt3A_1980 : vector<256x128xi1>
    %or3A_1982 = arith.ori %gt3A_1978, %and3A_1981 : vector<256x128xi1>
    %eq3A_1983 = arith.cmpf oeq, %select_n3A_1970, %select_n3A_1956 : vector<256x128xf32>
    %eq3A_1984 = arith.cmpi eq, %select_n3A_1977, %select_n3A_1957 : vector<256x128xi32>
    %and3A_1985 = arith.andi %eq3A_1983, %eq3A_1984 : vector<256x128xi1>
    %or3A_1986 = arith.ori %or3A_1982, %and3A_1985 : vector<256x128xi1>
    %not3A_1987 = arith.constant dense<true> : vector<256x128xi1>
    %not3A_1988 = arith.xori %or3A_1986, %not3A_1987 : vector<256x128xi1>
    %and3A_1989 = arith.constant 16 : i32
    %and3A_1990 = vector.broadcast %and3A_1989 : i32 to vector<256x128xi32>
    %and3A_1991 = arith.andi %iota3A_1664, %and3A_1990 : vector<256x128xi32>
    %eq3A_1992 = arith.constant 0 : i32
    %eq3A_1993 = vector.broadcast %eq3A_1992 : i32 to vector<256x128xi32>
    %eq3A_1994 = arith.cmpi eq, %and3A_1991, %eq3A_1993 : vector<256x128xi32>
    %not3A_1995 = arith.constant dense<true> : vector<256x128xi1>
    %not3A_1996 = arith.xori %ne3A_1963, %not3A_1995 : vector<256x128xi1>
    %eq3A_1997 = arith.xori %not3A_1996, %eq3A_1994 : vector<256x128xi1>
    %eq3A_1998 = arith.constant dense<true> : vector<256x128xi1>
    %eq3A_1999 = arith.xori %eq3A_1997, %eq3A_1998 : vector<256x128xi1>
    %and3A_2000 = arith.andi %eq3A_1999, %not3A_1988 : vector<256x128xi1>
    %not3A_2001 = arith.constant dense<true> : vector<256x128xi1>
    %not3A_2002 = arith.xori %eq3A_1999, %not3A_2001 : vector<256x128xi1>
    %and3A_2003 = arith.andi %not3A_2002, %or3A_1982 : vector<256x128xi1>
    %or3A_2004 = arith.ori %and3A_2000, %and3A_2003 : vector<256x128xi1>
    %select_n3A_2005 = arith.select %or3A_2004, %select_n3A_1970, %select_n3A_1956 : vector<256x128xi1>, vector<256x128xf32>
    %select_n3A_2006 = arith.select %or3A_2004, %select_n3A_1977, %select_n3A_1957 : vector<256x128xi1>, vector<256x128xi32>
    %and3A_2007 = arith.constant 4 : i32
    %and3A_2008 = vector.broadcast %and3A_2007 : i32 to vector<256x128xi32>
    %and3A_2009 = arith.andi %iota3A_1664, %and3A_2008 : vector<256x128xi32>
    %ne3A_2010 = arith.constant 0 : i32
    %ne3A_2011 = vector.broadcast %ne3A_2010 : i32 to vector<256x128xi32>
    %ne3A_2012 = arith.cmpi ne, %and3A_2009, %ne3A_2011 : vector<256x128xi32>
    %slice3A_2013 = vector.extract_strided_slice %select_n3A_2005 {offsets = [0, 124], sizes = [256, 4], strides = [1, 1]} : vector<256x128xf32> to vector<256x4xf32>
    %slice3A_2014 = vector.extract_strided_slice %select_n3A_2005 {offsets = [0, 0], sizes = [256, 124], strides = [1, 1]} : vector<256x128xf32> to vector<256x124xf32>
    %concatenate3A_2015 = tpu.concatenate %slice3A_2013, %slice3A_2014 in 1 : vector<256x4xf32>, vector<256x124xf32> -> vector<256x128xf32>
    %slice3A_2016 = vector.extract_strided_slice %select_n3A_2005 {offsets = [0, 4], sizes = [256, 124], strides = [1, 1]} : vector<256x128xf32> to vector<256x124xf32>
    %slice3A_2017 = vector.extract_strided_slice %select_n3A_2005 {offsets = [0, 0], sizes = [256, 4], strides = [1, 1]} : vector<256x128xf32> to vector<256x4xf32>
    %concatenate3A_2018 = tpu.concatenate %slice3A_2016, %slice3A_2017 in 1 : vector<256x124xf32>, vector<256x4xf32> -> vector<256x128xf32>
    %select_n3A_2019 = arith.select %ne3A_2012, %concatenate3A_2015, %concatenate3A_2018 : vector<256x128xi1>, vector<256x128xf32>
    %slice3A_2020 = vector.extract_strided_slice %select_n3A_2006 {offsets = [0, 124], sizes = [256, 4], strides = [1, 1]} : vector<256x128xi32> to vector<256x4xi32>
    %slice3A_2021 = vector.extract_strided_slice %select_n3A_2006 {offsets = [0, 0], sizes = [256, 124], strides = [1, 1]} : vector<256x128xi32> to vector<256x124xi32>
    %concatenate3A_2022 = tpu.concatenate %slice3A_2020, %slice3A_2021 in 1 : vector<256x4xi32>, vector<256x124xi32> -> vector<256x128xi32>
    %slice3A_2023 = vector.extract_strided_slice %select_n3A_2006 {offsets = [0, 4], sizes = [256, 124], strides = [1, 1]} : vector<256x128xi32> to vector<256x124xi32>
    %slice3A_2024 = vector.extract_strided_slice %select_n3A_2006 {offsets = [0, 0], sizes = [256, 4], strides = [1, 1]} : vector<256x128xi32> to vector<256x4xi32>
    %concatenate3A_2025 = tpu.concatenate %slice3A_2023, %slice3A_2024 in 1 : vector<256x124xi32>, vector<256x4xi32> -> vector<256x128xi32>
    %select_n3A_2026 = arith.select %ne3A_2012, %concatenate3A_2022, %concatenate3A_2025 : vector<256x128xi1>, vector<256x128xi32>
    %gt3A_2027 = arith.cmpf ogt, %select_n3A_2019, %select_n3A_2005 : vector<256x128xf32>
    %eq3A_2028 = arith.cmpf oeq, %select_n3A_2019, %select_n3A_2005 : vector<256x128xf32>
    %gt3A_2029 = arith.cmpi sgt, %select_n3A_2026, %select_n3A_2006 : vector<256x128xi32>
    %and3A_2030 = arith.andi %eq3A_2028, %gt3A_2029 : vector<256x128xi1>
    %or3A_2031 = arith.ori %gt3A_2027, %and3A_2030 : vector<256x128xi1>
    %eq3A_2032 = arith.cmpf oeq, %select_n3A_2019, %select_n3A_2005 : vector<256x128xf32>
    %eq3A_2033 = arith.cmpi eq, %select_n3A_2026, %select_n3A_2006 : vector<256x128xi32>
    %and3A_2034 = arith.andi %eq3A_2032, %eq3A_2033 : vector<256x128xi1>
    %or3A_2035 = arith.ori %or3A_2031, %and3A_2034 : vector<256x128xi1>
    %not3A_2036 = arith.constant dense<true> : vector<256x128xi1>
    %not3A_2037 = arith.xori %or3A_2035, %not3A_2036 : vector<256x128xi1>
    %and3A_2038 = arith.constant 16 : i32
    %and3A_2039 = vector.broadcast %and3A_2038 : i32 to vector<256x128xi32>
    %and3A_2040 = arith.andi %iota3A_1664, %and3A_2039 : vector<256x128xi32>
    %eq3A_2041 = arith.constant 0 : i32
    %eq3A_2042 = vector.broadcast %eq3A_2041 : i32 to vector<256x128xi32>
    %eq3A_2043 = arith.cmpi eq, %and3A_2040, %eq3A_2042 : vector<256x128xi32>
    %not3A_2044 = arith.constant dense<true> : vector<256x128xi1>
    %not3A_2045 = arith.xori %ne3A_2012, %not3A_2044 : vector<256x128xi1>
    %eq3A_2046 = arith.xori %not3A_2045, %eq3A_2043 : vector<256x128xi1>
    %eq3A_2047 = arith.constant dense<true> : vector<256x128xi1>
    %eq3A_2048 = arith.xori %eq3A_2046, %eq3A_2047 : vector<256x128xi1>
    %and3A_2049 = arith.andi %eq3A_2048, %not3A_2037 : vector<256x128xi1>
    %not3A_2050 = arith.constant dense<true> : vector<256x128xi1>
    %not3A_2051 = arith.xori %eq3A_2048, %not3A_2050 : vector<256x128xi1>
    %and3A_2052 = arith.andi %not3A_2051, %or3A_2031 : vector<256x128xi1>
    %or3A_2053 = arith.ori %and3A_2049, %and3A_2052 : vector<256x128xi1>
    %select_n3A_2054 = arith.select %or3A_2053, %select_n3A_2019, %select_n3A_2005 : vector<256x128xi1>, vector<256x128xf32>
    %select_n3A_2055 = arith.select %or3A_2053, %select_n3A_2026, %select_n3A_2006 : vector<256x128xi1>, vector<256x128xi32>
    %and3A_2056 = arith.constant 2 : i32
    %and3A_2057 = vector.broadcast %and3A_2056 : i32 to vector<256x128xi32>
    %and3A_2058 = arith.andi %iota3A_1664, %and3A_2057 : vector<256x128xi32>
    %ne3A_2059 = arith.constant 0 : i32
    %ne3A_2060 = vector.broadcast %ne3A_2059 : i32 to vector<256x128xi32>
    %ne3A_2061 = arith.cmpi ne, %and3A_2058, %ne3A_2060 : vector<256x128xi32>
    %slice3A_2062 = vector.extract_strided_slice %select_n3A_2054 {offsets = [0, 126], sizes = [256, 2], strides = [1, 1]} : vector<256x128xf32> to vector<256x2xf32>
    %slice3A_2063 = vector.extract_strided_slice %select_n3A_2054 {offsets = [0, 0], sizes = [256, 126], strides = [1, 1]} : vector<256x128xf32> to vector<256x126xf32>
    %concatenate3A_2064 = tpu.concatenate %slice3A_2062, %slice3A_2063 in 1 : vector<256x2xf32>, vector<256x126xf32> -> vector<256x128xf32>
    %slice3A_2065 = vector.extract_strided_slice %select_n3A_2054 {offsets = [0, 2], sizes = [256, 126], strides = [1, 1]} : vector<256x128xf32> to vector<256x126xf32>
    %slice3A_2066 = vector.extract_strided_slice %select_n3A_2054 {offsets = [0, 0], sizes = [256, 2], strides = [1, 1]} : vector<256x128xf32> to vector<256x2xf32>
    %concatenate3A_2067 = tpu.concatenate %slice3A_2065, %slice3A_2066 in 1 : vector<256x126xf32>, vector<256x2xf32> -> vector<256x128xf32>
    %select_n3A_2068 = arith.select %ne3A_2061, %concatenate3A_2064, %concatenate3A_2067 : vector<256x128xi1>, vector<256x128xf32>
    %slice3A_2069 = vector.extract_strided_slice %select_n3A_2055 {offsets = [0, 126], sizes = [256, 2], strides = [1, 1]} : vector<256x128xi32> to vector<256x2xi32>
    %slice3A_2070 = vector.extract_strided_slice %select_n3A_2055 {offsets = [0, 0], sizes = [256, 126], strides = [1, 1]} : vector<256x128xi32> to vector<256x126xi32>
    %concatenate3A_2071 = tpu.concatenate %slice3A_2069, %slice3A_2070 in 1 : vector<256x2xi32>, vector<256x126xi32> -> vector<256x128xi32>
    %slice3A_2072 = vector.extract_strided_slice %select_n3A_2055 {offsets = [0, 2], sizes = [256, 126], strides = [1, 1]} : vector<256x128xi32> to vector<256x126xi32>
    %slice3A_2073 = vector.extract_strided_slice %select_n3A_2055 {offsets = [0, 0], sizes = [256, 2], strides = [1, 1]} : vector<256x128xi32> to vector<256x2xi32>
    %concatenate3A_2074 = tpu.concatenate %slice3A_2072, %slice3A_2073 in 1 : vector<256x126xi32>, vector<256x2xi32> -> vector<256x128xi32>
    %select_n3A_2075 = arith.select %ne3A_2061, %concatenate3A_2071, %concatenate3A_2074 : vector<256x128xi1>, vector<256x128xi32>
    %gt3A_2076 = arith.cmpf ogt, %select_n3A_2068, %select_n3A_2054 : vector<256x128xf32>
    %eq3A_2077 = arith.cmpf oeq, %select_n3A_2068, %select_n3A_2054 : vector<256x128xf32>
    %gt3A_2078 = arith.cmpi sgt, %select_n3A_2075, %select_n3A_2055 : vector<256x128xi32>
    %and3A_2079 = arith.andi %eq3A_2077, %gt3A_2078 : vector<256x128xi1>
    %or3A_2080 = arith.ori %gt3A_2076, %and3A_2079 : vector<256x128xi1>
    %eq3A_2081 = arith.cmpf oeq, %select_n3A_2068, %select_n3A_2054 : vector<256x128xf32>
    %eq3A_2082 = arith.cmpi eq, %select_n3A_2075, %select_n3A_2055 : vector<256x128xi32>
    %and3A_2083 = arith.andi %eq3A_2081, %eq3A_2082 : vector<256x128xi1>
    %or3A_2084 = arith.ori %or3A_2080, %and3A_2083 : vector<256x128xi1>
    %not3A_2085 = arith.constant dense<true> : vector<256x128xi1>
    %not3A_2086 = arith.xori %or3A_2084, %not3A_2085 : vector<256x128xi1>
    %and3A_2087 = arith.constant 16 : i32
    %and3A_2088 = vector.broadcast %and3A_2087 : i32 to vector<256x128xi32>
    %and3A_2089 = arith.andi %iota3A_1664, %and3A_2088 : vector<256x128xi32>
    %eq3A_2090 = arith.constant 0 : i32
    %eq3A_2091 = vector.broadcast %eq3A_2090 : i32 to vector<256x128xi32>
    %eq3A_2092 = arith.cmpi eq, %and3A_2089, %eq3A_2091 : vector<256x128xi32>
    %not3A_2093 = arith.constant dense<true> : vector<256x128xi1>
    %not3A_2094 = arith.xori %ne3A_2061, %not3A_2093 : vector<256x128xi1>
    %eq3A_2095 = arith.xori %not3A_2094, %eq3A_2092 : vector<256x128xi1>
    %eq3A_2096 = arith.constant dense<true> : vector<256x128xi1>
    %eq3A_2097 = arith.xori %eq3A_2095, %eq3A_2096 : vector<256x128xi1>
    %and3A_2098 = arith.andi %eq3A_2097, %not3A_2086 : vector<256x128xi1>
    %not3A_2099 = arith.constant dense<true> : vector<256x128xi1>
    %not3A_2100 = arith.xori %eq3A_2097, %not3A_2099 : vector<256x128xi1>
    %and3A_2101 = arith.andi %not3A_2100, %or3A_2080 : vector<256x128xi1>
    %or3A_2102 = arith.ori %and3A_2098, %and3A_2101 : vector<256x128xi1>
    %select_n3A_2103 = arith.select %or3A_2102, %select_n3A_2068, %select_n3A_2054 : vector<256x128xi1>, vector<256x128xf32>
    %select_n3A_2104 = arith.select %or3A_2102, %select_n3A_2075, %select_n3A_2055 : vector<256x128xi1>, vector<256x128xi32>
    %and3A_2105 = arith.constant 1 : i32
    %and3A_2106 = vector.broadcast %and3A_2105 : i32 to vector<256x128xi32>
    %and3A_2107 = arith.andi %iota3A_1664, %and3A_2106 : vector<256x128xi32>
    %ne3A_2108 = arith.constant 0 : i32
    %ne3A_2109 = vector.broadcast %ne3A_2108 : i32 to vector<256x128xi32>
    %ne3A_2110 = arith.cmpi ne, %and3A_2107, %ne3A_2109 : vector<256x128xi32>
    %slice3A_2111 = vector.extract_strided_slice %select_n3A_2103 {offsets = [0, 127], sizes = [256, 1], strides = [1, 1]} : vector<256x128xf32> to vector<256x1xf32>
    %slice3A_2112 = vector.extract_strided_slice %select_n3A_2103 {offsets = [0, 0], sizes = [256, 127], strides = [1, 1]} : vector<256x128xf32> to vector<256x127xf32>
    %concatenate3A_2113 = tpu.concatenate %slice3A_2111, %slice3A_2112 in 1 : vector<256x1xf32>, vector<256x127xf32> -> vector<256x128xf32>
    %slice3A_2114 = vector.extract_strided_slice %select_n3A_2103 {offsets = [0, 1], sizes = [256, 127], strides = [1, 1]} : vector<256x128xf32> to vector<256x127xf32>
    %slice3A_2115 = vector.extract_strided_slice %select_n3A_2103 {offsets = [0, 0], sizes = [256, 1], strides = [1, 1]} : vector<256x128xf32> to vector<256x1xf32>
    %concatenate3A_2116 = tpu.concatenate %slice3A_2114, %slice3A_2115 in 1 : vector<256x127xf32>, vector<256x1xf32> -> vector<256x128xf32>
    %select_n3A_2117 = arith.select %ne3A_2110, %concatenate3A_2113, %concatenate3A_2116 : vector<256x128xi1>, vector<256x128xf32>
    %slice3A_2118 = vector.extract_strided_slice %select_n3A_2104 {offsets = [0, 127], sizes = [256, 1], strides = [1, 1]} : vector<256x128xi32> to vector<256x1xi32>
    %slice3A_2119 = vector.extract_strided_slice %select_n3A_2104 {offsets = [0, 0], sizes = [256, 127], strides = [1, 1]} : vector<256x128xi32> to vector<256x127xi32>
    %concatenate3A_2120 = tpu.concatenate %slice3A_2118, %slice3A_2119 in 1 : vector<256x1xi32>, vector<256x127xi32> -> vector<256x128xi32>
    %slice3A_2121 = vector.extract_strided_slice %select_n3A_2104 {offsets = [0, 1], sizes = [256, 127], strides = [1, 1]} : vector<256x128xi32> to vector<256x127xi32>
    %slice3A_2122 = vector.extract_strided_slice %select_n3A_2104 {offsets = [0, 0], sizes = [256, 1], strides = [1, 1]} : vector<256x128xi32> to vector<256x1xi32>
    %concatenate3A_2123 = tpu.concatenate %slice3A_2121, %slice3A_2122 in 1 : vector<256x127xi32>, vector<256x1xi32> -> vector<256x128xi32>
    %select_n3A_2124 = arith.select %ne3A_2110, %concatenate3A_2120, %concatenate3A_2123 : vector<256x128xi1>, vector<256x128xi32>
    %gt3A_2125 = arith.cmpf ogt, %select_n3A_2117, %select_n3A_2103 : vector<256x128xf32>
    %eq3A_2126 = arith.cmpf oeq, %select_n3A_2117, %select_n3A_2103 : vector<256x128xf32>
    %gt3A_2127 = arith.cmpi sgt, %select_n3A_2124, %select_n3A_2104 : vector<256x128xi32>
    %and3A_2128 = arith.andi %eq3A_2126, %gt3A_2127 : vector<256x128xi1>
    %or3A_2129 = arith.ori %gt3A_2125, %and3A_2128 : vector<256x128xi1>
    %eq3A_2130 = arith.cmpf oeq, %select_n3A_2117, %select_n3A_2103 : vector<256x128xf32>
    %eq3A_2131 = arith.cmpi eq, %select_n3A_2124, %select_n3A_2104 : vector<256x128xi32>
    %and3A_2132 = arith.andi %eq3A_2130, %eq3A_2131 : vector<256x128xi1>
    %or3A_2133 = arith.ori %or3A_2129, %and3A_2132 : vector<256x128xi1>
    %not3A_2134 = arith.constant dense<true> : vector<256x128xi1>
    %not3A_2135 = arith.xori %or3A_2133, %not3A_2134 : vector<256x128xi1>
    %and3A_2136 = arith.constant 16 : i32
    %and3A_2137 = vector.broadcast %and3A_2136 : i32 to vector<256x128xi32>
    %and3A_2138 = arith.andi %iota3A_1664, %and3A_2137 : vector<256x128xi32>
    %eq3A_2139 = arith.constant 0 : i32
    %eq3A_2140 = vector.broadcast %eq3A_2139 : i32 to vector<256x128xi32>
    %eq3A_2141 = arith.cmpi eq, %and3A_2138, %eq3A_2140 : vector<256x128xi32>
    %not3A_2142 = arith.constant dense<true> : vector<256x128xi1>
    %not3A_2143 = arith.xori %ne3A_2110, %not3A_2142 : vector<256x128xi1>
    %eq3A_2144 = arith.xori %not3A_2143, %eq3A_2141 : vector<256x128xi1>
    %eq3A_2145 = arith.constant dense<true> : vector<256x128xi1>
    %eq3A_2146 = arith.xori %eq3A_2144, %eq3A_2145 : vector<256x128xi1>
    %and3A_2147 = arith.andi %eq3A_2146, %not3A_2135 : vector<256x128xi1>
    %not3A_2148 = arith.constant dense<true> : vector<256x128xi1>
    %not3A_2149 = arith.xori %eq3A_2146, %not3A_2148 : vector<256x128xi1>
    %and3A_2150 = arith.andi %not3A_2149, %or3A_2129 : vector<256x128xi1>
    %or3A_2151 = arith.ori %and3A_2147, %and3A_2150 : vector<256x128xi1>
    %select_n3A_2152 = arith.select %or3A_2151, %select_n3A_2117, %select_n3A_2103 : vector<256x128xi1>, vector<256x128xf32>
    %select_n3A_2153 = arith.select %or3A_2151, %select_n3A_2124, %select_n3A_2104 : vector<256x128xi1>, vector<256x128xi32>
    %and3A_2154 = arith.constant 16 : i32
    %and3A_2155 = vector.broadcast %and3A_2154 : i32 to vector<256x128xi32>
    %and3A_2156 = arith.andi %iota3A_1664, %and3A_2155 : vector<256x128xi32>
    %ne3A_2157 = arith.constant 0 : i32
    %ne3A_2158 = vector.broadcast %ne3A_2157 : i32 to vector<256x128xi32>
    %ne3A_2159 = arith.cmpi ne, %and3A_2156, %ne3A_2158 : vector<256x128xi32>
    %slice3A_2160 = vector.extract_strided_slice %select_n3A_2152 {offsets = [0, 112], sizes = [256, 16], strides = [1, 1]} : vector<256x128xf32> to vector<256x16xf32>
    %slice3A_2161 = vector.extract_strided_slice %select_n3A_2152 {offsets = [0, 0], sizes = [256, 112], strides = [1, 1]} : vector<256x128xf32> to vector<256x112xf32>
    %concatenate3A_2162 = tpu.concatenate %slice3A_2160, %slice3A_2161 in 1 : vector<256x16xf32>, vector<256x112xf32> -> vector<256x128xf32>
    %slice3A_2163 = vector.extract_strided_slice %select_n3A_2152 {offsets = [0, 16], sizes = [256, 112], strides = [1, 1]} : vector<256x128xf32> to vector<256x112xf32>
    %slice3A_2164 = vector.extract_strided_slice %select_n3A_2152 {offsets = [0, 0], sizes = [256, 16], strides = [1, 1]} : vector<256x128xf32> to vector<256x16xf32>
    %concatenate3A_2165 = tpu.concatenate %slice3A_2163, %slice3A_2164 in 1 : vector<256x112xf32>, vector<256x16xf32> -> vector<256x128xf32>
    %select_n3A_2166 = arith.select %ne3A_2159, %concatenate3A_2162, %concatenate3A_2165 : vector<256x128xi1>, vector<256x128xf32>
    %slice3A_2167 = vector.extract_strided_slice %select_n3A_2153 {offsets = [0, 112], sizes = [256, 16], strides = [1, 1]} : vector<256x128xi32> to vector<256x16xi32>
    %slice3A_2168 = vector.extract_strided_slice %select_n3A_2153 {offsets = [0, 0], sizes = [256, 112], strides = [1, 1]} : vector<256x128xi32> to vector<256x112xi32>
    %concatenate3A_2169 = tpu.concatenate %slice3A_2167, %slice3A_2168 in 1 : vector<256x16xi32>, vector<256x112xi32> -> vector<256x128xi32>
    %slice3A_2170 = vector.extract_strided_slice %select_n3A_2153 {offsets = [0, 16], sizes = [256, 112], strides = [1, 1]} : vector<256x128xi32> to vector<256x112xi32>
    %slice3A_2171 = vector.extract_strided_slice %select_n3A_2153 {offsets = [0, 0], sizes = [256, 16], strides = [1, 1]} : vector<256x128xi32> to vector<256x16xi32>
    %concatenate3A_2172 = tpu.concatenate %slice3A_2170, %slice3A_2171 in 1 : vector<256x112xi32>, vector<256x16xi32> -> vector<256x128xi32>
    %select_n3A_2173 = arith.select %ne3A_2159, %concatenate3A_2169, %concatenate3A_2172 : vector<256x128xi1>, vector<256x128xi32>
    %gt3A_2174 = arith.cmpf ogt, %select_n3A_2166, %select_n3A_2152 : vector<256x128xf32>
    %eq3A_2175 = arith.cmpf oeq, %select_n3A_2166, %select_n3A_2152 : vector<256x128xf32>
    %gt3A_2176 = arith.cmpi sgt, %select_n3A_2173, %select_n3A_2153 : vector<256x128xi32>
    %and3A_2177 = arith.andi %eq3A_2175, %gt3A_2176 : vector<256x128xi1>
    %or3A_2178 = arith.ori %gt3A_2174, %and3A_2177 : vector<256x128xi1>
    %eq3A_2179 = arith.cmpf oeq, %select_n3A_2166, %select_n3A_2152 : vector<256x128xf32>
    %eq3A_2180 = arith.cmpi eq, %select_n3A_2173, %select_n3A_2153 : vector<256x128xi32>
    %and3A_2181 = arith.andi %eq3A_2179, %eq3A_2180 : vector<256x128xi1>
    %or3A_2182 = arith.ori %or3A_2178, %and3A_2181 : vector<256x128xi1>
    %not3A_2183 = arith.constant dense<true> : vector<256x128xi1>
    %not3A_2184 = arith.xori %or3A_2182, %not3A_2183 : vector<256x128xi1>
    %and3A_2185 = arith.constant 32 : i32
    %and3A_2186 = vector.broadcast %and3A_2185 : i32 to vector<256x128xi32>
    %and3A_2187 = arith.andi %iota3A_1664, %and3A_2186 : vector<256x128xi32>
    %eq3A_2188 = arith.constant 0 : i32
    %eq3A_2189 = vector.broadcast %eq3A_2188 : i32 to vector<256x128xi32>
    %eq3A_2190 = arith.cmpi eq, %and3A_2187, %eq3A_2189 : vector<256x128xi32>
    %not3A_2191 = arith.constant dense<true> : vector<256x128xi1>
    %not3A_2192 = arith.xori %ne3A_2159, %not3A_2191 : vector<256x128xi1>
    %eq3A_2193 = arith.xori %not3A_2192, %eq3A_2190 : vector<256x128xi1>
    %eq3A_2194 = arith.constant dense<true> : vector<256x128xi1>
    %eq3A_2195 = arith.xori %eq3A_2193, %eq3A_2194 : vector<256x128xi1>
    %and3A_2196 = arith.andi %eq3A_2195, %not3A_2184 : vector<256x128xi1>
    %not3A_2197 = arith.constant dense<true> : vector<256x128xi1>
    %not3A_2198 = arith.xori %eq3A_2195, %not3A_2197 : vector<256x128xi1>
    %and3A_2199 = arith.andi %not3A_2198, %or3A_2178 : vector<256x128xi1>
    %or3A_2200 = arith.ori %and3A_2196, %and3A_2199 : vector<256x128xi1>
    %select_n3A_2201 = arith.select %or3A_2200, %select_n3A_2166, %select_n3A_2152 : vector<256x128xi1>, vector<256x128xf32>
    %select_n3A_2202 = arith.select %or3A_2200, %select_n3A_2173, %select_n3A_2153 : vector<256x128xi1>, vector<256x128xi32>
    %and3A_2203 = arith.constant 8 : i32
    %and3A_2204 = vector.broadcast %and3A_2203 : i32 to vector<256x128xi32>
    %and3A_2205 = arith.andi %iota3A_1664, %and3A_2204 : vector<256x128xi32>
    %ne3A_2206 = arith.constant 0 : i32
    %ne3A_2207 = vector.broadcast %ne3A_2206 : i32 to vector<256x128xi32>
    %ne3A_2208 = arith.cmpi ne, %and3A_2205, %ne3A_2207 : vector<256x128xi32>
    %slice3A_2209 = vector.extract_strided_slice %select_n3A_2201 {offsets = [0, 120], sizes = [256, 8], strides = [1, 1]} : vector<256x128xf32> to vector<256x8xf32>
    %slice3A_2210 = vector.extract_strided_slice %select_n3A_2201 {offsets = [0, 0], sizes = [256, 120], strides = [1, 1]} : vector<256x128xf32> to vector<256x120xf32>
    %concatenate3A_2211 = tpu.concatenate %slice3A_2209, %slice3A_2210 in 1 : vector<256x8xf32>, vector<256x120xf32> -> vector<256x128xf32>
    %slice3A_2212 = vector.extract_strided_slice %select_n3A_2201 {offsets = [0, 8], sizes = [256, 120], strides = [1, 1]} : vector<256x128xf32> to vector<256x120xf32>
    %slice3A_2213 = vector.extract_strided_slice %select_n3A_2201 {offsets = [0, 0], sizes = [256, 8], strides = [1, 1]} : vector<256x128xf32> to vector<256x8xf32>
    %concatenate3A_2214 = tpu.concatenate %slice3A_2212, %slice3A_2213 in 1 : vector<256x120xf32>, vector<256x8xf32> -> vector<256x128xf32>
    %select_n3A_2215 = arith.select %ne3A_2208, %concatenate3A_2211, %concatenate3A_2214 : vector<256x128xi1>, vector<256x128xf32>
    %slice3A_2216 = vector.extract_strided_slice %select_n3A_2202 {offsets = [0, 120], sizes = [256, 8], strides = [1, 1]} : vector<256x128xi32> to vector<256x8xi32>
    %slice3A_2217 = vector.extract_strided_slice %select_n3A_2202 {offsets = [0, 0], sizes = [256, 120], strides = [1, 1]} : vector<256x128xi32> to vector<256x120xi32>
    %concatenate3A_2218 = tpu.concatenate %slice3A_2216, %slice3A_2217 in 1 : vector<256x8xi32>, vector<256x120xi32> -> vector<256x128xi32>
    %slice3A_2219 = vector.extract_strided_slice %select_n3A_2202 {offsets = [0, 8], sizes = [256, 120], strides = [1, 1]} : vector<256x128xi32> to vector<256x120xi32>
    %slice3A_2220 = vector.extract_strided_slice %select_n3A_2202 {offsets = [0, 0], sizes = [256, 8], strides = [1, 1]} : vector<256x128xi32> to vector<256x8xi32>
    %concatenate3A_2221 = tpu.concatenate %slice3A_2219, %slice3A_2220 in 1 : vector<256x120xi32>, vector<256x8xi32> -> vector<256x128xi32>
    %select_n3A_2222 = arith.select %ne3A_2208, %concatenate3A_2218, %concatenate3A_2221 : vector<256x128xi1>, vector<256x128xi32>
    %gt3A_2223 = arith.cmpf ogt, %select_n3A_2215, %select_n3A_2201 : vector<256x128xf32>
    %eq3A_2224 = arith.cmpf oeq, %select_n3A_2215, %select_n3A_2201 : vector<256x128xf32>
    %gt3A_2225 = arith.cmpi sgt, %select_n3A_2222, %select_n3A_2202 : vector<256x128xi32>
    %and3A_2226 = arith.andi %eq3A_2224, %gt3A_2225 : vector<256x128xi1>
    %or3A_2227 = arith.ori %gt3A_2223, %and3A_2226 : vector<256x128xi1>
    %eq3A_2228 = arith.cmpf oeq, %select_n3A_2215, %select_n3A_2201 : vector<256x128xf32>
    %eq3A_2229 = arith.cmpi eq, %select_n3A_2222, %select_n3A_2202 : vector<256x128xi32>
    %and3A_2230 = arith.andi %eq3A_2228, %eq3A_2229 : vector<256x128xi1>
    %or3A_2231 = arith.ori %or3A_2227, %and3A_2230 : vector<256x128xi1>
    %not3A_2232 = arith.constant dense<true> : vector<256x128xi1>
    %not3A_2233 = arith.xori %or3A_2231, %not3A_2232 : vector<256x128xi1>
    %and3A_2234 = arith.constant 32 : i32
    %and3A_2235 = vector.broadcast %and3A_2234 : i32 to vector<256x128xi32>
    %and3A_2236 = arith.andi %iota3A_1664, %and3A_2235 : vector<256x128xi32>
    %eq3A_2237 = arith.constant 0 : i32
    %eq3A_2238 = vector.broadcast %eq3A_2237 : i32 to vector<256x128xi32>
    %eq3A_2239 = arith.cmpi eq, %and3A_2236, %eq3A_2238 : vector<256x128xi32>
    %not3A_2240 = arith.constant dense<true> : vector<256x128xi1>
    %not3A_2241 = arith.xori %ne3A_2208, %not3A_2240 : vector<256x128xi1>
    %eq3A_2242 = arith.xori %not3A_2241, %eq3A_2239 : vector<256x128xi1>
    %eq3A_2243 = arith.constant dense<true> : vector<256x128xi1>
    %eq3A_2244 = arith.xori %eq3A_2242, %eq3A_2243 : vector<256x128xi1>
    %and3A_2245 = arith.andi %eq3A_2244, %not3A_2233 : vector<256x128xi1>
    %not3A_2246 = arith.constant dense<true> : vector<256x128xi1>
    %not3A_2247 = arith.xori %eq3A_2244, %not3A_2246 : vector<256x128xi1>
    %and3A_2248 = arith.andi %not3A_2247, %or3A_2227 : vector<256x128xi1>
    %or3A_2249 = arith.ori %and3A_2245, %and3A_2248 : vector<256x128xi1>
    %select_n3A_2250 = arith.select %or3A_2249, %select_n3A_2215, %select_n3A_2201 : vector<256x128xi1>, vector<256x128xf32>
    %select_n3A_2251 = arith.select %or3A_2249, %select_n3A_2222, %select_n3A_2202 : vector<256x128xi1>, vector<256x128xi32>
    %and3A_2252 = arith.constant 4 : i32
    %and3A_2253 = vector.broadcast %and3A_2252 : i32 to vector<256x128xi32>
    %and3A_2254 = arith.andi %iota3A_1664, %and3A_2253 : vector<256x128xi32>
    %ne3A_2255 = arith.constant 0 : i32
    %ne3A_2256 = vector.broadcast %ne3A_2255 : i32 to vector<256x128xi32>
    %ne3A_2257 = arith.cmpi ne, %and3A_2254, %ne3A_2256 : vector<256x128xi32>
    %slice3A_2258 = vector.extract_strided_slice %select_n3A_2250 {offsets = [0, 124], sizes = [256, 4], strides = [1, 1]} : vector<256x128xf32> to vector<256x4xf32>
    %slice3A_2259 = vector.extract_strided_slice %select_n3A_2250 {offsets = [0, 0], sizes = [256, 124], strides = [1, 1]} : vector<256x128xf32> to vector<256x124xf32>
    %concatenate3A_2260 = tpu.concatenate %slice3A_2258, %slice3A_2259 in 1 : vector<256x4xf32>, vector<256x124xf32> -> vector<256x128xf32>
    %slice3A_2261 = vector.extract_strided_slice %select_n3A_2250 {offsets = [0, 4], sizes = [256, 124], strides = [1, 1]} : vector<256x128xf32> to vector<256x124xf32>
    %slice3A_2262 = vector.extract_strided_slice %select_n3A_2250 {offsets = [0, 0], sizes = [256, 4], strides = [1, 1]} : vector<256x128xf32> to vector<256x4xf32>
    %concatenate3A_2263 = tpu.concatenate %slice3A_2261, %slice3A_2262 in 1 : vector<256x124xf32>, vector<256x4xf32> -> vector<256x128xf32>
    %select_n3A_2264 = arith.select %ne3A_2257, %concatenate3A_2260, %concatenate3A_2263 : vector<256x128xi1>, vector<256x128xf32>
    %slice3A_2265 = vector.extract_strided_slice %select_n3A_2251 {offsets = [0, 124], sizes = [256, 4], strides = [1, 1]} : vector<256x128xi32> to vector<256x4xi32>
    %slice3A_2266 = vector.extract_strided_slice %select_n3A_2251 {offsets = [0, 0], sizes = [256, 124], strides = [1, 1]} : vector<256x128xi32> to vector<256x124xi32>
    %concatenate3A_2267 = tpu.concatenate %slice3A_2265, %slice3A_2266 in 1 : vector<256x4xi32>, vector<256x124xi32> -> vector<256x128xi32>
    %slice3A_2268 = vector.extract_strided_slice %select_n3A_2251 {offsets = [0, 4], sizes = [256, 124], strides = [1, 1]} : vector<256x128xi32> to vector<256x124xi32>
    %slice3A_2269 = vector.extract_strided_slice %select_n3A_2251 {offsets = [0, 0], sizes = [256, 4], strides = [1, 1]} : vector<256x128xi32> to vector<256x4xi32>
    %concatenate3A_2270 = tpu.concatenate %slice3A_2268, %slice3A_2269 in 1 : vector<256x124xi32>, vector<256x4xi32> -> vector<256x128xi32>
    %select_n3A_2271 = arith.select %ne3A_2257, %concatenate3A_2267, %concatenate3A_2270 : vector<256x128xi1>, vector<256x128xi32>
    %gt3A_2272 = arith.cmpf ogt, %select_n3A_2264, %select_n3A_2250 : vector<256x128xf32>
    %eq3A_2273 = arith.cmpf oeq, %select_n3A_2264, %select_n3A_2250 : vector<256x128xf32>
    %gt3A_2274 = arith.cmpi sgt, %select_n3A_2271, %select_n3A_2251 : vector<256x128xi32>
    %and3A_2275 = arith.andi %eq3A_2273, %gt3A_2274 : vector<256x128xi1>
    %or3A_2276 = arith.ori %gt3A_2272, %and3A_2275 : vector<256x128xi1>
    %eq3A_2277 = arith.cmpf oeq, %select_n3A_2264, %select_n3A_2250 : vector<256x128xf32>
    %eq3A_2278 = arith.cmpi eq, %select_n3A_2271, %select_n3A_2251 : vector<256x128xi32>
    %and3A_2279 = arith.andi %eq3A_2277, %eq3A_2278 : vector<256x128xi1>
    %or3A_2280 = arith.ori %or3A_2276, %and3A_2279 : vector<256x128xi1>
    %not3A_2281 = arith.constant dense<true> : vector<256x128xi1>
    %not3A_2282 = arith.xori %or3A_2280, %not3A_2281 : vector<256x128xi1>
    %and3A_2283 = arith.constant 32 : i32
    %and3A_2284 = vector.broadcast %and3A_2283 : i32 to vector<256x128xi32>
    %and3A_2285 = arith.andi %iota3A_1664, %and3A_2284 : vector<256x128xi32>
    %eq3A_2286 = arith.constant 0 : i32
    %eq3A_2287 = vector.broadcast %eq3A_2286 : i32 to vector<256x128xi32>
    %eq3A_2288 = arith.cmpi eq, %and3A_2285, %eq3A_2287 : vector<256x128xi32>
    %not3A_2289 = arith.constant dense<true> : vector<256x128xi1>
    %not3A_2290 = arith.xori %ne3A_2257, %not3A_2289 : vector<256x128xi1>
    %eq3A_2291 = arith.xori %not3A_2290, %eq3A_2288 : vector<256x128xi1>
    %eq3A_2292 = arith.constant dense<true> : vector<256x128xi1>
    %eq3A_2293 = arith.xori %eq3A_2291, %eq3A_2292 : vector<256x128xi1>
    %and3A_2294 = arith.andi %eq3A_2293, %not3A_2282 : vector<256x128xi1>
    %not3A_2295 = arith.constant dense<true> : vector<256x128xi1>
    %not3A_2296 = arith.xori %eq3A_2293, %not3A_2295 : vector<256x128xi1>
    %and3A_2297 = arith.andi %not3A_2296, %or3A_2276 : vector<256x128xi1>
    %or3A_2298 = arith.ori %and3A_2294, %and3A_2297 : vector<256x128xi1>
    %select_n3A_2299 = arith.select %or3A_2298, %select_n3A_2264, %select_n3A_2250 : vector<256x128xi1>, vector<256x128xf32>
    %select_n3A_2300 = arith.select %or3A_2298, %select_n3A_2271, %select_n3A_2251 : vector<256x128xi1>, vector<256x128xi32>
    %and3A_2301 = arith.constant 2 : i32
    %and3A_2302 = vector.broadcast %and3A_2301 : i32 to vector<256x128xi32>
    %and3A_2303 = arith.andi %iota3A_1664, %and3A_2302 : vector<256x128xi32>
    %ne3A_2304 = arith.constant 0 : i32
    %ne3A_2305 = vector.broadcast %ne3A_2304 : i32 to vector<256x128xi32>
    %ne3A_2306 = arith.cmpi ne, %and3A_2303, %ne3A_2305 : vector<256x128xi32>
    %slice3A_2307 = vector.extract_strided_slice %select_n3A_2299 {offsets = [0, 126], sizes = [256, 2], strides = [1, 1]} : vector<256x128xf32> to vector<256x2xf32>
    %slice3A_2308 = vector.extract_strided_slice %select_n3A_2299 {offsets = [0, 0], sizes = [256, 126], strides = [1, 1]} : vector<256x128xf32> to vector<256x126xf32>
    %concatenate3A_2309 = tpu.concatenate %slice3A_2307, %slice3A_2308 in 1 : vector<256x2xf32>, vector<256x126xf32> -> vector<256x128xf32>
    %slice3A_2310 = vector.extract_strided_slice %select_n3A_2299 {offsets = [0, 2], sizes = [256, 126], strides = [1, 1]} : vector<256x128xf32> to vector<256x126xf32>
    %slice3A_2311 = vector.extract_strided_slice %select_n3A_2299 {offsets = [0, 0], sizes = [256, 2], strides = [1, 1]} : vector<256x128xf32> to vector<256x2xf32>
    %concatenate3A_2312 = tpu.concatenate %slice3A_2310, %slice3A_2311 in 1 : vector<256x126xf32>, vector<256x2xf32> -> vector<256x128xf32>
    %select_n3A_2313 = arith.select %ne3A_2306, %concatenate3A_2309, %concatenate3A_2312 : vector<256x128xi1>, vector<256x128xf32>
    %slice3A_2314 = vector.extract_strided_slice %select_n3A_2300 {offsets = [0, 126], sizes = [256, 2], strides = [1, 1]} : vector<256x128xi32> to vector<256x2xi32>
    %slice3A_2315 = vector.extract_strided_slice %select_n3A_2300 {offsets = [0, 0], sizes = [256, 126], strides = [1, 1]} : vector<256x128xi32> to vector<256x126xi32>
    %concatenate3A_2316 = tpu.concatenate %slice3A_2314, %slice3A_2315 in 1 : vector<256x2xi32>, vector<256x126xi32> -> vector<256x128xi32>
    %slice3A_2317 = vector.extract_strided_slice %select_n3A_2300 {offsets = [0, 2], sizes = [256, 126], strides = [1, 1]} : vector<256x128xi32> to vector<256x126xi32>
    %slice3A_2318 = vector.extract_strided_slice %select_n3A_2300 {offsets = [0, 0], sizes = [256, 2], strides = [1, 1]} : vector<256x128xi32> to vector<256x2xi32>
    %concatenate3A_2319 = tpu.concatenate %slice3A_2317, %slice3A_2318 in 1 : vector<256x126xi32>, vector<256x2xi32> -> vector<256x128xi32>
    %select_n3A_2320 = arith.select %ne3A_2306, %concatenate3A_2316, %concatenate3A_2319 : vector<256x128xi1>, vector<256x128xi32>
    %gt3A_2321 = arith.cmpf ogt, %select_n3A_2313, %select_n3A_2299 : vector<256x128xf32>
    %eq3A_2322 = arith.cmpf oeq, %select_n3A_2313, %select_n3A_2299 : vector<256x128xf32>
    %gt3A_2323 = arith.cmpi sgt, %select_n3A_2320, %select_n3A_2300 : vector<256x128xi32>
    %and3A_2324 = arith.andi %eq3A_2322, %gt3A_2323 : vector<256x128xi1>
    %or3A_2325 = arith.ori %gt3A_2321, %and3A_2324 : vector<256x128xi1>
    %eq3A_2326 = arith.cmpf oeq, %select_n3A_2313, %select_n3A_2299 : vector<256x128xf32>
    %eq3A_2327 = arith.cmpi eq, %select_n3A_2320, %select_n3A_2300 : vector<256x128xi32>
    %and3A_2328 = arith.andi %eq3A_2326, %eq3A_2327 : vector<256x128xi1>
    %or3A_2329 = arith.ori %or3A_2325, %and3A_2328 : vector<256x128xi1>
    %not3A_2330 = arith.constant dense<true> : vector<256x128xi1>
    %not3A_2331 = arith.xori %or3A_2329, %not3A_2330 : vector<256x128xi1>
    %and3A_2332 = arith.constant 32 : i32
    %and3A_2333 = vector.broadcast %and3A_2332 : i32 to vector<256x128xi32>
    %and3A_2334 = arith.andi %iota3A_1664, %and3A_2333 : vector<256x128xi32>
    %eq3A_2335 = arith.constant 0 : i32
    %eq3A_2336 = vector.broadcast %eq3A_2335 : i32 to vector<256x128xi32>
    %eq3A_2337 = arith.cmpi eq, %and3A_2334, %eq3A_2336 : vector<256x128xi32>
    %not3A_2338 = arith.constant dense<true> : vector<256x128xi1>
    %not3A_2339 = arith.xori %ne3A_2306, %not3A_2338 : vector<256x128xi1>
    %eq3A_2340 = arith.xori %not3A_2339, %eq3A_2337 : vector<256x128xi1>
    %eq3A_2341 = arith.constant dense<true> : vector<256x128xi1>
    %eq3A_2342 = arith.xori %eq3A_2340, %eq3A_2341 : vector<256x128xi1>
    %and3A_2343 = arith.andi %eq3A_2342, %not3A_2331 : vector<256x128xi1>
    %not3A_2344 = arith.constant dense<true> : vector<256x128xi1>
    %not3A_2345 = arith.xori %eq3A_2342, %not3A_2344 : vector<256x128xi1>
    %and3A_2346 = arith.andi %not3A_2345, %or3A_2325 : vector<256x128xi1>
    %or3A_2347 = arith.ori %and3A_2343, %and3A_2346 : vector<256x128xi1>
    %select_n3A_2348 = arith.select %or3A_2347, %select_n3A_2313, %select_n3A_2299 : vector<256x128xi1>, vector<256x128xf32>
    %select_n3A_2349 = arith.select %or3A_2347, %select_n3A_2320, %select_n3A_2300 : vector<256x128xi1>, vector<256x128xi32>
    %and3A_2350 = arith.constant 1 : i32
    %and3A_2351 = vector.broadcast %and3A_2350 : i32 to vector<256x128xi32>
    %and3A_2352 = arith.andi %iota3A_1664, %and3A_2351 : vector<256x128xi32>
    %ne3A_2353 = arith.constant 0 : i32
    %ne3A_2354 = vector.broadcast %ne3A_2353 : i32 to vector<256x128xi32>
    %ne3A_2355 = arith.cmpi ne, %and3A_2352, %ne3A_2354 : vector<256x128xi32>
    %slice3A_2356 = vector.extract_strided_slice %select_n3A_2348 {offsets = [0, 127], sizes = [256, 1], strides = [1, 1]} : vector<256x128xf32> to vector<256x1xf32>
    %slice3A_2357 = vector.extract_strided_slice %select_n3A_2348 {offsets = [0, 0], sizes = [256, 127], strides = [1, 1]} : vector<256x128xf32> to vector<256x127xf32>
    %concatenate3A_2358 = tpu.concatenate %slice3A_2356, %slice3A_2357 in 1 : vector<256x1xf32>, vector<256x127xf32> -> vector<256x128xf32>
    %slice3A_2359 = vector.extract_strided_slice %select_n3A_2348 {offsets = [0, 1], sizes = [256, 127], strides = [1, 1]} : vector<256x128xf32> to vector<256x127xf32>
    %slice3A_2360 = vector.extract_strided_slice %select_n3A_2348 {offsets = [0, 0], sizes = [256, 1], strides = [1, 1]} : vector<256x128xf32> to vector<256x1xf32>
    %concatenate3A_2361 = tpu.concatenate %slice3A_2359, %slice3A_2360 in 1 : vector<256x127xf32>, vector<256x1xf32> -> vector<256x128xf32>
    %select_n3A_2362 = arith.select %ne3A_2355, %concatenate3A_2358, %concatenate3A_2361 : vector<256x128xi1>, vector<256x128xf32>
    %slice3A_2363 = vector.extract_strided_slice %select_n3A_2349 {offsets = [0, 127], sizes = [256, 1], strides = [1, 1]} : vector<256x128xi32> to vector<256x1xi32>
    %slice3A_2364 = vector.extract_strided_slice %select_n3A_2349 {offsets = [0, 0], sizes = [256, 127], strides = [1, 1]} : vector<256x128xi32> to vector<256x127xi32>
    %concatenate3A_2365 = tpu.concatenate %slice3A_2363, %slice3A_2364 in 1 : vector<256x1xi32>, vector<256x127xi32> -> vector<256x128xi32>
    %slice3A_2366 = vector.extract_strided_slice %select_n3A_2349 {offsets = [0, 1], sizes = [256, 127], strides = [1, 1]} : vector<256x128xi32> to vector<256x127xi32>
    %slice3A_2367 = vector.extract_strided_slice %select_n3A_2349 {offsets = [0, 0], sizes = [256, 1], strides = [1, 1]} : vector<256x128xi32> to vector<256x1xi32>
    %concatenate3A_2368 = tpu.concatenate %slice3A_2366, %slice3A_2367 in 1 : vector<256x127xi32>, vector<256x1xi32> -> vector<256x128xi32>
    %select_n3A_2369 = arith.select %ne3A_2355, %concatenate3A_2365, %concatenate3A_2368 : vector<256x128xi1>, vector<256x128xi32>
    %gt3A_2370 = arith.cmpf ogt, %select_n3A_2362, %select_n3A_2348 : vector<256x128xf32>
    %eq3A_2371 = arith.cmpf oeq, %select_n3A_2362, %select_n3A_2348 : vector<256x128xf32>
    %gt3A_2372 = arith.cmpi sgt, %select_n3A_2369, %select_n3A_2349 : vector<256x128xi32>
    %and3A_2373 = arith.andi %eq3A_2371, %gt3A_2372 : vector<256x128xi1>
    %or3A_2374 = arith.ori %gt3A_2370, %and3A_2373 : vector<256x128xi1>
    %eq3A_2375 = arith.cmpf oeq, %select_n3A_2362, %select_n3A_2348 : vector<256x128xf32>
    %eq3A_2376 = arith.cmpi eq, %select_n3A_2369, %select_n3A_2349 : vector<256x128xi32>
    %and3A_2377 = arith.andi %eq3A_2375, %eq3A_2376 : vector<256x128xi1>
    %or3A_2378 = arith.ori %or3A_2374, %and3A_2377 : vector<256x128xi1>
    %not3A_2379 = arith.constant dense<true> : vector<256x128xi1>
    %not3A_2380 = arith.xori %or3A_2378, %not3A_2379 : vector<256x128xi1>
    %and3A_2381 = arith.constant 32 : i32
    %and3A_2382 = vector.broadcast %and3A_2381 : i32 to vector<256x128xi32>
    %and3A_2383 = arith.andi %iota3A_1664, %and3A_2382 : vector<256x128xi32>
    %eq3A_2384 = arith.constant 0 : i32
    %eq3A_2385 = vector.broadcast %eq3A_2384 : i32 to vector<256x128xi32>
    %eq3A_2386 = arith.cmpi eq, %and3A_2383, %eq3A_2385 : vector<256x128xi32>
    %not3A_2387 = arith.constant dense<true> : vector<256x128xi1>
    %not3A_2388 = arith.xori %ne3A_2355, %not3A_2387 : vector<256x128xi1>
    %eq3A_2389 = arith.xori %not3A_2388, %eq3A_2386 : vector<256x128xi1>
    %eq3A_2390 = arith.constant dense<true> : vector<256x128xi1>
    %eq3A_2391 = arith.xori %eq3A_2389, %eq3A_2390 : vector<256x128xi1>
    %and3A_2392 = arith.andi %eq3A_2391, %not3A_2380 : vector<256x128xi1>
    %not3A_2393 = arith.constant dense<true> : vector<256x128xi1>
    %not3A_2394 = arith.xori %eq3A_2391, %not3A_2393 : vector<256x128xi1>
    %and3A_2395 = arith.andi %not3A_2394, %or3A_2374 : vector<256x128xi1>
    %or3A_2396 = arith.ori %and3A_2392, %and3A_2395 : vector<256x128xi1>
    %select_n3A_2397 = arith.select %or3A_2396, %select_n3A_2362, %select_n3A_2348 : vector<256x128xi1>, vector<256x128xf32>
    %select_n3A_2398 = arith.select %or3A_2396, %select_n3A_2369, %select_n3A_2349 : vector<256x128xi1>, vector<256x128xi32>
    %and3A_2399 = arith.constant 32 : i32
    %and3A_2400 = vector.broadcast %and3A_2399 : i32 to vector<256x128xi32>
    %and3A_2401 = arith.andi %iota3A_1664, %and3A_2400 : vector<256x128xi32>
    %ne3A_2402 = arith.constant 0 : i32
    %ne3A_2403 = vector.broadcast %ne3A_2402 : i32 to vector<256x128xi32>
    %ne3A_2404 = arith.cmpi ne, %and3A_2401, %ne3A_2403 : vector<256x128xi32>
    %slice3A_2405 = vector.extract_strided_slice %select_n3A_2397 {offsets = [0, 96], sizes = [256, 32], strides = [1, 1]} : vector<256x128xf32> to vector<256x32xf32>
    %slice3A_2406 = vector.extract_strided_slice %select_n3A_2397 {offsets = [0, 0], sizes = [256, 96], strides = [1, 1]} : vector<256x128xf32> to vector<256x96xf32>
    %concatenate3A_2407 = tpu.concatenate %slice3A_2405, %slice3A_2406 in 1 : vector<256x32xf32>, vector<256x96xf32> -> vector<256x128xf32>
    %slice3A_2408 = vector.extract_strided_slice %select_n3A_2397 {offsets = [0, 32], sizes = [256, 96], strides = [1, 1]} : vector<256x128xf32> to vector<256x96xf32>
    %slice3A_2409 = vector.extract_strided_slice %select_n3A_2397 {offsets = [0, 0], sizes = [256, 32], strides = [1, 1]} : vector<256x128xf32> to vector<256x32xf32>
    %concatenate3A_2410 = tpu.concatenate %slice3A_2408, %slice3A_2409 in 1 : vector<256x96xf32>, vector<256x32xf32> -> vector<256x128xf32>
    %select_n3A_2411 = arith.select %ne3A_2404, %concatenate3A_2407, %concatenate3A_2410 : vector<256x128xi1>, vector<256x128xf32>
    %slice3A_2412 = vector.extract_strided_slice %select_n3A_2398 {offsets = [0, 96], sizes = [256, 32], strides = [1, 1]} : vector<256x128xi32> to vector<256x32xi32>
    %slice3A_2413 = vector.extract_strided_slice %select_n3A_2398 {offsets = [0, 0], sizes = [256, 96], strides = [1, 1]} : vector<256x128xi32> to vector<256x96xi32>
    %concatenate3A_2414 = tpu.concatenate %slice3A_2412, %slice3A_2413 in 1 : vector<256x32xi32>, vector<256x96xi32> -> vector<256x128xi32>
    %slice3A_2415 = vector.extract_strided_slice %select_n3A_2398 {offsets = [0, 32], sizes = [256, 96], strides = [1, 1]} : vector<256x128xi32> to vector<256x96xi32>
    %slice3A_2416 = vector.extract_strided_slice %select_n3A_2398 {offsets = [0, 0], sizes = [256, 32], strides = [1, 1]} : vector<256x128xi32> to vector<256x32xi32>
    %concatenate3A_2417 = tpu.concatenate %slice3A_2415, %slice3A_2416 in 1 : vector<256x96xi32>, vector<256x32xi32> -> vector<256x128xi32>
    %select_n3A_2418 = arith.select %ne3A_2404, %concatenate3A_2414, %concatenate3A_2417 : vector<256x128xi1>, vector<256x128xi32>
    %gt3A_2419 = arith.cmpf ogt, %select_n3A_2411, %select_n3A_2397 : vector<256x128xf32>
    %eq3A_2420 = arith.cmpf oeq, %select_n3A_2411, %select_n3A_2397 : vector<256x128xf32>
    %gt3A_2421 = arith.cmpi sgt, %select_n3A_2418, %select_n3A_2398 : vector<256x128xi32>
    %and3A_2422 = arith.andi %eq3A_2420, %gt3A_2421 : vector<256x128xi1>
    %or3A_2423 = arith.ori %gt3A_2419, %and3A_2422 : vector<256x128xi1>
    %eq3A_2424 = arith.cmpf oeq, %select_n3A_2411, %select_n3A_2397 : vector<256x128xf32>
    %eq3A_2425 = arith.cmpi eq, %select_n3A_2418, %select_n3A_2398 : vector<256x128xi32>
    %and3A_2426 = arith.andi %eq3A_2424, %eq3A_2425 : vector<256x128xi1>
    %or3A_2427 = arith.ori %or3A_2423, %and3A_2426 : vector<256x128xi1>
    %not3A_2428 = arith.constant dense<true> : vector<256x128xi1>
    %not3A_2429 = arith.xori %or3A_2427, %not3A_2428 : vector<256x128xi1>
    %and3A_2430 = arith.constant 64 : i32
    %and3A_2431 = vector.broadcast %and3A_2430 : i32 to vector<256x128xi32>
    %and3A_2432 = arith.andi %iota3A_1664, %and3A_2431 : vector<256x128xi32>
    %eq3A_2433 = arith.constant 0 : i32
    %eq3A_2434 = vector.broadcast %eq3A_2433 : i32 to vector<256x128xi32>
    %eq3A_2435 = arith.cmpi eq, %and3A_2432, %eq3A_2434 : vector<256x128xi32>
    %not3A_2436 = arith.constant dense<true> : vector<256x128xi1>
    %not3A_2437 = arith.xori %ne3A_2404, %not3A_2436 : vector<256x128xi1>
    %eq3A_2438 = arith.xori %not3A_2437, %eq3A_2435 : vector<256x128xi1>
    %eq3A_2439 = arith.constant dense<true> : vector<256x128xi1>
    %eq3A_2440 = arith.xori %eq3A_2438, %eq3A_2439 : vector<256x128xi1>
    %and3A_2441 = arith.andi %eq3A_2440, %not3A_2429 : vector<256x128xi1>
    %not3A_2442 = arith.constant dense<true> : vector<256x128xi1>
    %not3A_2443 = arith.xori %eq3A_2440, %not3A_2442 : vector<256x128xi1>
    %and3A_2444 = arith.andi %not3A_2443, %or3A_2423 : vector<256x128xi1>
    %or3A_2445 = arith.ori %and3A_2441, %and3A_2444 : vector<256x128xi1>
    %select_n3A_2446 = arith.select %or3A_2445, %select_n3A_2411, %select_n3A_2397 : vector<256x128xi1>, vector<256x128xf32>
    %select_n3A_2447 = arith.select %or3A_2445, %select_n3A_2418, %select_n3A_2398 : vector<256x128xi1>, vector<256x128xi32>
    %and3A_2448 = arith.constant 16 : i32
    %and3A_2449 = vector.broadcast %and3A_2448 : i32 to vector<256x128xi32>
    %and3A_2450 = arith.andi %iota3A_1664, %and3A_2449 : vector<256x128xi32>
    %ne3A_2451 = arith.constant 0 : i32
    %ne3A_2452 = vector.broadcast %ne3A_2451 : i32 to vector<256x128xi32>
    %ne3A_2453 = arith.cmpi ne, %and3A_2450, %ne3A_2452 : vector<256x128xi32>
    %slice3A_2454 = vector.extract_strided_slice %select_n3A_2446 {offsets = [0, 112], sizes = [256, 16], strides = [1, 1]} : vector<256x128xf32> to vector<256x16xf32>
    %slice3A_2455 = vector.extract_strided_slice %select_n3A_2446 {offsets = [0, 0], sizes = [256, 112], strides = [1, 1]} : vector<256x128xf32> to vector<256x112xf32>
    %concatenate3A_2456 = tpu.concatenate %slice3A_2454, %slice3A_2455 in 1 : vector<256x16xf32>, vector<256x112xf32> -> vector<256x128xf32>
    %slice3A_2457 = vector.extract_strided_slice %select_n3A_2446 {offsets = [0, 16], sizes = [256, 112], strides = [1, 1]} : vector<256x128xf32> to vector<256x112xf32>
    %slice3A_2458 = vector.extract_strided_slice %select_n3A_2446 {offsets = [0, 0], sizes = [256, 16], strides = [1, 1]} : vector<256x128xf32> to vector<256x16xf32>
    %concatenate3A_2459 = tpu.concatenate %slice3A_2457, %slice3A_2458 in 1 : vector<256x112xf32>, vector<256x16xf32> -> vector<256x128xf32>
    %select_n3A_2460 = arith.select %ne3A_2453, %concatenate3A_2456, %concatenate3A_2459 : vector<256x128xi1>, vector<256x128xf32>
    %slice3A_2461 = vector.extract_strided_slice %select_n3A_2447 {offsets = [0, 112], sizes = [256, 16], strides = [1, 1]} : vector<256x128xi32> to vector<256x16xi32>
    %slice3A_2462 = vector.extract_strided_slice %select_n3A_2447 {offsets = [0, 0], sizes = [256, 112], strides = [1, 1]} : vector<256x128xi32> to vector<256x112xi32>
    %concatenate3A_2463 = tpu.concatenate %slice3A_2461, %slice3A_2462 in 1 : vector<256x16xi32>, vector<256x112xi32> -> vector<256x128xi32>
    %slice3A_2464 = vector.extract_strided_slice %select_n3A_2447 {offsets = [0, 16], sizes = [256, 112], strides = [1, 1]} : vector<256x128xi32> to vector<256x112xi32>
    %slice3A_2465 = vector.extract_strided_slice %select_n3A_2447 {offsets = [0, 0], sizes = [256, 16], strides = [1, 1]} : vector<256x128xi32> to vector<256x16xi32>
    %concatenate3A_2466 = tpu.concatenate %slice3A_2464, %slice3A_2465 in 1 : vector<256x112xi32>, vector<256x16xi32> -> vector<256x128xi32>
    %select_n3A_2467 = arith.select %ne3A_2453, %concatenate3A_2463, %concatenate3A_2466 : vector<256x128xi1>, vector<256x128xi32>
    %gt3A_2468 = arith.cmpf ogt, %select_n3A_2460, %select_n3A_2446 : vector<256x128xf32>
    %eq3A_2469 = arith.cmpf oeq, %select_n3A_2460, %select_n3A_2446 : vector<256x128xf32>
    %gt3A_2470 = arith.cmpi sgt, %select_n3A_2467, %select_n3A_2447 : vector<256x128xi32>
    %and3A_2471 = arith.andi %eq3A_2469, %gt3A_2470 : vector<256x128xi1>
    %or3A_2472 = arith.ori %gt3A_2468, %and3A_2471 : vector<256x128xi1>
    %eq3A_2473 = arith.cmpf oeq, %select_n3A_2460, %select_n3A_2446 : vector<256x128xf32>
    %eq3A_2474 = arith.cmpi eq, %select_n3A_2467, %select_n3A_2447 : vector<256x128xi32>
    %and3A_2475 = arith.andi %eq3A_2473, %eq3A_2474 : vector<256x128xi1>
    %or3A_2476 = arith.ori %or3A_2472, %and3A_2475 : vector<256x128xi1>
    %not3A_2477 = arith.constant dense<true> : vector<256x128xi1>
    %not3A_2478 = arith.xori %or3A_2476, %not3A_2477 : vector<256x128xi1>
    %and3A_2479 = arith.constant 64 : i32
    %and3A_2480 = vector.broadcast %and3A_2479 : i32 to vector<256x128xi32>
    %and3A_2481 = arith.andi %iota3A_1664, %and3A_2480 : vector<256x128xi32>
    %eq3A_2482 = arith.constant 0 : i32
    %eq3A_2483 = vector.broadcast %eq3A_2482 : i32 to vector<256x128xi32>
    %eq3A_2484 = arith.cmpi eq, %and3A_2481, %eq3A_2483 : vector<256x128xi32>
    %not3A_2485 = arith.constant dense<true> : vector<256x128xi1>
    %not3A_2486 = arith.xori %ne3A_2453, %not3A_2485 : vector<256x128xi1>
    %eq3A_2487 = arith.xori %not3A_2486, %eq3A_2484 : vector<256x128xi1>
    %eq3A_2488 = arith.constant dense<true> : vector<256x128xi1>
    %eq3A_2489 = arith.xori %eq3A_2487, %eq3A_2488 : vector<256x128xi1>
    %and3A_2490 = arith.andi %eq3A_2489, %not3A_2478 : vector<256x128xi1>
    %not3A_2491 = arith.constant dense<true> : vector<256x128xi1>
    %not3A_2492 = arith.xori %eq3A_2489, %not3A_2491 : vector<256x128xi1>
    %and3A_2493 = arith.andi %not3A_2492, %or3A_2472 : vector<256x128xi1>
    %or3A_2494 = arith.ori %and3A_2490, %and3A_2493 : vector<256x128xi1>
    %select_n3A_2495 = arith.select %or3A_2494, %select_n3A_2460, %select_n3A_2446 : vector<256x128xi1>, vector<256x128xf32>
    %select_n3A_2496 = arith.select %or3A_2494, %select_n3A_2467, %select_n3A_2447 : vector<256x128xi1>, vector<256x128xi32>
    %and3A_2497 = arith.constant 8 : i32
    %and3A_2498 = vector.broadcast %and3A_2497 : i32 to vector<256x128xi32>
    %and3A_2499 = arith.andi %iota3A_1664, %and3A_2498 : vector<256x128xi32>
    %ne3A_2500 = arith.constant 0 : i32
    %ne3A_2501 = vector.broadcast %ne3A_2500 : i32 to vector<256x128xi32>
    %ne3A_2502 = arith.cmpi ne, %and3A_2499, %ne3A_2501 : vector<256x128xi32>
    %slice3A_2503 = vector.extract_strided_slice %select_n3A_2495 {offsets = [0, 120], sizes = [256, 8], strides = [1, 1]} : vector<256x128xf32> to vector<256x8xf32>
    %slice3A_2504 = vector.extract_strided_slice %select_n3A_2495 {offsets = [0, 0], sizes = [256, 120], strides = [1, 1]} : vector<256x128xf32> to vector<256x120xf32>
    %concatenate3A_2505 = tpu.concatenate %slice3A_2503, %slice3A_2504 in 1 : vector<256x8xf32>, vector<256x120xf32> -> vector<256x128xf32>
    %slice3A_2506 = vector.extract_strided_slice %select_n3A_2495 {offsets = [0, 8], sizes = [256, 120], strides = [1, 1]} : vector<256x128xf32> to vector<256x120xf32>
    %slice3A_2507 = vector.extract_strided_slice %select_n3A_2495 {offsets = [0, 0], sizes = [256, 8], strides = [1, 1]} : vector<256x128xf32> to vector<256x8xf32>
    %concatenate3A_2508 = tpu.concatenate %slice3A_2506, %slice3A_2507 in 1 : vector<256x120xf32>, vector<256x8xf32> -> vector<256x128xf32>
    %select_n3A_2509 = arith.select %ne3A_2502, %concatenate3A_2505, %concatenate3A_2508 : vector<256x128xi1>, vector<256x128xf32>
    %slice3A_2510 = vector.extract_strided_slice %select_n3A_2496 {offsets = [0, 120], sizes = [256, 8], strides = [1, 1]} : vector<256x128xi32> to vector<256x8xi32>
    %slice3A_2511 = vector.extract_strided_slice %select_n3A_2496 {offsets = [0, 0], sizes = [256, 120], strides = [1, 1]} : vector<256x128xi32> to vector<256x120xi32>
    %concatenate3A_2512 = tpu.concatenate %slice3A_2510, %slice3A_2511 in 1 : vector<256x8xi32>, vector<256x120xi32> -> vector<256x128xi32>
    %slice3A_2513 = vector.extract_strided_slice %select_n3A_2496 {offsets = [0, 8], sizes = [256, 120], strides = [1, 1]} : vector<256x128xi32> to vector<256x120xi32>
    %slice3A_2514 = vector.extract_strided_slice %select_n3A_2496 {offsets = [0, 0], sizes = [256, 8], strides = [1, 1]} : vector<256x128xi32> to vector<256x8xi32>
    %concatenate3A_2515 = tpu.concatenate %slice3A_2513, %slice3A_2514 in 1 : vector<256x120xi32>, vector<256x8xi32> -> vector<256x128xi32>
    %select_n3A_2516 = arith.select %ne3A_2502, %concatenate3A_2512, %concatenate3A_2515 : vector<256x128xi1>, vector<256x128xi32>
    %gt3A_2517 = arith.cmpf ogt, %select_n3A_2509, %select_n3A_2495 : vector<256x128xf32>
    %eq3A_2518 = arith.cmpf oeq, %select_n3A_2509, %select_n3A_2495 : vector<256x128xf32>
    %gt3A_2519 = arith.cmpi sgt, %select_n3A_2516, %select_n3A_2496 : vector<256x128xi32>
    %and3A_2520 = arith.andi %eq3A_2518, %gt3A_2519 : vector<256x128xi1>
    %or3A_2521 = arith.ori %gt3A_2517, %and3A_2520 : vector<256x128xi1>
    %eq3A_2522 = arith.cmpf oeq, %select_n3A_2509, %select_n3A_2495 : vector<256x128xf32>
    %eq3A_2523 = arith.cmpi eq, %select_n3A_2516, %select_n3A_2496 : vector<256x128xi32>
    %and3A_2524 = arith.andi %eq3A_2522, %eq3A_2523 : vector<256x128xi1>
    %or3A_2525 = arith.ori %or3A_2521, %and3A_2524 : vector<256x128xi1>
    %not3A_2526 = arith.constant dense<true> : vector<256x128xi1>
    %not3A_2527 = arith.xori %or3A_2525, %not3A_2526 : vector<256x128xi1>
    %and3A_2528 = arith.constant 64 : i32
    %and3A_2529 = vector.broadcast %and3A_2528 : i32 to vector<256x128xi32>
    %and3A_2530 = arith.andi %iota3A_1664, %and3A_2529 : vector<256x128xi32>
    %eq3A_2531 = arith.constant 0 : i32
    %eq3A_2532 = vector.broadcast %eq3A_2531 : i32 to vector<256x128xi32>
    %eq3A_2533 = arith.cmpi eq, %and3A_2530, %eq3A_2532 : vector<256x128xi32>
    %not3A_2534 = arith.constant dense<true> : vector<256x128xi1>
    %not3A_2535 = arith.xori %ne3A_2502, %not3A_2534 : vector<256x128xi1>
    %eq3A_2536 = arith.xori %not3A_2535, %eq3A_2533 : vector<256x128xi1>
    %eq3A_2537 = arith.constant dense<true> : vector<256x128xi1>
    %eq3A_2538 = arith.xori %eq3A_2536, %eq3A_2537 : vector<256x128xi1>
    %and3A_2539 = arith.andi %eq3A_2538, %not3A_2527 : vector<256x128xi1>
    %not3A_2540 = arith.constant dense<true> : vector<256x128xi1>
    %not3A_2541 = arith.xori %eq3A_2538, %not3A_2540 : vector<256x128xi1>
    %and3A_2542 = arith.andi %not3A_2541, %or3A_2521 : vector<256x128xi1>
    %or3A_2543 = arith.ori %and3A_2539, %and3A_2542 : vector<256x128xi1>
    %select_n3A_2544 = arith.select %or3A_2543, %select_n3A_2509, %select_n3A_2495 : vector<256x128xi1>, vector<256x128xf32>
    %select_n3A_2545 = arith.select %or3A_2543, %select_n3A_2516, %select_n3A_2496 : vector<256x128xi1>, vector<256x128xi32>
    %and3A_2546 = arith.constant 4 : i32
    %and3A_2547 = vector.broadcast %and3A_2546 : i32 to vector<256x128xi32>
    %and3A_2548 = arith.andi %iota3A_1664, %and3A_2547 : vector<256x128xi32>
    %ne3A_2549 = arith.constant 0 : i32
    %ne3A_2550 = vector.broadcast %ne3A_2549 : i32 to vector<256x128xi32>
    %ne3A_2551 = arith.cmpi ne, %and3A_2548, %ne3A_2550 : vector<256x128xi32>
    %slice3A_2552 = vector.extract_strided_slice %select_n3A_2544 {offsets = [0, 124], sizes = [256, 4], strides = [1, 1]} : vector<256x128xf32> to vector<256x4xf32>
    %slice3A_2553 = vector.extract_strided_slice %select_n3A_2544 {offsets = [0, 0], sizes = [256, 124], strides = [1, 1]} : vector<256x128xf32> to vector<256x124xf32>
    %concatenate3A_2554 = tpu.concatenate %slice3A_2552, %slice3A_2553 in 1 : vector<256x4xf32>, vector<256x124xf32> -> vector<256x128xf32>
    %slice3A_2555 = vector.extract_strided_slice %select_n3A_2544 {offsets = [0, 4], sizes = [256, 124], strides = [1, 1]} : vector<256x128xf32> to vector<256x124xf32>
    %slice3A_2556 = vector.extract_strided_slice %select_n3A_2544 {offsets = [0, 0], sizes = [256, 4], strides = [1, 1]} : vector<256x128xf32> to vector<256x4xf32>
    %concatenate3A_2557 = tpu.concatenate %slice3A_2555, %slice3A_2556 in 1 : vector<256x124xf32>, vector<256x4xf32> -> vector<256x128xf32>
    %select_n3A_2558 = arith.select %ne3A_2551, %concatenate3A_2554, %concatenate3A_2557 : vector<256x128xi1>, vector<256x128xf32>
    %slice3A_2559 = vector.extract_strided_slice %select_n3A_2545 {offsets = [0, 124], sizes = [256, 4], strides = [1, 1]} : vector<256x128xi32> to vector<256x4xi32>
    %slice3A_2560 = vector.extract_strided_slice %select_n3A_2545 {offsets = [0, 0], sizes = [256, 124], strides = [1, 1]} : vector<256x128xi32> to vector<256x124xi32>
    %concatenate3A_2561 = tpu.concatenate %slice3A_2559, %slice3A_2560 in 1 : vector<256x4xi32>, vector<256x124xi32> -> vector<256x128xi32>
    %slice3A_2562 = vector.extract_strided_slice %select_n3A_2545 {offsets = [0, 4], sizes = [256, 124], strides = [1, 1]} : vector<256x128xi32> to vector<256x124xi32>
    %slice3A_2563 = vector.extract_strided_slice %select_n3A_2545 {offsets = [0, 0], sizes = [256, 4], strides = [1, 1]} : vector<256x128xi32> to vector<256x4xi32>
    %concatenate3A_2564 = tpu.concatenate %slice3A_2562, %slice3A_2563 in 1 : vector<256x124xi32>, vector<256x4xi32> -> vector<256x128xi32>
    %select_n3A_2565 = arith.select %ne3A_2551, %concatenate3A_2561, %concatenate3A_2564 : vector<256x128xi1>, vector<256x128xi32>
    %gt3A_2566 = arith.cmpf ogt, %select_n3A_2558, %select_n3A_2544 : vector<256x128xf32>
    %eq3A_2567 = arith.cmpf oeq, %select_n3A_2558, %select_n3A_2544 : vector<256x128xf32>
    %gt3A_2568 = arith.cmpi sgt, %select_n3A_2565, %select_n3A_2545 : vector<256x128xi32>
    %and3A_2569 = arith.andi %eq3A_2567, %gt3A_2568 : vector<256x128xi1>
    %or3A_2570 = arith.ori %gt3A_2566, %and3A_2569 : vector<256x128xi1>
    %eq3A_2571 = arith.cmpf oeq, %select_n3A_2558, %select_n3A_2544 : vector<256x128xf32>
    %eq3A_2572 = arith.cmpi eq, %select_n3A_2565, %select_n3A_2545 : vector<256x128xi32>
    %and3A_2573 = arith.andi %eq3A_2571, %eq3A_2572 : vector<256x128xi1>
    %or3A_2574 = arith.ori %or3A_2570, %and3A_2573 : vector<256x128xi1>
    %not3A_2575 = arith.constant dense<true> : vector<256x128xi1>
    %not3A_2576 = arith.xori %or3A_2574, %not3A_2575 : vector<256x128xi1>
    %and3A_2577 = arith.constant 64 : i32
    %and3A_2578 = vector.broadcast %and3A_2577 : i32 to vector<256x128xi32>
    %and3A_2579 = arith.andi %iota3A_1664, %and3A_2578 : vector<256x128xi32>
    %eq3A_2580 = arith.constant 0 : i32
    %eq3A_2581 = vector.broadcast %eq3A_2580 : i32 to vector<256x128xi32>
    %eq3A_2582 = arith.cmpi eq, %and3A_2579, %eq3A_2581 : vector<256x128xi32>
    %not3A_2583 = arith.constant dense<true> : vector<256x128xi1>
    %not3A_2584 = arith.xori %ne3A_2551, %not3A_2583 : vector<256x128xi1>
    %eq3A_2585 = arith.xori %not3A_2584, %eq3A_2582 : vector<256x128xi1>
    %eq3A_2586 = arith.constant dense<true> : vector<256x128xi1>
    %eq3A_2587 = arith.xori %eq3A_2585, %eq3A_2586 : vector<256x128xi1>
    %and3A_2588 = arith.andi %eq3A_2587, %not3A_2576 : vector<256x128xi1>
    %not3A_2589 = arith.constant dense<true> : vector<256x128xi1>
    %not3A_2590 = arith.xori %eq3A_2587, %not3A_2589 : vector<256x128xi1>
    %and3A_2591 = arith.andi %not3A_2590, %or3A_2570 : vector<256x128xi1>
    %or3A_2592 = arith.ori %and3A_2588, %and3A_2591 : vector<256x128xi1>
    %select_n3A_2593 = arith.select %or3A_2592, %select_n3A_2558, %select_n3A_2544 : vector<256x128xi1>, vector<256x128xf32>
    %select_n3A_2594 = arith.select %or3A_2592, %select_n3A_2565, %select_n3A_2545 : vector<256x128xi1>, vector<256x128xi32>
    %and3A_2595 = arith.constant 2 : i32
    %and3A_2596 = vector.broadcast %and3A_2595 : i32 to vector<256x128xi32>
    %and3A_2597 = arith.andi %iota3A_1664, %and3A_2596 : vector<256x128xi32>
    %ne3A_2598 = arith.constant 0 : i32
    %ne3A_2599 = vector.broadcast %ne3A_2598 : i32 to vector<256x128xi32>
    %ne3A_2600 = arith.cmpi ne, %and3A_2597, %ne3A_2599 : vector<256x128xi32>
    %slice3A_2601 = vector.extract_strided_slice %select_n3A_2593 {offsets = [0, 126], sizes = [256, 2], strides = [1, 1]} : vector<256x128xf32> to vector<256x2xf32>
    %slice3A_2602 = vector.extract_strided_slice %select_n3A_2593 {offsets = [0, 0], sizes = [256, 126], strides = [1, 1]} : vector<256x128xf32> to vector<256x126xf32>
    %concatenate3A_2603 = tpu.concatenate %slice3A_2601, %slice3A_2602 in 1 : vector<256x2xf32>, vector<256x126xf32> -> vector<256x128xf32>
    %slice3A_2604 = vector.extract_strided_slice %select_n3A_2593 {offsets = [0, 2], sizes = [256, 126], strides = [1, 1]} : vector<256x128xf32> to vector<256x126xf32>
    %slice3A_2605 = vector.extract_strided_slice %select_n3A_2593 {offsets = [0, 0], sizes = [256, 2], strides = [1, 1]} : vector<256x128xf32> to vector<256x2xf32>
    %concatenate3A_2606 = tpu.concatenate %slice3A_2604, %slice3A_2605 in 1 : vector<256x126xf32>, vector<256x2xf32> -> vector<256x128xf32>
    %select_n3A_2607 = arith.select %ne3A_2600, %concatenate3A_2603, %concatenate3A_2606 : vector<256x128xi1>, vector<256x128xf32>
    %slice3A_2608 = vector.extract_strided_slice %select_n3A_2594 {offsets = [0, 126], sizes = [256, 2], strides = [1, 1]} : vector<256x128xi32> to vector<256x2xi32>
    %slice3A_2609 = vector.extract_strided_slice %select_n3A_2594 {offsets = [0, 0], sizes = [256, 126], strides = [1, 1]} : vector<256x128xi32> to vector<256x126xi32>
    %concatenate3A_2610 = tpu.concatenate %slice3A_2608, %slice3A_2609 in 1 : vector<256x2xi32>, vector<256x126xi32> -> vector<256x128xi32>
    %slice3A_2611 = vector.extract_strided_slice %select_n3A_2594 {offsets = [0, 2], sizes = [256, 126], strides = [1, 1]} : vector<256x128xi32> to vector<256x126xi32>
    %slice3A_2612 = vector.extract_strided_slice %select_n3A_2594 {offsets = [0, 0], sizes = [256, 2], strides = [1, 1]} : vector<256x128xi32> to vector<256x2xi32>
    %concatenate3A_2613 = tpu.concatenate %slice3A_2611, %slice3A_2612 in 1 : vector<256x126xi32>, vector<256x2xi32> -> vector<256x128xi32>
    %select_n3A_2614 = arith.select %ne3A_2600, %concatenate3A_2610, %concatenate3A_2613 : vector<256x128xi1>, vector<256x128xi32>
    %gt3A_2615 = arith.cmpf ogt, %select_n3A_2607, %select_n3A_2593 : vector<256x128xf32>
    %eq3A_2616 = arith.cmpf oeq, %select_n3A_2607, %select_n3A_2593 : vector<256x128xf32>
    %gt3A_2617 = arith.cmpi sgt, %select_n3A_2614, %select_n3A_2594 : vector<256x128xi32>
    %and3A_2618 = arith.andi %eq3A_2616, %gt3A_2617 : vector<256x128xi1>
    %or3A_2619 = arith.ori %gt3A_2615, %and3A_2618 : vector<256x128xi1>
    %eq3A_2620 = arith.cmpf oeq, %select_n3A_2607, %select_n3A_2593 : vector<256x128xf32>
    %eq3A_2621 = arith.cmpi eq, %select_n3A_2614, %select_n3A_2594 : vector<256x128xi32>
    %and3A_2622 = arith.andi %eq3A_2620, %eq3A_2621 : vector<256x128xi1>
    %or3A_2623 = arith.ori %or3A_2619, %and3A_2622 : vector<256x128xi1>
    %not3A_2624 = arith.constant dense<true> : vector<256x128xi1>
    %not3A_2625 = arith.xori %or3A_2623, %not3A_2624 : vector<256x128xi1>
    %and3A_2626 = arith.constant 64 : i32
    %and3A_2627 = vector.broadcast %and3A_2626 : i32 to vector<256x128xi32>
    %and3A_2628 = arith.andi %iota3A_1664, %and3A_2627 : vector<256x128xi32>
    %eq3A_2629 = arith.constant 0 : i32
    %eq3A_2630 = vector.broadcast %eq3A_2629 : i32 to vector<256x128xi32>
    %eq3A_2631 = arith.cmpi eq, %and3A_2628, %eq3A_2630 : vector<256x128xi32>
    %not3A_2632 = arith.constant dense<true> : vector<256x128xi1>
    %not3A_2633 = arith.xori %ne3A_2600, %not3A_2632 : vector<256x128xi1>
    %eq3A_2634 = arith.xori %not3A_2633, %eq3A_2631 : vector<256x128xi1>
    %eq3A_2635 = arith.constant dense<true> : vector<256x128xi1>
    %eq3A_2636 = arith.xori %eq3A_2634, %eq3A_2635 : vector<256x128xi1>
    %and3A_2637 = arith.andi %eq3A_2636, %not3A_2625 : vector<256x128xi1>
    %not3A_2638 = arith.constant dense<true> : vector<256x128xi1>
    %not3A_2639 = arith.xori %eq3A_2636, %not3A_2638 : vector<256x128xi1>
    %and3A_2640 = arith.andi %not3A_2639, %or3A_2619 : vector<256x128xi1>
    %or3A_2641 = arith.ori %and3A_2637, %and3A_2640 : vector<256x128xi1>
    %select_n3A_2642 = arith.select %or3A_2641, %select_n3A_2607, %select_n3A_2593 : vector<256x128xi1>, vector<256x128xf32>
    %select_n3A_2643 = arith.select %or3A_2641, %select_n3A_2614, %select_n3A_2594 : vector<256x128xi1>, vector<256x128xi32>
    %and3A_2644 = arith.constant 1 : i32
    %and3A_2645 = vector.broadcast %and3A_2644 : i32 to vector<256x128xi32>
    %and3A_2646 = arith.andi %iota3A_1664, %and3A_2645 : vector<256x128xi32>
    %ne3A_2647 = arith.constant 0 : i32
    %ne3A_2648 = vector.broadcast %ne3A_2647 : i32 to vector<256x128xi32>
    %ne3A_2649 = arith.cmpi ne, %and3A_2646, %ne3A_2648 : vector<256x128xi32>
    %slice3A_2650 = vector.extract_strided_slice %select_n3A_2642 {offsets = [0, 127], sizes = [256, 1], strides = [1, 1]} : vector<256x128xf32> to vector<256x1xf32>
    %slice3A_2651 = vector.extract_strided_slice %select_n3A_2642 {offsets = [0, 0], sizes = [256, 127], strides = [1, 1]} : vector<256x128xf32> to vector<256x127xf32>
    %concatenate3A_2652 = tpu.concatenate %slice3A_2650, %slice3A_2651 in 1 : vector<256x1xf32>, vector<256x127xf32> -> vector<256x128xf32>
    %slice3A_2653 = vector.extract_strided_slice %select_n3A_2642 {offsets = [0, 1], sizes = [256, 127], strides = [1, 1]} : vector<256x128xf32> to vector<256x127xf32>
    %slice3A_2654 = vector.extract_strided_slice %select_n3A_2642 {offsets = [0, 0], sizes = [256, 1], strides = [1, 1]} : vector<256x128xf32> to vector<256x1xf32>
    %concatenate3A_2655 = tpu.concatenate %slice3A_2653, %slice3A_2654 in 1 : vector<256x127xf32>, vector<256x1xf32> -> vector<256x128xf32>
    %select_n3A_2656 = arith.select %ne3A_2649, %concatenate3A_2652, %concatenate3A_2655 : vector<256x128xi1>, vector<256x128xf32>
    %slice3A_2657 = vector.extract_strided_slice %select_n3A_2643 {offsets = [0, 127], sizes = [256, 1], strides = [1, 1]} : vector<256x128xi32> to vector<256x1xi32>
    %slice3A_2658 = vector.extract_strided_slice %select_n3A_2643 {offsets = [0, 0], sizes = [256, 127], strides = [1, 1]} : vector<256x128xi32> to vector<256x127xi32>
    %concatenate3A_2659 = tpu.concatenate %slice3A_2657, %slice3A_2658 in 1 : vector<256x1xi32>, vector<256x127xi32> -> vector<256x128xi32>
    %slice3A_2660 = vector.extract_strided_slice %select_n3A_2643 {offsets = [0, 1], sizes = [256, 127], strides = [1, 1]} : vector<256x128xi32> to vector<256x127xi32>
    %slice3A_2661 = vector.extract_strided_slice %select_n3A_2643 {offsets = [0, 0], sizes = [256, 1], strides = [1, 1]} : vector<256x128xi32> to vector<256x1xi32>
    %concatenate3A_2662 = tpu.concatenate %slice3A_2660, %slice3A_2661 in 1 : vector<256x127xi32>, vector<256x1xi32> -> vector<256x128xi32>
    %select_n3A_2663 = arith.select %ne3A_2649, %concatenate3A_2659, %concatenate3A_2662 : vector<256x128xi1>, vector<256x128xi32>
    %gt3A_2664 = arith.cmpf ogt, %select_n3A_2656, %select_n3A_2642 : vector<256x128xf32>
    %eq3A_2665 = arith.cmpf oeq, %select_n3A_2656, %select_n3A_2642 : vector<256x128xf32>
    %gt3A_2666 = arith.cmpi sgt, %select_n3A_2663, %select_n3A_2643 : vector<256x128xi32>
    %and3A_2667 = arith.andi %eq3A_2665, %gt3A_2666 : vector<256x128xi1>
    %or3A_2668 = arith.ori %gt3A_2664, %and3A_2667 : vector<256x128xi1>
    %eq3A_2669 = arith.cmpf oeq, %select_n3A_2656, %select_n3A_2642 : vector<256x128xf32>
    %eq3A_2670 = arith.cmpi eq, %select_n3A_2663, %select_n3A_2643 : vector<256x128xi32>
    %and3A_2671 = arith.andi %eq3A_2669, %eq3A_2670 : vector<256x128xi1>
    %or3A_2672 = arith.ori %or3A_2668, %and3A_2671 : vector<256x128xi1>
    %not3A_2673 = arith.constant dense<true> : vector<256x128xi1>
    %not3A_2674 = arith.xori %or3A_2672, %not3A_2673 : vector<256x128xi1>
    %and3A_2675 = arith.constant 64 : i32
    %and3A_2676 = vector.broadcast %and3A_2675 : i32 to vector<256x128xi32>
    %and3A_2677 = arith.andi %iota3A_1664, %and3A_2676 : vector<256x128xi32>
    %eq3A_2678 = arith.constant 0 : i32
    %eq3A_2679 = vector.broadcast %eq3A_2678 : i32 to vector<256x128xi32>
    %eq3A_2680 = arith.cmpi eq, %and3A_2677, %eq3A_2679 : vector<256x128xi32>
    %not3A_2681 = arith.constant dense<true> : vector<256x128xi1>
    %not3A_2682 = arith.xori %ne3A_2649, %not3A_2681 : vector<256x128xi1>
    %eq3A_2683 = arith.xori %not3A_2682, %eq3A_2680 : vector<256x128xi1>
    %eq3A_2684 = arith.constant dense<true> : vector<256x128xi1>
    %eq3A_2685 = arith.xori %eq3A_2683, %eq3A_2684 : vector<256x128xi1>
    %and3A_2686 = arith.andi %eq3A_2685, %not3A_2674 : vector<256x128xi1>
    %not3A_2687 = arith.constant dense<true> : vector<256x128xi1>
    %not3A_2688 = arith.xori %eq3A_2685, %not3A_2687 : vector<256x128xi1>
    %and3A_2689 = arith.andi %not3A_2688, %or3A_2668 : vector<256x128xi1>
    %or3A_2690 = arith.ori %and3A_2686, %and3A_2689 : vector<256x128xi1>
    %select_n3A_2691 = arith.select %or3A_2690, %select_n3A_2656, %select_n3A_2642 : vector<256x128xi1>, vector<256x128xf32>
    %select_n3A_2692 = arith.select %or3A_2690, %select_n3A_2663, %select_n3A_2643 : vector<256x128xi1>, vector<256x128xi32>
    %and3A_2693 = arith.constant 64 : i32
    %and3A_2694 = vector.broadcast %and3A_2693 : i32 to vector<256x128xi32>
    %and3A_2695 = arith.andi %iota3A_1664, %and3A_2694 : vector<256x128xi32>
    %ne3A_2696 = arith.constant 0 : i32
    %ne3A_2697 = vector.broadcast %ne3A_2696 : i32 to vector<256x128xi32>
    %ne3A_2698 = arith.cmpi ne, %and3A_2695, %ne3A_2697 : vector<256x128xi32>
    %slice3A_2699 = vector.extract_strided_slice %select_n3A_2691 {offsets = [0, 64], sizes = [256, 64], strides = [1, 1]} : vector<256x128xf32> to vector<256x64xf32>
    %slice3A_2700 = vector.extract_strided_slice %select_n3A_2691 {offsets = [0, 0], sizes = [256, 64], strides = [1, 1]} : vector<256x128xf32> to vector<256x64xf32>
    %concatenate3A_2701 = tpu.concatenate %slice3A_2699, %slice3A_2700 in 1 : vector<256x64xf32>, vector<256x64xf32> -> vector<256x128xf32>
    %slice3A_2702 = vector.extract_strided_slice %select_n3A_2691 {offsets = [0, 64], sizes = [256, 64], strides = [1, 1]} : vector<256x128xf32> to vector<256x64xf32>
    %slice3A_2703 = vector.extract_strided_slice %select_n3A_2691 {offsets = [0, 0], sizes = [256, 64], strides = [1, 1]} : vector<256x128xf32> to vector<256x64xf32>
    %concatenate3A_2704 = tpu.concatenate %slice3A_2702, %slice3A_2703 in 1 : vector<256x64xf32>, vector<256x64xf32> -> vector<256x128xf32>
    %select_n3A_2705 = arith.select %ne3A_2698, %concatenate3A_2701, %concatenate3A_2704 : vector<256x128xi1>, vector<256x128xf32>
    %slice3A_2706 = vector.extract_strided_slice %select_n3A_2692 {offsets = [0, 64], sizes = [256, 64], strides = [1, 1]} : vector<256x128xi32> to vector<256x64xi32>
    %slice3A_2707 = vector.extract_strided_slice %select_n3A_2692 {offsets = [0, 0], sizes = [256, 64], strides = [1, 1]} : vector<256x128xi32> to vector<256x64xi32>
    %concatenate3A_2708 = tpu.concatenate %slice3A_2706, %slice3A_2707 in 1 : vector<256x64xi32>, vector<256x64xi32> -> vector<256x128xi32>
    %slice3A_2709 = vector.extract_strided_slice %select_n3A_2692 {offsets = [0, 64], sizes = [256, 64], strides = [1, 1]} : vector<256x128xi32> to vector<256x64xi32>
    %slice3A_2710 = vector.extract_strided_slice %select_n3A_2692 {offsets = [0, 0], sizes = [256, 64], strides = [1, 1]} : vector<256x128xi32> to vector<256x64xi32>
    %concatenate3A_2711 = tpu.concatenate %slice3A_2709, %slice3A_2710 in 1 : vector<256x64xi32>, vector<256x64xi32> -> vector<256x128xi32>
    %select_n3A_2712 = arith.select %ne3A_2698, %concatenate3A_2708, %concatenate3A_2711 : vector<256x128xi1>, vector<256x128xi32>
    %gt3A_2713 = arith.cmpf ogt, %select_n3A_2705, %select_n3A_2691 : vector<256x128xf32>
    %eq3A_2714 = arith.cmpf oeq, %select_n3A_2705, %select_n3A_2691 : vector<256x128xf32>
    %gt3A_2715 = arith.cmpi sgt, %select_n3A_2712, %select_n3A_2692 : vector<256x128xi32>
    %and3A_2716 = arith.andi %eq3A_2714, %gt3A_2715 : vector<256x128xi1>
    %or3A_2717 = arith.ori %gt3A_2713, %and3A_2716 : vector<256x128xi1>
    %eq3A_2718 = arith.cmpf oeq, %select_n3A_2705, %select_n3A_2691 : vector<256x128xf32>
    %eq3A_2719 = arith.cmpi eq, %select_n3A_2712, %select_n3A_2692 : vector<256x128xi32>
    %and3A_2720 = arith.andi %eq3A_2718, %eq3A_2719 : vector<256x128xi1>
    %or3A_2721 = arith.ori %or3A_2717, %and3A_2720 : vector<256x128xi1>
    %not3A_2722 = arith.constant dense<true> : vector<256x128xi1>
    %not3A_2723 = arith.xori %or3A_2721, %not3A_2722 : vector<256x128xi1>
    %and3A_2724 = arith.constant 128 : i32
    %and3A_2725 = vector.broadcast %and3A_2724 : i32 to vector<256x128xi32>
    %and3A_2726 = arith.andi %iota3A_1664, %and3A_2725 : vector<256x128xi32>
    %eq3A_2727 = arith.constant 0 : i32
    %eq3A_2728 = vector.broadcast %eq3A_2727 : i32 to vector<256x128xi32>
    %eq3A_2729 = arith.cmpi eq, %and3A_2726, %eq3A_2728 : vector<256x128xi32>
    %not3A_2730 = arith.constant dense<true> : vector<256x128xi1>
    %not3A_2731 = arith.xori %ne3A_2698, %not3A_2730 : vector<256x128xi1>
    %eq3A_2732 = arith.xori %not3A_2731, %eq3A_2729 : vector<256x128xi1>
    %eq3A_2733 = arith.constant dense<true> : vector<256x128xi1>
    %eq3A_2734 = arith.xori %eq3A_2732, %eq3A_2733 : vector<256x128xi1>
    %and3A_2735 = arith.andi %eq3A_2734, %not3A_2723 : vector<256x128xi1>
    %not3A_2736 = arith.constant dense<true> : vector<256x128xi1>
    %not3A_2737 = arith.xori %eq3A_2734, %not3A_2736 : vector<256x128xi1>
    %and3A_2738 = arith.andi %not3A_2737, %or3A_2717 : vector<256x128xi1>
    %or3A_2739 = arith.ori %and3A_2735, %and3A_2738 : vector<256x128xi1>
    %select_n3A_2740 = arith.select %or3A_2739, %select_n3A_2705, %select_n3A_2691 : vector<256x128xi1>, vector<256x128xf32>
    %select_n3A_2741 = arith.select %or3A_2739, %select_n3A_2712, %select_n3A_2692 : vector<256x128xi1>, vector<256x128xi32>
    %and3A_2742 = arith.constant 32 : i32
    %and3A_2743 = vector.broadcast %and3A_2742 : i32 to vector<256x128xi32>
    %and3A_2744 = arith.andi %iota3A_1664, %and3A_2743 : vector<256x128xi32>
    %ne3A_2745 = arith.constant 0 : i32
    %ne3A_2746 = vector.broadcast %ne3A_2745 : i32 to vector<256x128xi32>
    %ne3A_2747 = arith.cmpi ne, %and3A_2744, %ne3A_2746 : vector<256x128xi32>
    %slice3A_2748 = vector.extract_strided_slice %select_n3A_2740 {offsets = [0, 96], sizes = [256, 32], strides = [1, 1]} : vector<256x128xf32> to vector<256x32xf32>
    %slice3A_2749 = vector.extract_strided_slice %select_n3A_2740 {offsets = [0, 0], sizes = [256, 96], strides = [1, 1]} : vector<256x128xf32> to vector<256x96xf32>
    %concatenate3A_2750 = tpu.concatenate %slice3A_2748, %slice3A_2749 in 1 : vector<256x32xf32>, vector<256x96xf32> -> vector<256x128xf32>
    %slice3A_2751 = vector.extract_strided_slice %select_n3A_2740 {offsets = [0, 32], sizes = [256, 96], strides = [1, 1]} : vector<256x128xf32> to vector<256x96xf32>
    %slice3A_2752 = vector.extract_strided_slice %select_n3A_2740 {offsets = [0, 0], sizes = [256, 32], strides = [1, 1]} : vector<256x128xf32> to vector<256x32xf32>
    %concatenate3A_2753 = tpu.concatenate %slice3A_2751, %slice3A_2752 in 1 : vector<256x96xf32>, vector<256x32xf32> -> vector<256x128xf32>
    %select_n3A_2754 = arith.select %ne3A_2747, %concatenate3A_2750, %concatenate3A_2753 : vector<256x128xi1>, vector<256x128xf32>
    %slice3A_2755 = vector.extract_strided_slice %select_n3A_2741 {offsets = [0, 96], sizes = [256, 32], strides = [1, 1]} : vector<256x128xi32> to vector<256x32xi32>
    %slice3A_2756 = vector.extract_strided_slice %select_n3A_2741 {offsets = [0, 0], sizes = [256, 96], strides = [1, 1]} : vector<256x128xi32> to vector<256x96xi32>
    %concatenate3A_2757 = tpu.concatenate %slice3A_2755, %slice3A_2756 in 1 : vector<256x32xi32>, vector<256x96xi32> -> vector<256x128xi32>
    %slice3A_2758 = vector.extract_strided_slice %select_n3A_2741 {offsets = [0, 32], sizes = [256, 96], strides = [1, 1]} : vector<256x128xi32> to vector<256x96xi32>
    %slice3A_2759 = vector.extract_strided_slice %select_n3A_2741 {offsets = [0, 0], sizes = [256, 32], strides = [1, 1]} : vector<256x128xi32> to vector<256x32xi32>
    %concatenate3A_2760 = tpu.concatenate %slice3A_2758, %slice3A_2759 in 1 : vector<256x96xi32>, vector<256x32xi32> -> vector<256x128xi32>
    %select_n3A_2761 = arith.select %ne3A_2747, %concatenate3A_2757, %concatenate3A_2760 : vector<256x128xi1>, vector<256x128xi32>
    %gt3A_2762 = arith.cmpf ogt, %select_n3A_2754, %select_n3A_2740 : vector<256x128xf32>
    %eq3A_2763 = arith.cmpf oeq, %select_n3A_2754, %select_n3A_2740 : vector<256x128xf32>
    %gt3A_2764 = arith.cmpi sgt, %select_n3A_2761, %select_n3A_2741 : vector<256x128xi32>
    %and3A_2765 = arith.andi %eq3A_2763, %gt3A_2764 : vector<256x128xi1>
    %or3A_2766 = arith.ori %gt3A_2762, %and3A_2765 : vector<256x128xi1>
    %eq3A_2767 = arith.cmpf oeq, %select_n3A_2754, %select_n3A_2740 : vector<256x128xf32>
    %eq3A_2768 = arith.cmpi eq, %select_n3A_2761, %select_n3A_2741 : vector<256x128xi32>
    %and3A_2769 = arith.andi %eq3A_2767, %eq3A_2768 : vector<256x128xi1>
    %or3A_2770 = arith.ori %or3A_2766, %and3A_2769 : vector<256x128xi1>
    %not3A_2771 = arith.constant dense<true> : vector<256x128xi1>
    %not3A_2772 = arith.xori %or3A_2770, %not3A_2771 : vector<256x128xi1>
    %and3A_2773 = arith.constant 128 : i32
    %and3A_2774 = vector.broadcast %and3A_2773 : i32 to vector<256x128xi32>
    %and3A_2775 = arith.andi %iota3A_1664, %and3A_2774 : vector<256x128xi32>
    %eq3A_2776 = arith.constant 0 : i32
    %eq3A_2777 = vector.broadcast %eq3A_2776 : i32 to vector<256x128xi32>
    %eq3A_2778 = arith.cmpi eq, %and3A_2775, %eq3A_2777 : vector<256x128xi32>
    %not3A_2779 = arith.constant dense<true> : vector<256x128xi1>
    %not3A_2780 = arith.xori %ne3A_2747, %not3A_2779 : vector<256x128xi1>
    %eq3A_2781 = arith.xori %not3A_2780, %eq3A_2778 : vector<256x128xi1>
    %eq3A_2782 = arith.constant dense<true> : vector<256x128xi1>
    %eq3A_2783 = arith.xori %eq3A_2781, %eq3A_2782 : vector<256x128xi1>
    %and3A_2784 = arith.andi %eq3A_2783, %not3A_2772 : vector<256x128xi1>
    %not3A_2785 = arith.constant dense<true> : vector<256x128xi1>
    %not3A_2786 = arith.xori %eq3A_2783, %not3A_2785 : vector<256x128xi1>
    %and3A_2787 = arith.andi %not3A_2786, %or3A_2766 : vector<256x128xi1>
    %or3A_2788 = arith.ori %and3A_2784, %and3A_2787 : vector<256x128xi1>
    %select_n3A_2789 = arith.select %or3A_2788, %select_n3A_2754, %select_n3A_2740 : vector<256x128xi1>, vector<256x128xf32>
    %select_n3A_2790 = arith.select %or3A_2788, %select_n3A_2761, %select_n3A_2741 : vector<256x128xi1>, vector<256x128xi32>
    %and3A_2791 = arith.constant 16 : i32
    %and3A_2792 = vector.broadcast %and3A_2791 : i32 to vector<256x128xi32>
    %and3A_2793 = arith.andi %iota3A_1664, %and3A_2792 : vector<256x128xi32>
    %ne3A_2794 = arith.constant 0 : i32
    %ne3A_2795 = vector.broadcast %ne3A_2794 : i32 to vector<256x128xi32>
    %ne3A_2796 = arith.cmpi ne, %and3A_2793, %ne3A_2795 : vector<256x128xi32>
    %slice3A_2797 = vector.extract_strided_slice %select_n3A_2789 {offsets = [0, 112], sizes = [256, 16], strides = [1, 1]} : vector<256x128xf32> to vector<256x16xf32>
    %slice3A_2798 = vector.extract_strided_slice %select_n3A_2789 {offsets = [0, 0], sizes = [256, 112], strides = [1, 1]} : vector<256x128xf32> to vector<256x112xf32>
    %concatenate3A_2799 = tpu.concatenate %slice3A_2797, %slice3A_2798 in 1 : vector<256x16xf32>, vector<256x112xf32> -> vector<256x128xf32>
    %slice3A_2800 = vector.extract_strided_slice %select_n3A_2789 {offsets = [0, 16], sizes = [256, 112], strides = [1, 1]} : vector<256x128xf32> to vector<256x112xf32>
    %slice3A_2801 = vector.extract_strided_slice %select_n3A_2789 {offsets = [0, 0], sizes = [256, 16], strides = [1, 1]} : vector<256x128xf32> to vector<256x16xf32>
    %concatenate3A_2802 = tpu.concatenate %slice3A_2800, %slice3A_2801 in 1 : vector<256x112xf32>, vector<256x16xf32> -> vector<256x128xf32>
    %select_n3A_2803 = arith.select %ne3A_2796, %concatenate3A_2799, %concatenate3A_2802 : vector<256x128xi1>, vector<256x128xf32>
    %slice3A_2804 = vector.extract_strided_slice %select_n3A_2790 {offsets = [0, 112], sizes = [256, 16], strides = [1, 1]} : vector<256x128xi32> to vector<256x16xi32>
    %slice3A_2805 = vector.extract_strided_slice %select_n3A_2790 {offsets = [0, 0], sizes = [256, 112], strides = [1, 1]} : vector<256x128xi32> to vector<256x112xi32>
    %concatenate3A_2806 = tpu.concatenate %slice3A_2804, %slice3A_2805 in 1 : vector<256x16xi32>, vector<256x112xi32> -> vector<256x128xi32>
    %slice3A_2807 = vector.extract_strided_slice %select_n3A_2790 {offsets = [0, 16], sizes = [256, 112], strides = [1, 1]} : vector<256x128xi32> to vector<256x112xi32>
    %slice3A_2808 = vector.extract_strided_slice %select_n3A_2790 {offsets = [0, 0], sizes = [256, 16], strides = [1, 1]} : vector<256x128xi32> to vector<256x16xi32>
    %concatenate3A_2809 = tpu.concatenate %slice3A_2807, %slice3A_2808 in 1 : vector<256x112xi32>, vector<256x16xi32> -> vector<256x128xi32>
    %select_n3A_2810 = arith.select %ne3A_2796, %concatenate3A_2806, %concatenate3A_2809 : vector<256x128xi1>, vector<256x128xi32>
    %gt3A_2811 = arith.cmpf ogt, %select_n3A_2803, %select_n3A_2789 : vector<256x128xf32>
    %eq3A_2812 = arith.cmpf oeq, %select_n3A_2803, %select_n3A_2789 : vector<256x128xf32>
    %gt3A_2813 = arith.cmpi sgt, %select_n3A_2810, %select_n3A_2790 : vector<256x128xi32>
    %and3A_2814 = arith.andi %eq3A_2812, %gt3A_2813 : vector<256x128xi1>
    %or3A_2815 = arith.ori %gt3A_2811, %and3A_2814 : vector<256x128xi1>
    %eq3A_2816 = arith.cmpf oeq, %select_n3A_2803, %select_n3A_2789 : vector<256x128xf32>
    %eq3A_2817 = arith.cmpi eq, %select_n3A_2810, %select_n3A_2790 : vector<256x128xi32>
    %and3A_2818 = arith.andi %eq3A_2816, %eq3A_2817 : vector<256x128xi1>
    %or3A_2819 = arith.ori %or3A_2815, %and3A_2818 : vector<256x128xi1>
    %not3A_2820 = arith.constant dense<true> : vector<256x128xi1>
    %not3A_2821 = arith.xori %or3A_2819, %not3A_2820 : vector<256x128xi1>
    %and3A_2822 = arith.constant 128 : i32
    %and3A_2823 = vector.broadcast %and3A_2822 : i32 to vector<256x128xi32>
    %and3A_2824 = arith.andi %iota3A_1664, %and3A_2823 : vector<256x128xi32>
    %eq3A_2825 = arith.constant 0 : i32
    %eq3A_2826 = vector.broadcast %eq3A_2825 : i32 to vector<256x128xi32>
    %eq3A_2827 = arith.cmpi eq, %and3A_2824, %eq3A_2826 : vector<256x128xi32>
    %not3A_2828 = arith.constant dense<true> : vector<256x128xi1>
    %not3A_2829 = arith.xori %ne3A_2796, %not3A_2828 : vector<256x128xi1>
    %eq3A_2830 = arith.xori %not3A_2829, %eq3A_2827 : vector<256x128xi1>
    %eq3A_2831 = arith.constant dense<true> : vector<256x128xi1>
    %eq3A_2832 = arith.xori %eq3A_2830, %eq3A_2831 : vector<256x128xi1>
    %and3A_2833 = arith.andi %eq3A_2832, %not3A_2821 : vector<256x128xi1>
    %not3A_2834 = arith.constant dense<true> : vector<256x128xi1>
    %not3A_2835 = arith.xori %eq3A_2832, %not3A_2834 : vector<256x128xi1>
    %and3A_2836 = arith.andi %not3A_2835, %or3A_2815 : vector<256x128xi1>
    %or3A_2837 = arith.ori %and3A_2833, %and3A_2836 : vector<256x128xi1>
    %select_n3A_2838 = arith.select %or3A_2837, %select_n3A_2803, %select_n3A_2789 : vector<256x128xi1>, vector<256x128xf32>
    %select_n3A_2839 = arith.select %or3A_2837, %select_n3A_2810, %select_n3A_2790 : vector<256x128xi1>, vector<256x128xi32>
    %and3A_2840 = arith.constant 8 : i32
    %and3A_2841 = vector.broadcast %and3A_2840 : i32 to vector<256x128xi32>
    %and3A_2842 = arith.andi %iota3A_1664, %and3A_2841 : vector<256x128xi32>
    %ne3A_2843 = arith.constant 0 : i32
    %ne3A_2844 = vector.broadcast %ne3A_2843 : i32 to vector<256x128xi32>
    %ne3A_2845 = arith.cmpi ne, %and3A_2842, %ne3A_2844 : vector<256x128xi32>
    %slice3A_2846 = vector.extract_strided_slice %select_n3A_2838 {offsets = [0, 120], sizes = [256, 8], strides = [1, 1]} : vector<256x128xf32> to vector<256x8xf32>
    %slice3A_2847 = vector.extract_strided_slice %select_n3A_2838 {offsets = [0, 0], sizes = [256, 120], strides = [1, 1]} : vector<256x128xf32> to vector<256x120xf32>
    %concatenate3A_2848 = tpu.concatenate %slice3A_2846, %slice3A_2847 in 1 : vector<256x8xf32>, vector<256x120xf32> -> vector<256x128xf32>
    %slice3A_2849 = vector.extract_strided_slice %select_n3A_2838 {offsets = [0, 8], sizes = [256, 120], strides = [1, 1]} : vector<256x128xf32> to vector<256x120xf32>
    %slice3A_2850 = vector.extract_strided_slice %select_n3A_2838 {offsets = [0, 0], sizes = [256, 8], strides = [1, 1]} : vector<256x128xf32> to vector<256x8xf32>
    %concatenate3A_2851 = tpu.concatenate %slice3A_2849, %slice3A_2850 in 1 : vector<256x120xf32>, vector<256x8xf32> -> vector<256x128xf32>
    %select_n3A_2852 = arith.select %ne3A_2845, %concatenate3A_2848, %concatenate3A_2851 : vector<256x128xi1>, vector<256x128xf32>
    %slice3A_2853 = vector.extract_strided_slice %select_n3A_2839 {offsets = [0, 120], sizes = [256, 8], strides = [1, 1]} : vector<256x128xi32> to vector<256x8xi32>
    %slice3A_2854 = vector.extract_strided_slice %select_n3A_2839 {offsets = [0, 0], sizes = [256, 120], strides = [1, 1]} : vector<256x128xi32> to vector<256x120xi32>
    %concatenate3A_2855 = tpu.concatenate %slice3A_2853, %slice3A_2854 in 1 : vector<256x8xi32>, vector<256x120xi32> -> vector<256x128xi32>
    %slice3A_2856 = vector.extract_strided_slice %select_n3A_2839 {offsets = [0, 8], sizes = [256, 120], strides = [1, 1]} : vector<256x128xi32> to vector<256x120xi32>
    %slice3A_2857 = vector.extract_strided_slice %select_n3A_2839 {offsets = [0, 0], sizes = [256, 8], strides = [1, 1]} : vector<256x128xi32> to vector<256x8xi32>
    %concatenate3A_2858 = tpu.concatenate %slice3A_2856, %slice3A_2857 in 1 : vector<256x120xi32>, vector<256x8xi32> -> vector<256x128xi32>
    %select_n3A_2859 = arith.select %ne3A_2845, %concatenate3A_2855, %concatenate3A_2858 : vector<256x128xi1>, vector<256x128xi32>
    %gt3A_2860 = arith.cmpf ogt, %select_n3A_2852, %select_n3A_2838 : vector<256x128xf32>
    %eq3A_2861 = arith.cmpf oeq, %select_n3A_2852, %select_n3A_2838 : vector<256x128xf32>
    %gt3A_2862 = arith.cmpi sgt, %select_n3A_2859, %select_n3A_2839 : vector<256x128xi32>
    %and3A_2863 = arith.andi %eq3A_2861, %gt3A_2862 : vector<256x128xi1>
    %or3A_2864 = arith.ori %gt3A_2860, %and3A_2863 : vector<256x128xi1>
    %eq3A_2865 = arith.cmpf oeq, %select_n3A_2852, %select_n3A_2838 : vector<256x128xf32>
    %eq3A_2866 = arith.cmpi eq, %select_n3A_2859, %select_n3A_2839 : vector<256x128xi32>
    %and3A_2867 = arith.andi %eq3A_2865, %eq3A_2866 : vector<256x128xi1>
    %or3A_2868 = arith.ori %or3A_2864, %and3A_2867 : vector<256x128xi1>
    %not3A_2869 = arith.constant dense<true> : vector<256x128xi1>
    %not3A_2870 = arith.xori %or3A_2868, %not3A_2869 : vector<256x128xi1>
    %and3A_2871 = arith.constant 128 : i32
    %and3A_2872 = vector.broadcast %and3A_2871 : i32 to vector<256x128xi32>
    %and3A_2873 = arith.andi %iota3A_1664, %and3A_2872 : vector<256x128xi32>
    %eq3A_2874 = arith.constant 0 : i32
    %eq3A_2875 = vector.broadcast %eq3A_2874 : i32 to vector<256x128xi32>
    %eq3A_2876 = arith.cmpi eq, %and3A_2873, %eq3A_2875 : vector<256x128xi32>
    %not3A_2877 = arith.constant dense<true> : vector<256x128xi1>
    %not3A_2878 = arith.xori %ne3A_2845, %not3A_2877 : vector<256x128xi1>
    %eq3A_2879 = arith.xori %not3A_2878, %eq3A_2876 : vector<256x128xi1>
    %eq3A_2880 = arith.constant dense<true> : vector<256x128xi1>
    %eq3A_2881 = arith.xori %eq3A_2879, %eq3A_2880 : vector<256x128xi1>
    %and3A_2882 = arith.andi %eq3A_2881, %not3A_2870 : vector<256x128xi1>
    %not3A_2883 = arith.constant dense<true> : vector<256x128xi1>
    %not3A_2884 = arith.xori %eq3A_2881, %not3A_2883 : vector<256x128xi1>
    %and3A_2885 = arith.andi %not3A_2884, %or3A_2864 : vector<256x128xi1>
    %or3A_2886 = arith.ori %and3A_2882, %and3A_2885 : vector<256x128xi1>
    %select_n3A_2887 = arith.select %or3A_2886, %select_n3A_2852, %select_n3A_2838 : vector<256x128xi1>, vector<256x128xf32>
    %select_n3A_2888 = arith.select %or3A_2886, %select_n3A_2859, %select_n3A_2839 : vector<256x128xi1>, vector<256x128xi32>
    %and3A_2889 = arith.constant 4 : i32
    %and3A_2890 = vector.broadcast %and3A_2889 : i32 to vector<256x128xi32>
    %and3A_2891 = arith.andi %iota3A_1664, %and3A_2890 : vector<256x128xi32>
    %ne3A_2892 = arith.constant 0 : i32
    %ne3A_2893 = vector.broadcast %ne3A_2892 : i32 to vector<256x128xi32>
    %ne3A_2894 = arith.cmpi ne, %and3A_2891, %ne3A_2893 : vector<256x128xi32>
    %slice3A_2895 = vector.extract_strided_slice %select_n3A_2887 {offsets = [0, 124], sizes = [256, 4], strides = [1, 1]} : vector<256x128xf32> to vector<256x4xf32>
    %slice3A_2896 = vector.extract_strided_slice %select_n3A_2887 {offsets = [0, 0], sizes = [256, 124], strides = [1, 1]} : vector<256x128xf32> to vector<256x124xf32>
    %concatenate3A_2897 = tpu.concatenate %slice3A_2895, %slice3A_2896 in 1 : vector<256x4xf32>, vector<256x124xf32> -> vector<256x128xf32>
    %slice3A_2898 = vector.extract_strided_slice %select_n3A_2887 {offsets = [0, 4], sizes = [256, 124], strides = [1, 1]} : vector<256x128xf32> to vector<256x124xf32>
    %slice3A_2899 = vector.extract_strided_slice %select_n3A_2887 {offsets = [0, 0], sizes = [256, 4], strides = [1, 1]} : vector<256x128xf32> to vector<256x4xf32>
    %concatenate3A_2900 = tpu.concatenate %slice3A_2898, %slice3A_2899 in 1 : vector<256x124xf32>, vector<256x4xf32> -> vector<256x128xf32>
    %select_n3A_2901 = arith.select %ne3A_2894, %concatenate3A_2897, %concatenate3A_2900 : vector<256x128xi1>, vector<256x128xf32>
    %slice3A_2902 = vector.extract_strided_slice %select_n3A_2888 {offsets = [0, 124], sizes = [256, 4], strides = [1, 1]} : vector<256x128xi32> to vector<256x4xi32>
    %slice3A_2903 = vector.extract_strided_slice %select_n3A_2888 {offsets = [0, 0], sizes = [256, 124], strides = [1, 1]} : vector<256x128xi32> to vector<256x124xi32>
    %concatenate3A_2904 = tpu.concatenate %slice3A_2902, %slice3A_2903 in 1 : vector<256x4xi32>, vector<256x124xi32> -> vector<256x128xi32>
    %slice3A_2905 = vector.extract_strided_slice %select_n3A_2888 {offsets = [0, 4], sizes = [256, 124], strides = [1, 1]} : vector<256x128xi32> to vector<256x124xi32>
    %slice3A_2906 = vector.extract_strided_slice %select_n3A_2888 {offsets = [0, 0], sizes = [256, 4], strides = [1, 1]} : vector<256x128xi32> to vector<256x4xi32>
    %concatenate3A_2907 = tpu.concatenate %slice3A_2905, %slice3A_2906 in 1 : vector<256x124xi32>, vector<256x4xi32> -> vector<256x128xi32>
    %select_n3A_2908 = arith.select %ne3A_2894, %concatenate3A_2904, %concatenate3A_2907 : vector<256x128xi1>, vector<256x128xi32>
    %gt3A_2909 = arith.cmpf ogt, %select_n3A_2901, %select_n3A_2887 : vector<256x128xf32>
    %eq3A_2910 = arith.cmpf oeq, %select_n3A_2901, %select_n3A_2887 : vector<256x128xf32>
    %gt3A_2911 = arith.cmpi sgt, %select_n3A_2908, %select_n3A_2888 : vector<256x128xi32>
    %and3A_2912 = arith.andi %eq3A_2910, %gt3A_2911 : vector<256x128xi1>
    %or3A_2913 = arith.ori %gt3A_2909, %and3A_2912 : vector<256x128xi1>
    %eq3A_2914 = arith.cmpf oeq, %select_n3A_2901, %select_n3A_2887 : vector<256x128xf32>
    %eq3A_2915 = arith.cmpi eq, %select_n3A_2908, %select_n3A_2888 : vector<256x128xi32>
    %and3A_2916 = arith.andi %eq3A_2914, %eq3A_2915 : vector<256x128xi1>
    %or3A_2917 = arith.ori %or3A_2913, %and3A_2916 : vector<256x128xi1>
    %not3A_2918 = arith.constant dense<true> : vector<256x128xi1>
    %not3A_2919 = arith.xori %or3A_2917, %not3A_2918 : vector<256x128xi1>
    %and3A_2920 = arith.constant 128 : i32
    %and3A_2921 = vector.broadcast %and3A_2920 : i32 to vector<256x128xi32>
    %and3A_2922 = arith.andi %iota3A_1664, %and3A_2921 : vector<256x128xi32>
    %eq3A_2923 = arith.constant 0 : i32
    %eq3A_2924 = vector.broadcast %eq3A_2923 : i32 to vector<256x128xi32>
    %eq3A_2925 = arith.cmpi eq, %and3A_2922, %eq3A_2924 : vector<256x128xi32>
    %not3A_2926 = arith.constant dense<true> : vector<256x128xi1>
    %not3A_2927 = arith.xori %ne3A_2894, %not3A_2926 : vector<256x128xi1>
    %eq3A_2928 = arith.xori %not3A_2927, %eq3A_2925 : vector<256x128xi1>
    %eq3A_2929 = arith.constant dense<true> : vector<256x128xi1>
    %eq3A_2930 = arith.xori %eq3A_2928, %eq3A_2929 : vector<256x128xi1>
    %and3A_2931 = arith.andi %eq3A_2930, %not3A_2919 : vector<256x128xi1>
    %not3A_2932 = arith.constant dense<true> : vector<256x128xi1>
    %not3A_2933 = arith.xori %eq3A_2930, %not3A_2932 : vector<256x128xi1>
    %and3A_2934 = arith.andi %not3A_2933, %or3A_2913 : vector<256x128xi1>
    %or3A_2935 = arith.ori %and3A_2931, %and3A_2934 : vector<256x128xi1>
    %select_n3A_2936 = arith.select %or3A_2935, %select_n3A_2901, %select_n3A_2887 : vector<256x128xi1>, vector<256x128xf32>
    %select_n3A_2937 = arith.select %or3A_2935, %select_n3A_2908, %select_n3A_2888 : vector<256x128xi1>, vector<256x128xi32>
    %and3A_2938 = arith.constant 2 : i32
    %and3A_2939 = vector.broadcast %and3A_2938 : i32 to vector<256x128xi32>
    %and3A_2940 = arith.andi %iota3A_1664, %and3A_2939 : vector<256x128xi32>
    %ne3A_2941 = arith.constant 0 : i32
    %ne3A_2942 = vector.broadcast %ne3A_2941 : i32 to vector<256x128xi32>
    %ne3A_2943 = arith.cmpi ne, %and3A_2940, %ne3A_2942 : vector<256x128xi32>
    %slice3A_2944 = vector.extract_strided_slice %select_n3A_2936 {offsets = [0, 126], sizes = [256, 2], strides = [1, 1]} : vector<256x128xf32> to vector<256x2xf32>
    %slice3A_2945 = vector.extract_strided_slice %select_n3A_2936 {offsets = [0, 0], sizes = [256, 126], strides = [1, 1]} : vector<256x128xf32> to vector<256x126xf32>
    %concatenate3A_2946 = tpu.concatenate %slice3A_2944, %slice3A_2945 in 1 : vector<256x2xf32>, vector<256x126xf32> -> vector<256x128xf32>
    %slice3A_2947 = vector.extract_strided_slice %select_n3A_2936 {offsets = [0, 2], sizes = [256, 126], strides = [1, 1]} : vector<256x128xf32> to vector<256x126xf32>
    %slice3A_2948 = vector.extract_strided_slice %select_n3A_2936 {offsets = [0, 0], sizes = [256, 2], strides = [1, 1]} : vector<256x128xf32> to vector<256x2xf32>
    %concatenate3A_2949 = tpu.concatenate %slice3A_2947, %slice3A_2948 in 1 : vector<256x126xf32>, vector<256x2xf32> -> vector<256x128xf32>
    %select_n3A_2950 = arith.select %ne3A_2943, %concatenate3A_2946, %concatenate3A_2949 : vector<256x128xi1>, vector<256x128xf32>
    %slice3A_2951 = vector.extract_strided_slice %select_n3A_2937 {offsets = [0, 126], sizes = [256, 2], strides = [1, 1]} : vector<256x128xi32> to vector<256x2xi32>
    %slice3A_2952 = vector.extract_strided_slice %select_n3A_2937 {offsets = [0, 0], sizes = [256, 126], strides = [1, 1]} : vector<256x128xi32> to vector<256x126xi32>
    %concatenate3A_2953 = tpu.concatenate %slice3A_2951, %slice3A_2952 in 1 : vector<256x2xi32>, vector<256x126xi32> -> vector<256x128xi32>
    %slice3A_2954 = vector.extract_strided_slice %select_n3A_2937 {offsets = [0, 2], sizes = [256, 126], strides = [1, 1]} : vector<256x128xi32> to vector<256x126xi32>
    %slice3A_2955 = vector.extract_strided_slice %select_n3A_2937 {offsets = [0, 0], sizes = [256, 2], strides = [1, 1]} : vector<256x128xi32> to vector<256x2xi32>
    %concatenate3A_2956 = tpu.concatenate %slice3A_2954, %slice3A_2955 in 1 : vector<256x126xi32>, vector<256x2xi32> -> vector<256x128xi32>
    %select_n3A_2957 = arith.select %ne3A_2943, %concatenate3A_2953, %concatenate3A_2956 : vector<256x128xi1>, vector<256x128xi32>
    %gt3A_2958 = arith.cmpf ogt, %select_n3A_2950, %select_n3A_2936 : vector<256x128xf32>
    %eq3A_2959 = arith.cmpf oeq, %select_n3A_2950, %select_n3A_2936 : vector<256x128xf32>
    %gt3A_2960 = arith.cmpi sgt, %select_n3A_2957, %select_n3A_2937 : vector<256x128xi32>
    %and3A_2961 = arith.andi %eq3A_2959, %gt3A_2960 : vector<256x128xi1>
    %or3A_2962 = arith.ori %gt3A_2958, %and3A_2961 : vector<256x128xi1>
    %eq3A_2963 = arith.cmpf oeq, %select_n3A_2950, %select_n3A_2936 : vector<256x128xf32>
    %eq3A_2964 = arith.cmpi eq, %select_n3A_2957, %select_n3A_2937 : vector<256x128xi32>
    %and3A_2965 = arith.andi %eq3A_2963, %eq3A_2964 : vector<256x128xi1>
    %or3A_2966 = arith.ori %or3A_2962, %and3A_2965 : vector<256x128xi1>
    %not3A_2967 = arith.constant dense<true> : vector<256x128xi1>
    %not3A_2968 = arith.xori %or3A_2966, %not3A_2967 : vector<256x128xi1>
    %and3A_2969 = arith.constant 128 : i32
    %and3A_2970 = vector.broadcast %and3A_2969 : i32 to vector<256x128xi32>
    %and3A_2971 = arith.andi %iota3A_1664, %and3A_2970 : vector<256x128xi32>
    %eq3A_2972 = arith.constant 0 : i32
    %eq3A_2973 = vector.broadcast %eq3A_2972 : i32 to vector<256x128xi32>
    %eq3A_2974 = arith.cmpi eq, %and3A_2971, %eq3A_2973 : vector<256x128xi32>
    %not3A_2975 = arith.constant dense<true> : vector<256x128xi1>
    %not3A_2976 = arith.xori %ne3A_2943, %not3A_2975 : vector<256x128xi1>
    %eq3A_2977 = arith.xori %not3A_2976, %eq3A_2974 : vector<256x128xi1>
    %eq3A_2978 = arith.constant dense<true> : vector<256x128xi1>
    %eq3A_2979 = arith.xori %eq3A_2977, %eq3A_2978 : vector<256x128xi1>
    %and3A_2980 = arith.andi %eq3A_2979, %not3A_2968 : vector<256x128xi1>
    %not3A_2981 = arith.constant dense<true> : vector<256x128xi1>
    %not3A_2982 = arith.xori %eq3A_2979, %not3A_2981 : vector<256x128xi1>
    %and3A_2983 = arith.andi %not3A_2982, %or3A_2962 : vector<256x128xi1>
    %or3A_2984 = arith.ori %and3A_2980, %and3A_2983 : vector<256x128xi1>
    %select_n3A_2985 = arith.select %or3A_2984, %select_n3A_2950, %select_n3A_2936 : vector<256x128xi1>, vector<256x128xf32>
    %select_n3A_2986 = arith.select %or3A_2984, %select_n3A_2957, %select_n3A_2937 : vector<256x128xi1>, vector<256x128xi32>
    %and3A_2987 = arith.constant 1 : i32
    %and3A_2988 = vector.broadcast %and3A_2987 : i32 to vector<256x128xi32>
    %and3A_2989 = arith.andi %iota3A_1664, %and3A_2988 : vector<256x128xi32>
    %ne3A_2990 = arith.constant 0 : i32
    %ne3A_2991 = vector.broadcast %ne3A_2990 : i32 to vector<256x128xi32>
    %ne3A_2992 = arith.cmpi ne, %and3A_2989, %ne3A_2991 : vector<256x128xi32>
    %slice3A_2993 = vector.extract_strided_slice %select_n3A_2985 {offsets = [0, 127], sizes = [256, 1], strides = [1, 1]} : vector<256x128xf32> to vector<256x1xf32>
    %slice3A_2994 = vector.extract_strided_slice %select_n3A_2985 {offsets = [0, 0], sizes = [256, 127], strides = [1, 1]} : vector<256x128xf32> to vector<256x127xf32>
    %concatenate3A_2995 = tpu.concatenate %slice3A_2993, %slice3A_2994 in 1 : vector<256x1xf32>, vector<256x127xf32> -> vector<256x128xf32>
    %slice3A_2996 = vector.extract_strided_slice %select_n3A_2985 {offsets = [0, 1], sizes = [256, 127], strides = [1, 1]} : vector<256x128xf32> to vector<256x127xf32>
    %slice3A_2997 = vector.extract_strided_slice %select_n3A_2985 {offsets = [0, 0], sizes = [256, 1], strides = [1, 1]} : vector<256x128xf32> to vector<256x1xf32>
    %concatenate3A_2998 = tpu.concatenate %slice3A_2996, %slice3A_2997 in 1 : vector<256x127xf32>, vector<256x1xf32> -> vector<256x128xf32>
    %select_n3A_2999 = arith.select %ne3A_2992, %concatenate3A_2995, %concatenate3A_2998 : vector<256x128xi1>, vector<256x128xf32>
    %slice3A_3000 = vector.extract_strided_slice %select_n3A_2986 {offsets = [0, 127], sizes = [256, 1], strides = [1, 1]} : vector<256x128xi32> to vector<256x1xi32>
    %slice3A_3001 = vector.extract_strided_slice %select_n3A_2986 {offsets = [0, 0], sizes = [256, 127], strides = [1, 1]} : vector<256x128xi32> to vector<256x127xi32>
    %concatenate3A_3002 = tpu.concatenate %slice3A_3000, %slice3A_3001 in 1 : vector<256x1xi32>, vector<256x127xi32> -> vector<256x128xi32>
    %slice3A_3003 = vector.extract_strided_slice %select_n3A_2986 {offsets = [0, 1], sizes = [256, 127], strides = [1, 1]} : vector<256x128xi32> to vector<256x127xi32>
    %slice3A_3004 = vector.extract_strided_slice %select_n3A_2986 {offsets = [0, 0], sizes = [256, 1], strides = [1, 1]} : vector<256x128xi32> to vector<256x1xi32>
    %concatenate3A_3005 = tpu.concatenate %slice3A_3003, %slice3A_3004 in 1 : vector<256x127xi32>, vector<256x1xi32> -> vector<256x128xi32>
    %select_n3A_3006 = arith.select %ne3A_2992, %concatenate3A_3002, %concatenate3A_3005 : vector<256x128xi1>, vector<256x128xi32>
    %gt3A_3007 = arith.cmpf ogt, %select_n3A_2999, %select_n3A_2985 : vector<256x128xf32>
    %eq3A_3008 = arith.cmpf oeq, %select_n3A_2999, %select_n3A_2985 : vector<256x128xf32>
    %gt3A_3009 = arith.cmpi sgt, %select_n3A_3006, %select_n3A_2986 : vector<256x128xi32>
    %and3A_3010 = arith.andi %eq3A_3008, %gt3A_3009 : vector<256x128xi1>
    %or3A_3011 = arith.ori %gt3A_3007, %and3A_3010 : vector<256x128xi1>
    %eq3A_3012 = arith.cmpf oeq, %select_n3A_2999, %select_n3A_2985 : vector<256x128xf32>
    %eq3A_3013 = arith.cmpi eq, %select_n3A_3006, %select_n3A_2986 : vector<256x128xi32>
    %and3A_3014 = arith.andi %eq3A_3012, %eq3A_3013 : vector<256x128xi1>
    %or3A_3015 = arith.ori %or3A_3011, %and3A_3014 : vector<256x128xi1>
    %not3A_3016 = arith.constant dense<true> : vector<256x128xi1>
    %not3A_3017 = arith.xori %or3A_3015, %not3A_3016 : vector<256x128xi1>
    %and3A_3018 = arith.constant 128 : i32
    %and3A_3019 = vector.broadcast %and3A_3018 : i32 to vector<256x128xi32>
    %and3A_3020 = arith.andi %iota3A_1664, %and3A_3019 : vector<256x128xi32>
    %eq3A_3021 = arith.constant 0 : i32
    %eq3A_3022 = vector.broadcast %eq3A_3021 : i32 to vector<256x128xi32>
    %eq3A_3023 = arith.cmpi eq, %and3A_3020, %eq3A_3022 : vector<256x128xi32>
    %not3A_3024 = arith.constant dense<true> : vector<256x128xi1>
    %not3A_3025 = arith.xori %ne3A_2992, %not3A_3024 : vector<256x128xi1>
    %eq3A_3026 = arith.xori %not3A_3025, %eq3A_3023 : vector<256x128xi1>
    %eq3A_3027 = arith.constant dense<true> : vector<256x128xi1>
    %eq3A_3028 = arith.xori %eq3A_3026, %eq3A_3027 : vector<256x128xi1>
    %and3A_3029 = arith.andi %eq3A_3028, %not3A_3017 : vector<256x128xi1>
    %not3A_3030 = arith.constant dense<true> : vector<256x128xi1>
    %not3A_3031 = arith.xori %eq3A_3028, %not3A_3030 : vector<256x128xi1>
    %and3A_3032 = arith.andi %not3A_3031, %or3A_3011 : vector<256x128xi1>
    %or3A_3033 = arith.ori %and3A_3029, %and3A_3032 : vector<256x128xi1>
    %select_n3A_3034 = arith.select %or3A_3033, %select_n3A_3006, %select_n3A_2986 : vector<256x128xi1>, vector<256x128xi32>
    %jit3A_3035 = arith.constant 8 : i32
    %div3A_3036 = arith.divsi %arg0, %jit3A_3035 : i32
    %sign3A = arith.constant 0 : i32
    %sign3A_3037 = arith.cmpi sgt, %arg0, %sign3A : i32
    %sign3A_3038 = arith.extui %sign3A_3037 : i1 to i32
    %sign3A_3039 = arith.constant 0 : i32
    %sign3A_3040 = arith.cmpi slt, %arg0, %sign3A_3039 : i32
    %sign3A_3041 = arith.extui %sign3A_3040 : i1 to i32
    %sign3A_3042 = arith.subi %sign3A_3038, %sign3A_3041 : i32
    %sign3A_3043 = arith.constant 0 : i32
    %sign3A_3044 = arith.cmpi sgt, %jit3A_3035, %sign3A_3043 : i32
    %sign3A_3045 = arith.extui %sign3A_3044 : i1 to i32
    %sign3A_3046 = arith.constant 0 : i32
    %sign3A_3047 = arith.cmpi slt, %jit3A_3035, %sign3A_3046 : i32
    %sign3A_3048 = arith.extui %sign3A_3047 : i1 to i32
    %sign3A_3049 = arith.subi %sign3A_3045, %sign3A_3048 : i32
    %ne3A_3050 = arith.cmpi ne, %sign3A_3042, %sign3A_3049 : i32
    %rem3A = arith.remsi %arg0, %jit3A_3035 : i32
    %ne3A_3051 = arith.constant 0 : i32
    %ne3A_3052 = arith.cmpi ne, %rem3A, %ne3A_3051 : i32
    %and3A_3053 = arith.andi %ne3A_3050, %ne3A_3052 : i1
    %sub3A_3054 = arith.constant 1 : i32
    %sub3A_3055 = arith.subi %div3A_3036, %sub3A_3054 : i32
    %select_n3A_3056 = arith.select %and3A_3053, %sub3A_3055, %div3A_3036 : i32
    %slice3A_3057 = vector.extract_strided_slice %select_n3A_3034 {offsets = [0, 28], sizes = [256, 100], strides = [1, 1]} : vector<256x128xi32> to vector<256x100xi32>
    %slice3A_3058 = vector.extract_strided_slice %select_n3A_3034 {offsets = [0, 0], sizes = [256, 28], strides = [1, 1]} : vector<256x128xi32> to vector<256x28xi32>
    %concatenate3A_3059 = tpu.concatenate %slice3A_3057, %slice3A_3058 in 1 : vector<256x100xi32>, vector<256x28xi32> -> vector<256x128xi32>
    %mul3A_3060 = arith.constant 2048 : i32
    %mul3A_3061 = arith.muli %select_n3A_3056, %mul3A_3060 : i32
    %add3A_3062 = vector.broadcast %mul3A_3061 : i32 to vector<256x128xi32>
    %add3A_3063 = arith.addi %concatenate3A_3059, %add3A_3062 : vector<256x128xi32>
    %max3A_3064 = arith.constant 0 : i32
    %max3A_3065 = vector.broadcast %max3A_3064 : i32 to vector<256x128xi32>
    %max3A_3066 = arith.maxsi %add3A_3063, %max3A_3065 : vector<256x128xi32>
    %swap3A = arith.constant 0 : index
    %swap3A_3067 = arith.constant 0 : index
    %swap3A_3068 = vector.load %arg2[%swap3A, %swap3A_3067] : memref<256x128xi32, #tpu.memory_space<vmem>>, vector<256x128xi32>
    tpu.vector_store %arg2[%swap3A, %swap3A_3067], %max3A_3066 {strides = array<i32>} : memref<256x128xi32, #tpu.memory_space<vmem>>, vector<256x128xi32>,
    return
  }
  func.func @transform_0(%arg0: i32) -> (i32, i32) {
    %c0_i32 = arith.constant 0 : i32
    %c0_i32_0 = arith.constant 0 : i32
    return %arg0, %c0_i32 : i32, i32
  }
  func.func @transform_1(%arg0: i32) -> (i32, i32) {
    %c0_i32 = arith.constant 0 : i32
    %c0_i32_0 = arith.constant 0 : i32
    return %arg0, %c0_i32 : i32, i32
  }
}

</mosaic_0001>

<sc_bundles>
// kernel: kernel.5.cloned.1.call-start
scs
__scs_entry_jumppad:
0x0: {  	(pc) =	sbr.rel $0x88, $3  }
0x1: {  	(tag) =	ssettag $0x0;
	lr =	simm.s32 $0x1  }
0x2: {  	[smem:$0x3F9E] =	sst lr;
	_ =	strace $0xD0000000  }
0x3: {  	_ = 	snop  }
0x4: {  	_ = 	snop  }
0x5: {  	_ = 	snop  }
0x6: {  	_ = 	snop  }
0x7: {  	_ = 	snop  }
__scs_overlays_trampoline_lowered:
0x8: {  	[smem:$0x3FAD] =	sst s0  }
0x9: {  	[smem:$0x3FAE] =	sst s1  }
0xa: {  	[smem:$0x3FAF] =	sst s2  }
0xb: {  	[smem:$0x3FB0] =	sst s3  }
0xc: {  	[smem:$0x3FB1] =	sst s4  }
0xd: {  	[smem:$0x3FB2] =	sst s5  }
0xe: {  	[smem:$0x3FB3] =	sst s6  }
0xf: {  	[smem:$0x3FB4] =	sst s7  }
0x10: {  	[smem:$0x3FB5] =	sst s8  }
0x11: {  	[smem:$0x3FB6] =	sst s9;
	s0 =	simm.s32 @!p0 $0x0  }
0x12: {  	s1 =	sld [smem:$0x3F9C];
	s0 =	simm.s32 @p0 $0x1  }
0x13: {  	[smem:$0x3FB7] =	sst s0;
	s0 =	simm.s32 @!p1 $0x0  }
0x14: {  	s2 =	sld [smem:$0x3F9B];
	s0 =	simm.s32 @p1 $0x1  }
0x15: {  	[smem:$0x3FB8] =	sst s0;
	s0 =	simm.s32 @!p2 $0x0  }
0x16: {  	s3 =	sld [smem:$0x3FDB];
	s0 =	simm.s32 @p2 $0x1  }
0x17: {  	s4 =	simm.s32 $0x1BF5;
	[smem:$0x3FBA] =	sst s0  }
0x18: {  	s0 =	sld [smem:$0x3F9D];
	_ =	swait.ge [sflag:s4], $0x0  }
0x19: {  	s7 =	sld [smem:$0x3F9E]  }
0x1a: {  	s8 =	sadd.s32 $0xFFFFE003, lr  }
0x1b: {  	s9 =	sadd.s32 $0xFFFFFEF7, lr;
	s5 =	simm.s32 $0xFFFFFFFF;
	p2 =	slt.u32 s8, $0xFFFFF086  }
0x1c: {  	p1 =	slt.u32 s9, $0xF7A;
	s5 =	simm.s32 @!p2 $0x0  }
0x1d: {  	s5 =	simm.s32 @p1 $0x1;
	p0 =	seq.s32 s7, s2  }
0x1e: {  	s7 =	smul.u32 @!p0 $0xF7A, s2;
	p2 =	seq.s32 @!p0 s5, $0x0  }
0x1f: {  	s9 =	smul.u32 $0xF7A, s1;
	s8 =	simm.s32 @!p0 $0x1BF5;
	p2 =	por !p2, p0  }
0x20: {  	[sflag:s8] =	ssyncset.s32 @!p0 $0xFFFFF086;
	s6 =	sadd.s32 @!p0 s3, s7;
	s7 =	simm.s32 @!p0 $0x108  }
0x21: {  	s3 =	sadd.s32 s3, s9;
	s6 =	sadd.s32 @!p0 $0x88, s6;
	s7 =	simm.s32 @p2 $0x1082  }
0x22: {  	[simem:s7], [sflag:s8] =	dma.local @!p0 [hbm:s6], $0xF7A  }
0x23: {  	s9 =	sor.u32 $0xD0000000, s2;
	s6 =	simm.s32 $0x108;
	_ =	swait.ge @!p0 [sflag:s8], $0x0  }
0x24: {  	s3 =	sadd.s32 $0x88, s3;
	s6 =	simm.s32 @!p1 $0x1082;
	[sflag:s4] =	ssyncset.s32 $0xFFFFF086  }
0x25: {  	[simem:s6], [sflag:s4] =	dma.local [hbm:s3], $0xF7A  }
0x26: {  	[smem:$0x3F9E] =	sst s1;
	(tag) =	ssettag s2;
	_ =	strace s9  }
0x27: {  	s1 =	sld [smem:$0x3FAE]  }
0x28: {  	s2 =	sld [smem:$0x3FAF]  }
0x29: {  	s4 =	sld [smem:$0x3FB1]  }
0x2a: {  	p0 =	seq.s32 s5, $0x0;
	s5 =	sld [smem:$0x3FB2]  }
0x2b: {  	s6 =	sld [smem:$0x3FB3]  }
0x2c: {  	s7 =	sld [smem:$0x3FB4]  }
0x2d: {  	s3 =	simm.s32 $0x108;
	s8 =	sld [smem:$0x3FB5]  }
0x2e: {  	s3 =	simm.s32 @!p0 $0x1082;
	s9 =	sld [smem:$0x3FB6]  }
0x2f: {  	lr =	sadd.s32 s0, s3;
	s0 =	sld [smem:$0x3FAD]  }
0x30: {  	s3 =	sld [smem:$0x3FB0]  }
0x31: {  	[smem:$0x3FB9] =	sst s10  }
0x32: {  	s10 =	sld [smem:$0x3FB7];
	_ =	sdelay $0x3  }
0x33: {  	p0 =	seq.s32 s10, $0x1;
	s10 =	sld [smem:$0x3FB9];
	_ =	sdelay $0x3  }
0x34: {  	[smem:$0x3FB9] =	sst s10  }
0x35: {  	s10 =	sld [smem:$0x3FB8];
	_ =	sdelay $0x3  }
0x36: {  	p1 =	seq.s32 s10, $0x1;
	s10 =	sld [smem:$0x3FB9];
	_ =	sdelay $0x3  }
0x37: {  	[smem:$0x3FB9] =	sst s10  }
0x38: {  	s10 =	sld [smem:$0x3FBA]  }
0x39: {  	_ = 	snop;
	(pc) =	sbr.ind lr, $3  }
0x3a: {  	_ = 	snop  }
0x3b: {  	_ = 	snop  }
0x3c: {  	p2 =	seq.s32 s10, $0x1;
	s10 =	sld [smem:$0x3FB9]  }
0x3d: {  	_ =	shalt  }
0x3e: {  	_ =	shalt  }
0x3f: {  	_ =	shalt  }
0x40: {  	_ =	shalt  }
0x41: {  	_ =	shalt  }
0x42: {  	_ =	shalt  }
0x43: {  	_ =	shalt  }
0x44: {  	_ =	shalt  }
0x45: {  	_ =	shalt  }
0x46: {  	_ =	shalt  }
0x47: {  	_ =	shalt  }
0x48: {  	_ =	shalt  }
0x49: {  	_ =	shalt  }
0x4a: {  	_ =	shalt  }
0x4b: {  	_ =	shalt  }
0x4c: {  	_ =	shalt  }
0x4d: {  	_ =	shalt  }
0x4e: {  	_ =	shalt  }
0x4f: {  	_ =	shalt  }
0x50: {  	_ =	shalt  }
0x51: {  	_ =	shalt  }
0x52: {  	_ =	shalt  }
0x53: {  	_ =	shalt  }
0x54: {  	_ =	shalt  }
0x55: {  	_ =	shalt  }
0x56: {  	_ =	shalt  }
0x57: {  	_ =	shalt  }
0x58: {  	_ =	shalt  }
0x59: {  	_ =	shalt  }
0x5a: {  	_ =	shalt  }
0x5b: {  	_ =	shalt  }
0x5c: {  	_ =	shalt  }
0x5d: {  	_ =	shalt  }
0x5e: {  	_ =	shalt  }
0x5f: {  	_ =	shalt  }
0x60: {  	_ =	shalt  }
0x61: {  	_ =	shalt  }
0x62: {  	_ =	shalt  }
0x63: {  	_ =	shalt  }
0x64: {  	_ =	shalt  }
0x65: {  	_ =	shalt  }
0x66: {  	_ =	shalt  }
0x67: {  	_ =	shalt  }
0x68: {  	_ =	shalt  }
0x69: {  	_ =	shalt  }
0x6a: {  	_ =	shalt  }
0x6b: {  	_ =	shalt  }
0x6c: {  	_ =	shalt  }
0x6d: {  	_ =	shalt  }
0x6e: {  	_ =	shalt  }
0x6f: {  	_ =	shalt  }
0x70: {  	_ =	shalt  }
0x71: {  	_ =	shalt  }
0x72: {  	_ =	shalt  }
0x73: {  	_ =	shalt  }
0x74: {  	_ =	shalt  }
0x75: {  	_ =	shalt  }
0x76: {  	_ =	shalt  }
0x77: {  	_ =	shalt  }
0x78: {  	_ =	shalt  }
0x79: {  	_ =	shalt  }
0x7a: {  	_ =	shalt  }
0x7b: {  	_ =	shalt  }
0x7c: {  	_ =	shalt  }
0x7d: {  	_ =	shalt  }
0x7e: {  	_ =	shalt  }
0x7f: {  	_ =	shalt  }
0x80: {  	_ =	shalt  }
0x81: {  	_ =	shalt  }
0x82: {  	_ =	shalt  }
0x83: {  	_ =	shalt  }
0x84: {  	_ =	shalt  }
0x85: {  	_ =	shalt  }
0x86: {  	_ =	shalt  }
0x87: {  	_ =	shalt  }
.Lfunc_end0:
.L_simem_size_0:
called_computation.1_lowered:
.L_overlay_start_0:
0x88: {  	s2 =	sld [smem:$0x3FD9]  }
0x89: {  	s3 =	sld [smem:$0x3FFE];
	_ =	sdelay $0x1  }
0x8a: {  	s1 =	srdreg.scid  }
0x8b: {  	s0 =	sand.u32 $0x1, s1  }
0x8c: {  	s14 =	sshll.u32 s0, $0xA;
	s2 =	sadd.s32 s3, s2  }
0x8d: {  	s2 =	sadd.s32 s2, s14  }
0x8e: {  	[smem:$0x3FC5] =	sst s2  }
0x8f: {  	_ = 	snop  }
0x90: {  	s2 =	sld [smem:$0x3FD0];
	_ =	sdelay $0x2  }
0x91: {  	s15 =	simm.s32 $0xA;
	s4 =	simm.s32 $0x10  }
0x92: {  	[smem:s4], [sflag:s15] =	dma.local [hbm:s2], $0x1  }
0x93: {  	_ =	swait.eq [sflag:s15], $0x1  }
0x94: {  	[sflag:s15] =	ssyncset.done $0x0  }
0x95: {  	[sflag:s15] =	ssyncadd.s32 $0xFFFFFFFF  }
0x96: {  	s16 =	sld [smem:$0x10];
	(tm) =	ssettm $0x1  }
0x97: {  	s17 =	sld [smem:$0x3FFB];
	_ =	sdelay $0x3  }
0x98: {  	_ =	strace s17  }
0x99: {  	s3 =	sld [smem:$0x3FFC];
	_ =	sdelay $0x3  }
0x9a: {  	_ =	strace s3  }
0x9b: {  	s3 =	sld [smem:$0x3FFD];
	_ =	sdelay $0x3  }
0x9c: {  	_ =	strace s3  }
0x9d: {  	_ =	strace $0x8FFFFFFF  }
0x9e: {  	s18 =	sld [smem:$0x3FDB];
	_ =	sdelay $0x1  }
0x9f: {  	s19 =	simm.s32 $_scs_section_size  }
0xa0: {  	s5 =	simm.s32 $_size__tile_overlayer_lowered;
	s6 =	simm.s32 $_tile_overlayer_lowered  }
0xa1: {  	s22 =	simm.s32 $0x1BFF;
	s21 =	sshll.u32 s6, $0x1;
	s3 =	sadd.s32 s19, s18  }
0xa2: {  	s7 =	simm.s32 $0x0;
	s20 =	sshll.u32 s5, $0x1;
	s5 =	sadd.s32 s21, s3  }
0xa3: {  	[timem:s7], [sflag:s22] =	dma.local [hbm:s5], s20  }
0xa4: {  	_ =	swait.ge [sflag:s22], s20  }
0xa5: {  	s4 =	ssub.s32 $0x0, s20;
	[sflag:s22] =	ssyncset.done $0x0  }
0xa6: {  	[sflag:s22] =	ssyncadd.s32 s4;
	_ =	sdelay $0x1  }
0xa7: {  	s23 =	simm.s32 $0x1B8B  }
0xa8: {  	_ =	swait.ge [sflag:s23], $0x1  }
0xa9: {  	[sflag:s23] =	ssyncset.done $0x0  }
0xaa: {  	s25 =	simm.s32 $0x1B8E;
	s24 =	sld [smem:$0x3FFE];
	[sflag:s23] =	ssyncadd.s32 $0xFFFFFFFF  }
0xab: {  	s26 =	simm.s32 $execute0_lowered;
	[smem:$0x3FD2] =	sst s25  }
0xac: {  	s5 =	sshll.u32 s26, $0x1;
	_ =	strace $0x80000046;
	[dreg:$0x1] =	wrdreg $0xFFFFFFFF  }
0xad: {  	s28 =	simm.s32 $_size_execute0_lowered;
	s3 =	sadd.s32 s3, s5;
	[dreg:$0x0] =	wrdreg $0x0  }
0xae: {  	s5 =	sshll.u32 s28, $0x1;
	[dreg:$0x2] =	wrdreg s3  }
0xaf: {  	[dreg:$0x3] =	wrdreg s5  }
0xb0: {  	[dreg:$0x4] =	wrdreg $0xC0  }
0xb1: {  	_ =	task [dreg:s7], $0x5FFFF  }
0xb2: {  	[dreg:$0x1] =	wrdreg $0xFFFFFFFF  }
0xb3: {  	[dreg:$0x0] =	wrdreg $0x60  }
0xb4: {  	[dreg:$0x2] =	wrdreg s24  }
0xb5: {  	[dreg:$0x3] =	wrdreg s16  }
0xb6: {  	[dreg:$0x4] =	wrdreg $0x9  }
0xb7: {  	_ =	task.clear_ibuf [dreg:s7], $0x5FFFF;
	_ =	strace $0x90000046  }
0xb8: {  	s29 =	simm.s32 $0x9;
	_ =	strace $0x80000048  }
0xb9: {  	_ =	swait.ge [sflag:s29], $0x1  }
0xba: {  	[sflag:s29] =	ssyncadd.s32 $0xFFFFFFFF  }
0xbb: {  	_ =	strace $0x90000048  }
0xbc: {  	_ =	sfence  }
0xbd: {  	s30 =	sld [smem:$0x0];
	_ =	sdelay $0x2  }
0xbe: {  	s31 =	sshll.u32 s1, $0xD;
	s1 =	sshrl.u32 s1, $0x2  }
0xbf: {  	s3 =	sand.u32 $0x4000, s31;
	s1 =	sadd.s32 s1, s30  }
0xc0: {  	s0 =	sor.u32 s3, s0;
	s1 =	sshll.u32 s1, $0x11  }
0xc1: {  	s0 =	sor.u32 s1, s0  }
0xc2: {  	s0 =	sadd.s32 $0x8F2B, s0  }
0xc3: {  	[sflag:s0] =	ssyncadd.remote.s32 $0x1  }
0xc4: {  	_ =	sfence.sel $0xFFFF  }
0xc5: {  	[dreg:$0x0] =	wrdreg $0xFFFFFFFF;
	(pc) =	sbr.abs _section_cstart, $3  }
0xc6: {  	[dreg:$0x1] =	wrdreg $0xFFFFFFFF  }
0xc7: {  	_ =	task.clear_ibuf [dreg:s7], $0x2FFFF;
	_ =	strace $0x9FFFFFFF  }
0xc8: {  	(tm) =	ssettm $0x7FFFFFFF  }
0xc9: {  	_ =	shalt  }
tec
execute0_lowered:
.L_overlay_start_1:
0x0: {  	(tag) =	ssettag $0x1  }
0x1: {  	s1 =	srdreg.scid;
	s5 =	rddreg [dreg:$0x0]  }
0x2: {  	s0 =	stileid.u32;
	s2 =	rddreg [dreg:$0x1]  }
0x3: {  	s3 =	simm.s32 $0x0;
	s11 =	simm.s32 $0x68;
	s12 =	simm.s32 $0xC000  }
0x4: {  	s13 =	simm.s32 $0x80;
	s14 =	simm.s32 $0xDA00;
	s15 =	simm.s32 $0xF400  }
0x5: {  	s16 =	simm.s32 $0x10E00;
	s17 =	simm.s32 $0x1;
	s18 =	simm.s32 $0x2  }
0x6: {  	s19 =	simm.s32 $0x0;
	s4 =	sand.u32 $0x1, s1;
	s1 =	rddreg [dreg:$0x2]  }
0x7: {  	s31 =	sshll.u32 s0, $0x1;
	[smem:$0x7FF] =	sst s3;
	s8 =	smul.u32 $0x600, s0  }
0x8: {  	s6 =	sor.u32 s4, s31;
	s7 =	ssub.s32 $0x2, s4;
	s10 =	smul.u32 $0x300, s4  }
0x9: {  	_ =	strace $0x80000047;
	s6 =	smul.u32 $0x3000, s6;
	s9 =	sshrl.u32 s7, $0x1  }
0xa: {  	s4 =	sadd.s32 $0x1200, s5;
	s9 =	ssub.s32 s7, s9;
	s7 =	sadd.s32 s10, s8  }
0xb: {  	s10 =	simm.s32 $0x3;
	s6 =	sadd.s32 s6, s5;
	s8 =	smax.u32 s9, $0x1  }
0xc: {  	s9 =	sadd.s32 $0x180, s7;
	s5 =	sadd.s32 $0x31200, s6;
	s6 =	sadd.s32 $0x32A00, s6  }
.LBB2_1:
0xd: {  	[tilespmem:s3], [sflag:$0x3] =	stream.linear.gather [hbm4b:s5+s3], $0xC000, $0x38;
	[tilespmem:$0x12800] =	vst v63  }
0xe: {  	_ =	swait.ge [sflag:s10], $0xC000  }
0xf: {  	[sflag:s10] =	ssyncset.done $0x0  }
0x10: {  	[sflag:s10] =	ssyncadd.s32 $0xFFFF4000  }
0x11: {  	[tilespmem:s12], [sflag:$0x1] =	stream.indirect.gather [hbm4b:s4+s11], $0x40, s3, s11, $0xb8;
	[tilespmem:$0x12800] =	vst v63  }
0x12: {  	_ = 	snop  }
0x13: {  	[tilespmem:s14], [sflag:$0x1] =	stream.indirect.gather [hbm4b:s4+s11], $0x40, s13, s11, $0xb8;
	[tilespmem:$0x12800] =	vst v63  }
0x14: {  	s20 =	simm.s32 $0x100  }
0x15: {  	[tilespmem:s15], [sflag:$0x2] =	stream.indirect.gather [hbm4b:s4+s11], $0x40, s20, s11, $0xb8;
	[tilespmem:$0x12800] =	vst v63  }
0x16: {  	s25 =	sshrl.u32 s7, $0xB;
	s21 =	simm.s32 $0x180  }
0x17: {  	[tilespmem:s16], [sflag:$0x2] =	stream.indirect.gather [hbm4b:s4+s11], $0x40, s21, s11, $0xb8;
	[tilespmem:$0x12800] =	vst v63  }
0x18: {  	s26 =	sand.u32 $0x7FC, s7;
	s20 =	smul.u32 $0xC80000, s25;
	_ =	swait.ge [sflag:s17], $0x1A00  }
0x19: {  	s21 =	smul.u32 $0x1900, s26;
	[sflag:s17] =	ssyncset.done $0x0  }
0x1a: {  	[sflag:s17] =	ssyncadd.s32 $0xFFFFE600  }
0x1b: {  	s20 =	sadd.s32 s21, s20;
	_ =	swait.ge [sflag:s17], $0x1A00  }
0x1c: {  	s20 =	sshrl.u32 s20, $0x3;
	[sflag:s17] =	ssyncset.done $0x0  }
0x1d: {  	s20 =	sadd.s32 s2, s20;
	[sflag:s17] =	ssyncadd.s32 $0xFFFFE600  }
0x1e: {  	[hbm4b:s20+s3] =	stream.linear.scatter [tilespmem:s12], [sflag:$0x3], $0x1900, $0x38;
	[tilespmem:$0x12800] =	vst v63  }
0x1f: {  	_ =	swait.ge [sflag:s10], $0x1900  }
0x20: {  	[sflag:s10] =	ssyncset.done $0x0  }
0x21: {  	p0 =	por $0x0, $0x0;
	s20 =	sadd.s32 $0x320, s20;
	[sflag:s10] =	ssyncadd.s32 $0xFFFFE700  }
0x22: {  	[hbm4b:s20+s3] =	stream.linear.scatter [tilespmem:s14], [sflag:$0x3], $0x1900, $0x38;
	[tilespmem:$0x12800] =	vst v63  }
0x23: {  	p1 =	por p0, p0;
	_ =	swait.ge [sflag:s10], $0x1900  }
0x24: {  	s23 =	sadd.s32 $0x2, s7;
	s22 =	simm.s32 @!p1 $0xC000;
	[sflag:s10] =	ssyncset.done $0x0  }
0x25: {  	s21 =	simm.s32 @!p1 $0x68;
	s20 =	simm.s32 @!p0 $0x200;
	[sflag:s10] =	ssyncadd.s32 $0xFFFFE700  }
0x26: {  	[tilespmem:s22], [sflag:$0x1] =	stream.indirect.gather @!p1 [hbm4b:s4+s21], $0x40, s20, s21, $0xb8;
	[tilespmem:$0x12800] =	vst v63  }
0x27: {  	s28 =	sand.u32 $0x7FE, s23;
	s24 =	simm.s32 @!p1 $0xDA00;
	s20 =	simm.s32 @!p0 $0x280  }
0x28: {  	[tilespmem:s24], [sflag:$0x1] =	stream.indirect.gather @!p1 [hbm4b:s4+s21], $0x40, s20, s21, $0xb8;
	[tilespmem:$0x12800] =	vst v63  }
0x29: {  	s29 =	sshrl.u32 s23, $0xB;
	s30 =	smul.u32 $0x1900, s28;
	_ =	swait.ge [sflag:s18], $0x1A00  }
0x2a: {  	s23 =	simm.s32 $0x800;
	s20 =	smul.u32 $0xC80000, s29;
	[sflag:s18] =	ssyncset.done $0x0  }
0x2b: {  	p0 =	por $0x0, $0x0;
	s22 =	sadd.s32 $0x4, s7;
	[sflag:s18] =	ssyncadd.s32 $0xFFFFE600  }
0x2c: {  	s24 =	simm.s32 $0x1000;
	s20 =	sadd.s32 s30, s20;
	_ =	swait.ge [sflag:s18], $0x1A00  }
0x2d: {  	s21 =	simm.s32 @!p0 $0x400;
	s20 =	sshrl.u32 s20, $0x3;
	[sflag:s18] =	ssyncset.done $0x0  }
0x2e: {  	s31 =	sadd.s32 s2, s20;
	s20 =	simm.s32 @!p0 $0x480;
	[sflag:s18] =	ssyncadd.s32 $0xFFFFE600  }
0x2f: {  	[hbm4b:s31+s3] =	stream.linear.scatter [tilespmem:s15], [sflag:$0x3], $0x1900, $0x38;
	[tilespmem:$0x12800] =	vst v63  }
0x30: {  	p0 =	por p0, p0;
	s25 =	sadd.s32 $0x320, s31;
	_ =	swait.ge [sflag:s10], $0x1900  }
.LBB2_2:
0x31: {  	p2 =	seq.s32 s24, $0x2F800  }
0x32: {  	s26 =	sshra.s32 s23, $0x2;
	[sflag:s10] =	ssyncset.done $0x0;
	s23 =	smov.u32 s24  }
0x33: {  	s24 =	sadd.s32 $0x800, s24;
	s28 =	sshra.s32 @!p2 s23, $0x2;
	[sflag:s10] =	ssyncadd.s32 $0xFFFFE700  }
0x34: {  	[hbm4b:s25+s3] =	stream.linear.scatter [tilespmem:s16], [sflag:$0x3], $0x1900, $0x38;
	[tilespmem:$0x12800] =	vst v63  }
0x35: {  	s29 =	sadd.s32 @!p2 $0x200, s28;
	s25 =	sadd.s32 @!p2 $0x280, s28;
	_ =	swait.ge [sflag:s10], $0x1900  }
0x36: {  	p1 =	sne.s32 s24, $0x30000;
	s28 =	sadd.s32 $0x100, s26;
	[sflag:s10] =	ssyncset.done $0x0  }
0x37: {  	s30 =	sshrl.u32 s22, $0xB;
	s31 =	sand.u32 $0x7FC, s22;
	[sflag:s10] =	ssyncadd.s32 $0xFFFFE700  }
0x38: {  	[tilespmem:s15], [sflag:$0x2] =	stream.indirect.gather [hbm4b:s4+s11], $0x40, s28, s11, $0xb8;
	[tilespmem:$0x12800] =	vst v63  }
0x39: {  	s26 =	sadd.s32 $0x180, s26;
	s28 =	smul.u32 $0xC80000, s30  }
0x3a: {  	[tilespmem:s16], [sflag:$0x2] =	stream.indirect.gather [hbm4b:s4+s11], $0x40, s26, s11, $0xb8;
	[tilespmem:$0x12800] =	vst v63  }
0x3b: {  	s26 =	smul.u32 $0x1900, s31;
	_ =	swait.ge [sflag:s17], $0x1A00  }
0x3c: {  	[sflag:s17] =	ssyncset.done $0x0  }
0x3d: {  	s26 =	sadd.s32 s26, s28;
	[sflag:s17] =	ssyncadd.s32 $0xFFFFE600  }
0x3e: {  	s26 =	sshrl.u32 s26, $0x3;
	_ =	swait.ge [sflag:s17], $0x1A00  }
0x3f: {  	[sflag:s17] =	ssyncset.done $0x0  }
0x40: {  	s26 =	sadd.s32 s2, s26;
	[sflag:s17] =	ssyncadd.s32 $0xFFFFE600  }
0x41: {  	[hbm4b:s26+s3] =	stream.linear.scatter [tilespmem:s12], [sflag:$0x3], $0x1900, $0x38;
	[tilespmem:$0x12800] =	vst v63  }
0x42: {  	_ =	swait.ge [sflag:s10], $0x1900  }
0x43: {  	s26 =	sadd.s32 $0x320, s26;
	[sflag:s10] =	ssyncset.done $0x0  }
0x44: {  	s30 =	simm.s32 @!p0 $0xC000;
	s28 =	simm.s32 @!p0 $0x68;
	[sflag:s10] =	ssyncadd.s32 $0xFFFFE700  }
0x45: {  	[hbm4b:s26+s3] =	stream.linear.scatter [tilespmem:s14], [sflag:$0x3], $0x1900, $0x38;
	[tilespmem:$0x12800] =	vst v63  }
0x46: {  	_ =	swait.ge [sflag:s10], $0x1900  }
0x47: {  	s26 =	sadd.s32 $0x2, s22;
	[sflag:s10] =	ssyncset.done $0x0  }
0x48: {  	s31 =	sshrl.u32 s26, $0xB;
	s26 =	sand.u32 $0x7FE, s26;
	[sflag:s10] =	ssyncadd.s32 $0xFFFFE700  }
0x49: {  	[tilespmem:s30], [sflag:$0x1] =	stream.indirect.gather @!p0 [hbm4b:s4+s28], $0x40, s21, s28, $0xb8;
	[tilespmem:$0x12800] =	vst v63  }
0x4a: {  	s26 =	smul.u32 $0x1900, s26;
	s21 =	smov.u32 s29  }
0x4b: {  	s29 =	simm.s32 @!p0 $0xDA00;
	s30 =	smul.u32 $0xC80000, s31  }
0x4c: {  	[tilespmem:s29], [sflag:$0x1] =	stream.indirect.gather @!p0 [hbm4b:s4+s28], $0x40, s20, s28, $0xb8;
	[tilespmem:$0x12800] =	vst v63  }
0x4d: {  	s26 =	sadd.s32 s26, s30;
	s20 =	smov.u32 s25;
	_ =	swait.ge [sflag:s18], $0x1A00  }
0x4e: {  	s25 =	sshrl.u32 s26, $0x3;
	p0 =	por p2, p2;
	[sflag:s18] =	ssyncset.done $0x0  }
0x4f: {  	[sflag:s18] =	ssyncadd.s32 $0xFFFFE600  }
.Ltmp0:
0x50: {  	_ =	swait.ge [sflag:s18], $0x1A00;
	(pc) =	sbr.rel @p1 .LBB2_2-.Ltmp0, $4  }
0x51: {  	s26 =	sadd.s32 s2, s25;
	[sflag:s18] =	ssyncset.done $0x0  }
0x52: {  	s25 =	sadd.s32 $0x320, s26;
	[sflag:s18] =	ssyncadd.s32 $0xFFFFE600  }
0x53: {  	[hbm4b:s26+s3] =	stream.linear.scatter [tilespmem:s15], [sflag:$0x3], $0x1900, $0x38;
	[tilespmem:$0x12800] =	vst v63  }
0x54: {  	s22 =	sadd.s32 $0x4, s22;
	_ =	swait.ge [sflag:s10], $0x1900  }
0x55: {  	[sflag:s10] =	ssyncset.done $0x0  }
0x56: {  	[sflag:s10] =	ssyncadd.s32 $0xFFFFE700  }
0x57: {  	[hbm4b:s25+s3] =	stream.linear.scatter [tilespmem:s16], [sflag:$0x3], $0x1900, $0x38;
	[tilespmem:$0x12800] =	vst v63  }
0x58: {  	_ =	swait.ge [sflag:s10], $0x1900  }
0x59: {  	s23 =	sshra.s32 s23, $0x2;
	[sflag:s10] =	ssyncset.done $0x0  }
0x5a: {  	s24 =	sadd.s32 $0x100, s23;
	[sflag:s10] =	ssyncadd.s32 $0xFFFFE700  }
0x5b: {  	[tilespmem:s15], [sflag:$0x2] =	stream.indirect.gather [hbm4b:s4+s11], $0x40, s24, s11, $0xb8;
	[tilespmem:$0x12800] =	vst v63  }
0x5c: {  	s26 =	sshrl.u32 s22, $0xB;
	s23 =	sadd.s32 $0x180, s23  }
0x5d: {  	[tilespmem:s16], [sflag:$0x2] =	stream.indirect.gather [hbm4b:s4+s11], $0x40, s23, s11, $0xb8;
	[tilespmem:$0x12800] =	vst v63  }
0x5e: {  	s28 =	sand.u32 $0x7FC, s22;
	s24 =	smul.u32 $0xC80000, s26;
	_ =	swait.ge [sflag:s17], $0x1A00  }
0x5f: {  	s23 =	smul.u32 $0x1900, s28;
	[sflag:s17] =	ssyncset.done $0x0  }
0x60: {  	[sflag:s17] =	ssyncadd.s32 $0xFFFFE600  }
0x61: {  	s23 =	sadd.s32 s23, s24;
	_ =	swait.ge [sflag:s17], $0x1A00  }
0x62: {  	s23 =	sshrl.u32 s23, $0x3;
	[sflag:s17] =	ssyncset.done $0x0  }
0x63: {  	s23 =	sadd.s32 s2, s23;
	[sflag:s17] =	ssyncadd.s32 $0xFFFFE600  }
0x64: {  	[hbm4b:s23+s3] =	stream.linear.scatter [tilespmem:s12], [sflag:$0x3], $0x1900, $0x38;
	[tilespmem:$0x12800] =	vst v63  }
0x65: {  	_ =	swait.ge [sflag:s10], $0x1900  }
0x66: {  	[sflag:s10] =	ssyncset.done $0x0  }
0x67: {  	s23 =	sadd.s32 $0x320, s23;
	[sflag:s10] =	ssyncadd.s32 $0xFFFFE700  }
0x68: {  	[hbm4b:s23+s3] =	stream.linear.scatter [tilespmem:s14], [sflag:$0x3], $0x1900, $0x38;
	[tilespmem:$0x12800] =	vst v63  }
0x69: {  	_ =	swait.ge [sflag:s10], $0x1900  }
0x6a: {  	s29 =	sadd.s32 $0x2, s22;
	[sflag:s10] =	ssyncset.done $0x0  }
0x6b: {  	s24 =	simm.s32 @!p0 $0xC000;
	s23 =	simm.s32 @!p0 $0x68;
	[sflag:s10] =	ssyncadd.s32 $0xFFFFE700  }
0x6c: {  	[tilespmem:s24], [sflag:$0x1] =	stream.indirect.gather @!p0 [hbm4b:s4+s23], $0x40, s21, s23, $0xb8;
	[tilespmem:$0x12800] =	vst v63  }
0x6d: {  	s30 =	sand.u32 $0x7FE, s29;
	s24 =	simm.s32 @!p0 $0xDA00  }
0x6e: {  	[tilespmem:s24], [sflag:$0x1] =	stream.indirect.gather @!p0 [hbm4b:s4+s23], $0x40, s20, s23, $0xb8;
	[tilespmem:$0x12800] =	vst v63  }
0x6f: {  	s31 =	sshrl.u32 s29, $0xB;
	s21 =	smul.u32 $0x1900, s30;
	_ =	swait.ge [sflag:s18], $0x1A00  }
0x70: {  	s20 =	smul.u32 $0xC80000, s31;
	[sflag:s18] =	ssyncset.done $0x0  }
0x71: {  	[sflag:s18] =	ssyncadd.s32 $0xFFFFE600  }
0x72: {  	s20 =	sadd.s32 s21, s20;
	_ =	swait.ge [sflag:s18], $0x1A00  }
0x73: {  	s20 =	sshrl.u32 s20, $0x3;
	[sflag:s18] =	ssyncset.done $0x0  }
0x74: {  	s20 =	sadd.s32 s2, s20;
	[sflag:s18] =	ssyncadd.s32 $0xFFFFE600  }
0x75: {  	[hbm4b:s20+s3] =	stream.linear.scatter [tilespmem:s15], [sflag:$0x3], $0x1900, $0x38;
	[tilespmem:$0x12800] =	vst v63  }
0x76: {  	_ =	swait.ge [sflag:s10], $0x1900  }
0x77: {  	[sflag:s10] =	ssyncset.done $0x0  }
0x78: {  	s20 =	sadd.s32 $0x320, s20;
	[sflag:s10] =	ssyncadd.s32 $0xFFFFE700  }
0x79: {  	[hbm4b:s20+s3] =	stream.linear.scatter [tilespmem:s16], [sflag:$0x3], $0x1900, $0x38;
	[tilespmem:$0x12800] =	vst v63  }
0x7a: {  	_ =	swait.ge [sflag:s10], $0x1900  }
0x7b: {  	[sflag:s10] =	ssyncset.done $0x0  }
0x7c: {  	s21 =	simm.s32 $0x0;
	[sflag:s10] =	ssyncadd.s32 $0xFFFFE700  }
0x7d: {  	[tilespmem:s21], [sflag:$0x3] =	stream.linear.gather [hbm4b:s6+s21], $0xC000, $0x38;
	[tilespmem:$0x12800] =	vst v63  }
0x7e: {  	_ =	swait.ge [sflag:s10], $0xC000  }
0x7f: {  	[sflag:s10] =	ssyncset.done $0x0  }
0x80: {  	[sflag:s10] =	ssyncadd.s32 $0xFFFF4000  }
0x81: {  	[tilespmem:s12], [sflag:$0x1] =	stream.indirect.gather [hbm4b:s4+s11], $0x40, s21, s11, $0xb8;
	[tilespmem:$0x12800] =	vst v63  }
0x82: {  	_ = 	snop  }
0x83: {  	[tilespmem:s14], [sflag:$0x1] =	stream.indirect.gather [hbm4b:s4+s11], $0x40, s13, s11, $0xb8;
	[tilespmem:$0x12800] =	vst v63  }
0x84: {  	s22 =	simm.s32 $0x100  }
0x85: {  	[tilespmem:s15], [sflag:$0x2] =	stream.indirect.gather [hbm4b:s4+s11], $0x40, s22, s11, $0xb8;
	[tilespmem:$0x12800] =	vst v63  }
0x86: {  	s23 =	sshrl.u32 s9, $0xB;
	s24 =	simm.s32 $0x180  }
0x87: {  	[tilespmem:s16], [sflag:$0x2] =	stream.indirect.gather [hbm4b:s4+s11], $0x40, s24, s11, $0xb8;
	[tilespmem:$0x12800] =	vst v63  }
0x88: {  	s25 =	sand.u32 $0x7FC, s9;
	s20 =	smul.u32 $0xC80000, s23;
	_ =	swait.ge [sflag:s17], $0x1A00  }
0x89: {  	s21 =	smul.u32 $0x1900, s25;
	[sflag:s17] =	ssyncset.done $0x0  }
0x8a: {  	[sflag:s17] =	ssyncadd.s32 $0xFFFFE600  }
0x8b: {  	s20 =	sadd.s32 s21, s20;
	_ =	swait.ge [sflag:s17], $0x1A00  }
0x8c: {  	s20 =	sshrl.u32 s20, $0x3;
	[sflag:s17] =	ssyncset.done $0x0  }
0x8d: {  	s20 =	sadd.s32 s2, s20;
	[sflag:s17] =	ssyncadd.s32 $0xFFFFE600  }
0x8e: {  	[hbm4b:s20+s3] =	stream.linear.scatter [tilespmem:s12], [sflag:$0x3], $0x1900, $0x38;
	[tilespmem:$0x12800] =	vst v63  }
0x8f: {  	_ =	swait.ge [sflag:s10], $0x1900  }
0x90: {  	[sflag:s10] =	ssyncset.done $0x0  }
0x91: {  	p0 =	por $0x0, $0x0;
	s20 =	sadd.s32 $0x320, s20;
	[sflag:s10] =	ssyncadd.s32 $0xFFFFE700  }
0x92: {  	[hbm4b:s20+s3] =	stream.linear.scatter [tilespmem:s14], [sflag:$0x3], $0x1900, $0x38;
	[tilespmem:$0x12800] =	vst v63  }
0x93: {  	p1 =	por p0, p0;
	_ =	swait.ge [sflag:s10], $0x1900  }
0x94: {  	s26 =	sadd.s32 $0x2, s9;
	s21 =	simm.s32 @!p1 $0x68;
	[sflag:s10] =	ssyncset.done $0x0  }
0x95: {  	s22 =	simm.s32 @!p1 $0xC000;
	s20 =	simm.s32 @!p0 $0x200;
	[sflag:s10] =	ssyncadd.s32 $0xFFFFE700  }
0x96: {  	[tilespmem:s22], [sflag:$0x1] =	stream.indirect.gather @!p1 [hbm4b:s4+s21], $0x40, s20, s21, $0xb8;
	[tilespmem:$0x12800] =	vst v63  }
0x97: {  	s28 =	sand.u32 $0x7FE, s26;
	s24 =	simm.s32 @!p1 $0xDA00;
	s20 =	simm.s32 @!p0 $0x280  }
0x98: {  	[tilespmem:s24], [sflag:$0x1] =	stream.indirect.gather @!p1 [hbm4b:s4+s21], $0x40, s20, s21, $0xb8;
	[tilespmem:$0x12800] =	vst v63  }
0x99: {  	s29 =	sshrl.u32 s26, $0xB;
	s30 =	smul.u32 $0x1900, s28;
	_ =	swait.ge [sflag:s18], $0x1A00  }
0x9a: {  	s23 =	simm.s32 $0x800;
	s20 =	smul.u32 $0xC80000, s29;
	[sflag:s18] =	ssyncset.done $0x0  }
0x9b: {  	p0 =	por $0x0, $0x0;
	s22 =	sadd.s32 $0x4, s9;
	[sflag:s18] =	ssyncadd.s32 $0xFFFFE600  }
0x9c: {  	s24 =	simm.s32 $0x1000;
	s20 =	sadd.s32 s30, s20;
	_ =	swait.ge [sflag:s18], $0x1A00  }
0x9d: {  	s21 =	simm.s32 @!p0 $0x400;
	s20 =	sshrl.u32 s20, $0x3;
	[sflag:s18] =	ssyncset.done $0x0  }
0x9e: {  	s31 =	sadd.s32 s2, s20;
	s20 =	simm.s32 @!p0 $0x480;
	[sflag:s18] =	ssyncadd.s32 $0xFFFFE600  }
0x9f: {  	[hbm4b:s31+s3] =	stream.linear.scatter [tilespmem:s15], [sflag:$0x3], $0x1900, $0x38;
	[tilespmem:$0x12800] =	vst v63  }
0xa0: {  	p0 =	por p0, p0;
	s25 =	sadd.s32 $0x320, s31;
	_ =	swait.ge [sflag:s10], $0x1900  }
.LBB2_4:
0xa1: {  	p2 =	seq.s32 s24, $0x2F800  }
0xa2: {  	s26 =	sshra.s32 s23, $0x2;
	[sflag:s10] =	ssyncset.done $0x0;
	s23 =	smov.u32 s24  }
0xa3: {  	s24 =	sadd.s32 $0x800, s24;
	s28 =	sshra.s32 @!p2 s23, $0x2;
	[sflag:s10] =	ssyncadd.s32 $0xFFFFE700  }
0xa4: {  	[hbm4b:s25+s3] =	stream.linear.scatter [tilespmem:s16], [sflag:$0x3], $0x1900, $0x38;
	[tilespmem:$0x12800] =	vst v63  }
0xa5: {  	s29 =	sadd.s32 @!p2 $0x200, s28;
	s25 =	sadd.s32 @!p2 $0x280, s28;
	_ =	swait.ge [sflag:s10], $0x1900  }
0xa6: {  	p1 =	sne.s32 s24, $0x30000;
	s28 =	sadd.s32 $0x100, s26;
	[sflag:s10] =	ssyncset.done $0x0  }
0xa7: {  	s30 =	sshrl.u32 s22, $0xB;
	s31 =	sand.u32 $0x7FC, s22;
	[sflag:s10] =	ssyncadd.s32 $0xFFFFE700  }
0xa8: {  	[tilespmem:s15], [sflag:$0x2] =	stream.indirect.gather [hbm4b:s4+s11], $0x40, s28, s11, $0xb8;
	[tilespmem:$0x12800] =	vst v63  }
0xa9: {  	s26 =	sadd.s32 $0x180, s26;
	s28 =	smul.u32 $0xC80000, s30  }
0xaa: {  	[tilespmem:s16], [sflag:$0x2] =	stream.indirect.gather [hbm4b:s4+s11], $0x40, s26, s11, $0xb8;
	[tilespmem:$0x12800] =	vst v63  }
0xab: {  	s26 =	smul.u32 $0x1900, s31;
	_ =	swait.ge [sflag:s17], $0x1A00  }
0xac: {  	[sflag:s17] =	ssyncset.done $0x0  }
0xad: {  	s26 =	sadd.s32 s26, s28;
	[sflag:s17] =	ssyncadd.s32 $0xFFFFE600  }
0xae: {  	s26 =	sshrl.u32 s26, $0x3;
	_ =	swait.ge [sflag:s17], $0x1A00  }
0xaf: {  	[sflag:s17] =	ssyncset.done $0x0  }
0xb0: {  	s26 =	sadd.s32 s2, s26;
	[sflag:s17] =	ssyncadd.s32 $0xFFFFE600  }
0xb1: {  	[hbm4b:s26+s3] =	stream.linear.scatter [tilespmem:s12], [sflag:$0x3], $0x1900, $0x38;
	[tilespmem:$0x12800] =	vst v63  }
0xb2: {  	_ =	swait.ge [sflag:s10], $0x1900  }
0xb3: {  	s26 =	sadd.s32 $0x320, s26;
	[sflag:s10] =	ssyncset.done $0x0  }
0xb4: {  	s30 =	simm.s32 @!p0 $0xC000;
	s28 =	simm.s32 @!p0 $0x68;
	[sflag:s10] =	ssyncadd.s32 $0xFFFFE700  }
0xb5: {  	[hbm4b:s26+s3] =	stream.linear.scatter [tilespmem:s14], [sflag:$0x3], $0x1900, $0x38;
	[tilespmem:$0x12800] =	vst v63  }
0xb6: {  	_ =	swait.ge [sflag:s10], $0x1900  }
0xb7: {  	s26 =	sadd.s32 $0x2, s22;
	[sflag:s10] =	ssyncset.done $0x0  }
0xb8: {  	s31 =	sshrl.u32 s26, $0xB;
	s26 =	sand.u32 $0x7FE, s26;
	[sflag:s10] =	ssyncadd.s32 $0xFFFFE700  }
0xb9: {  	[tilespmem:s30], [sflag:$0x1] =	stream.indirect.gather @!p0 [hbm4b:s4+s28], $0x40, s21, s28, $0xb8;
	[tilespmem:$0x12800] =	vst v63  }
0xba: {  	s26 =	smul.u32 $0x1900, s26;
	s21 =	smov.u32 s29  }
0xbb: {  	s29 =	simm.s32 @!p0 $0xDA00;
	s30 =	smul.u32 $0xC80000, s31  }
0xbc: {  	[tilespmem:s29], [sflag:$0x1] =	stream.indirect.gather @!p0 [hbm4b:s4+s28], $0x40, s20, s28, $0xb8;
	[tilespmem:$0x12800] =	vst v63  }
0xbd: {  	s26 =	sadd.s32 s26, s30;
	s20 =	smov.u32 s25;
	_ =	swait.ge [sflag:s18], $0x1A00  }
0xbe: {  	s25 =	sshrl.u32 s26, $0x3;
	p0 =	por p2, p2;
	[sflag:s18] =	ssyncset.done $0x0  }
0xbf: {  	[sflag:s18] =	ssyncadd.s32 $0xFFFFE600  }
.Ltmp1:
0xc0: {  	_ =	swait.ge [sflag:s18], $0x1A00;
	(pc) =	sbr.rel @p1 .LBB2_4-.Ltmp1, $4  }
0xc1: {  	s26 =	sadd.s32 s2, s25;
	[sflag:s18] =	ssyncset.done $0x0  }
0xc2: {  	s25 =	sadd.s32 $0x320, s26;
	[sflag:s18] =	ssyncadd.s32 $0xFFFFE600  }
0xc3: {  	[hbm4b:s26+s3] =	stream.linear.scatter [tilespmem:s15], [sflag:$0x3], $0x1900, $0x38;
	[tilespmem:$0x12800] =	vst v63  }
0xc4: {  	s22 =	sadd.s32 $0x4, s22;
	_ =	swait.ge [sflag:s10], $0x1900  }
0xc5: {  	[sflag:s10] =	ssyncset.done $0x0  }
0xc6: {  	[sflag:s10] =	ssyncadd.s32 $0xFFFFE700  }
0xc7: {  	[hbm4b:s25+s3] =	stream.linear.scatter [tilespmem:s16], [sflag:$0x3], $0x1900, $0x38;
	[tilespmem:$0x12800] =	vst v63  }
0xc8: {  	_ =	swait.ge [sflag:s10], $0x1900  }
0xc9: {  	s23 =	sshra.s32 s23, $0x2;
	[sflag:s10] =	ssyncset.done $0x0  }
0xca: {  	s24 =	sadd.s32 $0x100, s23;
	[sflag:s10] =	ssyncadd.s32 $0xFFFFE700  }
0xcb: {  	[tilespmem:s15], [sflag:$0x2] =	stream.indirect.gather [hbm4b:s4+s11], $0x40, s24, s11, $0xb8;
	[tilespmem:$0x12800] =	vst v63  }
0xcc: {  	s26 =	sshrl.u32 s22, $0xB;
	s23 =	sadd.s32 $0x180, s23  }
0xcd: {  	[tilespmem:s16], [sflag:$0x2] =	stream.indirect.gather [hbm4b:s4+s11], $0x40, s23, s11, $0xb8;
	[tilespmem:$0x12800] =	vst v63  }
0xce: {  	s28 =	sand.u32 $0x7FC, s22;
	s24 =	smul.u32 $0xC80000, s26;
	_ =	swait.ge [sflag:s17], $0x1A00  }
0xcf: {  	s23 =	smul.u32 $0x1900, s28;
	[sflag:s17] =	ssyncset.done $0x0  }
0xd0: {  	[sflag:s17] =	ssyncadd.s32 $0xFFFFE600  }
0xd1: {  	s23 =	sadd.s32 s23, s24;
	_ =	swait.ge [sflag:s17], $0x1A00  }
0xd2: {  	s23 =	sshrl.u32 s23, $0x3;
	[sflag:s17] =	ssyncset.done $0x0  }
0xd3: {  	s23 =	sadd.s32 s2, s23;
	[sflag:s17] =	ssyncadd.s32 $0xFFFFE600  }
0xd4: {  	[hbm4b:s23+s3] =	stream.linear.scatter [tilespmem:s12], [sflag:$0x3], $0x1900, $0x38;
	[tilespmem:$0x12800] =	vst v63  }
0xd5: {  	_ =	swait.ge [sflag:s10], $0x1900  }
0xd6: {  	[sflag:s10] =	ssyncset.done $0x0  }
0xd7: {  	s23 =	sadd.s32 $0x320, s23;
	[sflag:s10] =	ssyncadd.s32 $0xFFFFE700  }
0xd8: {  	[hbm4b:s23+s3] =	stream.linear.scatter [tilespmem:s14], [sflag:$0x3], $0x1900, $0x38;
	[tilespmem:$0x12800] =	vst v63  }
0xd9: {  	_ =	swait.ge [sflag:s10], $0x1900  }
0xda: {  	s29 =	sadd.s32 $0x2, s22;
	[sflag:s10] =	ssyncset.done $0x0  }
0xdb: {  	s24 =	simm.s32 @!p0 $0xC000;
	s23 =	simm.s32 @!p0 $0x68;
	[sflag:s10] =	ssyncadd.s32 $0xFFFFE700  }
0xdc: {  	[tilespmem:s24], [sflag:$0x1] =	stream.indirect.gather @!p0 [hbm4b:s4+s23], $0x40, s21, s23, $0xb8;
	[tilespmem:$0x12800] =	vst v63  }
0xdd: {  	s30 =	sand.u32 $0x7FE, s29;
	s24 =	simm.s32 @!p0 $0xDA00  }
0xde: {  	[tilespmem:s24], [sflag:$0x1] =	stream.indirect.gather @!p0 [hbm4b:s4+s23], $0x40, s20, s23, $0xb8;
	[tilespmem:$0x12800] =	vst v63  }
0xdf: {  	s31 =	sshrl.u32 s29, $0xB;
	s21 =	smul.u32 $0x1900, s30;
	_ =	swait.ge [sflag:s18], $0x1A00  }
0xe0: {  	s20 =	smul.u32 $0xC80000, s31;
	[sflag:s18] =	ssyncset.done $0x0  }
0xe1: {  	[sflag:s18] =	ssyncadd.s32 $0xFFFFE600  }
0xe2: {  	s20 =	sadd.s32 s21, s20;
	_ =	swait.ge [sflag:s18], $0x1A00  }
0xe3: {  	s20 =	sshrl.u32 s20, $0x3;
	[sflag:s18] =	ssyncset.done $0x0  }
0xe4: {  	s20 =	sadd.s32 s2, s20;
	[sflag:s18] =	ssyncadd.s32 $0xFFFFE600  }
0xe5: {  	[hbm4b:s20+s3] =	stream.linear.scatter [tilespmem:s15], [sflag:$0x3], $0x1900, $0x38;
	[tilespmem:$0x12800] =	vst v63  }
0xe6: {  	s19 =	sadd.s32 $0x1, s19;
	_ =	swait.ge [sflag:s10], $0x1900  }
0xe7: {  	p0 =	sne.s32 s19, s8;
	[sflag:s10] =	ssyncset.done $0x0  }
.Ltmp2:
0xe8: {  	s20 =	sadd.s32 $0x320, s20;
	[sflag:s10] =	ssyncadd.s32 $0xFFFFE700;
	(pc) =	sbr.rel @p0 .LBB2_1-.Ltmp2, $4  }
0xe9: {  	[hbm4b:s20+s3] =	stream.linear.scatter [tilespmem:s16], [sflag:$0x3], $0x1900, $0x38;
	[tilespmem:$0x12800] =	vst v63  }
0xea: {  	_ =	swait.ge [sflag:s10], $0x1900  }
0xeb: {  	[sflag:s10] =	ssyncset.done $0x0  }
0xec: {  	[sflag:s10] =	ssyncadd.s32 $0xFFFFE700  }
0xed: {  	_ =	sfence.sel $0x180000  }
0xee: {  	[bflag:$0x0] =	sbarrier.arrive $0xFFFF  }
0xef: {  	p0 =	sne.s32 s0, $0x0;
	_ =	strace $0x90000047  }
0xf0: {  	s0 =	sadd.s32 @!p0 $0x100000, s1;
	[bflag:$0x2] =	sbarrier.arrive $0xFFFF  }
0xf1: {  	[sflag:s0] =	ssyncadd.tile.s32 @!p0 $0x1;
	_ =	shalt  }
.Lfunc_end2:
_tile_overlayer_lowered:
.L_overlay_start_2:
0xf2: {  	(tag) =	ssettag $0x2  }
0xf3: {  	s0 =	rddreg [dreg:$0x0];
	s2 =	stileid.u32  }
0xf4: {  	s1 =	rddreg [dreg:$0x1];
	p0 =	sne.s32 s2, $0x0  }
0xf5: {  	s3 =	rddreg [dreg:$0x2];
	[bflag:$0x3] =	sbarrier.arrive $0xFFFF;
	s2 =	simm.s32 @!p0 $0x1C03  }
0xf6: {  	[timem:s3], [sflag:s2] =	dma.local @!p0 [hbm:s0], s1  }
0xf7: {  	s0 =	simm.s32 @!p0 $0x3  }
0xf8: {  	_ =	swait.ge @!p0 [sflag:s0], s1  }
0xf9: {  	s1 =	ssub.s32 @!p0 $0x0, s1;
	[sflag:s0] =	ssyncset.done @!p0 $0x0  }
0xfa: {  	[sflag:s0] =	ssyncadd.s32 @!p0 s1  }
0xfb: {  	[bflag:$0x3] =	sbarrier.arrive $0xFFFF  }
0xfc: {  	_ =	shalt  }

// kernel: sparse-core-data-format-call.cloned.1.call-start
scs
called_computation_lowered:
.L_overlay_start_0:
0x0: {  	s2 =	sld [smem:$0x3FD9]  }
0x1: {  	s3 =	sld [smem:$0x3FFE];
	_ =	sdelay $0x1  }
0x2: {  	s1 =	srdreg.scid  }
0x3: {  	s0 =	sand.u32 $0x1, s1  }
0x4: {  	s15 =	sshll.u32 s0, $0xA;
	s2 =	sadd.s32 s3, s2  }
0x5: {  	s2 =	sadd.s32 s2, s15  }
0x6: {  	[smem:$0x3FC5] =	sst s2  }
0x7: {  	_ = 	snop  }
0x8: {  	s2 =	sld [smem:$0x3FD0];
	_ =	sdelay $0x2  }
0x9: {  	s16 =	simm.s32 $0xA;
	s4 =	simm.s32 $0x10  }
0xa: {  	[smem:s4], [sflag:s16] =	dma.local [hbm:s2], $0x1  }
0xb: {  	_ =	swait.eq [sflag:s16], $0x1  }
0xc: {  	[sflag:s16] =	ssyncset.done $0x0  }
0xd: {  	[sflag:s16] =	ssyncadd.s32 $0xFFFFFFFF  }
0xe: {  	s17 =	sld [smem:$0x10];
	(tm) =	ssettm $0x1  }
0xf: {  	s18 =	sld [smem:$0x3FFB];
	_ =	sdelay $0x3  }
0x10: {  	_ =	strace s18  }
0x11: {  	s3 =	sld [smem:$0x3FFC];
	_ =	sdelay $0x3  }
0x12: {  	_ =	strace s3  }
0x13: {  	s3 =	sld [smem:$0x3FFD];
	_ =	sdelay $0x3  }
0x14: {  	_ =	strace s3  }
0x15: {  	_ =	strace $0x8FFFFFFF  }
0x16: {  	s19 =	sld [smem:$0x3FDB];
	_ =	sdelay $0x1  }
0x17: {  	s20 =	simm.s32 $_scs_section_size  }
0x18: {  	s5 =	simm.s32 $_size__tile_overlayer_lowered;
	s6 =	simm.s32 $_tile_overlayer_lowered  }
0x19: {  	s23 =	simm.s32 $0x1BFF;
	s22 =	sshll.u32 s6, $0x1;
	s3 =	sadd.s32 s20, s19  }
0x1a: {  	s7 =	simm.s32 $0x0;
	s21 =	sshll.u32 s5, $0x1;
	s5 =	sadd.s32 s22, s3  }
0x1b: {  	[timem:s7], [sflag:s23] =	dma.local [hbm:s5], s21  }
0x1c: {  	_ =	swait.ge [sflag:s23], s21  }
0x1d: {  	s4 =	ssub.s32 $0x0, s21;
	[sflag:s23] =	ssyncset.done $0x0  }
0x1e: {  	[sflag:s23] =	ssyncadd.s32 s4;
	_ =	sdelay $0x1  }
0x1f: {  	s24 =	simm.s32 $0x1B8B  }
0x20: {  	_ =	swait.ge [sflag:s24], $0x1  }
0x21: {  	[sflag:s24] =	ssyncset.done $0x0  }
0x22: {  	s26 =	simm.s32 $0x1B8E;
	s25 =	sld [smem:$0x3FFE];
	[sflag:s24] =	ssyncadd.s32 $0xFFFFFFFF  }
0x23: {  	s27 =	simm.s32 $execute0_lowered;
	[smem:$0x3FD2] =	sst s26  }
0x24: {  	s5 =	sshll.u32 s27, $0x1;
	_ =	strace $0x80000049;
	[dreg:$0x1] =	wrdreg $0xFFFFFFFF  }
0x25: {  	s28 =	simm.s32 $_size_execute0_lowered;
	s3 =	sadd.s32 s3, s5;
	[dreg:$0x0] =	wrdreg $0x0  }
0x26: {  	s5 =	sshll.u32 s28, $0x1;
	[dreg:$0x2] =	wrdreg s3  }
0x27: {  	[dreg:$0x3] =	wrdreg s5  }
0x28: {  	[dreg:$0x4] =	wrdreg $0xC0  }
0x29: {  	_ =	task [dreg:s7], $0x5FFFF  }
0x2a: {  	[dreg:$0x1] =	wrdreg $0xFFFFFFFF  }
0x2b: {  	[dreg:$0x0] =	wrdreg $0x60  }
0x2c: {  	[dreg:$0x2] =	wrdreg s25  }
0x2d: {  	[dreg:$0x3] =	wrdreg s17  }
0x2e: {  	[dreg:$0x4] =	wrdreg $0x9  }
0x2f: {  	_ =	task.clear_ibuf [dreg:s7], $0x5FFFF;
	_ =	strace $0x90000049  }
0x30: {  	s29 =	simm.s32 $0x9;
	_ =	strace $0x8000004B  }
0x31: {  	_ =	swait.ge [sflag:s29], $0x1  }
0x32: {  	[sflag:s29] =	ssyncadd.s32 $0xFFFFFFFF  }
0x33: {  	_ =	strace $0x9000004B  }
0x34: {  	_ =	sfence  }
0x35: {  	s30 =	sld [smem:$0x0];
	_ =	sdelay $0x2  }
0x36: {  	s31 =	sshll.u32 s1, $0xD;
	s1 =	sshrl.u32 s1, $0x2  }
0x37: {  	s3 =	sand.u32 $0x4000, s31;
	s1 =	sadd.s32 s1, s30  }
0x38: {  	s0 =	sor.u32 s3, s0;
	s1 =	sshll.u32 s1, $0x11  }
0x39: {  	s0 =	sor.u32 s1, s0  }
0x3a: {  	s0 =	sadd.s32 $0x8F2B, s0  }
0x3b: {  	[sflag:s0] =	ssyncadd.remote.s32 $0x1  }
0x3c: {  	_ =	sfence.sel $0xFFFF  }
0x3d: {  	[dreg:$0x0] =	wrdreg $0xFFFFFFFF;
	(pc) =	sbr.abs _section_cstart, $3  }
0x3e: {  	[dreg:$0x1] =	wrdreg $0xFFFFFFFF  }
0x3f: {  	_ =	task.clear_ibuf [dreg:s7], $0x2FFFF;
	_ =	strace $0x9FFFFFFF  }
0x40: {  	(tm) =	ssettm $0x7FFFFFFF  }
0x41: {  	_ =	shalt  }
tec
execute0_lowered:
.L_overlay_start_1:
0x0: {  	(tag) =	ssettag $0x1  }
0x1: {  	s0 =	stileid.u32  }
0x2: {  	s2 =	srdreg.scid;
	s1 =	sshll.u32 s0, $0x7  }
0x3: {  	s7 =	rddreg [dreg:$0x0];
	s8 =	simm.s32 $0x2;
	s3 =	ssub.s32 $0x800, s1  }
0x4: {  	s14 =	simm.s32 $0x0;
	s2 =	sand.u32 $0x1, s2;
	s4 =	sand.u32 $0x780, s3  }
0x5: {  	s5 =	ssub.s32 $0x64, s2;
	p0 =	sne.s32 s4, $0x0;
	s4 =	simm.s32 $0x1  }
0x6: {  	s3 =	sshrl.u32 s3, $0xB;
	s6 =	sshrl.u32 s5, $0x1;
	s4 =	simm.s32 @!p0 $0x0  }
0x7: {  	s9 =	simm.s32 $0x4000;
	s5 =	ssub.s32 s5, s6;
	s3 =	sadd.s32 s4, s3  }
0x8: {  	s15 =	simm.s32 $0x0;
	s16 =	simm.s32 $0x0;
	s6 =	smul.u32 s3, s5  }
.Ltmp0:
0x9: {  	s12 =	simm.s32 $0x0;
	s4 =	rddreg [dreg:$0x1];
	(pc) =	sbr.rel .LBB1_1-.Ltmp0, $4  }
0xa: {  	s13 =	simm.s32 $0x0;
	s7 =	sadd.s32 $0x1200, s7;
	s3 =	rddreg [dreg:$0x2]  }
0xb: {  	_ =	strace $0x8000004A;
	s5 =	simm.s32 $0x1;
	s6 =	smul.u32 $0xC, s6  }
0xc: {  	s10 =	smov.u32 s2;
	s11 =	smov.u32 s1;
	[sflag:s5] =	ssyncpa.u1 $0x0  }
0xd: {  	p0 =	por $0x0, $0x0;
	[sflag:s8] =	ssyncpa.u1 $0x0;
	s8 =	sor.u32 $0x1, s6  }
.LBB1_4:
0xe: {  	s16 =	smul.u32 $0x190000, s16  }
0xf: {  	s19 =	sshll.u32 s15, $0x3;
	s20 =	sand.u32 $0x78, s15;
	s30 =	sand.u32 $0x3F00, s15  }
0x10: {  	s14 =	sshll.u32 s14, $0xE;
	s19 =	sand.u32 $0x400, s19;
	s16 =	sadd.s32 s4, s16  }
0x11: {  	[tilespmem:s18+$0x810 ss:$0x81] =	vst.msk $0xffff, v2;
	s31 =	sand.u32 $0x7, s15;
	s19 =	sor.u32 s20, s19;
	s16 =	sadd.s32 s30, s16  }
0x12: {  	[tilespmem:s18+$0x1020 ss:$0x81] =	vst.msk $0xffff, v0;
	s15 =	sshll.u32 s31, $0x12;
	s19 =	sshrl.u32 s19, $0x3;
	s14 =	sadd.s32 s14, s16  }
0x13: {  	[tilespmem:s18+$0x0 ss:$0x81] =	vst.msk $0xffff, v1;
	s15 =	sor.u32 $0x400, s15;
	s14 =	sadd.s32 s19, s14  }
0x14: {  	[hbm4b:s14+s15] =	stream.strided.scatter [tilespmem:s17], [sflag:$0x2], $0x2000, s9, s15, $0x20;
	[tilespmem:$0x8080] =	vst v63  }
.LBB1_5:
0x15: {  	s17 =	sadd.s32 $0x2, s10  }
0x16: {  	s14 =	sadd.s32 $0x800, s11;
	s18 =	smov.u32 s11;
	p2 =	sgt.s32 s17, $0x63  }
0x17: {  	s18 =	smov.u32 @p2 s14  }
0x18: {  	s14 =	simm.s32 $0x1;
	p3 =	sgt.s32 s18, $0x7FF  }
0x19: {  	s14 =	simm.s32 @!p3 $0x0  }
0x1a: {  	s20 =	sadd.s32 s14, s12  }
0x1b: {  	s17 =	smov.u32 @p2 s2;
	p2 =	sgt.s32 s20, $0xB  }
0x1c: {  	p1 =	slt.u32 s13, $0x2;
	s20 =	simm.s32 @p2 $0x0;
	p2 =	sne.s32 s13, s8  }
.Ltmp1:
0x1d: {  	s19 =	simm.s32 @!p1 $0x2;
	(pc) =	sbr.rel @!p2 .LBB1_6-.Ltmp1, $4  }
0x1e: {  	s15 =	smov.u32 s11;
	s16 =	smov.u32 s12;
	_ =	swait.ge @!p1 [sflag:s19], $0x2000  }
0x1f: {  	p0 =	por !p0, !p0;
	[sflag:s19] =	ssyncset.done @!p1 $0x0;
	s18 =	smov.u32 @p3 s1  }
0x20: {  	[sflag:s19] =	ssyncadd.s32 @!p1 $0xFFFFE000;
	s14 =	smov.u32 s10;
	s10 =	smov.u32 s17  }
0x21: {  	s11 =	smov.u32 s18;
	s13 =	sadd.s32 $0x1, s13;
	s12 =	smov.u32 s20  }
.LBB1_1:
0x22: {  	p1 =	sge.u32 s13, s6  }
0x23: {  	s17 =	sand.u32 @!p1 $0x1FFFFFF, s10;
	s19 =	smul.u32 @!p1 $0x340000, s12  }
0x24: {  	s18 =	smulhi.u32 @!p1 $0x2762763, s17  }
0x25: {  	s21 =	smul.u32 @!p1 $0x680, s11  }
0x26: {  	s18 =	smul.u32 @!p1 $0x68, s18  }
0x27: {  	s31 =	sadd.s32 $0xFFFFFFFF, s13;
	s19 =	sadd.s32 @!p1 s7, s19  }
0x28: {  	s20 =	sxor.u32 @!p1 $0xFFFFFFFF, s13;
	s19 =	sadd.s32 @!p1 s21, s19;
	s17 =	ssub.s32 @!p1 s17, s18  }
0x29: {  	s18 =	sshll.u32 @!p1 s20, $0xD;
	s20 =	simm.s32 @!p1 $0x3400;
	s17 =	sshll.u32 @!p1 s17, $0x4  }
0x2a: {  	s18 =	sand.u32 @!p1 $0x2000, s18;
	s17 =	sadd.s32 @!p1 s17, s19;
	s19 =	simm.s32 @!p1 $0x40  }
0x2b: {  	[tilespmem:s18], [sflag:$0x1] =	stream.strided.gather @!p1 [hbm4b:s17+s19], $0x2000, s20, s19, $0x38;
	[tilespmem:$0x8080] =	vst v63  }
0x2c: {  	p1 =	sge.u32 s31, s6  }
.Ltmp2:
0x2d: {  	_ = 	snop;
	(pc) =	sbr.rel @p1 .LBB1_5-.Ltmp2, $1  }
0x2e: {  	_ =	sdelay $0x3  }
0x2f: {  	s17 =	simm.s32 $0x1  }
0x30: {  	_ =	swait.ge [sflag:s5], $0x2000;
	s17 =	simm.s32 @!p0 $0x0  }
0x31: {  	[sflag:s5] =	ssyncset.done $0x0;
	s18 =	sshll.u32 s17, $0xD  }
0x32: {  	[sflag:s5] =	ssyncadd.s32 $0xFFFFE000;
	s21 =	sor.u32 $0x20, s18  }
0x33: {  	s17 =	smul.u32 $0x8100, s17;
	v3 =	vld [tilespmem:s21+$0x10]  }
0x34: {  	s30 =	sand.u32 $0x1, s13;
	v2 =	vld [tilespmem:s21+$0xFFFFFFF0]  }
0x35: {  	s18 =	smul.u32 $0x8100, s30;
	s17 =	sshrl.u32 s17, $0x2;
	v0 =	vld [tilespmem:s21+$0x0]  }
0x36: {  	v1 =	vld [tilespmem:s21+$0xFFFFFFE0];
	s19 =	sor.u32 $0x4000, s17  }
0x37: {  	s31 =	sshrl.u32 s18, $0x2;
	s18 =	sadd.s32 $0x0, s19  }
0x38: {  	s20 =	simm.s32 $0x4;
	s21 =	sadd.s32 $0x40, s21;
	s17 =	sor.u32 $0x4000, s31;
	[tilespmem:s18+$0x1830 ss:$0x81] =	vst.msk $0xffff, v3  }
.LBB1_3:
0x39: {  	v3 =	vld [tilespmem:s21+$0x10];
	p1 =	sne.s32 s20, $0x1FC;
	[tilespmem:s18+$0x810 ss:$0x81] =	vst.msk $0xffff, v2;
	s22 =	smov.u32 s20;
	s20 =	sadd.s32 $0x4, s20  }
.Ltmp3:
0x3a: {  	v2 =	vld [tilespmem:s21+$0xFFFFFFF0];
	[tilespmem:s18+$0x1020 ss:$0x81] =	vst.msk $0xffff, v0;
	(pc) =	sbr.rel @p1 .LBB1_3-.Ltmp3, $4  }
0x3b: {  	v0 =	vld [tilespmem:s21+$0x0];
	[tilespmem:s18+$0x0 ss:$0x81] =	vst.msk $0xffff, v1  }
0x3c: {  	s18 =	sshra.s32 s22, $0x2;
	v1 =	vld [tilespmem:s21+$0xFFFFFFE0]  }
0x3d: {  	s18 =	sadd.s32 s18, s19  }
0x3e: {  	s21 =	sadd.s32 $0x40, s21;
	[tilespmem:s18+$0x1830 ss:$0x81] =	vst.msk $0xffff, v3  }
.Ltmp4:
0x3f: {  	_ = 	snop;
	(pc) =	sbr.rel .LBB1_4-.Ltmp4, $1  }
0x40: {  	_ =	sdelay $0x3  }
.LBB1_6:
0x41: {  	_ =	sfence.sel $0x180000  }
0x42: {  	s1 =	simm.s32 $0x1;
	[bflag:$0x0] =	sbarrier.arrive $0xFFFF  }
0x43: {  	s31 =	simm.s32 $0x2;
	[sflag:s1] =	ssyncpa.u1 $0x1  }
0x44: {  	[sflag:s31] =	ssyncpa.u1 $0x1  }
0x45: {  	p0 =	sne.s32 s0, $0x0;
	_ =	strace $0x9000004A  }
0x46: {  	s0 =	sadd.s32 @!p0 $0x100000, s3;
	[bflag:$0x2] =	sbarrier.arrive $0xFFFF  }
0x47: {  	[sflag:s0] =	ssyncadd.tile.s32 @!p0 $0x1;
	_ =	shalt  }
.Lfunc_end1:
_tile_overlayer_lowered:
.L_overlay_start_2:
0x48: {  	(tag) =	ssettag $0x2  }
0x49: {  	s0 =	rddreg [dreg:$0x0];
	s2 =	stileid.u32  }
0x4a: {  	s1 =	rddreg [dreg:$0x1];
	p0 =	sne.s32 s2, $0x0  }
0x4b: {  	s3 =	rddreg [dreg:$0x2];
	[bflag:$0x3] =	sbarrier.arrive $0xFFFF;
	s2 =	simm.s32 @!p0 $0x1C01  }
0x4c: {  	[timem:s3], [sflag:s2] =	dma.local @!p0 [hbm:s0], s1  }
0x4d: {  	s0 =	simm.s32 @!p0 $0x1  }
0x4e: {  	_ =	swait.ge @!p0 [sflag:s0], s1  }
0x4f: {  	s1 =	ssub.s32 @!p0 $0x0, s1;
	[sflag:s0] =	ssyncset.done @!p0 $0x0  }
0x50: {  	[sflag:s0] =	ssyncadd.s32 @!p0 s1  }
0x51: {  	[bflag:$0x3] =	sbarrier.arrive $0xFFFF  }
0x52: {  	_ =	shalt  }

</sc_bundles>
